<compile_context>
chip_gen: v7x
topology: tpu7x:2x2x1
jax: 0.10.2.dev20260603
libtpu: 0.0.44.dev20260713+nightly
codegen_flags: <defaults>
</compile_context>

<pallas_src>
import functools

import jax
import jax.numpy as jnp
from jax import lax
from jax.experimental import pallas as pl
from jax.experimental.pallas import tpu as pltpu
from jax.experimental.pallas import tpu_sc as plsc

D = 32
NC = 2
NS = 16
NW = NC * NS
CH = 1024
NB = 3
TU = 128


BU = 6


@functools.lru_cache(maxsize=None)
def _make_transpose(V: int):
    n_units = (V + TU - 1) // TU
    v_pad = n_units * TU
    n_full = V // TU
    assert n_full % BU == 0
    n_blk = n_full // BU
    cols = BU * TU
    mesh = plsc.VectorSubcoreMesh(core_axis_name="c", subcore_axis_name="s")

    @functools.partial(
        pl.kernel,
        mesh=mesh,
        out_type=jax.ShapeDtypeStruct((v_pad * D,), jnp.float32),
        compiler_params=pltpu.CompilerParams(needs_layout_passes=False),
        scratch_types=[
            [pltpu.VMEM((D, cols + 2), jnp.float32) for _ in range(2)],
            [pltpu.VMEM((cols * D,), jnp.float32) for _ in range(2)],
            [pltpu.SemaphoreType.DMA for _ in range(2)],
            [pltpu.SemaphoreType.DMA for _ in range(2)],
        ],
    )
    def transpose_kernel(tt_hbm, tail_hbm, out_hbm, bins, bouts, gs, ss):
        wid = lax.axis_index("s") * NC + lax.axis_index("c")
        lo = jax.lax.iota(jnp.int32, 16)
        n_tail = V - n_full * TU
        nk = (n_blk + NW - 1) // NW

        def blk_of(k):
            return wid + k * NW

        def copy_in(k, t):
            for i in range(BU):
                pltpu.async_copy(
                    tt_hbm.at[:, pl.ds((blk_of(k) * BU + i) * TU, TU)],
                    bins[t].at[:, pl.ds(i * TU, TU)],
                    gs[t],
                )

        def wait_in(t):
            pltpu.make_async_copy(
                tt_hbm.at[:, pl.ds(0, cols)], bins[t].at[:, pl.ds(0, cols)], gs[t]
            ).wait()

        def wait_out(t):
            pltpu.make_async_copy(
                bouts[t], out_hbm.at[pl.ds(0, cols * D)], ss[t]
            ).wait()

        i16 = jax.lax.iota(jnp.int32, 16)
        rows_w = [(i16 + w) & 31 for w in range(D)]

        def compute(t):
            @plsc.parallel_loop(0, cols, step=16, unroll=2)
            def _cbody(c0):
                colv = i16 + c0
                colD = colv * D
                for w in range(D):
                    v = plsc.load_gather(bins[t], [rows_w[w], colv])
                    plsc.store_scatter(bouts[t], [colD + rows_w[w]], v)

        def step(k, t):
            @pl.when(blk_of(k) < n_blk)
            def _():
                @pl.when((k + 1 < nk) & (blk_of(k + 1) < n_blk))
                def _():
                    copy_in(k + 1, 1 - t)

                wait_in(t)

                @pl.when(k >= 2)
                def _():
                    wait_out(t)

                compute(t)
                pltpu.async_copy(
                    bouts[t],
                    out_hbm.at[pl.ds(blk_of(k) * (cols * D), cols * D)],
                    ss[t],
                )

        @pl.when(blk_of(0) < n_blk)
        def _():
            copy_in(0, 0)

        def body(j, _):
            for t in range(2):
                k = j * 2 + t

                @pl.when(k < nk)
                def _():
                    step(k, t)

            return 0

        lax.fori_loop(0, (nk + 1) // 2, body, 0)
        for t in range(2):
            @pl.when(blk_of(t) < n_blk)
            def _():
                wait_out(t)
        if n_tail:
            @pl.when(wid == 0)
            def _():
                pltpu.sync_copy(
                    tail_hbm, out_hbm.at[pl.ds(n_full * (TU * D), n_tail * D)]
                )

    return transpose_kernel


@functools.lru_cache(maxsize=None)
def _make_gather(B: int, V: int):
    assert B % (NW * CH) == 0
    b_per_w = B // NW
    n_ch = b_per_w // CH
    mesh = plsc.VectorSubcoreMesh(core_axis_name="c", subcore_axis_name="s")

    @functools.partial(
        pl.kernel,
        mesh=mesh,
        out_type=jax.ShapeDtypeStruct((B, D), jnp.float32),
        compiler_params=pltpu.CompilerParams(use_tc_tiling_on_sc=False),
        scratch_types=[
            pltpu.VMEM((b_per_w,), jnp.int32),
            [pltpu.VMEM((CH, D), jnp.float32) for _ in range(NB)],
            [pltpu.SemaphoreType.DMA for _ in range(NB)],
            [pltpu.SemaphoreType.DMA for _ in range(NB)],
        ],
    )
    def gather_kernel(idx_hbm, table_hbm, out_hbm, idx_v, bufs, gsems, ssems):
        wid = lax.axis_index("s") * NC + lax.axis_index("c")
        base = wid * b_per_w
        pltpu.sync_copy(idx_hbm.at[pl.ds(base, b_per_w)], idx_v)

        def gather(j, b):
            return pltpu.async_copy(
                table_hbm.at[idx_v.at[pl.ds(j * CH, CH)]], bufs[b], gsems[b]
            )

        g = [None] * NB
        st = [None] * NB
        for b in range(min(NB - 1, n_ch)):
            g[b] = gather(b, b)
        for j in range(n_ch):
            b = j % NB
            jj = j + NB - 1
            if jj < n_ch:
                bb = jj % NB
                if jj >= NB:
                    st[bb].wait()
                g[bb] = gather(jj, bb)
            g[b].wait()
            st[b] = pltpu.async_copy(
                bufs[b], out_hbm.at[pl.ds(base + j * CH, CH)], ssems[b]
            )
        for j in range(max(0, n_ch - NB), n_ch):
            st[j % NB].wait()

    return gather_kernel


def kernel(inputs, embedding_matrix):
    B, F = inputs.shape
    V, d = embedding_matrix.shape
    n = B * F
    idx = inputs.reshape(n).astype(jnp.int32)
    v_pad = ((V + TU - 1) // TU) * TU
    tail = embedding_matrix[(V // TU) * TU:].reshape(-1)
    table_lin = _make_transpose(V)(embedding_matrix.T, tail).reshape(v_pad, d)
    out = _make_gather(n, V)(idx, table_lin)
    return out.reshape(B, F, d)

# --- scband reference (transcript-rebuilt; emitter-appended) ---
"""Pipeline reference for scband-resizable-embedding-22634477650611 (READ-ONLY COPY).

The authoritative reference and input builder live on the scoring server;
editing this copy changes nothing except your own understanding.
"""

import jax, jax.numpy as jnp
import numpy as np

VOCAB = 1000000
EMBED_DIM = 32
BATCH = 16384
FIELDS = 26

def setup_inputs(seed: int = 0) -> dict:
    key = jax.random.key(seed)
    k1, k2 = jax.random.split(key)
    inputs = jax.random.randint(k1, (BATCH, FIELDS), 0, VOCAB, dtype=jnp.int64)
    embedding_matrix = jax.random.normal(k2, (VOCAB, EMBED_DIM), dtype=jnp.float32) * 0.05
    return {"inputs": inputs, "embedding_matrix": embedding_matrix}

def reference(inputs, embedding_matrix):
    # tf.nn.embedding_lookup(embedding_matrix, inputs)
    return jnp.take(embedding_matrix, inputs, axis=0)

if __name__ == "__main__":
    import jax
    _d = setup_inputs()
    print(jax.jit(kernel)(*tuple(_d.values())))

</pallas_src>

<mosaic_0001>
#map = affine_map<(d0, d1) -> (0, 0)>
#map1 = affine_map<(d0, d1) -> (0)>
module attributes {stable_mosaic.version = 14 : i64} {
  func.func @transpose_kernel(%arg0: i32, %arg1: i32, %arg2: memref<32x1000000xf32, #tpu.memory_space<hbm>>, %arg3: memref<2048xf32, #tpu.memory_space<hbm>>, %arg4: memref<32002048xf32, #tpu.memory_space<hbm>>, %arg5: memref<32x770xf32, #tpu.memory_space<vmem>>, %arg6: memref<32x770xf32, #tpu.memory_space<vmem>>, %arg7: memref<24576xf32, #tpu.memory_space<vmem>>, %arg8: memref<24576xf32, #tpu.memory_space<vmem>>, %arg9: memref<!tpu.dma_semaphore, #tpu.memory_space<semaphore_mem>>, %arg10: memref<!tpu.dma_semaphore, #tpu.memory_space<semaphore_mem>>, %arg11: memref<!tpu.dma_semaphore, #tpu.memory_space<semaphore_mem>>, %arg12: memref<!tpu.dma_semaphore, #tpu.memory_space<semaphore_mem>>) attributes {dimension_semantics = [#tpu.dimension_semantics<core_parallel>, #tpu.dimension_semantics<subcore_parallel>], iteration_bounds = array<i64: 2, 16>, scalar_prefetch = 0 : i64, scratch_operands = 8 : i64, tpu.core_type = #tpu.core_type<sc_vector_subcore>, window_params = [{transform_indices = #map}, {transform_indices = #map1}, {transform_indices = #map1}]} {
    %mul3A = arith.constant 2 : i32
    %mul3A_0 = arith.muli %arg1, %mul3A : i32
    %add3A = arith.addi %mul3A_0, %arg0 : i32
    %iota3A = tpu.iota {dimensions = array<i32: 0>} : vector<16xi32>
    %iota3A_1 = tpu.iota {dimensions = array<i32: 0>} : vector<16xi32>
    %add3A_2 = arith.constant 0 : i32
    %add3A_3 = vector.broadcast %add3A_2 : i32 to vector<16xi32>
    %add3A_4 = arith.addi %iota3A_1, %add3A_3 : vector<16xi32>
    %and3A = arith.constant 31 : i32
    %and3A_5 = vector.broadcast %and3A : i32 to vector<16xi32>
    %and3A_6 = arith.andi %add3A_4, %and3A_5 : vector<16xi32>
    %add3A_7 = arith.constant 1 : i32
    %add3A_8 = vector.broadcast %add3A_7 : i32 to vector<16xi32>
    %add3A_9 = arith.addi %iota3A_1, %add3A_8 : vector<16xi32>
    %and3A_10 = arith.constant 31 : i32
    %and3A_11 = vector.broadcast %and3A_10 : i32 to vector<16xi32>
    %and3A_12 = arith.andi %add3A_9, %and3A_11 : vector<16xi32>
    %add3A_13 = arith.constant 2 : i32
    %add3A_14 = vector.broadcast %add3A_13 : i32 to vector<16xi32>
    %add3A_15 = arith.addi %iota3A_1, %add3A_14 : vector<16xi32>
    %and3A_16 = arith.constant 31 : i32
    %and3A_17 = vector.broadcast %and3A_16 : i32 to vector<16xi32>
    %and3A_18 = arith.andi %add3A_15, %and3A_17 : vector<16xi32>
    %add3A_19 = arith.constant 3 : i32
    %add3A_20 = vector.broadcast %add3A_19 : i32 to vector<16xi32>
    %add3A_21 = arith.addi %iota3A_1, %add3A_20 : vector<16xi32>
    %and3A_22 = arith.constant 31 : i32
    %and3A_23 = vector.broadcast %and3A_22 : i32 to vector<16xi32>
    %and3A_24 = arith.andi %add3A_21, %and3A_23 : vector<16xi32>
    %add3A_25 = arith.constant 4 : i32
    %add3A_26 = vector.broadcast %add3A_25 : i32 to vector<16xi32>
    %add3A_27 = arith.addi %iota3A_1, %add3A_26 : vector<16xi32>
    %and3A_28 = arith.constant 31 : i32
    %and3A_29 = vector.broadcast %and3A_28 : i32 to vector<16xi32>
    %and3A_30 = arith.andi %add3A_27, %and3A_29 : vector<16xi32>
    %add3A_31 = arith.constant 5 : i32
    %add3A_32 = vector.broadcast %add3A_31 : i32 to vector<16xi32>
    %add3A_33 = arith.addi %iota3A_1, %add3A_32 : vector<16xi32>
    %and3A_34 = arith.constant 31 : i32
    %and3A_35 = vector.broadcast %and3A_34 : i32 to vector<16xi32>
    %and3A_36 = arith.andi %add3A_33, %and3A_35 : vector<16xi32>
    %add3A_37 = arith.constant 6 : i32
    %add3A_38 = vector.broadcast %add3A_37 : i32 to vector<16xi32>
    %add3A_39 = arith.addi %iota3A_1, %add3A_38 : vector<16xi32>
    %and3A_40 = arith.constant 31 : i32
    %and3A_41 = vector.broadcast %and3A_40 : i32 to vector<16xi32>
    %and3A_42 = arith.andi %add3A_39, %and3A_41 : vector<16xi32>
    %add3A_43 = arith.constant 7 : i32
    %add3A_44 = vector.broadcast %add3A_43 : i32 to vector<16xi32>
    %add3A_45 = arith.addi %iota3A_1, %add3A_44 : vector<16xi32>
    %and3A_46 = arith.constant 31 : i32
    %and3A_47 = vector.broadcast %and3A_46 : i32 to vector<16xi32>
    %and3A_48 = arith.andi %add3A_45, %and3A_47 : vector<16xi32>
    %add3A_49 = arith.constant 8 : i32
    %add3A_50 = vector.broadcast %add3A_49 : i32 to vector<16xi32>
    %add3A_51 = arith.addi %iota3A_1, %add3A_50 : vector<16xi32>
    %and3A_52 = arith.constant 31 : i32
    %and3A_53 = vector.broadcast %and3A_52 : i32 to vector<16xi32>
    %and3A_54 = arith.andi %add3A_51, %and3A_53 : vector<16xi32>
    %add3A_55 = arith.constant 9 : i32
    %add3A_56 = vector.broadcast %add3A_55 : i32 to vector<16xi32>
    %add3A_57 = arith.addi %iota3A_1, %add3A_56 : vector<16xi32>
    %and3A_58 = arith.constant 31 : i32
    %and3A_59 = vector.broadcast %and3A_58 : i32 to vector<16xi32>
    %and3A_60 = arith.andi %add3A_57, %and3A_59 : vector<16xi32>
    %add3A_61 = arith.constant 10 : i32
    %add3A_62 = vector.broadcast %add3A_61 : i32 to vector<16xi32>
    %add3A_63 = arith.addi %iota3A_1, %add3A_62 : vector<16xi32>
    %and3A_64 = arith.constant 31 : i32
    %and3A_65 = vector.broadcast %and3A_64 : i32 to vector<16xi32>
    %and3A_66 = arith.andi %add3A_63, %and3A_65 : vector<16xi32>
    %add3A_67 = arith.constant 11 : i32
    %add3A_68 = vector.broadcast %add3A_67 : i32 to vector<16xi32>
    %add3A_69 = arith.addi %iota3A_1, %add3A_68 : vector<16xi32>
    %and3A_70 = arith.constant 31 : i32
    %and3A_71 = vector.broadcast %and3A_70 : i32 to vector<16xi32>
    %and3A_72 = arith.andi %add3A_69, %and3A_71 : vector<16xi32>
    %add3A_73 = arith.constant 12 : i32
    %add3A_74 = vector.broadcast %add3A_73 : i32 to vector<16xi32>
    %add3A_75 = arith.addi %iota3A_1, %add3A_74 : vector<16xi32>
    %and3A_76 = arith.constant 31 : i32
    %and3A_77 = vector.broadcast %and3A_76 : i32 to vector<16xi32>
    %and3A_78 = arith.andi %add3A_75, %and3A_77 : vector<16xi32>
    %add3A_79 = arith.constant 13 : i32
    %add3A_80 = vector.broadcast %add3A_79 : i32 to vector<16xi32>
    %add3A_81 = arith.addi %iota3A_1, %add3A_80 : vector<16xi32>
    %and3A_82 = arith.constant 31 : i32
    %and3A_83 = vector.broadcast %and3A_82 : i32 to vector<16xi32>
    %and3A_84 = arith.andi %add3A_81, %and3A_83 : vector<16xi32>
    %add3A_85 = arith.constant 14 : i32
    %add3A_86 = vector.broadcast %add3A_85 : i32 to vector<16xi32>
    %add3A_87 = arith.addi %iota3A_1, %add3A_86 : vector<16xi32>
    %and3A_88 = arith.constant 31 : i32
    %and3A_89 = vector.broadcast %and3A_88 : i32 to vector<16xi32>
    %and3A_90 = arith.andi %add3A_87, %and3A_89 : vector<16xi32>
    %add3A_91 = arith.constant 15 : i32
    %add3A_92 = vector.broadcast %add3A_91 : i32 to vector<16xi32>
    %add3A_93 = arith.addi %iota3A_1, %add3A_92 : vector<16xi32>
    %and3A_94 = arith.constant 31 : i32
    %and3A_95 = vector.broadcast %and3A_94 : i32 to vector<16xi32>
    %and3A_96 = arith.andi %add3A_93, %and3A_95 : vector<16xi32>
    %add3A_97 = arith.constant 16 : i32
    %add3A_98 = vector.broadcast %add3A_97 : i32 to vector<16xi32>
    %add3A_99 = arith.addi %iota3A_1, %add3A_98 : vector<16xi32>
    %and3A_100 = arith.constant 31 : i32
    %and3A_101 = vector.broadcast %and3A_100 : i32 to vector<16xi32>
    %and3A_102 = arith.andi %add3A_99, %and3A_101 : vector<16xi32>
    %add3A_103 = arith.constant 17 : i32
    %add3A_104 = vector.broadcast %add3A_103 : i32 to vector<16xi32>
    %add3A_105 = arith.addi %iota3A_1, %add3A_104 : vector<16xi32>
    %and3A_106 = arith.constant 31 : i32
    %and3A_107 = vector.broadcast %and3A_106 : i32 to vector<16xi32>
    %and3A_108 = arith.andi %add3A_105, %and3A_107 : vector<16xi32>
    %add3A_109 = arith.constant 18 : i32
    %add3A_110 = vector.broadcast %add3A_109 : i32 to vector<16xi32>
    %add3A_111 = arith.addi %iota3A_1, %add3A_110 : vector<16xi32>
    %and3A_112 = arith.constant 31 : i32
    %and3A_113 = vector.broadcast %and3A_112 : i32 to vector<16xi32>
    %and3A_114 = arith.andi %add3A_111, %and3A_113 : vector<16xi32>
    %add3A_115 = arith.constant 19 : i32
    %add3A_116 = vector.broadcast %add3A_115 : i32 to vector<16xi32>
    %add3A_117 = arith.addi %iota3A_1, %add3A_116 : vector<16xi32>
    %and3A_118 = arith.constant 31 : i32
    %and3A_119 = vector.broadcast %and3A_118 : i32 to vector<16xi32>
    %and3A_120 = arith.andi %add3A_117, %and3A_119 : vector<16xi32>
    %add3A_121 = arith.constant 20 : i32
    %add3A_122 = vector.broadcast %add3A_121 : i32 to vector<16xi32>
    %add3A_123 = arith.addi %iota3A_1, %add3A_122 : vector<16xi32>
    %and3A_124 = arith.constant 31 : i32
    %and3A_125 = vector.broadcast %and3A_124 : i32 to vector<16xi32>
    %and3A_126 = arith.andi %add3A_123, %and3A_125 : vector<16xi32>
    %add3A_127 = arith.constant 21 : i32
    %add3A_128 = vector.broadcast %add3A_127 : i32 to vector<16xi32>
    %add3A_129 = arith.addi %iota3A_1, %add3A_128 : vector<16xi32>
    %and3A_130 = arith.constant 31 : i32
    %and3A_131 = vector.broadcast %and3A_130 : i32 to vector<16xi32>
    %and3A_132 = arith.andi %add3A_129, %and3A_131 : vector<16xi32>
    %add3A_133 = arith.constant 22 : i32
    %add3A_134 = vector.broadcast %add3A_133 : i32 to vector<16xi32>
    %add3A_135 = arith.addi %iota3A_1, %add3A_134 : vector<16xi32>
    %and3A_136 = arith.constant 31 : i32
    %and3A_137 = vector.broadcast %and3A_136 : i32 to vector<16xi32>
    %and3A_138 = arith.andi %add3A_135, %and3A_137 : vector<16xi32>
    %add3A_139 = arith.constant 23 : i32
    %add3A_140 = vector.broadcast %add3A_139 : i32 to vector<16xi32>
    %add3A_141 = arith.addi %iota3A_1, %add3A_140 : vector<16xi32>
    %and3A_142 = arith.constant 31 : i32
    %and3A_143 = vector.broadcast %and3A_142 : i32 to vector<16xi32>
    %and3A_144 = arith.andi %add3A_141, %and3A_143 : vector<16xi32>
    %add3A_145 = arith.constant 24 : i32
    %add3A_146 = vector.broadcast %add3A_145 : i32 to vector<16xi32>
    %add3A_147 = arith.addi %iota3A_1, %add3A_146 : vector<16xi32>
    %and3A_148 = arith.constant 31 : i32
    %and3A_149 = vector.broadcast %and3A_148 : i32 to vector<16xi32>
    %and3A_150 = arith.andi %add3A_147, %and3A_149 : vector<16xi32>
    %add3A_151 = arith.constant 25 : i32
    %add3A_152 = vector.broadcast %add3A_151 : i32 to vector<16xi32>
    %add3A_153 = arith.addi %iota3A_1, %add3A_152 : vector<16xi32>
    %and3A_154 = arith.constant 31 : i32
    %and3A_155 = vector.broadcast %and3A_154 : i32 to vector<16xi32>
    %and3A_156 = arith.andi %add3A_153, %and3A_155 : vector<16xi32>
    %add3A_157 = arith.constant 26 : i32
    %add3A_158 = vector.broadcast %add3A_157 : i32 to vector<16xi32>
    %add3A_159 = arith.addi %iota3A_1, %add3A_158 : vector<16xi32>
    %and3A_160 = arith.constant 31 : i32
    %and3A_161 = vector.broadcast %and3A_160 : i32 to vector<16xi32>
    %and3A_162 = arith.andi %add3A_159, %and3A_161 : vector<16xi32>
    %add3A_163 = arith.constant 27 : i32
    %add3A_164 = vector.broadcast %add3A_163 : i32 to vector<16xi32>
    %add3A_165 = arith.addi %iota3A_1, %add3A_164 : vector<16xi32>
    %and3A_166 = arith.constant 31 : i32
    %and3A_167 = vector.broadcast %and3A_166 : i32 to vector<16xi32>
    %and3A_168 = arith.andi %add3A_165, %and3A_167 : vector<16xi32>
    %add3A_169 = arith.constant 28 : i32
    %add3A_170 = vector.broadcast %add3A_169 : i32 to vector<16xi32>
    %add3A_171 = arith.addi %iota3A_1, %add3A_170 : vector<16xi32>
    %and3A_172 = arith.constant 31 : i32
    %and3A_173 = vector.broadcast %and3A_172 : i32 to vector<16xi32>
    %and3A_174 = arith.andi %add3A_171, %and3A_173 : vector<16xi32>
    %add3A_175 = arith.constant 29 : i32
    %add3A_176 = vector.broadcast %add3A_175 : i32 to vector<16xi32>
    %add3A_177 = arith.addi %iota3A_1, %add3A_176 : vector<16xi32>
    %and3A_178 = arith.constant 31 : i32
    %and3A_179 = vector.broadcast %and3A_178 : i32 to vector<16xi32>
    %and3A_180 = arith.andi %add3A_177, %and3A_179 : vector<16xi32>
    %add3A_181 = arith.constant 30 : i32
    %add3A_182 = vector.broadcast %add3A_181 : i32 to vector<16xi32>
    %add3A_183 = arith.addi %iota3A_1, %add3A_182 : vector<16xi32>
    %and3A_184 = arith.constant 31 : i32
    %and3A_185 = vector.broadcast %and3A_184 : i32 to vector<16xi32>
    %and3A_186 = arith.andi %add3A_183, %and3A_185 : vector<16xi32>
    %add3A_187 = arith.constant 31 : i32
    %add3A_188 = vector.broadcast %add3A_187 : i32 to vector<16xi32>
    %add3A_189 = arith.addi %iota3A_1, %add3A_188 : vector<16xi32>
    %and3A_190 = arith.constant 31 : i32
    %and3A_191 = vector.broadcast %and3A_190 : i32 to vector<16xi32>
    %and3A_192 = arith.andi %add3A_189, %and3A_191 : vector<16xi32>
    %add3A_193 = arith.constant 0 : i32
    %add3A_194 = arith.addi %add3A, %add3A_193 : i32
    %lt3A = arith.constant 1302 : i32
    %lt3A_195 = arith.cmpi slt, %add3A_194, %lt3A : i32
    %convert_element_type3A = arith.extui %lt3A_195 : i1 to i32
    %cond3A = arith.constant 0 : i32
    %cond3A_196 = arith.cmpi ne, %convert_element_type3A, %cond3A : i32
    scf.if %cond3A_196 {
      %add3A_221 = arith.constant 0 : i32
      %add3A_222 = arith.addi %add3A, %add3A_221 : i32
      %mul3A_223 = arith.constant 6 : i32
      %mul3A_224 = arith.muli %add3A_222, %mul3A_223 : i32
      %add3A_225 = arith.constant 0 : i32
      %add3A_226 = arith.addi %mul3A_224, %add3A_225 : i32
      %mul3A_227 = arith.constant 128 : i32
      %mul3A_228 = arith.muli %add3A_226, %mul3A_227 : i32
      %dma_start3A = arith.constant 0 : i32
      %dma_start3A_229 = arith.constant 0 : i32
      %dma_start3A_230 = tpu.memref_slice %arg5[%dma_start3A, %dma_start3A_229] : memref<32x770xf32, #tpu.memory_space<vmem>> -> memref<32x128xf32, #tpu.memory_space<vmem>>
      %dma_start3A_231 = arith.constant 0 : i32
      %dma_start3A_232 = tpu.memref_slice %arg2[%dma_start3A_231, %mul3A_228] : memref<32x1000000xf32, #tpu.memory_space<hbm>> -> memref<32x128xf32, #tpu.memory_space<hbm>>
      %dma_start3A_233 = arith.constant 0 : i32
      %dma_start3A_234 = arith.constant 0 : i32
      %dma_start3A_235 = tpu.memref_slice %arg5[%dma_start3A_233, %dma_start3A_234] : memref<32x770xf32, #tpu.memory_space<vmem>> -> memref<32x128xf32, #tpu.memory_space<vmem>>
      %dma_start3A_236 = arith.constant 0 : i32
      %dma_start3A_237 = tpu.memref_slice %arg2[%dma_start3A_236, %mul3A_228] : memref<32x1000000xf32, #tpu.memory_space<hbm>> -> memref<32x128xf32, #tpu.memory_space<hbm>>
      tpu.enqueue_dma source(%dma_start3A_237 : memref<32x128xf32, #tpu.memory_space<hbm>>) target(%dma_start3A_235 : memref<32x128xf32, #tpu.memory_space<vmem>>) target_semaphore(%arg9 : memref<!tpu.dma_semaphore, #tpu.memory_space<semaphore_mem>>)
      %add3A_238 = arith.constant 0 : i32
      %add3A_239 = arith.addi %add3A, %add3A_238 : i32
      %mul3A_240 = arith.constant 6 : i32
      %mul3A_241 = arith.muli %add3A_239, %mul3A_240 : i32
      %add3A_242 = arith.constant 1 : i32
      %add3A_243 = arith.addi %mul3A_241, %add3A_242 : i32
      %mul3A_244 = arith.constant 128 : i32
      %mul3A_245 = arith.muli %add3A_243, %mul3A_244 : i32
      %dma_start3A_246 = arith.constant 0 : i32
      %dma_start3A_247 = arith.constant 128 : i32
      %dma_start3A_248 = tpu.memref_slice %arg5[%dma_start3A_246, %dma_start3A_247] : memref<32x770xf32, #tpu.memory_space<vmem>> -> memref<32x128xf32, #tpu.memory_space<vmem>>
      %dma_start3A_249 = arith.constant 0 : i32
      %dma_start3A_250 = tpu.memref_slice %arg2[%dma_start3A_249, %mul3A_245] : memref<32x1000000xf32, #tpu.memory_space<hbm>> -> memref<32x128xf32, #tpu.memory_space<hbm>>
      %dma_start3A_251 = arith.constant 0 : i32
      %dma_start3A_252 = arith.constant 128 : i32
      %dma_start3A_253 = tpu.memref_slice %arg5[%dma_start3A_251, %dma_start3A_252] : memref<32x770xf32, #tpu.memory_space<vmem>> -> memref<32x128xf32, #tpu.memory_space<vmem>>
      %dma_start3A_254 = arith.constant 0 : i32
      %dma_start3A_255 = tpu.memref_slice %arg2[%dma_start3A_254, %mul3A_245] : memref<32x1000000xf32, #tpu.memory_space<hbm>> -> memref<32x128xf32, #tpu.memory_space<hbm>>
      tpu.enqueue_dma source(%dma_start3A_255 : memref<32x128xf32, #tpu.memory_space<hbm>>) target(%dma_start3A_253 : memref<32x128xf32, #tpu.memory_space<vmem>>) target_semaphore(%arg9 : memref<!tpu.dma_semaphore, #tpu.memory_space<semaphore_mem>>)
      %add3A_256 = arith.constant 0 : i32
      %add3A_257 = arith.addi %add3A, %add3A_256 : i32
      %mul3A_258 = arith.constant 6 : i32
      %mul3A_259 = arith.muli %add3A_257, %mul3A_258 : i32
      %add3A_260 = arith.constant 2 : i32
      %add3A_261 = arith.addi %mul3A_259, %add3A_260 : i32
      %mul3A_262 = arith.constant 128 : i32
      %mul3A_263 = arith.muli %add3A_261, %mul3A_262 : i32
      %dma_start3A_264 = arith.constant 0 : i32
      %dma_start3A_265 = arith.constant 256 : i32
      %dma_start3A_266 = tpu.memref_slice %arg5[%dma_start3A_264, %dma_start3A_265] : memref<32x770xf32, #tpu.memory_space<vmem>> -> memref<32x128xf32, #tpu.memory_space<vmem>>
      %dma_start3A_267 = arith.constant 0 : i32
      %dma_start3A_268 = tpu.memref_slice %arg2[%dma_start3A_267, %mul3A_263] : memref<32x1000000xf32, #tpu.memory_space<hbm>> -> memref<32x128xf32, #tpu.memory_space<hbm>>
      %dma_start3A_269 = arith.constant 0 : i32
      %dma_start3A_270 = arith.constant 256 : i32
      %dma_start3A_271 = tpu.memref_slice %arg5[%dma_start3A_269, %dma_start3A_270] : memref<32x770xf32, #tpu.memory_space<vmem>> -> memref<32x128xf32, #tpu.memory_space<vmem>>
      %dma_start3A_272 = arith.constant 0 : i32
      %dma_start3A_273 = tpu.memref_slice %arg2[%dma_start3A_272, %mul3A_263] : memref<32x1000000xf32, #tpu.memory_space<hbm>> -> memref<32x128xf32, #tpu.memory_space<hbm>>
      tpu.enqueue_dma source(%dma_start3A_273 : memref<32x128xf32, #tpu.memory_space<hbm>>) target(%dma_start3A_271 : memref<32x128xf32, #tpu.memory_space<vmem>>) target_semaphore(%arg9 : memref<!tpu.dma_semaphore, #tpu.memory_space<semaphore_mem>>)
      %add3A_274 = arith.constant 0 : i32
      %add3A_275 = arith.addi %add3A, %add3A_274 : i32
      %mul3A_276 = arith.constant 6 : i32
      %mul3A_277 = arith.muli %add3A_275, %mul3A_276 : i32
      %add3A_278 = arith.constant 3 : i32
      %add3A_279 = arith.addi %mul3A_277, %add3A_278 : i32
      %mul3A_280 = arith.constant 128 : i32
      %mul3A_281 = arith.muli %add3A_279, %mul3A_280 : i32
      %dma_start3A_282 = arith.constant 0 : i32
      %dma_start3A_283 = arith.constant 384 : i32
      %dma_start3A_284 = tpu.memref_slice %arg5[%dma_start3A_282, %dma_start3A_283] : memref<32x770xf32, #tpu.memory_space<vmem>> -> memref<32x128xf32, #tpu.memory_space<vmem>>
      %dma_start3A_285 = arith.constant 0 : i32
      %dma_start3A_286 = tpu.memref_slice %arg2[%dma_start3A_285, %mul3A_281] : memref<32x1000000xf32, #tpu.memory_space<hbm>> -> memref<32x128xf32, #tpu.memory_space<hbm>>
      %dma_start3A_287 = arith.constant 0 : i32
      %dma_start3A_288 = arith.constant 384 : i32
      %dma_start3A_289 = tpu.memref_slice %arg5[%dma_start3A_287, %dma_start3A_288] : memref<32x770xf32, #tpu.memory_space<vmem>> -> memref<32x128xf32, #tpu.memory_space<vmem>>
      %dma_start3A_290 = arith.constant 0 : i32
      %dma_start3A_291 = tpu.memref_slice %arg2[%dma_start3A_290, %mul3A_281] : memref<32x1000000xf32, #tpu.memory_space<hbm>> -> memref<32x128xf32, #tpu.memory_space<hbm>>
      tpu.enqueue_dma source(%dma_start3A_291 : memref<32x128xf32, #tpu.memory_space<hbm>>) target(%dma_start3A_289 : memref<32x128xf32, #tpu.memory_space<vmem>>) target_semaphore(%arg9 : memref<!tpu.dma_semaphore, #tpu.memory_space<semaphore_mem>>)
      %add3A_292 = arith.constant 0 : i32
      %add3A_293 = arith.addi %add3A, %add3A_292 : i32
      %mul3A_294 = arith.constant 6 : i32
      %mul3A_295 = arith.muli %add3A_293, %mul3A_294 : i32
      %add3A_296 = arith.constant 4 : i32
      %add3A_297 = arith.addi %mul3A_295, %add3A_296 : i32
      %mul3A_298 = arith.constant 128 : i32
      %mul3A_299 = arith.muli %add3A_297, %mul3A_298 : i32
      %dma_start3A_300 = arith.constant 0 : i32
      %dma_start3A_301 = arith.constant 512 : i32
      %dma_start3A_302 = tpu.memref_slice %arg5[%dma_start3A_300, %dma_start3A_301] : memref<32x770xf32, #tpu.memory_space<vmem>> -> memref<32x128xf32, #tpu.memory_space<vmem>>
      %dma_start3A_303 = arith.constant 0 : i32
      %dma_start3A_304 = tpu.memref_slice %arg2[%dma_start3A_303, %mul3A_299] : memref<32x1000000xf32, #tpu.memory_space<hbm>> -> memref<32x128xf32, #tpu.memory_space<hbm>>
      %dma_start3A_305 = arith.constant 0 : i32
      %dma_start3A_306 = arith.constant 512 : i32
      %dma_start3A_307 = tpu.memref_slice %arg5[%dma_start3A_305, %dma_start3A_306] : memref<32x770xf32, #tpu.memory_space<vmem>> -> memref<32x128xf32, #tpu.memory_space<vmem>>
      %dma_start3A_308 = arith.constant 0 : i32
      %dma_start3A_309 = tpu.memref_slice %arg2[%dma_start3A_308, %mul3A_299] : memref<32x1000000xf32, #tpu.memory_space<hbm>> -> memref<32x128xf32, #tpu.memory_space<hbm>>
      tpu.enqueue_dma source(%dma_start3A_309 : memref<32x128xf32, #tpu.memory_space<hbm>>) target(%dma_start3A_307 : memref<32x128xf32, #tpu.memory_space<vmem>>) target_semaphore(%arg9 : memref<!tpu.dma_semaphore, #tpu.memory_space<semaphore_mem>>)
      %add3A_310 = arith.constant 0 : i32
      %add3A_311 = arith.addi %add3A, %add3A_310 : i32
      %mul3A_312 = arith.constant 6 : i32
      %mul3A_313 = arith.muli %add3A_311, %mul3A_312 : i32
      %add3A_314 = arith.constant 5 : i32
      %add3A_315 = arith.addi %mul3A_313, %add3A_314 : i32
      %mul3A_316 = arith.constant 128 : i32
      %mul3A_317 = arith.muli %add3A_315, %mul3A_316 : i32
      %dma_start3A_318 = arith.constant 0 : i32
      %dma_start3A_319 = arith.constant 640 : i32
      %dma_start3A_320 = tpu.memref_slice %arg5[%dma_start3A_318, %dma_start3A_319] : memref<32x770xf32, #tpu.memory_space<vmem>> -> memref<32x128xf32, #tpu.memory_space<vmem>>
      %dma_start3A_321 = arith.constant 0 : i32
      %dma_start3A_322 = tpu.memref_slice %arg2[%dma_start3A_321, %mul3A_317] : memref<32x1000000xf32, #tpu.memory_space<hbm>> -> memref<32x128xf32, #tpu.memory_space<hbm>>
      %dma_start3A_323 = arith.constant 0 : i32
      %dma_start3A_324 = arith.constant 640 : i32
      %dma_start3A_325 = tpu.memref_slice %arg5[%dma_start3A_323, %dma_start3A_324] : memref<32x770xf32, #tpu.memory_space<vmem>> -> memref<32x128xf32, #tpu.memory_space<vmem>>
      %dma_start3A_326 = arith.constant 0 : i32
      %dma_start3A_327 = tpu.memref_slice %arg2[%dma_start3A_326, %mul3A_317] : memref<32x1000000xf32, #tpu.memory_space<hbm>> -> memref<32x128xf32, #tpu.memory_space<hbm>>
      tpu.enqueue_dma source(%dma_start3A_327 : memref<32x128xf32, #tpu.memory_space<hbm>>) target(%dma_start3A_325 : memref<32x128xf32, #tpu.memory_space<vmem>>) target_semaphore(%arg9 : memref<!tpu.dma_semaphore, #tpu.memory_space<semaphore_mem>>)
    } else {
    }
    %scan3A = arith.constant 0 : i32
    %scan3A_197 = arith.constant 0 : i32
    %scan3A_198 = arith.constant 21 : i32
    %scan3A_199 = arith.addi %scan3A_197, %scan3A_198 : i32
    %scan3A_200 = arith.constant 1 : i32
    %scan3A_201 = scf.for %scan3A_221 = %scan3A_197 to %scan3A_199 step %scan3A_200 iter_args(%scan3A_222 = %scan3A) -> (i32)  : i32 {
      %mul3A_223 = arith.constant 2 : i32
      %mul3A_224 = arith.muli %scan3A_221, %mul3A_223 : i32
      %add3A_225 = arith.constant 0 : i32
      %add3A_226 = arith.addi %mul3A_224, %add3A_225 : i32
      %lt3A_227 = arith.constant 41 : i32
      %lt3A_228 = arith.cmpi slt, %add3A_226, %lt3A_227 : i32
      %convert_element_type3A_229 = arith.extui %lt3A_228 : i1 to i32
      %cond3A_230 = arith.constant 0 : i32
      %cond3A_231 = arith.cmpi ne, %convert_element_type3A_229, %cond3A_230 : i32
      scf.if %cond3A_231 {
        %mul3A_242 = arith.constant 32 : i32
        %mul3A_243 = arith.muli %add3A_226, %mul3A_242 : i32
        %add3A_244 = arith.addi %add3A, %mul3A_243 : i32
        %lt3A_245 = arith.constant 1302 : i32
        %lt3A_246 = arith.cmpi slt, %add3A_244, %lt3A_245 : i32
        %convert_element_type3A_247 = arith.extui %lt3A_246 : i1 to i32
        %cond3A_248 = arith.constant 0 : i32
        %cond3A_249 = arith.cmpi ne, %convert_element_type3A_247, %cond3A_248 : i32
        scf.if %cond3A_249 {
          %add3A_250 = arith.constant 1 : i32
          %add3A_251 = arith.addi %add3A_226, %add3A_250 : i32
          %lt3A_252 = arith.constant 41 : i32
          %lt3A_253 = arith.cmpi slt, %add3A_251, %lt3A_252 : i32
          %add3A_254 = arith.constant 1 : i32
          %add3A_255 = arith.addi %add3A_226, %add3A_254 : i32
          %mul3A_256 = arith.constant 32 : i32
          %mul3A_257 = arith.muli %add3A_255, %mul3A_256 : i32
          %add3A_258 = arith.addi %add3A, %mul3A_257 : i32
          %lt3A_259 = arith.constant 1302 : i32
          %lt3A_260 = arith.cmpi slt, %add3A_258, %lt3A_259 : i32
          %and3A_261 = arith.andi %lt3A_253, %lt3A_260 : i1
          %convert_element_type3A_262 = arith.extui %and3A_261 : i1 to i32
          %cond3A_263 = arith.constant 0 : i32
          %cond3A_264 = arith.cmpi ne, %convert_element_type3A_262, %cond3A_263 : i32
          scf.if %cond3A_264 {
            %add3A_288 = arith.constant 1 : i32
            %add3A_289 = arith.addi %add3A_226, %add3A_288 : i32
            %mul3A_290 = arith.constant 32 : i32
            %mul3A_291 = arith.muli %add3A_289, %mul3A_290 : i32
            %add3A_292 = arith.addi %add3A, %mul3A_291 : i32
            %mul3A_293 = arith.constant 6 : i32
            %mul3A_294 = arith.muli %add3A_292, %mul3A_293 : i32
            %add3A_295 = arith.constant 0 : i32
            %add3A_296 = arith.addi %mul3A_294, %add3A_295 : i32
            %mul3A_297 = arith.constant 128 : i32
            %mul3A_298 = arith.muli %add3A_296, %mul3A_297 : i32
            %dma_start3A_299 = arith.constant 0 : i32
            %dma_start3A_300 = arith.constant 0 : i32
            %dma_start3A_301 = tpu.memref_slice %arg6[%dma_start3A_299, %dma_start3A_300] : memref<32x770xf32, #tpu.memory_space<vmem>> -> memref<32x128xf32, #tpu.memory_space<vmem>>
            %dma_start3A_302 = arith.constant 0 : i32
            %dma_start3A_303 = tpu.memref_slice %arg2[%dma_start3A_302, %mul3A_298] : memref<32x1000000xf32, #tpu.memory_space<hbm>> -> memref<32x128xf32, #tpu.memory_space<hbm>>
            %dma_start3A_304 = arith.constant 0 : i32
            %dma_start3A_305 = arith.constant 0 : i32
            %dma_start3A_306 = tpu.memref_slice %arg6[%dma_start3A_304, %dma_start3A_305] : memref<32x770xf32, #tpu.memory_space<vmem>> -> memref<32x128xf32, #tpu.memory_space<vmem>>
            %dma_start3A_307 = arith.constant 0 : i32
            %dma_start3A_308 = tpu.memref_slice %arg2[%dma_start3A_307, %mul3A_298] : memref<32x1000000xf32, #tpu.memory_space<hbm>> -> memref<32x128xf32, #tpu.memory_space<hbm>>
            tpu.enqueue_dma source(%dma_start3A_308 : memref<32x128xf32, #tpu.memory_space<hbm>>) target(%dma_start3A_306 : memref<32x128xf32, #tpu.memory_space<vmem>>) target_semaphore(%arg10 : memref<!tpu.dma_semaphore, #tpu.memory_space<semaphore_mem>>)
            %mul3A_309 = arith.constant 32 : i32
            %mul3A_310 = arith.muli %add3A_289, %mul3A_309 : i32
            %add3A_311 = arith.addi %add3A, %mul3A_310 : i32
            %mul3A_312 = arith.constant 6 : i32
            %mul3A_313 = arith.muli %add3A_311, %mul3A_312 : i32
            %add3A_314 = arith.constant 1 : i32
            %add3A_315 = arith.addi %mul3A_313, %add3A_314 : i32
            %mul3A_316 = arith.constant 128 : i32
            %mul3A_317 = arith.muli %add3A_315, %mul3A_316 : i32
            %dma_start3A_318 = arith.constant 0 : i32
            %dma_start3A_319 = arith.constant 128 : i32
            %dma_start3A_320 = tpu.memref_slice %arg6[%dma_start3A_318, %dma_start3A_319] : memref<32x770xf32, #tpu.memory_space<vmem>> -> memref<32x128xf32, #tpu.memory_space<vmem>>
            %dma_start3A_321 = arith.constant 0 : i32
            %dma_start3A_322 = tpu.memref_slice %arg2[%dma_start3A_321, %mul3A_317] : memref<32x1000000xf32, #tpu.memory_space<hbm>> -> memref<32x128xf32, #tpu.memory_space<hbm>>
            %dma_start3A_323 = arith.constant 0 : i32
            %dma_start3A_324 = arith.constant 128 : i32
            %dma_start3A_325 = tpu.memref_slice %arg6[%dma_start3A_323, %dma_start3A_324] : memref<32x770xf32, #tpu.memory_space<vmem>> -> memref<32x128xf32, #tpu.memory_space<vmem>>
            %dma_start3A_326 = arith.constant 0 : i32
            %dma_start3A_327 = tpu.memref_slice %arg2[%dma_start3A_326, %mul3A_317] : memref<32x1000000xf32, #tpu.memory_space<hbm>> -> memref<32x128xf32, #tpu.memory_space<hbm>>
            tpu.enqueue_dma source(%dma_start3A_327 : memref<32x128xf32, #tpu.memory_space<hbm>>) target(%dma_start3A_325 : memref<32x128xf32, #tpu.memory_space<vmem>>) target_semaphore(%arg10 : memref<!tpu.dma_semaphore, #tpu.memory_space<semaphore_mem>>)
            %mul3A_328 = arith.constant 32 : i32
            %mul3A_329 = arith.muli %add3A_289, %mul3A_328 : i32
            %add3A_330 = arith.addi %add3A, %mul3A_329 : i32
            %mul3A_331 = arith.constant 6 : i32
            %mul3A_332 = arith.muli %add3A_330, %mul3A_331 : i32
            %add3A_333 = arith.constant 2 : i32
            %add3A_334 = arith.addi %mul3A_332, %add3A_333 : i32
            %mul3A_335 = arith.constant 128 : i32
            %mul3A_336 = arith.muli %add3A_334, %mul3A_335 : i32
            %dma_start3A_337 = arith.constant 0 : i32
            %dma_start3A_338 = arith.constant 256 : i32
            %dma_start3A_339 = tpu.memref_slice %arg6[%dma_start3A_337, %dma_start3A_338] : memref<32x770xf32, #tpu.memory_space<vmem>> -> memref<32x128xf32, #tpu.memory_space<vmem>>
            %dma_start3A_340 = arith.constant 0 : i32
            %dma_start3A_341 = tpu.memref_slice %arg2[%dma_start3A_340, %mul3A_336] : memref<32x1000000xf32, #tpu.memory_space<hbm>> -> memref<32x128xf32, #tpu.memory_space<hbm>>
            %dma_start3A_342 = arith.constant 0 : i32
            %dma_start3A_343 = arith.constant 256 : i32
            %dma_start3A_344 = tpu.memref_slice %arg6[%dma_start3A_342, %dma_start3A_343] : memref<32x770xf32, #tpu.memory_space<vmem>> -> memref<32x128xf32, #tpu.memory_space<vmem>>
            %dma_start3A_345 = arith.constant 0 : i32
            %dma_start3A_346 = tpu.memref_slice %arg2[%dma_start3A_345, %mul3A_336] : memref<32x1000000xf32, #tpu.memory_space<hbm>> -> memref<32x128xf32, #tpu.memory_space<hbm>>
            tpu.enqueue_dma source(%dma_start3A_346 : memref<32x128xf32, #tpu.memory_space<hbm>>) target(%dma_start3A_344 : memref<32x128xf32, #tpu.memory_space<vmem>>) target_semaphore(%arg10 : memref<!tpu.dma_semaphore, #tpu.memory_space<semaphore_mem>>)
            %mul3A_347 = arith.constant 32 : i32
            %mul3A_348 = arith.muli %add3A_289, %mul3A_347 : i32
            %add3A_349 = arith.addi %add3A, %mul3A_348 : i32
            %mul3A_350 = arith.constant 6 : i32
            %mul3A_351 = arith.muli %add3A_349, %mul3A_350 : i32
            %add3A_352 = arith.constant 3 : i32
            %add3A_353 = arith.addi %mul3A_351, %add3A_352 : i32
            %mul3A_354 = arith.constant 128 : i32
            %mul3A_355 = arith.muli %add3A_353, %mul3A_354 : i32
            %dma_start3A_356 = arith.constant 0 : i32
            %dma_start3A_357 = arith.constant 384 : i32
            %dma_start3A_358 = tpu.memref_slice %arg6[%dma_start3A_356, %dma_start3A_357] : memref<32x770xf32, #tpu.memory_space<vmem>> -> memref<32x128xf32, #tpu.memory_space<vmem>>
            %dma_start3A_359 = arith.constant 0 : i32
            %dma_start3A_360 = tpu.memref_slice %arg2[%dma_start3A_359, %mul3A_355] : memref<32x1000000xf32, #tpu.memory_space<hbm>> -> memref<32x128xf32, #tpu.memory_space<hbm>>
            %dma_start3A_361 = arith.constant 0 : i32
            %dma_start3A_362 = arith.constant 384 : i32
            %dma_start3A_363 = tpu.memref_slice %arg6[%dma_start3A_361, %dma_start3A_362] : memref<32x770xf32, #tpu.memory_space<vmem>> -> memref<32x128xf32, #tpu.memory_space<vmem>>
            %dma_start3A_364 = arith.constant 0 : i32
            %dma_start3A_365 = tpu.memref_slice %arg2[%dma_start3A_364, %mul3A_355] : memref<32x1000000xf32, #tpu.memory_space<hbm>> -> memref<32x128xf32, #tpu.memory_space<hbm>>
            tpu.enqueue_dma source(%dma_start3A_365 : memref<32x128xf32, #tpu.memory_space<hbm>>) target(%dma_start3A_363 : memref<32x128xf32, #tpu.memory_space<vmem>>) target_semaphore(%arg10 : memref<!tpu.dma_semaphore, #tpu.memory_space<semaphore_mem>>)
            %mul3A_366 = arith.constant 32 : i32
            %mul3A_367 = arith.muli %add3A_289, %mul3A_366 : i32
            %add3A_368 = arith.addi %add3A, %mul3A_367 : i32
            %mul3A_369 = arith.constant 6 : i32
            %mul3A_370 = arith.muli %add3A_368, %mul3A_369 : i32
            %add3A_371 = arith.constant 4 : i32
            %add3A_372 = arith.addi %mul3A_370, %add3A_371 : i32
            %mul3A_373 = arith.constant 128 : i32
            %mul3A_374 = arith.muli %add3A_372, %mul3A_373 : i32
            %dma_start3A_375 = arith.constant 0 : i32
            %dma_start3A_376 = arith.constant 512 : i32
            %dma_start3A_377 = tpu.memref_slice %arg6[%dma_start3A_375, %dma_start3A_376] : memref<32x770xf32, #tpu.memory_space<vmem>> -> memref<32x128xf32, #tpu.memory_space<vmem>>
            %dma_start3A_378 = arith.constant 0 : i32
            %dma_start3A_379 = tpu.memref_slice %arg2[%dma_start3A_378, %mul3A_374] : memref<32x1000000xf32, #tpu.memory_space<hbm>> -> memref<32x128xf32, #tpu.memory_space<hbm>>
            %dma_start3A_380 = arith.constant 0 : i32
            %dma_start3A_381 = arith.constant 512 : i32
            %dma_start3A_382 = tpu.memref_slice %arg6[%dma_start3A_380, %dma_start3A_381] : memref<32x770xf32, #tpu.memory_space<vmem>> -> memref<32x128xf32, #tpu.memory_space<vmem>>
            %dma_start3A_383 = arith.constant 0 : i32
            %dma_start3A_384 = tpu.memref_slice %arg2[%dma_start3A_383, %mul3A_374] : memref<32x1000000xf32, #tpu.memory_space<hbm>> -> memref<32x128xf32, #tpu.memory_space<hbm>>
            tpu.enqueue_dma source(%dma_start3A_384 : memref<32x128xf32, #tpu.memory_space<hbm>>) target(%dma_start3A_382 : memref<32x128xf32, #tpu.memory_space<vmem>>) target_semaphore(%arg10 : memref<!tpu.dma_semaphore, #tpu.memory_space<semaphore_mem>>)
            %mul3A_385 = arith.constant 32 : i32
            %mul3A_386 = arith.muli %add3A_289, %mul3A_385 : i32
            %add3A_387 = arith.addi %add3A, %mul3A_386 : i32
            %mul3A_388 = arith.constant 6 : i32
            %mul3A_389 = arith.muli %add3A_387, %mul3A_388 : i32
            %add3A_390 = arith.constant 5 : i32
            %add3A_391 = arith.addi %mul3A_389, %add3A_390 : i32
            %mul3A_392 = arith.constant 128 : i32
            %mul3A_393 = arith.muli %add3A_391, %mul3A_392 : i32
            %dma_start3A_394 = arith.constant 0 : i32
            %dma_start3A_395 = arith.constant 640 : i32
            %dma_start3A_396 = tpu.memref_slice %arg6[%dma_start3A_394, %dma_start3A_395] : memref<32x770xf32, #tpu.memory_space<vmem>> -> memref<32x128xf32, #tpu.memory_space<vmem>>
            %dma_start3A_397 = arith.constant 0 : i32
            %dma_start3A_398 = tpu.memref_slice %arg2[%dma_start3A_397, %mul3A_393] : memref<32x1000000xf32, #tpu.memory_space<hbm>> -> memref<32x128xf32, #tpu.memory_space<hbm>>
            %dma_start3A_399 = arith.constant 0 : i32
            %dma_start3A_400 = arith.constant 640 : i32
            %dma_start3A_401 = tpu.memref_slice %arg6[%dma_start3A_399, %dma_start3A_400] : memref<32x770xf32, #tpu.memory_space<vmem>> -> memref<32x128xf32, #tpu.memory_space<vmem>>
            %dma_start3A_402 = arith.constant 0 : i32
            %dma_start3A_403 = tpu.memref_slice %arg2[%dma_start3A_402, %mul3A_393] : memref<32x1000000xf32, #tpu.memory_space<hbm>> -> memref<32x128xf32, #tpu.memory_space<hbm>>
            tpu.enqueue_dma source(%dma_start3A_403 : memref<32x128xf32, #tpu.memory_space<hbm>>) target(%dma_start3A_401 : memref<32x128xf32, #tpu.memory_space<vmem>>) target_semaphore(%arg10 : memref<!tpu.dma_semaphore, #tpu.memory_space<semaphore_mem>>)
          } else {
          }
          %dma_wait3A = arith.constant 0 : i32
          %dma_wait3A_265 = arith.constant 0 : i32
          %dma_wait3A_266 = tpu.memref_slice %arg5[%dma_wait3A, %dma_wait3A_265] : memref<32x770xf32, #tpu.memory_space<vmem>> -> memref<32x768xf32, #tpu.memory_space<vmem>>
          %dma_wait3A_267 = arith.constant 0 : i32
          %dma_wait3A_268 = arith.constant 0 : i32
          %dma_wait3A_269 = tpu.memref_slice %arg2[%dma_wait3A_267, %dma_wait3A_268] : memref<32x1000000xf32, #tpu.memory_space<hbm>> -> memref<32x768xf32, #tpu.memory_space<hbm>>
          %dma_wait3A_270 = arith.constant 0 : i32
          %dma_wait3A_271 = arith.constant 0 : i32
          %dma_wait3A_272 = tpu.memref_slice %arg5[%dma_wait3A_270, %dma_wait3A_271] : memref<32x770xf32, #tpu.memory_space<vmem>> -> memref<32x768xf32, #tpu.memory_space<vmem>>
          %dma_wait3A_273 = arith.constant 0 : i32
          %dma_wait3A_274 = arith.constant 0 : i32
          %dma_wait3A_275 = tpu.memref_slice %arg2[%dma_wait3A_273, %dma_wait3A_274] : memref<32x1000000xf32, #tpu.memory_space<hbm>> -> memref<32x768xf32, #tpu.memory_space<hbm>>
          tpu.wait_dma2 semaphore(%arg9 : memref<!tpu.dma_semaphore, #tpu.memory_space<semaphore_mem>>) src(%dma_wait3A_275 : memref<32x768xf32, #tpu.memory_space<hbm>>) dst(%dma_wait3A_272 : memref<32x768xf32, #tpu.memory_space<vmem>>)
          %ge3A = arith.constant 2 : i32
          %ge3A_276 = arith.cmpi sge, %add3A_226, %ge3A : i32
          %convert_element_type3A_277 = arith.extui %ge3A_276 : i1 to i32
          %cond3A_278 = arith.constant 0 : i32
          %cond3A_279 = arith.cmpi ne, %convert_element_type3A_277, %cond3A_278 : i32
          scf.if %cond3A_279 {
            %dma_wait3A_288 = arith.constant 0 : i32
            %dma_wait3A_289 = tpu.memref_slice %arg4[%dma_wait3A_288] : memref<32002048xf32, #tpu.memory_space<hbm>> -> memref<24576xf32, #tpu.memory_space<hbm>>
            %dma_wait3A_290 = arith.constant 0 : i32
            %dma_wait3A_291 = tpu.memref_slice %arg4[%dma_wait3A_290] : memref<32002048xf32, #tpu.memory_space<hbm>> -> memref<24576xf32, #tpu.memory_space<hbm>>
            tpu.wait_dma2 semaphore(%arg11 : memref<!tpu.dma_semaphore, #tpu.memory_space<semaphore_mem>>) src(%arg7 : memref<24576xf32, #tpu.memory_space<vmem>>) dst(%dma_wait3A_291 : memref<24576xf32, #tpu.memory_space<hbm>>)
          } else {
          }
          %parallel_loop3A = arith.constant 0 : i32
          %parallel_loop3A_280 = arith.constant 768 : i32
          %parallel_loop3A_281 = arith.constant 16 : i32
          scf.for %parallel_loop3A_288 = %parallel_loop3A to %parallel_loop3A_280 step %parallel_loop3A_281  : i32 {
            %parallel_loop3A_289 = vector.broadcast %parallel_loop3A_288 : i32 to vector<16xi32>
            %parallel_loop3A_290 = arith.addi %iota3A_1, %parallel_loop3A_289 : vector<16xi32>
            %parallel_loop3A_291 = arith.constant 32 : i32
            %parallel_loop3A_292 = vector.broadcast %parallel_loop3A_291 : i32 to vector<16xi32>
            %parallel_loop3A_293 = arith.muli %parallel_loop3A_290, %parallel_loop3A_292 : vector<16xi32>
            %parallel_loop3A_294 = tpu.vector_load_idx %arg5[%and3A_6, %parallel_loop3A_290] : memref<32x770xf32, #tpu.memory_space<vmem>>[vector<16xi32>, vector<16xi32>], vector<16xf32>,
            %parallel_loop3A_295 = arith.addi %parallel_loop3A_293, %and3A_6 : vector<16xi32>
            tpu.vector_store_idx %arg7[%parallel_loop3A_295], %parallel_loop3A_294 : memref<24576xf32, #tpu.memory_space<vmem>>[vector<16xi32>], vector<16xf32>,
            %parallel_loop3A_296 = tpu.vector_load_idx %arg5[%and3A_12, %parallel_loop3A_290] : memref<32x770xf32, #tpu.memory_space<vmem>>[vector<16xi32>, vector<16xi32>], vector<16xf32>,
            %parallel_loop3A_297 = arith.addi %parallel_loop3A_293, %and3A_12 : vector<16xi32>
            tpu.vector_store_idx %arg7[%parallel_loop3A_297], %parallel_loop3A_296 : memref<24576xf32, #tpu.memory_space<vmem>>[vector<16xi32>], vector<16xf32>,
            %parallel_loop3A_298 = tpu.vector_load_idx %arg5[%and3A_18, %parallel_loop3A_290] : memref<32x770xf32, #tpu.memory_space<vmem>>[vector<16xi32>, vector<16xi32>], vector<16xf32>,
            %parallel_loop3A_299 = arith.addi %parallel_loop3A_293, %and3A_18 : vector<16xi32>
            tpu.vector_store_idx %arg7[%parallel_loop3A_299], %parallel_loop3A_298 : memref<24576xf32, #tpu.memory_space<vmem>>[vector<16xi32>], vector<16xf32>,
            %parallel_loop3A_300 = tpu.vector_load_idx %arg5[%and3A_24, %parallel_loop3A_290] : memref<32x770xf32, #tpu.memory_space<vmem>>[vector<16xi32>, vector<16xi32>], vector<16xf32>,
            %parallel_loop3A_301 = arith.addi %parallel_loop3A_293, %and3A_24 : vector<16xi32>
            tpu.vector_store_idx %arg7[%parallel_loop3A_301], %parallel_loop3A_300 : memref<24576xf32, #tpu.memory_space<vmem>>[vector<16xi32>], vector<16xf32>,
            %parallel_loop3A_302 = tpu.vector_load_idx %arg5[%and3A_30, %parallel_loop3A_290] : memref<32x770xf32, #tpu.memory_space<vmem>>[vector<16xi32>, vector<16xi32>], vector<16xf32>,
            %parallel_loop3A_303 = arith.addi %parallel_loop3A_293, %and3A_30 : vector<16xi32>
            tpu.vector_store_idx %arg7[%parallel_loop3A_303], %parallel_loop3A_302 : memref<24576xf32, #tpu.memory_space<vmem>>[vector<16xi32>], vector<16xf32>,
            %parallel_loop3A_304 = tpu.vector_load_idx %arg5[%and3A_36, %parallel_loop3A_290] : memref<32x770xf32, #tpu.memory_space<vmem>>[vector<16xi32>, vector<16xi32>], vector<16xf32>,
            %parallel_loop3A_305 = arith.addi %parallel_loop3A_293, %and3A_36 : vector<16xi32>
            tpu.vector_store_idx %arg7[%parallel_loop3A_305], %parallel_loop3A_304 : memref<24576xf32, #tpu.memory_space<vmem>>[vector<16xi32>], vector<16xf32>,
            %parallel_loop3A_306 = tpu.vector_load_idx %arg5[%and3A_42, %parallel_loop3A_290] : memref<32x770xf32, #tpu.memory_space<vmem>>[vector<16xi32>, vector<16xi32>], vector<16xf32>,
            %parallel_loop3A_307 = arith.addi %parallel_loop3A_293, %and3A_42 : vector<16xi32>
            tpu.vector_store_idx %arg7[%parallel_loop3A_307], %parallel_loop3A_306 : memref<24576xf32, #tpu.memory_space<vmem>>[vector<16xi32>], vector<16xf32>,
            %parallel_loop3A_308 = tpu.vector_load_idx %arg5[%and3A_48, %parallel_loop3A_290] : memref<32x770xf32, #tpu.memory_space<vmem>>[vector<16xi32>, vector<16xi32>], vector<16xf32>,
            %parallel_loop3A_309 = arith.addi %parallel_loop3A_293, %and3A_48 : vector<16xi32>
            tpu.vector_store_idx %arg7[%parallel_loop3A_309], %parallel_loop3A_308 : memref<24576xf32, #tpu.memory_space<vmem>>[vector<16xi32>], vector<16xf32>,
            %parallel_loop3A_310 = tpu.vector_load_idx %arg5[%and3A_54, %parallel_loop3A_290] : memref<32x770xf32, #tpu.memory_space<vmem>>[vector<16xi32>, vector<16xi32>], vector<16xf32>,
            %parallel_loop3A_311 = arith.addi %parallel_loop3A_293, %and3A_54 : vector<16xi32>
            tpu.vector_store_idx %arg7[%parallel_loop3A_311], %parallel_loop3A_310 : memref<24576xf32, #tpu.memory_space<vmem>>[vector<16xi32>], vector<16xf32>,
            %parallel_loop3A_312 = tpu.vector_load_idx %arg5[%and3A_60, %parallel_loop3A_290] : memref<32x770xf32, #tpu.memory_space<vmem>>[vector<16xi32>, vector<16xi32>], vector<16xf32>,
            %parallel_loop3A_313 = arith.addi %parallel_loop3A_293, %and3A_60 : vector<16xi32>
            tpu.vector_store_idx %arg7[%parallel_loop3A_313], %parallel_loop3A_312 : memref<24576xf32, #tpu.memory_space<vmem>>[vector<16xi32>], vector<16xf32>,
            %parallel_loop3A_314 = tpu.vector_load_idx %arg5[%and3A_66, %parallel_loop3A_290] : memref<32x770xf32, #tpu.memory_space<vmem>>[vector<16xi32>, vector<16xi32>], vector<16xf32>,
            %parallel_loop3A_315 = arith.addi %parallel_loop3A_293, %and3A_66 : vector<16xi32>
            tpu.vector_store_idx %arg7[%parallel_loop3A_315], %parallel_loop3A_314 : memref<24576xf32, #tpu.memory_space<vmem>>[vector<16xi32>], vector<16xf32>,
            %parallel_loop3A_316 = tpu.vector_load_idx %arg5[%and3A_72, %parallel_loop3A_290] : memref<32x770xf32, #tpu.memory_space<vmem>>[vector<16xi32>, vector<16xi32>], vector<16xf32>,
            %parallel_loop3A_317 = arith.addi %parallel_loop3A_293, %and3A_72 : vector<16xi32>
            tpu.vector_store_idx %arg7[%parallel_loop3A_317], %parallel_loop3A_316 : memref<24576xf32, #tpu.memory_space<vmem>>[vector<16xi32>], vector<16xf32>,
            %parallel_loop3A_318 = tpu.vector_load_idx %arg5[%and3A_78, %parallel_loop3A_290] : memref<32x770xf32, #tpu.memory_space<vmem>>[vector<16xi32>, vector<16xi32>], vector<16xf32>,
            %parallel_loop3A_319 = arith.addi %parallel_loop3A_293, %and3A_78 : vector<16xi32>
            tpu.vector_store_idx %arg7[%parallel_loop3A_319], %parallel_loop3A_318 : memref<24576xf32, #tpu.memory_space<vmem>>[vector<16xi32>], vector<16xf32>,
            %parallel_loop3A_320 = tpu.vector_load_idx %arg5[%and3A_84, %parallel_loop3A_290] : memref<32x770xf32, #tpu.memory_space<vmem>>[vector<16xi32>, vector<16xi32>], vector<16xf32>,
            %parallel_loop3A_321 = arith.addi %parallel_loop3A_293, %and3A_84 : vector<16xi32>
            tpu.vector_store_idx %arg7[%parallel_loop3A_321], %parallel_loop3A_320 : memref<24576xf32, #tpu.memory_space<vmem>>[vector<16xi32>], vector<16xf32>,
            %parallel_loop3A_322 = tpu.vector_load_idx %arg5[%and3A_90, %parallel_loop3A_290] : memref<32x770xf32, #tpu.memory_space<vmem>>[vector<16xi32>, vector<16xi32>], vector<16xf32>,
            %parallel_loop3A_323 = arith.addi %parallel_loop3A_293, %and3A_90 : vector<16xi32>
            tpu.vector_store_idx %arg7[%parallel_loop3A_323], %parallel_loop3A_322 : memref<24576xf32, #tpu.memory_space<vmem>>[vector<16xi32>], vector<16xf32>,
            %parallel_loop3A_324 = tpu.vector_load_idx %arg5[%and3A_96, %parallel_loop3A_290] : memref<32x770xf32, #tpu.memory_space<vmem>>[vector<16xi32>, vector<16xi32>], vector<16xf32>,
            %parallel_loop3A_325 = arith.addi %parallel_loop3A_293, %and3A_96 : vector<16xi32>
            tpu.vector_store_idx %arg7[%parallel_loop3A_325], %parallel_loop3A_324 : memref<24576xf32, #tpu.memory_space<vmem>>[vector<16xi32>], vector<16xf32>,
            %parallel_loop3A_326 = tpu.vector_load_idx %arg5[%and3A_102, %parallel_loop3A_290] : memref<32x770xf32, #tpu.memory_space<vmem>>[vector<16xi32>, vector<16xi32>], vector<16xf32>,
            %parallel_loop3A_327 = arith.addi %parallel_loop3A_293, %and3A_102 : vector<16xi32>
            tpu.vector_store_idx %arg7[%parallel_loop3A_327], %parallel_loop3A_326 : memref<24576xf32, #tpu.memory_space<vmem>>[vector<16xi32>], vector<16xf32>,
            %parallel_loop3A_328 = tpu.vector_load_idx %arg5[%and3A_108, %parallel_loop3A_290] : memref<32x770xf32, #tpu.memory_space<vmem>>[vector<16xi32>, vector<16xi32>], vector<16xf32>,
            %parallel_loop3A_329 = arith.addi %parallel_loop3A_293, %and3A_108 : vector<16xi32>
            tpu.vector_store_idx %arg7[%parallel_loop3A_329], %parallel_loop3A_328 : memref<24576xf32, #tpu.memory_space<vmem>>[vector<16xi32>], vector<16xf32>,
            %parallel_loop3A_330 = tpu.vector_load_idx %arg5[%and3A_114, %parallel_loop3A_290] : memref<32x770xf32, #tpu.memory_space<vmem>>[vector<16xi32>, vector<16xi32>], vector<16xf32>,
            %parallel_loop3A_331 = arith.addi %parallel_loop3A_293, %and3A_114 : vector<16xi32>
            tpu.vector_store_idx %arg7[%parallel_loop3A_331], %parallel_loop3A_330 : memref<24576xf32, #tpu.memory_space<vmem>>[vector<16xi32>], vector<16xf32>,
            %parallel_loop3A_332 = tpu.vector_load_idx %arg5[%and3A_120, %parallel_loop3A_290] : memref<32x770xf32, #tpu.memory_space<vmem>>[vector<16xi32>, vector<16xi32>], vector<16xf32>,
            %parallel_loop3A_333 = arith.addi %parallel_loop3A_293, %and3A_120 : vector<16xi32>
            tpu.vector_store_idx %arg7[%parallel_loop3A_333], %parallel_loop3A_332 : memref<24576xf32, #tpu.memory_space<vmem>>[vector<16xi32>], vector<16xf32>,
            %parallel_loop3A_334 = tpu.vector_load_idx %arg5[%and3A_126, %parallel_loop3A_290] : memref<32x770xf32, #tpu.memory_space<vmem>>[vector<16xi32>, vector<16xi32>], vector<16xf32>,
            %parallel_loop3A_335 = arith.addi %parallel_loop3A_293, %and3A_126 : vector<16xi32>
            tpu.vector_store_idx %arg7[%parallel_loop3A_335], %parallel_loop3A_334 : memref<24576xf32, #tpu.memory_space<vmem>>[vector<16xi32>], vector<16xf32>,
            %parallel_loop3A_336 = tpu.vector_load_idx %arg5[%and3A_132, %parallel_loop3A_290] : memref<32x770xf32, #tpu.memory_space<vmem>>[vector<16xi32>, vector<16xi32>], vector<16xf32>,
            %parallel_loop3A_337 = arith.addi %parallel_loop3A_293, %and3A_132 : vector<16xi32>
            tpu.vector_store_idx %arg7[%parallel_loop3A_337], %parallel_loop3A_336 : memref<24576xf32, #tpu.memory_space<vmem>>[vector<16xi32>], vector<16xf32>,
            %parallel_loop3A_338 = tpu.vector_load_idx %arg5[%and3A_138, %parallel_loop3A_290] : memref<32x770xf32, #tpu.memory_space<vmem>>[vector<16xi32>, vector<16xi32>], vector<16xf32>,
            %parallel_loop3A_339 = arith.addi %parallel_loop3A_293, %and3A_138 : vector<16xi32>
            tpu.vector_store_idx %arg7[%parallel_loop3A_339], %parallel_loop3A_338 : memref<24576xf32, #tpu.memory_space<vmem>>[vector<16xi32>], vector<16xf32>,
            %parallel_loop3A_340 = tpu.vector_load_idx %arg5[%and3A_144, %parallel_loop3A_290] : memref<32x770xf32, #tpu.memory_space<vmem>>[vector<16xi32>, vector<16xi32>], vector<16xf32>,
            %parallel_loop3A_341 = arith.addi %parallel_loop3A_293, %and3A_144 : vector<16xi32>
            tpu.vector_store_idx %arg7[%parallel_loop3A_341], %parallel_loop3A_340 : memref<24576xf32, #tpu.memory_space<vmem>>[vector<16xi32>], vector<16xf32>,
            %parallel_loop3A_342 = tpu.vector_load_idx %arg5[%and3A_150, %parallel_loop3A_290] : memref<32x770xf32, #tpu.memory_space<vmem>>[vector<16xi32>, vector<16xi32>], vector<16xf32>,
            %parallel_loop3A_343 = arith.addi %parallel_loop3A_293, %and3A_150 : vector<16xi32>
            tpu.vector_store_idx %arg7[%parallel_loop3A_343], %parallel_loop3A_342 : memref<24576xf32, #tpu.memory_space<vmem>>[vector<16xi32>], vector<16xf32>,
            %parallel_loop3A_344 = tpu.vector_load_idx %arg5[%and3A_156, %parallel_loop3A_290] : memref<32x770xf32, #tpu.memory_space<vmem>>[vector<16xi32>, vector<16xi32>], vector<16xf32>,
            %parallel_loop3A_345 = arith.addi %parallel_loop3A_293, %and3A_156 : vector<16xi32>
            tpu.vector_store_idx %arg7[%parallel_loop3A_345], %parallel_loop3A_344 : memref<24576xf32, #tpu.memory_space<vmem>>[vector<16xi32>], vector<16xf32>,
            %parallel_loop3A_346 = tpu.vector_load_idx %arg5[%and3A_162, %parallel_loop3A_290] : memref<32x770xf32, #tpu.memory_space<vmem>>[vector<16xi32>, vector<16xi32>], vector<16xf32>,
            %parallel_loop3A_347 = arith.addi %parallel_loop3A_293, %and3A_162 : vector<16xi32>
            tpu.vector_store_idx %arg7[%parallel_loop3A_347], %parallel_loop3A_346 : memref<24576xf32, #tpu.memory_space<vmem>>[vector<16xi32>], vector<16xf32>,
            %parallel_loop3A_348 = tpu.vector_load_idx %arg5[%and3A_168, %parallel_loop3A_290] : memref<32x770xf32, #tpu.memory_space<vmem>>[vector<16xi32>, vector<16xi32>], vector<16xf32>,
            %parallel_loop3A_349 = arith.addi %parallel_loop3A_293, %and3A_168 : vector<16xi32>
            tpu.vector_store_idx %arg7[%parallel_loop3A_349], %parallel_loop3A_348 : memref<24576xf32, #tpu.memory_space<vmem>>[vector<16xi32>], vector<16xf32>,
            %parallel_loop3A_350 = tpu.vector_load_idx %arg5[%and3A_174, %parallel_loop3A_290] : memref<32x770xf32, #tpu.memory_space<vmem>>[vector<16xi32>, vector<16xi32>], vector<16xf32>,
            %parallel_loop3A_351 = arith.addi %parallel_loop3A_293, %and3A_174 : vector<16xi32>
            tpu.vector_store_idx %arg7[%parallel_loop3A_351], %parallel_loop3A_350 : memref<24576xf32, #tpu.memory_space<vmem>>[vector<16xi32>], vector<16xf32>,
            %parallel_loop3A_352 = tpu.vector_load_idx %arg5[%and3A_180, %parallel_loop3A_290] : memref<32x770xf32, #tpu.memory_space<vmem>>[vector<16xi32>, vector<16xi32>], vector<16xf32>,
            %parallel_loop3A_353 = arith.addi %parallel_loop3A_293, %and3A_180 : vector<16xi32>
            tpu.vector_store_idx %arg7[%parallel_loop3A_353], %parallel_loop3A_352 : memref<24576xf32, #tpu.memory_space<vmem>>[vector<16xi32>], vector<16xf32>,
            %parallel_loop3A_354 = tpu.vector_load_idx %arg5[%and3A_186, %parallel_loop3A_290] : memref<32x770xf32, #tpu.memory_space<vmem>>[vector<16xi32>, vector<16xi32>], vector<16xf32>,
            %parallel_loop3A_355 = arith.addi %parallel_loop3A_293, %and3A_186 : vector<16xi32>
            tpu.vector_store_idx %arg7[%parallel_loop3A_355], %parallel_loop3A_354 : memref<24576xf32, #tpu.memory_space<vmem>>[vector<16xi32>], vector<16xf32>,
            %parallel_loop3A_356 = tpu.vector_load_idx %arg5[%and3A_192, %parallel_loop3A_290] : memref<32x770xf32, #tpu.memory_space<vmem>>[vector<16xi32>, vector<16xi32>], vector<16xf32>,
            %parallel_loop3A_357 = arith.addi %parallel_loop3A_293, %and3A_192 : vector<16xi32>
            tpu.vector_store_idx %arg7[%parallel_loop3A_357], %parallel_loop3A_356 : memref<24576xf32, #tpu.memory_space<vmem>>[vector<16xi32>], vector<16xf32>,
          } {sc.loop_unroll_factor = 2 : i64, sc.parallel_access}
          %mul3A_282 = arith.constant 32 : i32
          %mul3A_283 = arith.muli %add3A_226, %mul3A_282 : i32
          %add3A_284 = arith.addi %add3A, %mul3A_283 : i32
          %mul3A_285 = arith.constant 24576 : i32
          %mul3A_286 = arith.muli %add3A_284, %mul3A_285 : i32
          %dma_start3A = tpu.memref_slice %arg4[%mul3A_286] : memref<32002048xf32, #tpu.memory_space<hbm>> -> memref<24576xf32, #tpu.memory_space<hbm>>
          %dma_start3A_287 = tpu.memref_slice %arg4[%mul3A_286] : memref<32002048xf32, #tpu.memory_space<hbm>> -> memref<24576xf32, #tpu.memory_space<hbm>>
          tpu.enqueue_dma source(%arg7 : memref<24576xf32, #tpu.memory_space<vmem>>) target(%dma_start3A_287 : memref<24576xf32, #tpu.memory_space<hbm>>) target_semaphore(%arg11 : memref<!tpu.dma_semaphore, #tpu.memory_space<semaphore_mem>>)
        } else {
        }
      } else {
      }
      %mul3A_232 = arith.constant 2 : i32
      %mul3A_233 = arith.muli %scan3A_221, %mul3A_232 : i32
      %add3A_234 = arith.constant 1 : i32
      %add3A_235 = arith.addi %mul3A_233, %add3A_234 : i32
      %lt3A_236 = arith.constant 41 : i32
      %lt3A_237 = arith.cmpi slt, %add3A_235, %lt3A_236 : i32
      %convert_element_type3A_238 = arith.extui %lt3A_237 : i1 to i32
      %cond3A_239 = arith.constant 0 : i32
      %cond3A_240 = arith.cmpi ne, %convert_element_type3A_238, %cond3A_239 : i32
      scf.if %cond3A_240 {
        %mul3A_242 = arith.constant 32 : i32
        %mul3A_243 = arith.muli %add3A_235, %mul3A_242 : i32
        %add3A_244 = arith.addi %add3A, %mul3A_243 : i32
        %lt3A_245 = arith.constant 1302 : i32
        %lt3A_246 = arith.cmpi slt, %add3A_244, %lt3A_245 : i32
        %convert_element_type3A_247 = arith.extui %lt3A_246 : i1 to i32
        %cond3A_248 = arith.constant 0 : i32
        %cond3A_249 = arith.cmpi ne, %convert_element_type3A_247, %cond3A_248 : i32
        scf.if %cond3A_249 {
          %add3A_250 = arith.constant 1 : i32
          %add3A_251 = arith.addi %add3A_235, %add3A_250 : i32
          %lt3A_252 = arith.constant 41 : i32
          %lt3A_253 = arith.cmpi slt, %add3A_251, %lt3A_252 : i32
          %add3A_254 = arith.constant 1 : i32
          %add3A_255 = arith.addi %add3A_235, %add3A_254 : i32
          %mul3A_256 = arith.constant 32 : i32
          %mul3A_257 = arith.muli %add3A_255, %mul3A_256 : i32
          %add3A_258 = arith.addi %add3A, %mul3A_257 : i32
          %lt3A_259 = arith.constant 1302 : i32
          %lt3A_260 = arith.cmpi slt, %add3A_258, %lt3A_259 : i32
          %and3A_261 = arith.andi %lt3A_253, %lt3A_260 : i1
          %convert_element_type3A_262 = arith.extui %and3A_261 : i1 to i32
          %cond3A_263 = arith.constant 0 : i32
          %cond3A_264 = arith.cmpi ne, %convert_element_type3A_262, %cond3A_263 : i32
          scf.if %cond3A_264 {
            %add3A_288 = arith.constant 1 : i32
            %add3A_289 = arith.addi %add3A_235, %add3A_288 : i32
            %mul3A_290 = arith.constant 32 : i32
            %mul3A_291 = arith.muli %add3A_289, %mul3A_290 : i32
            %add3A_292 = arith.addi %add3A, %mul3A_291 : i32
            %mul3A_293 = arith.constant 6 : i32
            %mul3A_294 = arith.muli %add3A_292, %mul3A_293 : i32
            %add3A_295 = arith.constant 0 : i32
            %add3A_296 = arith.addi %mul3A_294, %add3A_295 : i32
            %mul3A_297 = arith.constant 128 : i32
            %mul3A_298 = arith.muli %add3A_296, %mul3A_297 : i32
            %dma_start3A_299 = arith.constant 0 : i32
            %dma_start3A_300 = arith.constant 0 : i32
            %dma_start3A_301 = tpu.memref_slice %arg5[%dma_start3A_299, %dma_start3A_300] : memref<32x770xf32, #tpu.memory_space<vmem>> -> memref<32x128xf32, #tpu.memory_space<vmem>>
            %dma_start3A_302 = arith.constant 0 : i32
            %dma_start3A_303 = tpu.memref_slice %arg2[%dma_start3A_302, %mul3A_298] : memref<32x1000000xf32, #tpu.memory_space<hbm>> -> memref<32x128xf32, #tpu.memory_space<hbm>>
            %dma_start3A_304 = arith.constant 0 : i32
            %dma_start3A_305 = arith.constant 0 : i32
            %dma_start3A_306 = tpu.memref_slice %arg5[%dma_start3A_304, %dma_start3A_305] : memref<32x770xf32, #tpu.memory_space<vmem>> -> memref<32x128xf32, #tpu.memory_space<vmem>>
            %dma_start3A_307 = arith.constant 0 : i32
            %dma_start3A_308 = tpu.memref_slice %arg2[%dma_start3A_307, %mul3A_298] : memref<32x1000000xf32, #tpu.memory_space<hbm>> -> memref<32x128xf32, #tpu.memory_space<hbm>>
            tpu.enqueue_dma source(%dma_start3A_308 : memref<32x128xf32, #tpu.memory_space<hbm>>) target(%dma_start3A_306 : memref<32x128xf32, #tpu.memory_space<vmem>>) target_semaphore(%arg9 : memref<!tpu.dma_semaphore, #tpu.memory_space<semaphore_mem>>)
            %mul3A_309 = arith.constant 32 : i32
            %mul3A_310 = arith.muli %add3A_289, %mul3A_309 : i32
            %add3A_311 = arith.addi %add3A, %mul3A_310 : i32
            %mul3A_312 = arith.constant 6 : i32
            %mul3A_313 = arith.muli %add3A_311, %mul3A_312 : i32
            %add3A_314 = arith.constant 1 : i32
            %add3A_315 = arith.addi %mul3A_313, %add3A_314 : i32
            %mul3A_316 = arith.constant 128 : i32
            %mul3A_317 = arith.muli %add3A_315, %mul3A_316 : i32
            %dma_start3A_318 = arith.constant 0 : i32
            %dma_start3A_319 = arith.constant 128 : i32
            %dma_start3A_320 = tpu.memref_slice %arg5[%dma_start3A_318, %dma_start3A_319] : memref<32x770xf32, #tpu.memory_space<vmem>> -> memref<32x128xf32, #tpu.memory_space<vmem>>
            %dma_start3A_321 = arith.constant 0 : i32
            %dma_start3A_322 = tpu.memref_slice %arg2[%dma_start3A_321, %mul3A_317] : memref<32x1000000xf32, #tpu.memory_space<hbm>> -> memref<32x128xf32, #tpu.memory_space<hbm>>
            %dma_start3A_323 = arith.constant 0 : i32
            %dma_start3A_324 = arith.constant 128 : i32
            %dma_start3A_325 = tpu.memref_slice %arg5[%dma_start3A_323, %dma_start3A_324] : memref<32x770xf32, #tpu.memory_space<vmem>> -> memref<32x128xf32, #tpu.memory_space<vmem>>
            %dma_start3A_326 = arith.constant 0 : i32
            %dma_start3A_327 = tpu.memref_slice %arg2[%dma_start3A_326, %mul3A_317] : memref<32x1000000xf32, #tpu.memory_space<hbm>> -> memref<32x128xf32, #tpu.memory_space<hbm>>
            tpu.enqueue_dma source(%dma_start3A_327 : memref<32x128xf32, #tpu.memory_space<hbm>>) target(%dma_start3A_325 : memref<32x128xf32, #tpu.memory_space<vmem>>) target_semaphore(%arg9 : memref<!tpu.dma_semaphore, #tpu.memory_space<semaphore_mem>>)
            %mul3A_328 = arith.constant 32 : i32
            %mul3A_329 = arith.muli %add3A_289, %mul3A_328 : i32
            %add3A_330 = arith.addi %add3A, %mul3A_329 : i32
            %mul3A_331 = arith.constant 6 : i32
            %mul3A_332 = arith.muli %add3A_330, %mul3A_331 : i32
            %add3A_333 = arith.constant 2 : i32
            %add3A_334 = arith.addi %mul3A_332, %add3A_333 : i32
            %mul3A_335 = arith.constant 128 : i32
            %mul3A_336 = arith.muli %add3A_334, %mul3A_335 : i32
            %dma_start3A_337 = arith.constant 0 : i32
            %dma_start3A_338 = arith.constant 256 : i32
            %dma_start3A_339 = tpu.memref_slice %arg5[%dma_start3A_337, %dma_start3A_338] : memref<32x770xf32, #tpu.memory_space<vmem>> -> memref<32x128xf32, #tpu.memory_space<vmem>>
            %dma_start3A_340 = arith.constant 0 : i32
            %dma_start3A_341 = tpu.memref_slice %arg2[%dma_start3A_340, %mul3A_336] : memref<32x1000000xf32, #tpu.memory_space<hbm>> -> memref<32x128xf32, #tpu.memory_space<hbm>>
            %dma_start3A_342 = arith.constant 0 : i32
            %dma_start3A_343 = arith.constant 256 : i32
            %dma_start3A_344 = tpu.memref_slice %arg5[%dma_start3A_342, %dma_start3A_343] : memref<32x770xf32, #tpu.memory_space<vmem>> -> memref<32x128xf32, #tpu.memory_space<vmem>>
            %dma_start3A_345 = arith.constant 0 : i32
            %dma_start3A_346 = tpu.memref_slice %arg2[%dma_start3A_345, %mul3A_336] : memref<32x1000000xf32, #tpu.memory_space<hbm>> -> memref<32x128xf32, #tpu.memory_space<hbm>>
            tpu.enqueue_dma source(%dma_start3A_346 : memref<32x128xf32, #tpu.memory_space<hbm>>) target(%dma_start3A_344 : memref<32x128xf32, #tpu.memory_space<vmem>>) target_semaphore(%arg9 : memref<!tpu.dma_semaphore, #tpu.memory_space<semaphore_mem>>)
            %mul3A_347 = arith.constant 32 : i32
            %mul3A_348 = arith.muli %add3A_289, %mul3A_347 : i32
            %add3A_349 = arith.addi %add3A, %mul3A_348 : i32
            %mul3A_350 = arith.constant 6 : i32
            %mul3A_351 = arith.muli %add3A_349, %mul3A_350 : i32
            %add3A_352 = arith.constant 3 : i32
            %add3A_353 = arith.addi %mul3A_351, %add3A_352 : i32
            %mul3A_354 = arith.constant 128 : i32
            %mul3A_355 = arith.muli %add3A_353, %mul3A_354 : i32
            %dma_start3A_356 = arith.constant 0 : i32
            %dma_start3A_357 = arith.constant 384 : i32
            %dma_start3A_358 = tpu.memref_slice %arg5[%dma_start3A_356, %dma_start3A_357] : memref<32x770xf32, #tpu.memory_space<vmem>> -> memref<32x128xf32, #tpu.memory_space<vmem>>
            %dma_start3A_359 = arith.constant 0 : i32
            %dma_start3A_360 = tpu.memref_slice %arg2[%dma_start3A_359, %mul3A_355] : memref<32x1000000xf32, #tpu.memory_space<hbm>> -> memref<32x128xf32, #tpu.memory_space<hbm>>
            %dma_start3A_361 = arith.constant 0 : i32
            %dma_start3A_362 = arith.constant 384 : i32
            %dma_start3A_363 = tpu.memref_slice %arg5[%dma_start3A_361, %dma_start3A_362] : memref<32x770xf32, #tpu.memory_space<vmem>> -> memref<32x128xf32, #tpu.memory_space<vmem>>
            %dma_start3A_364 = arith.constant 0 : i32
            %dma_start3A_365 = tpu.memref_slice %arg2[%dma_start3A_364, %mul3A_355] : memref<32x1000000xf32, #tpu.memory_space<hbm>> -> memref<32x128xf32, #tpu.memory_space<hbm>>
            tpu.enqueue_dma source(%dma_start3A_365 : memref<32x128xf32, #tpu.memory_space<hbm>>) target(%dma_start3A_363 : memref<32x128xf32, #tpu.memory_space<vmem>>) target_semaphore(%arg9 : memref<!tpu.dma_semaphore, #tpu.memory_space<semaphore_mem>>)
            %mul3A_366 = arith.constant 32 : i32
            %mul3A_367 = arith.muli %add3A_289, %mul3A_366 : i32
            %add3A_368 = arith.addi %add3A, %mul3A_367 : i32
            %mul3A_369 = arith.constant 6 : i32
            %mul3A_370 = arith.muli %add3A_368, %mul3A_369 : i32
            %add3A_371 = arith.constant 4 : i32
            %add3A_372 = arith.addi %mul3A_370, %add3A_371 : i32
            %mul3A_373 = arith.constant 128 : i32
            %mul3A_374 = arith.muli %add3A_372, %mul3A_373 : i32
            %dma_start3A_375 = arith.constant 0 : i32
            %dma_start3A_376 = arith.constant 512 : i32
            %dma_start3A_377 = tpu.memref_slice %arg5[%dma_start3A_375, %dma_start3A_376] : memref<32x770xf32, #tpu.memory_space<vmem>> -> memref<32x128xf32, #tpu.memory_space<vmem>>
            %dma_start3A_378 = arith.constant 0 : i32
            %dma_start3A_379 = tpu.memref_slice %arg2[%dma_start3A_378, %mul3A_374] : memref<32x1000000xf32, #tpu.memory_space<hbm>> -> memref<32x128xf32, #tpu.memory_space<hbm>>
            %dma_start3A_380 = arith.constant 0 : i32
            %dma_start3A_381 = arith.constant 512 : i32
            %dma_start3A_382 = tpu.memref_slice %arg5[%dma_start3A_380, %dma_start3A_381] : memref<32x770xf32, #tpu.memory_space<vmem>> -> memref<32x128xf32, #tpu.memory_space<vmem>>
            %dma_start3A_383 = arith.constant 0 : i32
            %dma_start3A_384 = tpu.memref_slice %arg2[%dma_start3A_383, %mul3A_374] : memref<32x1000000xf32, #tpu.memory_space<hbm>> -> memref<32x128xf32, #tpu.memory_space<hbm>>
            tpu.enqueue_dma source(%dma_start3A_384 : memref<32x128xf32, #tpu.memory_space<hbm>>) target(%dma_start3A_382 : memref<32x128xf32, #tpu.memory_space<vmem>>) target_semaphore(%arg9 : memref<!tpu.dma_semaphore, #tpu.memory_space<semaphore_mem>>)
            %mul3A_385 = arith.constant 32 : i32
            %mul3A_386 = arith.muli %add3A_289, %mul3A_385 : i32
            %add3A_387 = arith.addi %add3A, %mul3A_386 : i32
            %mul3A_388 = arith.constant 6 : i32
            %mul3A_389 = arith.muli %add3A_387, %mul3A_388 : i32
            %add3A_390 = arith.constant 5 : i32
            %add3A_391 = arith.addi %mul3A_389, %add3A_390 : i32
            %mul3A_392 = arith.constant 128 : i32
            %mul3A_393 = arith.muli %add3A_391, %mul3A_392 : i32
            %dma_start3A_394 = arith.constant 0 : i32
            %dma_start3A_395 = arith.constant 640 : i32
            %dma_start3A_396 = tpu.memref_slice %arg5[%dma_start3A_394, %dma_start3A_395] : memref<32x770xf32, #tpu.memory_space<vmem>> -> memref<32x128xf32, #tpu.memory_space<vmem>>
            %dma_start3A_397 = arith.constant 0 : i32
            %dma_start3A_398 = tpu.memref_slice %arg2[%dma_start3A_397, %mul3A_393] : memref<32x1000000xf32, #tpu.memory_space<hbm>> -> memref<32x128xf32, #tpu.memory_space<hbm>>
            %dma_start3A_399 = arith.constant 0 : i32
            %dma_start3A_400 = arith.constant 640 : i32
            %dma_start3A_401 = tpu.memref_slice %arg5[%dma_start3A_399, %dma_start3A_400] : memref<32x770xf32, #tpu.memory_space<vmem>> -> memref<32x128xf32, #tpu.memory_space<vmem>>
            %dma_start3A_402 = arith.constant 0 : i32
            %dma_start3A_403 = tpu.memref_slice %arg2[%dma_start3A_402, %mul3A_393] : memref<32x1000000xf32, #tpu.memory_space<hbm>> -> memref<32x128xf32, #tpu.memory_space<hbm>>
            tpu.enqueue_dma source(%dma_start3A_403 : memref<32x128xf32, #tpu.memory_space<hbm>>) target(%dma_start3A_401 : memref<32x128xf32, #tpu.memory_space<vmem>>) target_semaphore(%arg9 : memref<!tpu.dma_semaphore, #tpu.memory_space<semaphore_mem>>)
          } else {
          }
          %dma_wait3A = arith.constant 0 : i32
          %dma_wait3A_265 = arith.constant 0 : i32
          %dma_wait3A_266 = tpu.memref_slice %arg6[%dma_wait3A, %dma_wait3A_265] : memref<32x770xf32, #tpu.memory_space<vmem>> -> memref<32x768xf32, #tpu.memory_space<vmem>>
          %dma_wait3A_267 = arith.constant 0 : i32
          %dma_wait3A_268 = arith.constant 0 : i32
          %dma_wait3A_269 = tpu.memref_slice %arg2[%dma_wait3A_267, %dma_wait3A_268] : memref<32x1000000xf32, #tpu.memory_space<hbm>> -> memref<32x768xf32, #tpu.memory_space<hbm>>
          %dma_wait3A_270 = arith.constant 0 : i32
          %dma_wait3A_271 = arith.constant 0 : i32
          %dma_wait3A_272 = tpu.memref_slice %arg6[%dma_wait3A_270, %dma_wait3A_271] : memref<32x770xf32, #tpu.memory_space<vmem>> -> memref<32x768xf32, #tpu.memory_space<vmem>>
          %dma_wait3A_273 = arith.constant 0 : i32
          %dma_wait3A_274 = arith.constant 0 : i32
          %dma_wait3A_275 = tpu.memref_slice %arg2[%dma_wait3A_273, %dma_wait3A_274] : memref<32x1000000xf32, #tpu.memory_space<hbm>> -> memref<32x768xf32, #tpu.memory_space<hbm>>
          tpu.wait_dma2 semaphore(%arg10 : memref<!tpu.dma_semaphore, #tpu.memory_space<semaphore_mem>>) src(%dma_wait3A_275 : memref<32x768xf32, #tpu.memory_space<hbm>>) dst(%dma_wait3A_272 : memref<32x768xf32, #tpu.memory_space<vmem>>)
          %ge3A = arith.constant 2 : i32
          %ge3A_276 = arith.cmpi sge, %add3A_235, %ge3A : i32
          %convert_element_type3A_277 = arith.extui %ge3A_276 : i1 to i32
          %cond3A_278 = arith.constant 0 : i32
          %cond3A_279 = arith.cmpi ne, %convert_element_type3A_277, %cond3A_278 : i32
          scf.if %cond3A_279 {
            %dma_wait3A_288 = arith.constant 0 : i32
            %dma_wait3A_289 = tpu.memref_slice %arg4[%dma_wait3A_288] : memref<32002048xf32, #tpu.memory_space<hbm>> -> memref<24576xf32, #tpu.memory_space<hbm>>
            %dma_wait3A_290 = arith.constant 0 : i32
            %dma_wait3A_291 = tpu.memref_slice %arg4[%dma_wait3A_290] : memref<32002048xf32, #tpu.memory_space<hbm>> -> memref<24576xf32, #tpu.memory_space<hbm>>
            tpu.wait_dma2 semaphore(%arg12 : memref<!tpu.dma_semaphore, #tpu.memory_space<semaphore_mem>>) src(%arg8 : memref<24576xf32, #tpu.memory_space<vmem>>) dst(%dma_wait3A_291 : memref<24576xf32, #tpu.memory_space<hbm>>)
          } else {
          }
          %parallel_loop3A = arith.constant 0 : i32
          %parallel_loop3A_280 = arith.constant 768 : i32
          %parallel_loop3A_281 = arith.constant 16 : i32
          scf.for %parallel_loop3A_288 = %parallel_loop3A to %parallel_loop3A_280 step %parallel_loop3A_281  : i32 {
            %parallel_loop3A_289 = vector.broadcast %parallel_loop3A_288 : i32 to vector<16xi32>
            %parallel_loop3A_290 = arith.addi %iota3A_1, %parallel_loop3A_289 : vector<16xi32>
            %parallel_loop3A_291 = arith.constant 32 : i32
            %parallel_loop3A_292 = vector.broadcast %parallel_loop3A_291 : i32 to vector<16xi32>
            %parallel_loop3A_293 = arith.muli %parallel_loop3A_290, %parallel_loop3A_292 : vector<16xi32>
            %parallel_loop3A_294 = tpu.vector_load_idx %arg6[%and3A_6, %parallel_loop3A_290] : memref<32x770xf32, #tpu.memory_space<vmem>>[vector<16xi32>, vector<16xi32>], vector<16xf32>,
            %parallel_loop3A_295 = arith.addi %parallel_loop3A_293, %and3A_6 : vector<16xi32>
            tpu.vector_store_idx %arg8[%parallel_loop3A_295], %parallel_loop3A_294 : memref<24576xf32, #tpu.memory_space<vmem>>[vector<16xi32>], vector<16xf32>,
            %parallel_loop3A_296 = tpu.vector_load_idx %arg6[%and3A_12, %parallel_loop3A_290] : memref<32x770xf32, #tpu.memory_space<vmem>>[vector<16xi32>, vector<16xi32>], vector<16xf32>,
            %parallel_loop3A_297 = arith.addi %parallel_loop3A_293, %and3A_12 : vector<16xi32>
            tpu.vector_store_idx %arg8[%parallel_loop3A_297], %parallel_loop3A_296 : memref<24576xf32, #tpu.memory_space<vmem>>[vector<16xi32>], vector<16xf32>,
            %parallel_loop3A_298 = tpu.vector_load_idx %arg6[%and3A_18, %parallel_loop3A_290] : memref<32x770xf32, #tpu.memory_space<vmem>>[vector<16xi32>, vector<16xi32>], vector<16xf32>,
            %parallel_loop3A_299 = arith.addi %parallel_loop3A_293, %and3A_18 : vector<16xi32>
            tpu.vector_store_idx %arg8[%parallel_loop3A_299], %parallel_loop3A_298 : memref<24576xf32, #tpu.memory_space<vmem>>[vector<16xi32>], vector<16xf32>,
            %parallel_loop3A_300 = tpu.vector_load_idx %arg6[%and3A_24, %parallel_loop3A_290] : memref<32x770xf32, #tpu.memory_space<vmem>>[vector<16xi32>, vector<16xi32>], vector<16xf32>,
            %parallel_loop3A_301 = arith.addi %parallel_loop3A_293, %and3A_24 : vector<16xi32>
            tpu.vector_store_idx %arg8[%parallel_loop3A_301], %parallel_loop3A_300 : memref<24576xf32, #tpu.memory_space<vmem>>[vector<16xi32>], vector<16xf32>,
            %parallel_loop3A_302 = tpu.vector_load_idx %arg6[%and3A_30, %parallel_loop3A_290] : memref<32x770xf32, #tpu.memory_space<vmem>>[vector<16xi32>, vector<16xi32>], vector<16xf32>,
            %parallel_loop3A_303 = arith.addi %parallel_loop3A_293, %and3A_30 : vector<16xi32>
            tpu.vector_store_idx %arg8[%parallel_loop3A_303], %parallel_loop3A_302 : memref<24576xf32, #tpu.memory_space<vmem>>[vector<16xi32>], vector<16xf32>,
            %parallel_loop3A_304 = tpu.vector_load_idx %arg6[%and3A_36, %parallel_loop3A_290] : memref<32x770xf32, #tpu.memory_space<vmem>>[vector<16xi32>, vector<16xi32>], vector<16xf32>,
            %parallel_loop3A_305 = arith.addi %parallel_loop3A_293, %and3A_36 : vector<16xi32>
            tpu.vector_store_idx %arg8[%parallel_loop3A_305], %parallel_loop3A_304 : memref<24576xf32, #tpu.memory_space<vmem>>[vector<16xi32>], vector<16xf32>,
            %parallel_loop3A_306 = tpu.vector_load_idx %arg6[%and3A_42, %parallel_loop3A_290] : memref<32x770xf32, #tpu.memory_space<vmem>>[vector<16xi32>, vector<16xi32>], vector<16xf32>,
            %parallel_loop3A_307 = arith.addi %parallel_loop3A_293, %and3A_42 : vector<16xi32>
            tpu.vector_store_idx %arg8[%parallel_loop3A_307], %parallel_loop3A_306 : memref<24576xf32, #tpu.memory_space<vmem>>[vector<16xi32>], vector<16xf32>,
            %parallel_loop3A_308 = tpu.vector_load_idx %arg6[%and3A_48, %parallel_loop3A_290] : memref<32x770xf32, #tpu.memory_space<vmem>>[vector<16xi32>, vector<16xi32>], vector<16xf32>,
            %parallel_loop3A_309 = arith.addi %parallel_loop3A_293, %and3A_48 : vector<16xi32>
            tpu.vector_store_idx %arg8[%parallel_loop3A_309], %parallel_loop3A_308 : memref<24576xf32, #tpu.memory_space<vmem>>[vector<16xi32>], vector<16xf32>,
            %parallel_loop3A_310 = tpu.vector_load_idx %arg6[%and3A_54, %parallel_loop3A_290] : memref<32x770xf32, #tpu.memory_space<vmem>>[vector<16xi32>, vector<16xi32>], vector<16xf32>,
            %parallel_loop3A_311 = arith.addi %parallel_loop3A_293, %and3A_54 : vector<16xi32>
            tpu.vector_store_idx %arg8[%parallel_loop3A_311], %parallel_loop3A_310 : memref<24576xf32, #tpu.memory_space<vmem>>[vector<16xi32>], vector<16xf32>,
            %parallel_loop3A_312 = tpu.vector_load_idx %arg6[%and3A_60, %parallel_loop3A_290] : memref<32x770xf32, #tpu.memory_space<vmem>>[vector<16xi32>, vector<16xi32>], vector<16xf32>,
            %parallel_loop3A_313 = arith.addi %parallel_loop3A_293, %and3A_60 : vector<16xi32>
            tpu.vector_store_idx %arg8[%parallel_loop3A_313], %parallel_loop3A_312 : memref<24576xf32, #tpu.memory_space<vmem>>[vector<16xi32>], vector<16xf32>,
            %parallel_loop3A_314 = tpu.vector_load_idx %arg6[%and3A_66, %parallel_loop3A_290] : memref<32x770xf32, #tpu.memory_space<vmem>>[vector<16xi32>, vector<16xi32>], vector<16xf32>,
            %parallel_loop3A_315 = arith.addi %parallel_loop3A_293, %and3A_66 : vector<16xi32>
            tpu.vector_store_idx %arg8[%parallel_loop3A_315], %parallel_loop3A_314 : memref<24576xf32, #tpu.memory_space<vmem>>[vector<16xi32>], vector<16xf32>,
            %parallel_loop3A_316 = tpu.vector_load_idx %arg6[%and3A_72, %parallel_loop3A_290] : memref<32x770xf32, #tpu.memory_space<vmem>>[vector<16xi32>, vector<16xi32>], vector<16xf32>,
            %parallel_loop3A_317 = arith.addi %parallel_loop3A_293, %and3A_72 : vector<16xi32>
            tpu.vector_store_idx %arg8[%parallel_loop3A_317], %parallel_loop3A_316 : memref<24576xf32, #tpu.memory_space<vmem>>[vector<16xi32>], vector<16xf32>,
            %parallel_loop3A_318 = tpu.vector_load_idx %arg6[%and3A_78, %parallel_loop3A_290] : memref<32x770xf32, #tpu.memory_space<vmem>>[vector<16xi32>, vector<16xi32>], vector<16xf32>,
            %parallel_loop3A_319 = arith.addi %parallel_loop3A_293, %and3A_78 : vector<16xi32>
            tpu.vector_store_idx %arg8[%parallel_loop3A_319], %parallel_loop3A_318 : memref<24576xf32, #tpu.memory_space<vmem>>[vector<16xi32>], vector<16xf32>,
            %parallel_loop3A_320 = tpu.vector_load_idx %arg6[%and3A_84, %parallel_loop3A_290] : memref<32x770xf32, #tpu.memory_space<vmem>>[vector<16xi32>, vector<16xi32>], vector<16xf32>,
            %parallel_loop3A_321 = arith.addi %parallel_loop3A_293, %and3A_84 : vector<16xi32>
            tpu.vector_store_idx %arg8[%parallel_loop3A_321], %parallel_loop3A_320 : memref<24576xf32, #tpu.memory_space<vmem>>[vector<16xi32>], vector<16xf32>,
            %parallel_loop3A_322 = tpu.vector_load_idx %arg6[%and3A_90, %parallel_loop3A_290] : memref<32x770xf32, #tpu.memory_space<vmem>>[vector<16xi32>, vector<16xi32>], vector<16xf32>,
            %parallel_loop3A_323 = arith.addi %parallel_loop3A_293, %and3A_90 : vector<16xi32>
            tpu.vector_store_idx %arg8[%parallel_loop3A_323], %parallel_loop3A_322 : memref<24576xf32, #tpu.memory_space<vmem>>[vector<16xi32>], vector<16xf32>,
            %parallel_loop3A_324 = tpu.vector_load_idx %arg6[%and3A_96, %parallel_loop3A_290] : memref<32x770xf32, #tpu.memory_space<vmem>>[vector<16xi32>, vector<16xi32>], vector<16xf32>,
            %parallel_loop3A_325 = arith.addi %parallel_loop3A_293, %and3A_96 : vector<16xi32>
            tpu.vector_store_idx %arg8[%parallel_loop3A_325], %parallel_loop3A_324 : memref<24576xf32, #tpu.memory_space<vmem>>[vector<16xi32>], vector<16xf32>,
            %parallel_loop3A_326 = tpu.vector_load_idx %arg6[%and3A_102, %parallel_loop3A_290] : memref<32x770xf32, #tpu.memory_space<vmem>>[vector<16xi32>, vector<16xi32>], vector<16xf32>,
            %parallel_loop3A_327 = arith.addi %parallel_loop3A_293, %and3A_102 : vector<16xi32>
            tpu.vector_store_idx %arg8[%parallel_loop3A_327], %parallel_loop3A_326 : memref<24576xf32, #tpu.memory_space<vmem>>[vector<16xi32>], vector<16xf32>,
            %parallel_loop3A_328 = tpu.vector_load_idx %arg6[%and3A_108, %parallel_loop3A_290] : memref<32x770xf32, #tpu.memory_space<vmem>>[vector<16xi32>, vector<16xi32>], vector<16xf32>,
            %parallel_loop3A_329 = arith.addi %parallel_loop3A_293, %and3A_108 : vector<16xi32>
            tpu.vector_store_idx %arg8[%parallel_loop3A_329], %parallel_loop3A_328 : memref<24576xf32, #tpu.memory_space<vmem>>[vector<16xi32>], vector<16xf32>,
            %parallel_loop3A_330 = tpu.vector_load_idx %arg6[%and3A_114, %parallel_loop3A_290] : memref<32x770xf32, #tpu.memory_space<vmem>>[vector<16xi32>, vector<16xi32>], vector<16xf32>,
            %parallel_loop3A_331 = arith.addi %parallel_loop3A_293, %and3A_114 : vector<16xi32>
            tpu.vector_store_idx %arg8[%parallel_loop3A_331], %parallel_loop3A_330 : memref<24576xf32, #tpu.memory_space<vmem>>[vector<16xi32>], vector<16xf32>,
            %parallel_loop3A_332 = tpu.vector_load_idx %arg6[%and3A_120, %parallel_loop3A_290] : memref<32x770xf32, #tpu.memory_space<vmem>>[vector<16xi32>, vector<16xi32>], vector<16xf32>,
            %parallel_loop3A_333 = arith.addi %parallel_loop3A_293, %and3A_120 : vector<16xi32>
            tpu.vector_store_idx %arg8[%parallel_loop3A_333], %parallel_loop3A_332 : memref<24576xf32, #tpu.memory_space<vmem>>[vector<16xi32>], vector<16xf32>,
            %parallel_loop3A_334 = tpu.vector_load_idx %arg6[%and3A_126, %parallel_loop3A_290] : memref<32x770xf32, #tpu.memory_space<vmem>>[vector<16xi32>, vector<16xi32>], vector<16xf32>,
            %parallel_loop3A_335 = arith.addi %parallel_loop3A_293, %and3A_126 : vector<16xi32>
            tpu.vector_store_idx %arg8[%parallel_loop3A_335], %parallel_loop3A_334 : memref<24576xf32, #tpu.memory_space<vmem>>[vector<16xi32>], vector<16xf32>,
            %parallel_loop3A_336 = tpu.vector_load_idx %arg6[%and3A_132, %parallel_loop3A_290] : memref<32x770xf32, #tpu.memory_space<vmem>>[vector<16xi32>, vector<16xi32>], vector<16xf32>,
            %parallel_loop3A_337 = arith.addi %parallel_loop3A_293, %and3A_132 : vector<16xi32>
            tpu.vector_store_idx %arg8[%parallel_loop3A_337], %parallel_loop3A_336 : memref<24576xf32, #tpu.memory_space<vmem>>[vector<16xi32>], vector<16xf32>,
            %parallel_loop3A_338 = tpu.vector_load_idx %arg6[%and3A_138, %parallel_loop3A_290] : memref<32x770xf32, #tpu.memory_space<vmem>>[vector<16xi32>, vector<16xi32>], vector<16xf32>,
            %parallel_loop3A_339 = arith.addi %parallel_loop3A_293, %and3A_138 : vector<16xi32>
            tpu.vector_store_idx %arg8[%parallel_loop3A_339], %parallel_loop3A_338 : memref<24576xf32, #tpu.memory_space<vmem>>[vector<16xi32>], vector<16xf32>,
            %parallel_loop3A_340 = tpu.vector_load_idx %arg6[%and3A_144, %parallel_loop3A_290] : memref<32x770xf32, #tpu.memory_space<vmem>>[vector<16xi32>, vector<16xi32>], vector<16xf32>,
            %parallel_loop3A_341 = arith.addi %parallel_loop3A_293, %and3A_144 : vector<16xi32>
            tpu.vector_store_idx %arg8[%parallel_loop3A_341], %parallel_loop3A_340 : memref<24576xf32, #tpu.memory_space<vmem>>[vector<16xi32>], vector<16xf32>,
            %parallel_loop3A_342 = tpu.vector_load_idx %arg6[%and3A_150, %parallel_loop3A_290] : memref<32x770xf32, #tpu.memory_space<vmem>>[vector<16xi32>, vector<16xi32>], vector<16xf32>,
            %parallel_loop3A_343 = arith.addi %parallel_loop3A_293, %and3A_150 : vector<16xi32>
            tpu.vector_store_idx %arg8[%parallel_loop3A_343], %parallel_loop3A_342 : memref<24576xf32, #tpu.memory_space<vmem>>[vector<16xi32>], vector<16xf32>,
            %parallel_loop3A_344 = tpu.vector_load_idx %arg6[%and3A_156, %parallel_loop3A_290] : memref<32x770xf32, #tpu.memory_space<vmem>>[vector<16xi32>, vector<16xi32>], vector<16xf32>,
            %parallel_loop3A_345 = arith.addi %parallel_loop3A_293, %and3A_156 : vector<16xi32>
            tpu.vector_store_idx %arg8[%parallel_loop3A_345], %parallel_loop3A_344 : memref<24576xf32, #tpu.memory_space<vmem>>[vector<16xi32>], vector<16xf32>,
            %parallel_loop3A_346 = tpu.vector_load_idx %arg6[%and3A_162, %parallel_loop3A_290] : memref<32x770xf32, #tpu.memory_space<vmem>>[vector<16xi32>, vector<16xi32>], vector<16xf32>,
            %parallel_loop3A_347 = arith.addi %parallel_loop3A_293, %and3A_162 : vector<16xi32>
            tpu.vector_store_idx %arg8[%parallel_loop3A_347], %parallel_loop3A_346 : memref<24576xf32, #tpu.memory_space<vmem>>[vector<16xi32>], vector<16xf32>,
            %parallel_loop3A_348 = tpu.vector_load_idx %arg6[%and3A_168, %parallel_loop3A_290] : memref<32x770xf32, #tpu.memory_space<vmem>>[vector<16xi32>, vector<16xi32>], vector<16xf32>,
            %parallel_loop3A_349 = arith.addi %parallel_loop3A_293, %and3A_168 : vector<16xi32>
            tpu.vector_store_idx %arg8[%parallel_loop3A_349], %parallel_loop3A_348 : memref<24576xf32, #tpu.memory_space<vmem>>[vector<16xi32>], vector<16xf32>,
            %parallel_loop3A_350 = tpu.vector_load_idx %arg6[%and3A_174, %parallel_loop3A_290] : memref<32x770xf32, #tpu.memory_space<vmem>>[vector<16xi32>, vector<16xi32>], vector<16xf32>,
            %parallel_loop3A_351 = arith.addi %parallel_loop3A_293, %and3A_174 : vector<16xi32>
            tpu.vector_store_idx %arg8[%parallel_loop3A_351], %parallel_loop3A_350 : memref<24576xf32, #tpu.memory_space<vmem>>[vector<16xi32>], vector<16xf32>,
            %parallel_loop3A_352 = tpu.vector_load_idx %arg6[%and3A_180, %parallel_loop3A_290] : memref<32x770xf32, #tpu.memory_space<vmem>>[vector<16xi32>, vector<16xi32>], vector<16xf32>,
            %parallel_loop3A_353 = arith.addi %parallel_loop3A_293, %and3A_180 : vector<16xi32>
            tpu.vector_store_idx %arg8[%parallel_loop3A_353], %parallel_loop3A_352 : memref<24576xf32, #tpu.memory_space<vmem>>[vector<16xi32>], vector<16xf32>,
            %parallel_loop3A_354 = tpu.vector_load_idx %arg6[%and3A_186, %parallel_loop3A_290] : memref<32x770xf32, #tpu.memory_space<vmem>>[vector<16xi32>, vector<16xi32>], vector<16xf32>,
            %parallel_loop3A_355 = arith.addi %parallel_loop3A_293, %and3A_186 : vector<16xi32>
            tpu.vector_store_idx %arg8[%parallel_loop3A_355], %parallel_loop3A_354 : memref<24576xf32, #tpu.memory_space<vmem>>[vector<16xi32>], vector<16xf32>,
            %parallel_loop3A_356 = tpu.vector_load_idx %arg6[%and3A_192, %parallel_loop3A_290] : memref<32x770xf32, #tpu.memory_space<vmem>>[vector<16xi32>, vector<16xi32>], vector<16xf32>,
            %parallel_loop3A_357 = arith.addi %parallel_loop3A_293, %and3A_192 : vector<16xi32>
            tpu.vector_store_idx %arg8[%parallel_loop3A_357], %parallel_loop3A_356 : memref<24576xf32, #tpu.memory_space<vmem>>[vector<16xi32>], vector<16xf32>,
          } {sc.loop_unroll_factor = 2 : i64, sc.parallel_access}
          %mul3A_282 = arith.constant 32 : i32
          %mul3A_283 = arith.muli %add3A_235, %mul3A_282 : i32
          %add3A_284 = arith.addi %add3A, %mul3A_283 : i32
          %mul3A_285 = arith.constant 24576 : i32
          %mul3A_286 = arith.muli %add3A_284, %mul3A_285 : i32
          %dma_start3A = tpu.memref_slice %arg4[%mul3A_286] : memref<32002048xf32, #tpu.memory_space<hbm>> -> memref<24576xf32, #tpu.memory_space<hbm>>
          %dma_start3A_287 = tpu.memref_slice %arg4[%mul3A_286] : memref<32002048xf32, #tpu.memory_space<hbm>> -> memref<24576xf32, #tpu.memory_space<hbm>>
          tpu.enqueue_dma source(%arg8 : memref<24576xf32, #tpu.memory_space<vmem>>) target(%dma_start3A_287 : memref<24576xf32, #tpu.memory_space<hbm>>) target_semaphore(%arg12 : memref<!tpu.dma_semaphore, #tpu.memory_space<semaphore_mem>>)
        } else {
        }
      } else {
      }
      %scan3A_241 = arith.constant 0 : i32
      scf.yield %scan3A_241 : i32
    }
    %scan3A_202 = arith.constant 21 : i32
    %add3A_203 = arith.constant 0 : i32
    %add3A_204 = arith.addi %add3A, %add3A_203 : i32
    %lt3A_205 = arith.constant 1302 : i32
    %lt3A_206 = arith.cmpi slt, %add3A_204, %lt3A_205 : i32
    %convert_element_type3A_207 = arith.extui %lt3A_206 : i1 to i32
    %cond3A_208 = arith.constant 0 : i32
    %cond3A_209 = arith.cmpi ne, %convert_element_type3A_207, %cond3A_208 : i32
    scf.if %cond3A_209 {
      %dma_wait3A = arith.constant 0 : i32
      %dma_wait3A_221 = tpu.memref_slice %arg4[%dma_wait3A] : memref<32002048xf32, #tpu.memory_space<hbm>> -> memref<24576xf32, #tpu.memory_space<hbm>>
      %dma_wait3A_222 = arith.constant 0 : i32
      %dma_wait3A_223 = tpu.memref_slice %arg4[%dma_wait3A_222] : memref<32002048xf32, #tpu.memory_space<hbm>> -> memref<24576xf32, #tpu.memory_space<hbm>>
      tpu.wait_dma2 semaphore(%arg11 : memref<!tpu.dma_semaphore, #tpu.memory_space<semaphore_mem>>) src(%arg7 : memref<24576xf32, #tpu.memory_space<vmem>>) dst(%dma_wait3A_223 : memref<24576xf32, #tpu.memory_space<hbm>>)
    } else {
    }
    %add3A_210 = arith.constant 32 : i32
    %add3A_211 = arith.addi %add3A, %add3A_210 : i32
    %lt3A_212 = arith.constant 1302 : i32
    %lt3A_213 = arith.cmpi slt, %add3A_211, %lt3A_212 : i32
    %convert_element_type3A_214 = arith.extui %lt3A_213 : i1 to i32
    %cond3A_215 = arith.constant 0 : i32
    %cond3A_216 = arith.cmpi ne, %convert_element_type3A_214, %cond3A_215 : i32
    scf.if %cond3A_216 {
      %dma_wait3A = arith.constant 0 : i32
      %dma_wait3A_221 = tpu.memref_slice %arg4[%dma_wait3A] : memref<32002048xf32, #tpu.memory_space<hbm>> -> memref<24576xf32, #tpu.memory_space<hbm>>
      %dma_wait3A_222 = arith.constant 0 : i32
      %dma_wait3A_223 = tpu.memref_slice %arg4[%dma_wait3A_222] : memref<32002048xf32, #tpu.memory_space<hbm>> -> memref<24576xf32, #tpu.memory_space<hbm>>
      tpu.wait_dma2 semaphore(%arg12 : memref<!tpu.dma_semaphore, #tpu.memory_space<semaphore_mem>>) src(%arg8 : memref<24576xf32, #tpu.memory_space<vmem>>) dst(%dma_wait3A_223 : memref<24576xf32, #tpu.memory_space<hbm>>)
    } else {
    }
    %eq3A = arith.constant 0 : i32
    %eq3A_217 = arith.cmpi eq, %add3A, %eq3A : i32
    %convert_element_type3A_218 = arith.extui %eq3A_217 : i1 to i32
    %cond3A_219 = arith.constant 0 : i32
    %cond3A_220 = arith.cmpi ne, %convert_element_type3A_218, %cond3A_219 : i32
    scf.if %cond3A_220 {
      "tpu.region"() ({
        %run_scoped3A = tpu.sem_alloc : memref<!tpu.dma_semaphore, #tpu.memory_space<semaphore_mem>>
        %dma_start3A = arith.constant 31997952 : i32
        %dma_start3A_221 = tpu.memref_slice %arg4[%dma_start3A] : memref<32002048xf32, #tpu.memory_space<hbm>> -> memref<2048xf32, #tpu.memory_space<hbm>>
        tpu.enqueue_dma source(%arg3 : memref<2048xf32, #tpu.memory_space<hbm>>) target(%dma_start3A_221 : memref<2048xf32, #tpu.memory_space<hbm>>) target_semaphore(%run_scoped3A : memref<!tpu.dma_semaphore, #tpu.memory_space<semaphore_mem>>)
        %dma_wait3A = arith.constant 31997952 : i32
        %dma_wait3A_222 = tpu.memref_slice %arg4[%dma_wait3A] : memref<32002048xf32, #tpu.memory_space<hbm>> -> memref<2048xf32, #tpu.memory_space<hbm>>
        tpu.wait_dma2 semaphore(%run_scoped3A : memref<!tpu.dma_semaphore, #tpu.memory_space<semaphore_mem>>) src(%arg3 : memref<2048xf32, #tpu.memory_space<hbm>>) dst(%dma_wait3A_222 : memref<2048xf32, #tpu.memory_space<hbm>>)
        tpu.yield
      }) : () -> ()
    } else {
    }
    return
  }
}

#map = affine_map<(d0, d1) -> (0)>
#map1 = affine_map<(d0, d1) -> (0, 0)>
module attributes {stable_mosaic.version = 14 : i64} {
  func.func @gather_kernel(%arg0: i32, %arg1: i32, %arg2: memref<425984xi32, #tpu.memory_space<hbm>>, %arg3: memref<1000064x32xf32, #tpu.memory_space<hbm>>, %arg4: memref<425984x32xf32, #tpu.memory_space<hbm>>, %arg5: memref<13312xi32, #tpu.memory_space<vmem>>, %arg6: memref<1024x32xf32, #tpu.memory_space<vmem>>, %arg7: memref<1024x32xf32, #tpu.memory_space<vmem>>, %arg8: memref<1024x32xf32, #tpu.memory_space<vmem>>, %arg9: memref<!tpu.dma_semaphore, #tpu.memory_space<semaphore_mem>>, %arg10: memref<!tpu.dma_semaphore, #tpu.memory_space<semaphore_mem>>, %arg11: memref<!tpu.dma_semaphore, #tpu.memory_space<semaphore_mem>>, %arg12: memref<!tpu.dma_semaphore, #tpu.memory_space<semaphore_mem>>, %arg13: memref<!tpu.dma_semaphore, #tpu.memory_space<semaphore_mem>>, %arg14: memref<!tpu.dma_semaphore, #tpu.memory_space<semaphore_mem>>) attributes {dimension_semantics = [#tpu.dimension_semantics<core_parallel>, #tpu.dimension_semantics<subcore_parallel>], iteration_bounds = array<i64: 2, 16>, scalar_prefetch = 0 : i64, scratch_operands = 10 : i64, tpu.core_type = #tpu.core_type<sc_vector_subcore>, window_params = [{transform_indices = #map}, {transform_indices = #map1}, {transform_indices = #map1}]} {
    %mul3A = arith.constant 2 : i32
    %mul3A_0 = arith.muli %arg1, %mul3A : i32
    %add3A = arith.addi %mul3A_0, %arg0 : i32
    %mul3A_1 = arith.constant 13312 : i32
    %mul3A_2 = arith.muli %add3A, %mul3A_1 : i32
    "tpu.region"() ({
      %run_scoped3A = tpu.sem_alloc : memref<!tpu.dma_semaphore, #tpu.memory_space<semaphore_mem>>
      %dma_start3A_261 = tpu.memref_slice %arg2[%mul3A_2] : memref<425984xi32, #tpu.memory_space<hbm>> -> memref<13312xi32, #tpu.memory_space<hbm>>
      %dma_start3A_262 = tpu.memref_slice %arg2[%mul3A_2] : memref<425984xi32, #tpu.memory_space<hbm>> -> memref<13312xi32, #tpu.memory_space<hbm>>
      tpu.enqueue_dma source(%dma_start3A_262 : memref<13312xi32, #tpu.memory_space<hbm>>) target(%arg5 : memref<13312xi32, #tpu.memory_space<vmem>>) target_semaphore(%run_scoped3A : memref<!tpu.dma_semaphore, #tpu.memory_space<semaphore_mem>>)
      %dma_wait3A_263 = tpu.memref_slice %arg2[%mul3A_2] : memref<425984xi32, #tpu.memory_space<hbm>> -> memref<13312xi32, #tpu.memory_space<hbm>>
      %dma_wait3A_264 = tpu.memref_slice %arg2[%mul3A_2] : memref<425984xi32, #tpu.memory_space<hbm>> -> memref<13312xi32, #tpu.memory_space<hbm>>
      tpu.wait_dma2 semaphore(%run_scoped3A : memref<!tpu.dma_semaphore, #tpu.memory_space<semaphore_mem>>) src(%dma_wait3A_264 : memref<13312xi32, #tpu.memory_space<hbm>>) dst(%arg5 : memref<13312xi32, #tpu.memory_space<vmem>>)
      tpu.yield
    }) : () -> ()
    %dma_start3A = arith.constant 0 : i32
    %dma_start3A_3 = tpu.memref_slice %arg5[%dma_start3A] : memref<13312xi32, #tpu.memory_space<vmem>> -> memref<1024xi32, #tpu.memory_space<vmem>>
    %dma_start3A_4 = arith.constant 0 : i32
    %dma_start3A_5 = arith.constant 0 : i32
    %dma_start3A_6 = tpu.memref_slice %arg3[%dma_start3A_4, %dma_start3A_5] : memref<1000064x32xf32, #tpu.memory_space<hbm>> -> memref<1000064x32xf32, #tpu.memory_space<hbm>>
    tpu.enqueue_indirect_dma source(%dma_start3A_6 : memref<1000064x32xf32, #tpu.memory_space<hbm>>) target(%arg6 : memref<1024x32xf32, #tpu.memory_space<vmem>>) offsets(%dma_start3A_3 : memref<1024xi32, #tpu.memory_space<vmem>>) semaphore(%arg9 : memref<!tpu.dma_semaphore, #tpu.memory_space<semaphore_mem>>)
    %dma_start3A_7 = arith.constant 1024 : i32
    %dma_start3A_8 = tpu.memref_slice %arg5[%dma_start3A_7] : memref<13312xi32, #tpu.memory_space<vmem>> -> memref<1024xi32, #tpu.memory_space<vmem>>
    %dma_start3A_9 = arith.constant 0 : i32
    %dma_start3A_10 = arith.constant 0 : i32
    %dma_start3A_11 = tpu.memref_slice %arg3[%dma_start3A_9, %dma_start3A_10] : memref<1000064x32xf32, #tpu.memory_space<hbm>> -> memref<1000064x32xf32, #tpu.memory_space<hbm>>
    tpu.enqueue_indirect_dma source(%dma_start3A_11 : memref<1000064x32xf32, #tpu.memory_space<hbm>>) target(%arg7 : memref<1024x32xf32, #tpu.memory_space<vmem>>) offsets(%dma_start3A_8 : memref<1024xi32, #tpu.memory_space<vmem>>) semaphore(%arg10 : memref<!tpu.dma_semaphore, #tpu.memory_space<semaphore_mem>>)
    %dma_start3A_12 = arith.constant 2048 : i32
    %dma_start3A_13 = tpu.memref_slice %arg5[%dma_start3A_12] : memref<13312xi32, #tpu.memory_space<vmem>> -> memref<1024xi32, #tpu.memory_space<vmem>>
    %dma_start3A_14 = arith.constant 0 : i32
    %dma_start3A_15 = arith.constant 0 : i32
    %dma_start3A_16 = tpu.memref_slice %arg3[%dma_start3A_14, %dma_start3A_15] : memref<1000064x32xf32, #tpu.memory_space<hbm>> -> memref<1000064x32xf32, #tpu.memory_space<hbm>>
    tpu.enqueue_indirect_dma source(%dma_start3A_16 : memref<1000064x32xf32, #tpu.memory_space<hbm>>) target(%arg8 : memref<1024x32xf32, #tpu.memory_space<vmem>>) offsets(%dma_start3A_13 : memref<1024xi32, #tpu.memory_space<vmem>>) semaphore(%arg11 : memref<!tpu.dma_semaphore, #tpu.memory_space<semaphore_mem>>)
    %dma_wait3A = arith.constant 0 : i32
    %dma_wait3A_17 = tpu.memref_slice %arg5[%dma_wait3A] : memref<13312xi32, #tpu.memory_space<vmem>> -> memref<1024xi32, #tpu.memory_space<vmem>>
    %dma_wait3A_18 = arith.constant 0 : i32
    %dma_wait3A_19 = arith.constant 0 : i32
    %dma_wait3A_20 = tpu.memref_slice %arg3[%dma_wait3A_18, %dma_wait3A_19] : memref<1000064x32xf32, #tpu.memory_space<hbm>> -> memref<1000064x32xf32, #tpu.memory_space<hbm>>
    tpu.wait_indirect_dma semaphore(%arg9 : memref<!tpu.dma_semaphore, #tpu.memory_space<semaphore_mem>>) src(%dma_wait3A_20 : memref<1000064x32xf32, #tpu.memory_space<hbm>>) dst(%arg6 : memref<1024x32xf32, #tpu.memory_space<vmem>>)
    %add3A_21 = arith.constant 0 : i32
    %add3A_22 = arith.addi %mul3A_2, %add3A_21 : i32
    %dma_start3A_23 = arith.constant 0 : i32
    %dma_start3A_24 = tpu.memref_slice %arg4[%add3A_22, %dma_start3A_23] : memref<425984x32xf32, #tpu.memory_space<hbm>> -> memref<1024x32xf32, #tpu.memory_space<hbm>>
    %dma_start3A_25 = arith.constant 0 : i32
    %dma_start3A_26 = tpu.memref_slice %arg4[%add3A_22, %dma_start3A_25] : memref<425984x32xf32, #tpu.memory_space<hbm>> -> memref<1024x32xf32, #tpu.memory_space<hbm>>
    tpu.enqueue_dma source(%arg6 : memref<1024x32xf32, #tpu.memory_space<vmem>>) target(%dma_start3A_26 : memref<1024x32xf32, #tpu.memory_space<hbm>>) target_semaphore(%arg12 : memref<!tpu.dma_semaphore, #tpu.memory_space<semaphore_mem>>)
    %dma_wait3A_27 = arith.constant 0 : i32
    %dma_wait3A_28 = tpu.memref_slice %arg4[%add3A_22, %dma_wait3A_27] : memref<425984x32xf32, #tpu.memory_space<hbm>> -> memref<1024x32xf32, #tpu.memory_space<hbm>>
    %dma_wait3A_29 = arith.constant 0 : i32
    %dma_wait3A_30 = tpu.memref_slice %arg4[%add3A_22, %dma_wait3A_29] : memref<425984x32xf32, #tpu.memory_space<hbm>> -> memref<1024x32xf32, #tpu.memory_space<hbm>>
    tpu.wait_dma2 semaphore(%arg12 : memref<!tpu.dma_semaphore, #tpu.memory_space<semaphore_mem>>) src(%arg6 : memref<1024x32xf32, #tpu.memory_space<vmem>>) dst(%dma_wait3A_30 : memref<1024x32xf32, #tpu.memory_space<hbm>>)
    %dma_start3A_31 = arith.constant 3072 : i32
    %dma_start3A_32 = tpu.memref_slice %arg5[%dma_start3A_31] : memref<13312xi32, #tpu.memory_space<vmem>> -> memref<1024xi32, #tpu.memory_space<vmem>>
    %dma_start3A_33 = arith.constant 0 : i32
    %dma_start3A_34 = arith.constant 0 : i32
    %dma_start3A_35 = tpu.memref_slice %arg3[%dma_start3A_33, %dma_start3A_34] : memref<1000064x32xf32, #tpu.memory_space<hbm>> -> memref<1000064x32xf32, #tpu.memory_space<hbm>>
    tpu.enqueue_indirect_dma source(%dma_start3A_35 : memref<1000064x32xf32, #tpu.memory_space<hbm>>) target(%arg6 : memref<1024x32xf32, #tpu.memory_space<vmem>>) offsets(%dma_start3A_32 : memref<1024xi32, #tpu.memory_space<vmem>>) semaphore(%arg9 : memref<!tpu.dma_semaphore, #tpu.memory_space<semaphore_mem>>)
    %dma_wait3A_36 = arith.constant 1024 : i32
    %dma_wait3A_37 = tpu.memref_slice %arg5[%dma_wait3A_36] : memref<13312xi32, #tpu.memory_space<vmem>> -> memref<1024xi32, #tpu.memory_space<vmem>>
    %dma_wait3A_38 = arith.constant 0 : i32
    %dma_wait3A_39 = arith.constant 0 : i32
    %dma_wait3A_40 = tpu.memref_slice %arg3[%dma_wait3A_38, %dma_wait3A_39] : memref<1000064x32xf32, #tpu.memory_space<hbm>> -> memref<1000064x32xf32, #tpu.memory_space<hbm>>
    tpu.wait_indirect_dma semaphore(%arg10 : memref<!tpu.dma_semaphore, #tpu.memory_space<semaphore_mem>>) src(%dma_wait3A_40 : memref<1000064x32xf32, #tpu.memory_space<hbm>>) dst(%arg7 : memref<1024x32xf32, #tpu.memory_space<vmem>>)
    %add3A_41 = arith.constant 1024 : i32
    %add3A_42 = arith.addi %mul3A_2, %add3A_41 : i32
    %dma_start3A_43 = arith.constant 0 : i32
    %dma_start3A_44 = tpu.memref_slice %arg4[%add3A_42, %dma_start3A_43] : memref<425984x32xf32, #tpu.memory_space<hbm>> -> memref<1024x32xf32, #tpu.memory_space<hbm>>
    %dma_start3A_45 = arith.constant 0 : i32
    %dma_start3A_46 = tpu.memref_slice %arg4[%add3A_42, %dma_start3A_45] : memref<425984x32xf32, #tpu.memory_space<hbm>> -> memref<1024x32xf32, #tpu.memory_space<hbm>>
    tpu.enqueue_dma source(%arg7 : memref<1024x32xf32, #tpu.memory_space<vmem>>) target(%dma_start3A_46 : memref<1024x32xf32, #tpu.memory_space<hbm>>) target_semaphore(%arg13 : memref<!tpu.dma_semaphore, #tpu.memory_space<semaphore_mem>>)
    %dma_wait3A_47 = arith.constant 0 : i32
    %dma_wait3A_48 = tpu.memref_slice %arg4[%add3A_42, %dma_wait3A_47] : memref<425984x32xf32, #tpu.memory_space<hbm>> -> memref<1024x32xf32, #tpu.memory_space<hbm>>
    %dma_wait3A_49 = arith.constant 0 : i32
    %dma_wait3A_50 = tpu.memref_slice %arg4[%add3A_42, %dma_wait3A_49] : memref<425984x32xf32, #tpu.memory_space<hbm>> -> memref<1024x32xf32, #tpu.memory_space<hbm>>
    tpu.wait_dma2 semaphore(%arg13 : memref<!tpu.dma_semaphore, #tpu.memory_space<semaphore_mem>>) src(%arg7 : memref<1024x32xf32, #tpu.memory_space<vmem>>) dst(%dma_wait3A_50 : memref<1024x32xf32, #tpu.memory_space<hbm>>)
    %dma_start3A_51 = arith.constant 4096 : i32
    %dma_start3A_52 = tpu.memref_slice %arg5[%dma_start3A_51] : memref<13312xi32, #tpu.memory_space<vmem>> -> memref<1024xi32, #tpu.memory_space<vmem>>
    %dma_start3A_53 = arith.constant 0 : i32
    %dma_start3A_54 = arith.constant 0 : i32
    %dma_start3A_55 = tpu.memref_slice %arg3[%dma_start3A_53, %dma_start3A_54] : memref<1000064x32xf32, #tpu.memory_space<hbm>> -> memref<1000064x32xf32, #tpu.memory_space<hbm>>
    tpu.enqueue_indirect_dma source(%dma_start3A_55 : memref<1000064x32xf32, #tpu.memory_space<hbm>>) target(%arg7 : memref<1024x32xf32, #tpu.memory_space<vmem>>) offsets(%dma_start3A_52 : memref<1024xi32, #tpu.memory_space<vmem>>) semaphore(%arg10 : memref<!tpu.dma_semaphore, #tpu.memory_space<semaphore_mem>>)
    %dma_wait3A_56 = arith.constant 2048 : i32
    %dma_wait3A_57 = tpu.memref_slice %arg5[%dma_wait3A_56] : memref<13312xi32, #tpu.memory_space<vmem>> -> memref<1024xi32, #tpu.memory_space<vmem>>
    %dma_wait3A_58 = arith.constant 0 : i32
    %dma_wait3A_59 = arith.constant 0 : i32
    %dma_wait3A_60 = tpu.memref_slice %arg3[%dma_wait3A_58, %dma_wait3A_59] : memref<1000064x32xf32, #tpu.memory_space<hbm>> -> memref<1000064x32xf32, #tpu.memory_space<hbm>>
    tpu.wait_indirect_dma semaphore(%arg11 : memref<!tpu.dma_semaphore, #tpu.memory_space<semaphore_mem>>) src(%dma_wait3A_60 : memref<1000064x32xf32, #tpu.memory_space<hbm>>) dst(%arg8 : memref<1024x32xf32, #tpu.memory_space<vmem>>)
    %add3A_61 = arith.constant 2048 : i32
    %add3A_62 = arith.addi %mul3A_2, %add3A_61 : i32
    %dma_start3A_63 = arith.constant 0 : i32
    %dma_start3A_64 = tpu.memref_slice %arg4[%add3A_62, %dma_start3A_63] : memref<425984x32xf32, #tpu.memory_space<hbm>> -> memref<1024x32xf32, #tpu.memory_space<hbm>>
    %dma_start3A_65 = arith.constant 0 : i32
    %dma_start3A_66 = tpu.memref_slice %arg4[%add3A_62, %dma_start3A_65] : memref<425984x32xf32, #tpu.memory_space<hbm>> -> memref<1024x32xf32, #tpu.memory_space<hbm>>
    tpu.enqueue_dma source(%arg8 : memref<1024x32xf32, #tpu.memory_space<vmem>>) target(%dma_start3A_66 : memref<1024x32xf32, #tpu.memory_space<hbm>>) target_semaphore(%arg14 : memref<!tpu.dma_semaphore, #tpu.memory_space<semaphore_mem>>)
    %dma_wait3A_67 = arith.constant 0 : i32
    %dma_wait3A_68 = tpu.memref_slice %arg4[%add3A_62, %dma_wait3A_67] : memref<425984x32xf32, #tpu.memory_space<hbm>> -> memref<1024x32xf32, #tpu.memory_space<hbm>>
    %dma_wait3A_69 = arith.constant 0 : i32
    %dma_wait3A_70 = tpu.memref_slice %arg4[%add3A_62, %dma_wait3A_69] : memref<425984x32xf32, #tpu.memory_space<hbm>> -> memref<1024x32xf32, #tpu.memory_space<hbm>>
    tpu.wait_dma2 semaphore(%arg14 : memref<!tpu.dma_semaphore, #tpu.memory_space<semaphore_mem>>) src(%arg8 : memref<1024x32xf32, #tpu.memory_space<vmem>>) dst(%dma_wait3A_70 : memref<1024x32xf32, #tpu.memory_space<hbm>>)
    %dma_start3A_71 = arith.constant 5120 : i32
    %dma_start3A_72 = tpu.memref_slice %arg5[%dma_start3A_71] : memref<13312xi32, #tpu.memory_space<vmem>> -> memref<1024xi32, #tpu.memory_space<vmem>>
    %dma_start3A_73 = arith.constant 0 : i32
    %dma_start3A_74 = arith.constant 0 : i32
    %dma_start3A_75 = tpu.memref_slice %arg3[%dma_start3A_73, %dma_start3A_74] : memref<1000064x32xf32, #tpu.memory_space<hbm>> -> memref<1000064x32xf32, #tpu.memory_space<hbm>>
    tpu.enqueue_indirect_dma source(%dma_start3A_75 : memref<1000064x32xf32, #tpu.memory_space<hbm>>) target(%arg8 : memref<1024x32xf32, #tpu.memory_space<vmem>>) offsets(%dma_start3A_72 : memref<1024xi32, #tpu.memory_space<vmem>>) semaphore(%arg11 : memref<!tpu.dma_semaphore, #tpu.memory_space<semaphore_mem>>)
    %dma_wait3A_76 = arith.constant 3072 : i32
    %dma_wait3A_77 = tpu.memref_slice %arg5[%dma_wait3A_76] : memref<13312xi32, #tpu.memory_space<vmem>> -> memref<1024xi32, #tpu.memory_space<vmem>>
    %dma_wait3A_78 = arith.constant 0 : i32
    %dma_wait3A_79 = arith.constant 0 : i32
    %dma_wait3A_80 = tpu.memref_slice %arg3[%dma_wait3A_78, %dma_wait3A_79] : memref<1000064x32xf32, #tpu.memory_space<hbm>> -> memref<1000064x32xf32, #tpu.memory_space<hbm>>
    tpu.wait_indirect_dma semaphore(%arg9 : memref<!tpu.dma_semaphore, #tpu.memory_space<semaphore_mem>>) src(%dma_wait3A_80 : memref<1000064x32xf32, #tpu.memory_space<hbm>>) dst(%arg6 : memref<1024x32xf32, #tpu.memory_space<vmem>>)
    %add3A_81 = arith.constant 3072 : i32
    %add3A_82 = arith.addi %mul3A_2, %add3A_81 : i32
    %dma_start3A_83 = arith.constant 0 : i32
    %dma_start3A_84 = tpu.memref_slice %arg4[%add3A_82, %dma_start3A_83] : memref<425984x32xf32, #tpu.memory_space<hbm>> -> memref<1024x32xf32, #tpu.memory_space<hbm>>
    %dma_start3A_85 = arith.constant 0 : i32
    %dma_start3A_86 = tpu.memref_slice %arg4[%add3A_82, %dma_start3A_85] : memref<425984x32xf32, #tpu.memory_space<hbm>> -> memref<1024x32xf32, #tpu.memory_space<hbm>>
    tpu.enqueue_dma source(%arg6 : memref<1024x32xf32, #tpu.memory_space<vmem>>) target(%dma_start3A_86 : memref<1024x32xf32, #tpu.memory_space<hbm>>) target_semaphore(%arg12 : memref<!tpu.dma_semaphore, #tpu.memory_space<semaphore_mem>>)
    %dma_wait3A_87 = arith.constant 0 : i32
    %dma_wait3A_88 = tpu.memref_slice %arg4[%add3A_82, %dma_wait3A_87] : memref<425984x32xf32, #tpu.memory_space<hbm>> -> memref<1024x32xf32, #tpu.memory_space<hbm>>
    %dma_wait3A_89 = arith.constant 0 : i32
    %dma_wait3A_90 = tpu.memref_slice %arg4[%add3A_82, %dma_wait3A_89] : memref<425984x32xf32, #tpu.memory_space<hbm>> -> memref<1024x32xf32, #tpu.memory_space<hbm>>
    tpu.wait_dma2 semaphore(%arg12 : memref<!tpu.dma_semaphore, #tpu.memory_space<semaphore_mem>>) src(%arg6 : memref<1024x32xf32, #tpu.memory_space<vmem>>) dst(%dma_wait3A_90 : memref<1024x32xf32, #tpu.memory_space<hbm>>)
    %dma_start3A_91 = arith.constant 6144 : i32
    %dma_start3A_92 = tpu.memref_slice %arg5[%dma_start3A_91] : memref<13312xi32, #tpu.memory_space<vmem>> -> memref<1024xi32, #tpu.memory_space<vmem>>
    %dma_start3A_93 = arith.constant 0 : i32
    %dma_start3A_94 = arith.constant 0 : i32
    %dma_start3A_95 = tpu.memref_slice %arg3[%dma_start3A_93, %dma_start3A_94] : memref<1000064x32xf32, #tpu.memory_space<hbm>> -> memref<1000064x32xf32, #tpu.memory_space<hbm>>
    tpu.enqueue_indirect_dma source(%dma_start3A_95 : memref<1000064x32xf32, #tpu.memory_space<hbm>>) target(%arg6 : memref<1024x32xf32, #tpu.memory_space<vmem>>) offsets(%dma_start3A_92 : memref<1024xi32, #tpu.memory_space<vmem>>) semaphore(%arg9 : memref<!tpu.dma_semaphore, #tpu.memory_space<semaphore_mem>>)
    %dma_wait3A_96 = arith.constant 4096 : i32
    %dma_wait3A_97 = tpu.memref_slice %arg5[%dma_wait3A_96] : memref<13312xi32, #tpu.memory_space<vmem>> -> memref<1024xi32, #tpu.memory_space<vmem>>
    %dma_wait3A_98 = arith.constant 0 : i32
    %dma_wait3A_99 = arith.constant 0 : i32
    %dma_wait3A_100 = tpu.memref_slice %arg3[%dma_wait3A_98, %dma_wait3A_99] : memref<1000064x32xf32, #tpu.memory_space<hbm>> -> memref<1000064x32xf32, #tpu.memory_space<hbm>>
    tpu.wait_indirect_dma semaphore(%arg10 : memref<!tpu.dma_semaphore, #tpu.memory_space<semaphore_mem>>) src(%dma_wait3A_100 : memref<1000064x32xf32, #tpu.memory_space<hbm>>) dst(%arg7 : memref<1024x32xf32, #tpu.memory_space<vmem>>)
    %add3A_101 = arith.constant 4096 : i32
    %add3A_102 = arith.addi %mul3A_2, %add3A_101 : i32
    %dma_start3A_103 = arith.constant 0 : i32
    %dma_start3A_104 = tpu.memref_slice %arg4[%add3A_102, %dma_start3A_103] : memref<425984x32xf32, #tpu.memory_space<hbm>> -> memref<1024x32xf32, #tpu.memory_space<hbm>>
    %dma_start3A_105 = arith.constant 0 : i32
    %dma_start3A_106 = tpu.memref_slice %arg4[%add3A_102, %dma_start3A_105] : memref<425984x32xf32, #tpu.memory_space<hbm>> -> memref<1024x32xf32, #tpu.memory_space<hbm>>
    tpu.enqueue_dma source(%arg7 : memref<1024x32xf32, #tpu.memory_space<vmem>>) target(%dma_start3A_106 : memref<1024x32xf32, #tpu.memory_space<hbm>>) target_semaphore(%arg13 : memref<!tpu.dma_semaphore, #tpu.memory_space<semaphore_mem>>)
    %dma_wait3A_107 = arith.constant 0 : i32
    %dma_wait3A_108 = tpu.memref_slice %arg4[%add3A_102, %dma_wait3A_107] : memref<425984x32xf32, #tpu.memory_space<hbm>> -> memref<1024x32xf32, #tpu.memory_space<hbm>>
    %dma_wait3A_109 = arith.constant 0 : i32
    %dma_wait3A_110 = tpu.memref_slice %arg4[%add3A_102, %dma_wait3A_109] : memref<425984x32xf32, #tpu.memory_space<hbm>> -> memref<1024x32xf32, #tpu.memory_space<hbm>>
    tpu.wait_dma2 semaphore(%arg13 : memref<!tpu.dma_semaphore, #tpu.memory_space<semaphore_mem>>) src(%arg7 : memref<1024x32xf32, #tpu.memory_space<vmem>>) dst(%dma_wait3A_110 : memref<1024x32xf32, #tpu.memory_space<hbm>>)
    %dma_start3A_111 = arith.constant 7168 : i32
    %dma_start3A_112 = tpu.memref_slice %arg5[%dma_start3A_111] : memref<13312xi32, #tpu.memory_space<vmem>> -> memref<1024xi32, #tpu.memory_space<vmem>>
    %dma_start3A_113 = arith.constant 0 : i32
    %dma_start3A_114 = arith.constant 0 : i32
    %dma_start3A_115 = tpu.memref_slice %arg3[%dma_start3A_113, %dma_start3A_114] : memref<1000064x32xf32, #tpu.memory_space<hbm>> -> memref<1000064x32xf32, #tpu.memory_space<hbm>>
    tpu.enqueue_indirect_dma source(%dma_start3A_115 : memref<1000064x32xf32, #tpu.memory_space<hbm>>) target(%arg7 : memref<1024x32xf32, #tpu.memory_space<vmem>>) offsets(%dma_start3A_112 : memref<1024xi32, #tpu.memory_space<vmem>>) semaphore(%arg10 : memref<!tpu.dma_semaphore, #tpu.memory_space<semaphore_mem>>)
    %dma_wait3A_116 = arith.constant 5120 : i32
    %dma_wait3A_117 = tpu.memref_slice %arg5[%dma_wait3A_116] : memref<13312xi32, #tpu.memory_space<vmem>> -> memref<1024xi32, #tpu.memory_space<vmem>>
    %dma_wait3A_118 = arith.constant 0 : i32
    %dma_wait3A_119 = arith.constant 0 : i32
    %dma_wait3A_120 = tpu.memref_slice %arg3[%dma_wait3A_118, %dma_wait3A_119] : memref<1000064x32xf32, #tpu.memory_space<hbm>> -> memref<1000064x32xf32, #tpu.memory_space<hbm>>
    tpu.wait_indirect_dma semaphore(%arg11 : memref<!tpu.dma_semaphore, #tpu.memory_space<semaphore_mem>>) src(%dma_wait3A_120 : memref<1000064x32xf32, #tpu.memory_space<hbm>>) dst(%arg8 : memref<1024x32xf32, #tpu.memory_space<vmem>>)
    %add3A_121 = arith.constant 5120 : i32
    %add3A_122 = arith.addi %mul3A_2, %add3A_121 : i32
    %dma_start3A_123 = arith.constant 0 : i32
    %dma_start3A_124 = tpu.memref_slice %arg4[%add3A_122, %dma_start3A_123] : memref<425984x32xf32, #tpu.memory_space<hbm>> -> memref<1024x32xf32, #tpu.memory_space<hbm>>
    %dma_start3A_125 = arith.constant 0 : i32
    %dma_start3A_126 = tpu.memref_slice %arg4[%add3A_122, %dma_start3A_125] : memref<425984x32xf32, #tpu.memory_space<hbm>> -> memref<1024x32xf32, #tpu.memory_space<hbm>>
    tpu.enqueue_dma source(%arg8 : memref<1024x32xf32, #tpu.memory_space<vmem>>) target(%dma_start3A_126 : memref<1024x32xf32, #tpu.memory_space<hbm>>) target_semaphore(%arg14 : memref<!tpu.dma_semaphore, #tpu.memory_space<semaphore_mem>>)
    %dma_wait3A_127 = arith.constant 0 : i32
    %dma_wait3A_128 = tpu.memref_slice %arg4[%add3A_122, %dma_wait3A_127] : memref<425984x32xf32, #tpu.memory_space<hbm>> -> memref<1024x32xf32, #tpu.memory_space<hbm>>
    %dma_wait3A_129 = arith.constant 0 : i32
    %dma_wait3A_130 = tpu.memref_slice %arg4[%add3A_122, %dma_wait3A_129] : memref<425984x32xf32, #tpu.memory_space<hbm>> -> memref<1024x32xf32, #tpu.memory_space<hbm>>
    tpu.wait_dma2 semaphore(%arg14 : memref<!tpu.dma_semaphore, #tpu.memory_space<semaphore_mem>>) src(%arg8 : memref<1024x32xf32, #tpu.memory_space<vmem>>) dst(%dma_wait3A_130 : memref<1024x32xf32, #tpu.memory_space<hbm>>)
    %dma_start3A_131 = arith.constant 8192 : i32
    %dma_start3A_132 = tpu.memref_slice %arg5[%dma_start3A_131] : memref<13312xi32, #tpu.memory_space<vmem>> -> memref<1024xi32, #tpu.memory_space<vmem>>
    %dma_start3A_133 = arith.constant 0 : i32
    %dma_start3A_134 = arith.constant 0 : i32
    %dma_start3A_135 = tpu.memref_slice %arg3[%dma_start3A_133, %dma_start3A_134] : memref<1000064x32xf32, #tpu.memory_space<hbm>> -> memref<1000064x32xf32, #tpu.memory_space<hbm>>
    tpu.enqueue_indirect_dma source(%dma_start3A_135 : memref<1000064x32xf32, #tpu.memory_space<hbm>>) target(%arg8 : memref<1024x32xf32, #tpu.memory_space<vmem>>) offsets(%dma_start3A_132 : memref<1024xi32, #tpu.memory_space<vmem>>) semaphore(%arg11 : memref<!tpu.dma_semaphore, #tpu.memory_space<semaphore_mem>>)
    %dma_wait3A_136 = arith.constant 6144 : i32
    %dma_wait3A_137 = tpu.memref_slice %arg5[%dma_wait3A_136] : memref<13312xi32, #tpu.memory_space<vmem>> -> memref<1024xi32, #tpu.memory_space<vmem>>
    %dma_wait3A_138 = arith.constant 0 : i32
    %dma_wait3A_139 = arith.constant 0 : i32
    %dma_wait3A_140 = tpu.memref_slice %arg3[%dma_wait3A_138, %dma_wait3A_139] : memref<1000064x32xf32, #tpu.memory_space<hbm>> -> memref<1000064x32xf32, #tpu.memory_space<hbm>>
    tpu.wait_indirect_dma semaphore(%arg9 : memref<!tpu.dma_semaphore, #tpu.memory_space<semaphore_mem>>) src(%dma_wait3A_140 : memref<1000064x32xf32, #tpu.memory_space<hbm>>) dst(%arg6 : memref<1024x32xf32, #tpu.memory_space<vmem>>)
    %add3A_141 = arith.constant 6144 : i32
    %add3A_142 = arith.addi %mul3A_2, %add3A_141 : i32
    %dma_start3A_143 = arith.constant 0 : i32
    %dma_start3A_144 = tpu.memref_slice %arg4[%add3A_142, %dma_start3A_143] : memref<425984x32xf32, #tpu.memory_space<hbm>> -> memref<1024x32xf32, #tpu.memory_space<hbm>>
    %dma_start3A_145 = arith.constant 0 : i32
    %dma_start3A_146 = tpu.memref_slice %arg4[%add3A_142, %dma_start3A_145] : memref<425984x32xf32, #tpu.memory_space<hbm>> -> memref<1024x32xf32, #tpu.memory_space<hbm>>
    tpu.enqueue_dma source(%arg6 : memref<1024x32xf32, #tpu.memory_space<vmem>>) target(%dma_start3A_146 : memref<1024x32xf32, #tpu.memory_space<hbm>>) target_semaphore(%arg12 : memref<!tpu.dma_semaphore, #tpu.memory_space<semaphore_mem>>)
    %dma_wait3A_147 = arith.constant 0 : i32
    %dma_wait3A_148 = tpu.memref_slice %arg4[%add3A_142, %dma_wait3A_147] : memref<425984x32xf32, #tpu.memory_space<hbm>> -> memref<1024x32xf32, #tpu.memory_space<hbm>>
    %dma_wait3A_149 = arith.constant 0 : i32
    %dma_wait3A_150 = tpu.memref_slice %arg4[%add3A_142, %dma_wait3A_149] : memref<425984x32xf32, #tpu.memory_space<hbm>> -> memref<1024x32xf32, #tpu.memory_space<hbm>>
    tpu.wait_dma2 semaphore(%arg12 : memref<!tpu.dma_semaphore, #tpu.memory_space<semaphore_mem>>) src(%arg6 : memref<1024x32xf32, #tpu.memory_space<vmem>>) dst(%dma_wait3A_150 : memref<1024x32xf32, #tpu.memory_space<hbm>>)
    %dma_start3A_151 = arith.constant 9216 : i32
    %dma_start3A_152 = tpu.memref_slice %arg5[%dma_start3A_151] : memref<13312xi32, #tpu.memory_space<vmem>> -> memref<1024xi32, #tpu.memory_space<vmem>>
    %dma_start3A_153 = arith.constant 0 : i32
    %dma_start3A_154 = arith.constant 0 : i32
    %dma_start3A_155 = tpu.memref_slice %arg3[%dma_start3A_153, %dma_start3A_154] : memref<1000064x32xf32, #tpu.memory_space<hbm>> -> memref<1000064x32xf32, #tpu.memory_space<hbm>>
    tpu.enqueue_indirect_dma source(%dma_start3A_155 : memref<1000064x32xf32, #tpu.memory_space<hbm>>) target(%arg6 : memref<1024x32xf32, #tpu.memory_space<vmem>>) offsets(%dma_start3A_152 : memref<1024xi32, #tpu.memory_space<vmem>>) semaphore(%arg9 : memref<!tpu.dma_semaphore, #tpu.memory_space<semaphore_mem>>)
    %dma_wait3A_156 = arith.constant 7168 : i32
    %dma_wait3A_157 = tpu.memref_slice %arg5[%dma_wait3A_156] : memref<13312xi32, #tpu.memory_space<vmem>> -> memref<1024xi32, #tpu.memory_space<vmem>>
    %dma_wait3A_158 = arith.constant 0 : i32
    %dma_wait3A_159 = arith.constant 0 : i32
    %dma_wait3A_160 = tpu.memref_slice %arg3[%dma_wait3A_158, %dma_wait3A_159] : memref<1000064x32xf32, #tpu.memory_space<hbm>> -> memref<1000064x32xf32, #tpu.memory_space<hbm>>
    tpu.wait_indirect_dma semaphore(%arg10 : memref<!tpu.dma_semaphore, #tpu.memory_space<semaphore_mem>>) src(%dma_wait3A_160 : memref<1000064x32xf32, #tpu.memory_space<hbm>>) dst(%arg7 : memref<1024x32xf32, #tpu.memory_space<vmem>>)
    %add3A_161 = arith.constant 7168 : i32
    %add3A_162 = arith.addi %mul3A_2, %add3A_161 : i32
    %dma_start3A_163 = arith.constant 0 : i32
    %dma_start3A_164 = tpu.memref_slice %arg4[%add3A_162, %dma_start3A_163] : memref<425984x32xf32, #tpu.memory_space<hbm>> -> memref<1024x32xf32, #tpu.memory_space<hbm>>
    %dma_start3A_165 = arith.constant 0 : i32
    %dma_start3A_166 = tpu.memref_slice %arg4[%add3A_162, %dma_start3A_165] : memref<425984x32xf32, #tpu.memory_space<hbm>> -> memref<1024x32xf32, #tpu.memory_space<hbm>>
    tpu.enqueue_dma source(%arg7 : memref<1024x32xf32, #tpu.memory_space<vmem>>) target(%dma_start3A_166 : memref<1024x32xf32, #tpu.memory_space<hbm>>) target_semaphore(%arg13 : memref<!tpu.dma_semaphore, #tpu.memory_space<semaphore_mem>>)
    %dma_wait3A_167 = arith.constant 0 : i32
    %dma_wait3A_168 = tpu.memref_slice %arg4[%add3A_162, %dma_wait3A_167] : memref<425984x32xf32, #tpu.memory_space<hbm>> -> memref<1024x32xf32, #tpu.memory_space<hbm>>
    %dma_wait3A_169 = arith.constant 0 : i32
    %dma_wait3A_170 = tpu.memref_slice %arg4[%add3A_162, %dma_wait3A_169] : memref<425984x32xf32, #tpu.memory_space<hbm>> -> memref<1024x32xf32, #tpu.memory_space<hbm>>
    tpu.wait_dma2 semaphore(%arg13 : memref<!tpu.dma_semaphore, #tpu.memory_space<semaphore_mem>>) src(%arg7 : memref<1024x32xf32, #tpu.memory_space<vmem>>) dst(%dma_wait3A_170 : memref<1024x32xf32, #tpu.memory_space<hbm>>)
    %dma_start3A_171 = arith.constant 10240 : i32
    %dma_start3A_172 = tpu.memref_slice %arg5[%dma_start3A_171] : memref<13312xi32, #tpu.memory_space<vmem>> -> memref<1024xi32, #tpu.memory_space<vmem>>
    %dma_start3A_173 = arith.constant 0 : i32
    %dma_start3A_174 = arith.constant 0 : i32
    %dma_start3A_175 = tpu.memref_slice %arg3[%dma_start3A_173, %dma_start3A_174] : memref<1000064x32xf32, #tpu.memory_space<hbm>> -> memref<1000064x32xf32, #tpu.memory_space<hbm>>
    tpu.enqueue_indirect_dma source(%dma_start3A_175 : memref<1000064x32xf32, #tpu.memory_space<hbm>>) target(%arg7 : memref<1024x32xf32, #tpu.memory_space<vmem>>) offsets(%dma_start3A_172 : memref<1024xi32, #tpu.memory_space<vmem>>) semaphore(%arg10 : memref<!tpu.dma_semaphore, #tpu.memory_space<semaphore_mem>>)
    %dma_wait3A_176 = arith.constant 8192 : i32
    %dma_wait3A_177 = tpu.memref_slice %arg5[%dma_wait3A_176] : memref<13312xi32, #tpu.memory_space<vmem>> -> memref<1024xi32, #tpu.memory_space<vmem>>
    %dma_wait3A_178 = arith.constant 0 : i32
    %dma_wait3A_179 = arith.constant 0 : i32
    %dma_wait3A_180 = tpu.memref_slice %arg3[%dma_wait3A_178, %dma_wait3A_179] : memref<1000064x32xf32, #tpu.memory_space<hbm>> -> memref<1000064x32xf32, #tpu.memory_space<hbm>>
    tpu.wait_indirect_dma semaphore(%arg11 : memref<!tpu.dma_semaphore, #tpu.memory_space<semaphore_mem>>) src(%dma_wait3A_180 : memref<1000064x32xf32, #tpu.memory_space<hbm>>) dst(%arg8 : memref<1024x32xf32, #tpu.memory_space<vmem>>)
    %add3A_181 = arith.constant 8192 : i32
    %add3A_182 = arith.addi %mul3A_2, %add3A_181 : i32
    %dma_start3A_183 = arith.constant 0 : i32
    %dma_start3A_184 = tpu.memref_slice %arg4[%add3A_182, %dma_start3A_183] : memref<425984x32xf32, #tpu.memory_space<hbm>> -> memref<1024x32xf32, #tpu.memory_space<hbm>>
    %dma_start3A_185 = arith.constant 0 : i32
    %dma_start3A_186 = tpu.memref_slice %arg4[%add3A_182, %dma_start3A_185] : memref<425984x32xf32, #tpu.memory_space<hbm>> -> memref<1024x32xf32, #tpu.memory_space<hbm>>
    tpu.enqueue_dma source(%arg8 : memref<1024x32xf32, #tpu.memory_space<vmem>>) target(%dma_start3A_186 : memref<1024x32xf32, #tpu.memory_space<hbm>>) target_semaphore(%arg14 : memref<!tpu.dma_semaphore, #tpu.memory_space<semaphore_mem>>)
    %dma_wait3A_187 = arith.constant 0 : i32
    %dma_wait3A_188 = tpu.memref_slice %arg4[%add3A_182, %dma_wait3A_187] : memref<425984x32xf32, #tpu.memory_space<hbm>> -> memref<1024x32xf32, #tpu.memory_space<hbm>>
    %dma_wait3A_189 = arith.constant 0 : i32
    %dma_wait3A_190 = tpu.memref_slice %arg4[%add3A_182, %dma_wait3A_189] : memref<425984x32xf32, #tpu.memory_space<hbm>> -> memref<1024x32xf32, #tpu.memory_space<hbm>>
    tpu.wait_dma2 semaphore(%arg14 : memref<!tpu.dma_semaphore, #tpu.memory_space<semaphore_mem>>) src(%arg8 : memref<1024x32xf32, #tpu.memory_space<vmem>>) dst(%dma_wait3A_190 : memref<1024x32xf32, #tpu.memory_space<hbm>>)
    %dma_start3A_191 = arith.constant 11264 : i32
    %dma_start3A_192 = tpu.memref_slice %arg5[%dma_start3A_191] : memref<13312xi32, #tpu.memory_space<vmem>> -> memref<1024xi32, #tpu.memory_space<vmem>>
    %dma_start3A_193 = arith.constant 0 : i32
    %dma_start3A_194 = arith.constant 0 : i32
    %dma_start3A_195 = tpu.memref_slice %arg3[%dma_start3A_193, %dma_start3A_194] : memref<1000064x32xf32, #tpu.memory_space<hbm>> -> memref<1000064x32xf32, #tpu.memory_space<hbm>>
    tpu.enqueue_indirect_dma source(%dma_start3A_195 : memref<1000064x32xf32, #tpu.memory_space<hbm>>) target(%arg8 : memref<1024x32xf32, #tpu.memory_space<vmem>>) offsets(%dma_start3A_192 : memref<1024xi32, #tpu.memory_space<vmem>>) semaphore(%arg11 : memref<!tpu.dma_semaphore, #tpu.memory_space<semaphore_mem>>)
    %dma_wait3A_196 = arith.constant 9216 : i32
    %dma_wait3A_197 = tpu.memref_slice %arg5[%dma_wait3A_196] : memref<13312xi32, #tpu.memory_space<vmem>> -> memref<1024xi32, #tpu.memory_space<vmem>>
    %dma_wait3A_198 = arith.constant 0 : i32
    %dma_wait3A_199 = arith.constant 0 : i32
    %dma_wait3A_200 = tpu.memref_slice %arg3[%dma_wait3A_198, %dma_wait3A_199] : memref<1000064x32xf32, #tpu.memory_space<hbm>> -> memref<1000064x32xf32, #tpu.memory_space<hbm>>
    tpu.wait_indirect_dma semaphore(%arg9 : memref<!tpu.dma_semaphore, #tpu.memory_space<semaphore_mem>>) src(%dma_wait3A_200 : memref<1000064x32xf32, #tpu.memory_space<hbm>>) dst(%arg6 : memref<1024x32xf32, #tpu.memory_space<vmem>>)
    %add3A_201 = arith.constant 9216 : i32
    %add3A_202 = arith.addi %mul3A_2, %add3A_201 : i32
    %dma_start3A_203 = arith.constant 0 : i32
    %dma_start3A_204 = tpu.memref_slice %arg4[%add3A_202, %dma_start3A_203] : memref<425984x32xf32, #tpu.memory_space<hbm>> -> memref<1024x32xf32, #tpu.memory_space<hbm>>
    %dma_start3A_205 = arith.constant 0 : i32
    %dma_start3A_206 = tpu.memref_slice %arg4[%add3A_202, %dma_start3A_205] : memref<425984x32xf32, #tpu.memory_space<hbm>> -> memref<1024x32xf32, #tpu.memory_space<hbm>>
    tpu.enqueue_dma source(%arg6 : memref<1024x32xf32, #tpu.memory_space<vmem>>) target(%dma_start3A_206 : memref<1024x32xf32, #tpu.memory_space<hbm>>) target_semaphore(%arg12 : memref<!tpu.dma_semaphore, #tpu.memory_space<semaphore_mem>>)
    %dma_wait3A_207 = arith.constant 0 : i32
    %dma_wait3A_208 = tpu.memref_slice %arg4[%add3A_202, %dma_wait3A_207] : memref<425984x32xf32, #tpu.memory_space<hbm>> -> memref<1024x32xf32, #tpu.memory_space<hbm>>
    %dma_wait3A_209 = arith.constant 0 : i32
    %dma_wait3A_210 = tpu.memref_slice %arg4[%add3A_202, %dma_wait3A_209] : memref<425984x32xf32, #tpu.memory_space<hbm>> -> memref<1024x32xf32, #tpu.memory_space<hbm>>
    tpu.wait_dma2 semaphore(%arg12 : memref<!tpu.dma_semaphore, #tpu.memory_space<semaphore_mem>>) src(%arg6 : memref<1024x32xf32, #tpu.memory_space<vmem>>) dst(%dma_wait3A_210 : memref<1024x32xf32, #tpu.memory_space<hbm>>)
    %dma_start3A_211 = arith.constant 12288 : i32
    %dma_start3A_212 = tpu.memref_slice %arg5[%dma_start3A_211] : memref<13312xi32, #tpu.memory_space<vmem>> -> memref<1024xi32, #tpu.memory_space<vmem>>
    %dma_start3A_213 = arith.constant 0 : i32
    %dma_start3A_214 = arith.constant 0 : i32
    %dma_start3A_215 = tpu.memref_slice %arg3[%dma_start3A_213, %dma_start3A_214] : memref<1000064x32xf32, #tpu.memory_space<hbm>> -> memref<1000064x32xf32, #tpu.memory_space<hbm>>
    tpu.enqueue_indirect_dma source(%dma_start3A_215 : memref<1000064x32xf32, #tpu.memory_space<hbm>>) target(%arg6 : memref<1024x32xf32, #tpu.memory_space<vmem>>) offsets(%dma_start3A_212 : memref<1024xi32, #tpu.memory_space<vmem>>) semaphore(%arg9 : memref<!tpu.dma_semaphore, #tpu.memory_space<semaphore_mem>>)
    %dma_wait3A_216 = arith.constant 10240 : i32
    %dma_wait3A_217 = tpu.memref_slice %arg5[%dma_wait3A_216] : memref<13312xi32, #tpu.memory_space<vmem>> -> memref<1024xi32, #tpu.memory_space<vmem>>
    %dma_wait3A_218 = arith.constant 0 : i32
    %dma_wait3A_219 = arith.constant 0 : i32
    %dma_wait3A_220 = tpu.memref_slice %arg3[%dma_wait3A_218, %dma_wait3A_219] : memref<1000064x32xf32, #tpu.memory_space<hbm>> -> memref<1000064x32xf32, #tpu.memory_space<hbm>>
    tpu.wait_indirect_dma semaphore(%arg10 : memref<!tpu.dma_semaphore, #tpu.memory_space<semaphore_mem>>) src(%dma_wait3A_220 : memref<1000064x32xf32, #tpu.memory_space<hbm>>) dst(%arg7 : memref<1024x32xf32, #tpu.memory_space<vmem>>)
    %add3A_221 = arith.constant 10240 : i32
    %add3A_222 = arith.addi %mul3A_2, %add3A_221 : i32
    %dma_start3A_223 = arith.constant 0 : i32
    %dma_start3A_224 = tpu.memref_slice %arg4[%add3A_222, %dma_start3A_223] : memref<425984x32xf32, #tpu.memory_space<hbm>> -> memref<1024x32xf32, #tpu.memory_space<hbm>>
    %dma_start3A_225 = arith.constant 0 : i32
    %dma_start3A_226 = tpu.memref_slice %arg4[%add3A_222, %dma_start3A_225] : memref<425984x32xf32, #tpu.memory_space<hbm>> -> memref<1024x32xf32, #tpu.memory_space<hbm>>
    tpu.enqueue_dma source(%arg7 : memref<1024x32xf32, #tpu.memory_space<vmem>>) target(%dma_start3A_226 : memref<1024x32xf32, #tpu.memory_space<hbm>>) target_semaphore(%arg13 : memref<!tpu.dma_semaphore, #tpu.memory_space<semaphore_mem>>)
    %dma_wait3A_227 = arith.constant 11264 : i32
    %dma_wait3A_228 = tpu.memref_slice %arg5[%dma_wait3A_227] : memref<13312xi32, #tpu.memory_space<vmem>> -> memref<1024xi32, #tpu.memory_space<vmem>>
    %dma_wait3A_229 = arith.constant 0 : i32
    %dma_wait3A_230 = arith.constant 0 : i32
    %dma_wait3A_231 = tpu.memref_slice %arg3[%dma_wait3A_229, %dma_wait3A_230] : memref<1000064x32xf32, #tpu.memory_space<hbm>> -> memref<1000064x32xf32, #tpu.memory_space<hbm>>
    tpu.wait_indirect_dma semaphore(%arg11 : memref<!tpu.dma_semaphore, #tpu.memory_space<semaphore_mem>>) src(%dma_wait3A_231 : memref<1000064x32xf32, #tpu.memory_space<hbm>>) dst(%arg8 : memref<1024x32xf32, #tpu.memory_space<vmem>>)
    %add3A_232 = arith.constant 11264 : i32
    %add3A_233 = arith.addi %mul3A_2, %add3A_232 : i32
    %dma_start3A_234 = arith.constant 0 : i32
    %dma_start3A_235 = tpu.memref_slice %arg4[%add3A_233, %dma_start3A_234] : memref<425984x32xf32, #tpu.memory_space<hbm>> -> memref<1024x32xf32, #tpu.memory_space<hbm>>
    %dma_start3A_236 = arith.constant 0 : i32
    %dma_start3A_237 = tpu.memref_slice %arg4[%add3A_233, %dma_start3A_236] : memref<425984x32xf32, #tpu.memory_space<hbm>> -> memref<1024x32xf32, #tpu.memory_space<hbm>>
    tpu.enqueue_dma source(%arg8 : memref<1024x32xf32, #tpu.memory_space<vmem>>) target(%dma_start3A_237 : memref<1024x32xf32, #tpu.memory_space<hbm>>) target_semaphore(%arg14 : memref<!tpu.dma_semaphore, #tpu.memory_space<semaphore_mem>>)
    %dma_wait3A_238 = arith.constant 12288 : i32
    %dma_wait3A_239 = tpu.memref_slice %arg5[%dma_wait3A_238] : memref<13312xi32, #tpu.memory_space<vmem>> -> memref<1024xi32, #tpu.memory_space<vmem>>
    %dma_wait3A_240 = arith.constant 0 : i32
    %dma_wait3A_241 = arith.constant 0 : i32
    %dma_wait3A_242 = tpu.memref_slice %arg3[%dma_wait3A_240, %dma_wait3A_241] : memref<1000064x32xf32, #tpu.memory_space<hbm>> -> memref<1000064x32xf32, #tpu.memory_space<hbm>>
    tpu.wait_indirect_dma semaphore(%arg9 : memref<!tpu.dma_semaphore, #tpu.memory_space<semaphore_mem>>) src(%dma_wait3A_242 : memref<1000064x32xf32, #tpu.memory_space<hbm>>) dst(%arg6 : memref<1024x32xf32, #tpu.memory_space<vmem>>)
    %add3A_243 = arith.constant 12288 : i32
    %add3A_244 = arith.addi %mul3A_2, %add3A_243 : i32
    %dma_start3A_245 = arith.constant 0 : i32
    %dma_start3A_246 = tpu.memref_slice %arg4[%add3A_244, %dma_start3A_245] : memref<425984x32xf32, #tpu.memory_space<hbm>> -> memref<1024x32xf32, #tpu.memory_space<hbm>>
    %dma_start3A_247 = arith.constant 0 : i32
    %dma_start3A_248 = tpu.memref_slice %arg4[%add3A_244, %dma_start3A_247] : memref<425984x32xf32, #tpu.memory_space<hbm>> -> memref<1024x32xf32, #tpu.memory_space<hbm>>
    tpu.enqueue_dma source(%arg6 : memref<1024x32xf32, #tpu.memory_space<vmem>>) target(%dma_start3A_248 : memref<1024x32xf32, #tpu.memory_space<hbm>>) target_semaphore(%arg12 : memref<!tpu.dma_semaphore, #tpu.memory_space<semaphore_mem>>)
    %dma_wait3A_249 = arith.constant 0 : i32
    %dma_wait3A_250 = tpu.memref_slice %arg4[%add3A_222, %dma_wait3A_249] : memref<425984x32xf32, #tpu.memory_space<hbm>> -> memref<1024x32xf32, #tpu.memory_space<hbm>>
    %dma_wait3A_251 = arith.constant 0 : i32
    %dma_wait3A_252 = tpu.memref_slice %arg4[%add3A_222, %dma_wait3A_251] : memref<425984x32xf32, #tpu.memory_space<hbm>> -> memref<1024x32xf32, #tpu.memory_space<hbm>>
    tpu.wait_dma2 semaphore(%arg13 : memref<!tpu.dma_semaphore, #tpu.memory_space<semaphore_mem>>) src(%arg7 : memref<1024x32xf32, #tpu.memory_space<vmem>>) dst(%dma_wait3A_252 : memref<1024x32xf32, #tpu.memory_space<hbm>>)
    %dma_wait3A_253 = arith.constant 0 : i32
    %dma_wait3A_254 = tpu.memref_slice %arg4[%add3A_233, %dma_wait3A_253] : memref<425984x32xf32, #tpu.memory_space<hbm>> -> memref<1024x32xf32, #tpu.memory_space<hbm>>
    %dma_wait3A_255 = arith.constant 0 : i32
    %dma_wait3A_256 = tpu.memref_slice %arg4[%add3A_233, %dma_wait3A_255] : memref<425984x32xf32, #tpu.memory_space<hbm>> -> memref<1024x32xf32, #tpu.memory_space<hbm>>
    tpu.wait_dma2 semaphore(%arg14 : memref<!tpu.dma_semaphore, #tpu.memory_space<semaphore_mem>>) src(%arg8 : memref<1024x32xf32, #tpu.memory_space<vmem>>) dst(%dma_wait3A_256 : memref<1024x32xf32, #tpu.memory_space<hbm>>)
    %dma_wait3A_257 = arith.constant 0 : i32
    %dma_wait3A_258 = tpu.memref_slice %arg4[%add3A_244, %dma_wait3A_257] : memref<425984x32xf32, #tpu.memory_space<hbm>> -> memref<1024x32xf32, #tpu.memory_space<hbm>>
    %dma_wait3A_259 = arith.constant 0 : i32
    %dma_wait3A_260 = tpu.memref_slice %arg4[%add3A_244, %dma_wait3A_259] : memref<425984x32xf32, #tpu.memory_space<hbm>> -> memref<1024x32xf32, #tpu.memory_space<hbm>>
    tpu.wait_dma2 semaphore(%arg12 : memref<!tpu.dma_semaphore, #tpu.memory_space<semaphore_mem>>) src(%arg6 : memref<1024x32xf32, #tpu.memory_space<vmem>>) dst(%dma_wait3A_260 : memref<1024x32xf32, #tpu.memory_space<hbm>>)
    return
  }
}

</mosaic_0001>

<sc_bundles>
// kernel: kernel.4.cloned.1.call-start
scs
__scs_entry_jumppad:
0x0: {  	(pc) =	sbr.rel $0x88, $3  }
0x1: {  	(tag) =	ssettag $0x0;
	lr =	simm.s32 $0x1  }
0x2: {  	[smem:$0x3F9F] =	sst lr;
	_ =	strace $0xD0000000  }
0x3: {  	_ = 	snop  }
0x4: {  	_ = 	snop  }
0x5: {  	_ = 	snop  }
0x6: {  	_ = 	snop  }
0x7: {  	_ = 	snop  }
__scs_overlays_trampoline_lowered:
0x8: {  	[smem:$0x3FAE] =	sst s0  }
0x9: {  	[smem:$0x3FAF] =	sst s1  }
0xa: {  	[smem:$0x3FB0] =	sst s2  }
0xb: {  	[smem:$0x3FB1] =	sst s3  }
0xc: {  	[smem:$0x3FB2] =	sst s4  }
0xd: {  	[smem:$0x3FB3] =	sst s5  }
0xe: {  	[smem:$0x3FB4] =	sst s6  }
0xf: {  	[smem:$0x3FB5] =	sst s7  }
0x10: {  	[smem:$0x3FB6] =	sst s8  }
0x11: {  	[smem:$0x3FB7] =	sst s9;
	s0 =	simm.s32 @!p0 $0x0  }
0x12: {  	s1 =	sld [smem:$0x3F9D];
	s0 =	simm.s32 @p0 $0x1  }
0x13: {  	[smem:$0x3FB8] =	sst s0;
	s0 =	simm.s32 @!p1 $0x0  }
0x14: {  	s2 =	sld [smem:$0x3F9C];
	s0 =	simm.s32 @p1 $0x1  }
0x15: {  	[smem:$0x3FB9] =	sst s0;
	s0 =	simm.s32 @!p2 $0x0  }
0x16: {  	s3 =	sld [smem:$0x3FDB];
	s0 =	simm.s32 @p2 $0x1  }
0x17: {  	s4 =	simm.s32 $0x1BF5;
	[smem:$0x3FBB] =	sst s0  }
0x18: {  	s0 =	sld [smem:$0x3F9E];
	_ =	swait.ge [sflag:s4], $0x0  }
0x19: {  	s7 =	sld [smem:$0x3F9F]  }
0x1a: {  	s8 =	sadd.s32 $0xFFFFE003, lr  }
0x1b: {  	s9 =	sadd.s32 $0xFFFFFEF7, lr;
	s5 =	simm.s32 $0xFFFFFFFF;
	p2 =	slt.u32 s8, $0xFFFFF086  }
0x1c: {  	p1 =	slt.u32 s9, $0xF7A;
	s5 =	simm.s32 @!p2 $0x0  }
0x1d: {  	s5 =	simm.s32 @p1 $0x1;
	p0 =	seq.s32 s7, s2  }
0x1e: {  	s7 =	smul.u32 @!p0 $0xF7A, s2;
	p2 =	seq.s32 @!p0 s5, $0x0  }
0x1f: {  	s9 =	smul.u32 $0xF7A, s1;
	s8 =	simm.s32 @!p0 $0x1BF5;
	p2 =	por !p2, p0  }
0x20: {  	[sflag:s8] =	ssyncset.s32 @!p0 $0xFFFFF086;
	s6 =	sadd.s32 @!p0 s3, s7;
	s7 =	simm.s32 @!p0 $0x108  }
0x21: {  	s3 =	sadd.s32 s3, s9;
	s6 =	sadd.s32 @!p0 $0x88, s6;
	s7 =	simm.s32 @p2 $0x1082  }
0x22: {  	[simem:s7], [sflag:s8] =	dma.local @!p0 [hbm:s6], $0xF7A  }
0x23: {  	s9 =	sor.u32 $0xD0000000, s2;
	s6 =	simm.s32 $0x108;
	_ =	swait.ge @!p0 [sflag:s8], $0x0  }
0x24: {  	s3 =	sadd.s32 $0x88, s3;
	s6 =	simm.s32 @!p1 $0x1082;
	[sflag:s4] =	ssyncset.s32 $0xFFFFF086  }
0x25: {  	[simem:s6], [sflag:s4] =	dma.local [hbm:s3], $0xF7A  }
0x26: {  	[smem:$0x3F9F] =	sst s1;
	(tag) =	ssettag s2;
	_ =	strace s9  }
0x27: {  	s1 =	sld [smem:$0x3FAF]  }
0x28: {  	s2 =	sld [smem:$0x3FB0]  }
0x29: {  	s4 =	sld [smem:$0x3FB2]  }
0x2a: {  	p0 =	seq.s32 s5, $0x0;
	s5 =	sld [smem:$0x3FB3]  }
0x2b: {  	s6 =	sld [smem:$0x3FB4]  }
0x2c: {  	s7 =	sld [smem:$0x3FB5]  }
0x2d: {  	s3 =	simm.s32 $0x108;
	s8 =	sld [smem:$0x3FB6]  }
0x2e: {  	s3 =	simm.s32 @!p0 $0x1082;
	s9 =	sld [smem:$0x3FB7]  }
0x2f: {  	lr =	sadd.s32 s0, s3;
	s0 =	sld [smem:$0x3FAE]  }
0x30: {  	s3 =	sld [smem:$0x3FB1]  }
0x31: {  	[smem:$0x3FBA] =	sst s10  }
0x32: {  	s10 =	sld [smem:$0x3FB8];
	_ =	sdelay $0x3  }
0x33: {  	p0 =	seq.s32 s10, $0x1;
	s10 =	sld [smem:$0x3FBA];
	_ =	sdelay $0x3  }
0x34: {  	[smem:$0x3FBA] =	sst s10  }
0x35: {  	s10 =	sld [smem:$0x3FB9];
	_ =	sdelay $0x3  }
0x36: {  	p1 =	seq.s32 s10, $0x1;
	s10 =	sld [smem:$0x3FBA];
	_ =	sdelay $0x3  }
0x37: {  	[smem:$0x3FBA] =	sst s10  }
0x38: {  	s10 =	sld [smem:$0x3FBB]  }
0x39: {  	_ = 	snop;
	(pc) =	sbr.ind lr, $3  }
0x3a: {  	_ = 	snop  }
0x3b: {  	_ = 	snop  }
0x3c: {  	p2 =	seq.s32 s10, $0x1;
	s10 =	sld [smem:$0x3FBA]  }
0x3d: {  	_ =	shalt  }
0x3e: {  	_ =	shalt  }
0x3f: {  	_ =	shalt  }
0x40: {  	_ =	shalt  }
0x41: {  	_ =	shalt  }
0x42: {  	_ =	shalt  }
0x43: {  	_ =	shalt  }
0x44: {  	_ =	shalt  }
0x45: {  	_ =	shalt  }
0x46: {  	_ =	shalt  }
0x47: {  	_ =	shalt  }
0x48: {  	_ =	shalt  }
0x49: {  	_ =	shalt  }
0x4a: {  	_ =	shalt  }
0x4b: {  	_ =	shalt  }
0x4c: {  	_ =	shalt  }
0x4d: {  	_ =	shalt  }
0x4e: {  	_ =	shalt  }
0x4f: {  	_ =	shalt  }
0x50: {  	_ =	shalt  }
0x51: {  	_ =	shalt  }
0x52: {  	_ =	shalt  }
0x53: {  	_ =	shalt  }
0x54: {  	_ =	shalt  }
0x55: {  	_ =	shalt  }
0x56: {  	_ =	shalt  }
0x57: {  	_ =	shalt  }
0x58: {  	_ =	shalt  }
0x59: {  	_ =	shalt  }
0x5a: {  	_ =	shalt  }
0x5b: {  	_ =	shalt  }
0x5c: {  	_ =	shalt  }
0x5d: {  	_ =	shalt  }
0x5e: {  	_ =	shalt  }
0x5f: {  	_ =	shalt  }
0x60: {  	_ =	shalt  }
0x61: {  	_ =	shalt  }
0x62: {  	_ =	shalt  }
0x63: {  	_ =	shalt  }
0x64: {  	_ =	shalt  }
0x65: {  	_ =	shalt  }
0x66: {  	_ =	shalt  }
0x67: {  	_ =	shalt  }
0x68: {  	_ =	shalt  }
0x69: {  	_ =	shalt  }
0x6a: {  	_ =	shalt  }
0x6b: {  	_ =	shalt  }
0x6c: {  	_ =	shalt  }
0x6d: {  	_ =	shalt  }
0x6e: {  	_ =	shalt  }
0x6f: {  	_ =	shalt  }
0x70: {  	_ =	shalt  }
0x71: {  	_ =	shalt  }
0x72: {  	_ =	shalt  }
0x73: {  	_ =	shalt  }
0x74: {  	_ =	shalt  }
0x75: {  	_ =	shalt  }
0x76: {  	_ =	shalt  }
0x77: {  	_ =	shalt  }
0x78: {  	_ =	shalt  }
0x79: {  	_ =	shalt  }
0x7a: {  	_ =	shalt  }
0x7b: {  	_ =	shalt  }
0x7c: {  	_ =	shalt  }
0x7d: {  	_ =	shalt  }
0x7e: {  	_ =	shalt  }
0x7f: {  	_ =	shalt  }
0x80: {  	_ =	shalt  }
0x81: {  	_ =	shalt  }
0x82: {  	_ =	shalt  }
0x83: {  	_ =	shalt  }
0x84: {  	_ =	shalt  }
0x85: {  	_ =	shalt  }
0x86: {  	_ =	shalt  }
0x87: {  	_ =	shalt  }
.Lfunc_end0:
.L_simem_size_0:
called_computation.1_lowered:
.L_overlay_start_0:
0x88: {  	s2 =	sld [smem:$0x3FD9]  }
0x89: {  	s3 =	sld [smem:$0x3FFE];
	_ =	sdelay $0x1  }
0x8a: {  	s1 =	srdreg.scid  }
0x8b: {  	s0 =	sand.u32 $0x1, s1  }
0x8c: {  	s17 =	sshll.u32 s0, $0xA;
	s2 =	sadd.s32 s3, s2  }
0x8d: {  	s2 =	sadd.s32 s2, s17  }
0x8e: {  	[smem:$0x3FC6] =	sst s2  }
0x8f: {  	_ = 	snop  }
0x90: {  	s2 =	sld [smem:$0x3FC8]  }
0x91: {  	s18 =	sld [smem:$0x3FD0];
	(tm) =	ssettm $0x1  }
0x92: {  	s4 =	sld [smem:$0x3FFB];
	_ =	sdelay $0x3  }
0x93: {  	_ =	strace s4  }
0x94: {  	s4 =	sld [smem:$0x3FFC];
	_ =	sdelay $0x3  }
0x95: {  	_ =	strace s4  }
0x96: {  	s4 =	sld [smem:$0x3FFD];
	_ =	sdelay $0x3  }
0x97: {  	_ =	strace s4  }
0x98: {  	_ =	strace $0x8FFFFFFF  }
0x99: {  	s19 =	sld [smem:$0x3FDB];
	_ =	sdelay $0x1  }
0x9a: {  	s5 =	simm.s32 $_scs_section_size  }
0x9b: {  	s6 =	simm.s32 $_size__tile_overlayer_lowered;
	s7 =	simm.s32 $_tile_overlayer_lowered  }
0x9c: {  	s22 =	simm.s32 $0x1BFF;
	s21 =	sshll.u32 s7, $0x1;
	s4 =	sadd.s32 s5, s19  }
0x9d: {  	s8 =	simm.s32 $0x0;
	s20 =	sshll.u32 s6, $0x1;
	s6 =	sadd.s32 s21, s4  }
0x9e: {  	[timem:s8], [sflag:s22] =	dma.local [hbm:s6], s20  }
0x9f: {  	_ =	swait.ge [sflag:s22], s20  }
0xa0: {  	s5 =	ssub.s32 $0x0, s20;
	[sflag:s22] =	ssyncset.done $0x0  }
0xa1: {  	[sflag:s22] =	ssyncadd.s32 s5;
	_ =	sdelay $0x1  }
0xa2: {  	s23 =	simm.s32 $0x1B8B  }
0xa3: {  	_ =	swait.ge [sflag:s23], $0x1  }
0xa4: {  	[sflag:s23] =	ssyncset.done $0x0  }
0xa5: {  	s25 =	simm.s32 $0x1B8E;
	s24 =	sld [smem:$0x3FFE];
	[sflag:s23] =	ssyncadd.s32 $0xFFFFFFFF  }
0xa6: {  	s26 =	simm.s32 $execute0_lowered;
	[smem:$0x3FD2] =	sst s25  }
0xa7: {  	s6 =	sshll.u32 s26, $0x1;
	_ =	strace $0x80000046;
	[dreg:$0x1] =	wrdreg $0xFFFFFFFF  }
0xa8: {  	s28 =	simm.s32 $_size_execute0_lowered;
	s4 =	sadd.s32 s4, s6;
	[dreg:$0x0] =	wrdreg $0x0  }
0xa9: {  	s6 =	sshll.u32 s28, $0x1;
	[dreg:$0x2] =	wrdreg s4  }
0xaa: {  	[dreg:$0x3] =	wrdreg s6  }
0xab: {  	[dreg:$0x4] =	wrdreg $0xC0  }
0xac: {  	_ =	task [dreg:s8], $0x5FFFF  }
0xad: {  	[dreg:$0x1] =	wrdreg $0xFFFFFFFF  }
0xae: {  	[dreg:$0x0] =	wrdreg $0x60  }
0xaf: {  	[dreg:$0x2] =	wrdreg s2  }
0xb0: {  	[dreg:$0x3] =	wrdreg s18  }
0xb1: {  	[dreg:$0x4] =	wrdreg s24  }
0xb2: {  	[dreg:$0x5] =	wrdreg $0x9  }
0xb3: {  	_ =	task.clear_ibuf [dreg:s8], $0x6FFFF;
	_ =	strace $0x90000046  }
0xb4: {  	s29 =	simm.s32 $0x9;
	_ =	strace $0x80000048  }
0xb5: {  	_ =	swait.ge [sflag:s29], $0x1  }
0xb6: {  	[sflag:s29] =	ssyncadd.s32 $0xFFFFFFFF  }
0xb7: {  	_ =	strace $0x90000048  }
0xb8: {  	_ =	sfence  }
0xb9: {  	s30 =	sld [smem:$0x0];
	_ =	sdelay $0x2  }
0xba: {  	s31 =	sshll.u32 s1, $0xD;
	s1 =	sshrl.u32 s1, $0x2  }
0xbb: {  	s3 =	sand.u32 $0x4000, s31;
	s1 =	sadd.s32 s1, s30  }
0xbc: {  	s0 =	sor.u32 s3, s0;
	s1 =	sshll.u32 s1, $0x11  }
0xbd: {  	s0 =	sor.u32 s1, s0  }
0xbe: {  	s0 =	sadd.s32 $0x8F2B, s0  }
0xbf: {  	[sflag:s0] =	ssyncadd.remote.s32 $0x1  }
0xc0: {  	_ =	sfence.sel $0xFFFF  }
0xc1: {  	[dreg:$0x0] =	wrdreg $0xFFFFFFFF;
	(pc) =	sbr.abs _section_cstart, $3  }
0xc2: {  	[dreg:$0x1] =	wrdreg $0xFFFFFFFF  }
0xc3: {  	_ =	task.clear_ibuf [dreg:s8], $0x2FFFF;
	_ =	strace $0x9FFFFFFF  }
0xc4: {  	(tm) =	ssettm $0x7FFFFFFF  }
0xc5: {  	_ =	shalt  }
tec
execute0_lowered:
.L_overlay_start_1:
0x0: {  	(tag) =	ssettag $0x1  }
0x1: {  	vm2 =	vcmask $0x300;
	v0 =	vimm.s32 $0x1F80  }
0x2: {  	v1 =	vimm.s32 $0x14131211;
	v2 =	vimm.s32 $0x18171615;
	vm0 =	vcmask $0x704  }
0x3: {  	vm1 =	vcmask $0x1F10;
	v53 =	vimm.s32 $0x1C1B1A19;
	v55 =	vimm.s32 $0x1F1E1D  }
0x4: {  	v56 =	vimm.s32 $0x15141312;
	v3 =	vimm.s32 $0x19181716;
	v58 =	vimm.s32 $0x1D1C1B1A  }
0x5: {  	v59 =	vimm.s32 $0x1001F1E;
	v4 =	vimm.s32 $0x16151413;
	v61 =	vimm.s32 $0x1A191817  }
0x6: {  	v62 =	vimm.s32 $0x1E1D1C1B;
	v5 =	vimm.s32 $0x201001F;
	v9 =	vimm.s32 $0x3020100  }
0x7: {  	v10 =	vimm.s32 $0x1F1E1D1C;
	v11 =	vimm.s32 $0x17161514;
	v13 =	vimm.s32 $0x5040302  }
0x8: {  	v19 =	vimm.s32 $0x6050403;
	vm13 =	vcmask $0xB08;
	v20 =	vimm.s32 $0x3A80  }
0x9: {  	v21 =	vimm.s32 $0x3B00;
	v22 =	vimm.s32 $0x3B80;
	v23 =	vimm.s32 $0x5400  }
0xa: {  	v24 =	vimm.s32 $0x5480;
	v25 =	vimm.s32 $0x5500;
	v26 =	vimm.s32 $0x5580  }
0xb: {  	v27 =	vimm.s32 $0x5600;
	v28 =	vimm.s32 $0x5680;
	v30 =	vimm.s32 $0x5700  }
0xc: {  	v31 =	vimm.s32 $0x5780;
	v35 =	vimm.s32 $0x0;
	v36 =	vimm.s32 $0x80  }
0xd: {  	v37 =	vimm.s32 $0x100;
	v38 =	vimm.s32 $0x180;
	v39 =	vimm.s32 $0x200  }
0xe: {  	v40 =	vimm.s32 $0x280;
	v41 =	vimm.s32 $0x300;
	v42 =	vimm.s32 $0x380  }
0xf: {  	v43 =	vimm.s32 $0x1C00;
	v44 =	vimm.s32 $0x1C80;
	v45 =	vimm.s32 $0x1D00  }
0x10: {  	v46 =	vimm.s32 $0x1D80;
	v47 =	vimm.s32 $0x1E00;
	v49 =	vimm.s32 $0x1E80  }
0x11: {  	v50 =	vimm.s32 $0x1F00;
	vm14 =	vcmask $0xF0C;
	vm15 =	vcmask $0x1310  }
0x12: {  	vm4 =	vcmask $0x1714;
	vm5 =	vcmask $0x1B18;
	vm6 =	vcmask $0x1F1C  }
0x13: {  	vm7 =	vcmask $0x2320;
	vm8 =	vcmask $0x2724;
	vm9 =	vcmask $0x2B28  }
0x14: {  	vm10 =	vcmask $0x2F2C;
	vm11 =	vcmask $0x3330;
	vm12 =	vcmask $0x3734  }
0x15: {  	v0 =	vsel vm2, $0x0, v0;
	v1 =	vunpack.c.0.s8.s32 v1;
	v6 =	vunpack.c.0.s8.s32 v2  }
0x16: {  	v7 =	vunpack.c.0.s8.s32 v53;
	v33 =	vunpack.c.0.s8.s32 v55;
	v57 =	vunpack.c.0.s8.s32 v56  }
0x17: {  	v8 =	vunpack.c.0.s8.s32 v3;
	v12 =	vunpack.c.0.s8.s32 v58;
	v34 =	vunpack.c.0.s8.s32 v59  }
0x18: {  	v60 =	vunpack.c.0.s8.s32 v4;
	v15 =	vunpack.c.0.s8.s32 v61;
	v16 =	vunpack.c.0.s8.s32 v62  }
0x19: {  	v32 =	vunpack.c.0.s8.s32 v5;
	v9 =	vunpack.c.0.s8.s32 v9;
	v29 =	vunpack.c.0.s8.s32 v10  }
0x1a: {  	v10 =	vunpack.c.0.s8.s32 v11;
	v11 =	vimm.s32 $0x1B1A1918;
	v18 =	vunpack.c.0.s8.s32 v13  }
0x1b: {  	v19 =	vunpack.c.0.s8.s32 v19;
	v20 =	vsel vm2, $0x300, v20;
	v21 =	vsel vm2, $0x380, v21  }
0x1c: {  	v22 =	vsel vm2, $0x1C00, v22;
	v23 =	vsel vm2, $0x1C80, v23;
	v24 =	vsel vm2, $0x1D00, v24  }
0x1d: {  	v25 =	vsel vm2, $0x1D80, v25;
	v26 =	vsel vm2, $0x1E00, v26;
	v27 =	vsel vm2, $0x1E80, v27  }
0x1e: {  	v28 =	vsel vm2, $0x1F00, v28;
	v30 =	vsel vm2, $0x1F80, v30;
	v31 =	vsel vm2, $0x3800, v31  }
0x1f: {  	v35 =	vsel vm2, $0x3880, v35;
	v36 =	vsel vm2, $0x3900, v36;
	v37 =	vsel vm2, $0x3980, v37  }
0x20: {  	v38 =	vsel vm2, $0x3A00, v38;
	v39 =	vsel vm2, $0x3A80, v39;
	v40 =	vsel vm2, $0x3B00, v40  }
0x21: {  	v41 =	vsel vm2, $0x3B80, v41;
	v42 =	vsel vm2, $0x5400, v42;
	v43 =	vsel vm2, $0x5480, v43  }
0x22: {  	v44 =	vsel vm2, $0x5500, v44;
	v45 =	vsel vm2, $0x5580, v45;
	v46 =	vsel vm2, $0x5600, v46  }
0x23: {  	v47 =	vsel vm2, $0x5680, v47;
	v49 =	vsel vm2, $0x5700, v49;
	v50 =	vsel vm2, $0x5780, v50  }
0x24: {  	v14 =	vsel vm0, $0x80, v0;
	v17 =	vunpack.c.0.s8.s32 v11;
	v11 =	vimm.s32 $0x4030201  }
0x25: {  	v20 =	vsel vm0, $0x380, v20;
	v21 =	vsel vm0, $0x1C00, v21;
	v22 =	vsel vm0, $0x1C80, v22  }
0x26: {  	v23 =	vsel vm0, $0x1D00, v23;
	v24 =	vsel vm0, $0x1D80, v24;
	v25 =	vsel vm0, $0x1E00, v25  }
0x27: {  	v26 =	vsel vm0, $0x1E80, v26;
	v27 =	vsel vm0, $0x1F00, v27;
	v28 =	vsel vm0, $0x1F80, v28  }
0x28: {  	v30 =	vsel vm0, $0x3800, v30;
	v31 =	vsel vm0, $0x3880, v31;
	v35 =	vsel vm0, $0x3900, v35  }
0x29: {  	v36 =	vsel vm0, $0x3980, v36;
	v37 =	vsel vm0, $0x3A00, v37;
	v38 =	vsel vm0, $0x3A80, v38  }
0x2a: {  	v39 =	vsel vm0, $0x3B00, v39;
	v40 =	vsel vm0, $0x3B80, v40;
	v41 =	vsel vm0, $0x5400, v41  }
0x2b: {  	v42 =	vsel vm0, $0x5480, v42;
	v43 =	vsel vm0, $0x5500, v43;
	v44 =	vsel vm0, $0x5580, v44  }
0x2c: {  	v45 =	vsel vm0, $0x5600, v45;
	v46 =	vsel vm0, $0x5680, v46;
	v47 =	vsel vm0, $0x5700, v47  }
0x2d: {  	v49 =	vsel vm0, $0x5780, v49;
	v50 =	vsel vm0, $0x0, v50;
	v54 =	vsel vm1, v6, v1  }
0x2e: {  	v5 =	vsel vm1, v33, v7;
	v4 =	vsel vm1, v8, v57;
	v3 =	vsel vm1, v34, v12  }
0x2f: {  	v58 =	vsel vm1, v15, v60;
	v2 =	vsel vm1, v32, v16;
	v11 =	vunpack.c.0.s8.s32 v11  }
0x30: {  	v13 =	vsel vm1, v9, v29;
	v0 =	vsel vm1, v12, v8;
	v1 =	vsel vm1, v16, v15  }
0x31: {  	v15 =	vimm.s32 $0x3800;
	v14 =	vsel vm13, $0x100, v14;
	v16 =	vimm.s32 $0x3880  }
0x32: {  	v20 =	vsel vm13, $0x1C00, v20;
	v21 =	vsel vm13, $0x1C80, v21;
	v22 =	vsel vm13, $0x1D00, v22  }
0x33: {  	v23 =	vsel vm13, $0x1D80, v23;
	v24 =	vsel vm13, $0x1E00, v24;
	v25 =	vsel vm13, $0x1E80, v25  }
0x34: {  	v26 =	vsel vm13, $0x1F00, v26;
	v27 =	vsel vm13, $0x1F80, v27;
	v28 =	vsel vm13, $0x3800, v28  }
0x35: {  	v30 =	vsel vm13, $0x3880, v30;
	v31 =	vsel vm13, $0x3900, v31;
	v35 =	vsel vm13, $0x3980, v35  }
0x36: {  	v36 =	vsel vm13, $0x3A00, v36;
	v37 =	vsel vm13, $0x3A80, v37;
	v38 =	vsel vm13, $0x3B00, v38  }
0x37: {  	v39 =	vsel vm13, $0x3B80, v39;
	v40 =	vsel vm13, $0x5400, v40;
	v41 =	vsel vm13, $0x5480, v41  }
0x38: {  	v42 =	vsel vm13, $0x5500, v42;
	v43 =	vsel vm13, $0x5580, v43;
	v44 =	vsel vm13, $0x5600, v44  }
0x39: {  	v45 =	vsel vm13, $0x5680, v45;
	v46 =	vsel vm13, $0x5700, v46;
	v47 =	vsel vm13, $0x5780, v47  }
0x3a: {  	v49 =	vsel vm13, $0x0, v49;
	v50 =	vsel vm13, $0x80, v50;
	v48 =	vsel vm1, v17, v10  }
0x3b: {  	v10 =	vsel vm1, v7, v6;
	v7 =	vsel vm1, v19, v32;
	v6 =	vsel vm1, v29, v17  }
0x3c: {  	v15 =	vsel vm2, $0x80, v15;
	v16 =	vsel vm2, $0x100, v16;
	v17 =	vimm.s32 $0x3900  }
0x3d: {  	v19 =	vimm.s32 $0x3A00;
	v14 =	vsel vm14, $0x180, v14;
	v20 =	vsel vm14, $0x1C80, v20  }
0x3e: {  	v21 =	vsel vm14, $0x1D00, v21;
	v22 =	vsel vm14, $0x1D80, v22;
	v23 =	vsel vm14, $0x1E00, v23  }
0x3f: {  	v24 =	vsel vm14, $0x1E80, v24;
	v25 =	vsel vm14, $0x1F00, v25;
	v26 =	vsel vm14, $0x1F80, v26  }
0x40: {  	v27 =	vsel vm14, $0x3800, v27;
	v28 =	vsel vm14, $0x3880, v28;
	v30 =	vsel vm14, $0x3900, v30  }
0x41: {  	v31 =	vsel vm14, $0x3980, v31;
	v35 =	vsel vm14, $0x3A00, v35;
	v36 =	vsel vm14, $0x3A80, v36  }
0x42: {  	v37 =	vsel vm14, $0x3B00, v37;
	v38 =	vsel vm14, $0x3B80, v38;
	v39 =	vsel vm14, $0x5400, v39  }
0x43: {  	v42 =	vsel vm14, $0x5580, v42;
	v44 =	vsel vm14, $0x5680, v44;
	v45 =	vsel vm14, $0x5700, v45  }
0x44: {  	v49 =	vsel vm14, $0x80, v49;
	v9 =	vsel vm1, v11, v33;
	v11 =	vsel vm1, v18, v34  }
0x45: {  	v18 =	vimm.s32 $0x3980;
	v17 =	vsel vm2, $0x180, v17;
	v19 =	vsel vm2, $0x280, v19  }
0x46: {  	v15 =	vsel vm0, $0x100, v15;
	v16 =	vsel vm0, $0x180, v16;
	v14 =	vsel vm15, $0x200, v14  }
0x47: {  	v20 =	vsel vm15, $0x1D00, v20;
	v21 =	vsel vm15, $0x1D80, v21;
	v22 =	vsel vm15, $0x1E00, v22  }
0x48: {  	v23 =	vsel vm15, $0x1E80, v23;
	v24 =	vsel vm15, $0x1F00, v24;
	v25 =	vsel vm15, $0x1F80, v25  }
0x49: {  	v26 =	vsel vm15, $0x3800, v26;
	v27 =	vsel vm15, $0x3880, v27;
	v28 =	vsel vm15, $0x3900, v28  }
0x4a: {  	v30 =	vsel vm15, $0x3980, v30;
	v31 =	vsel vm15, $0x3A00, v31;
	v35 =	vsel vm15, $0x3A80, v35  }
0x4b: {  	v36 =	vsel vm15, $0x3B00, v36;
	v37 =	vsel vm15, $0x3B80, v37;
	v38 =	vsel vm15, $0x5400, v38  }
0x4c: {  	v39 =	vsel vm15, $0x5480, v39;
	v42 =	vsel vm15, $0x5600, v42;
	v44 =	vsel vm15, $0x5700, v44  }
0x4d: {  	v45 =	vsel vm15, $0x5780, v45;
	v49 =	vsel vm15, $0x100, v49;
	v18 =	vsel vm2, $0x200, v18  }
0x4e: {  	v17 =	vsel vm0, $0x200, v17;
	v19 =	vsel vm0, $0x300, v19;
	v15 =	vsel vm13, $0x180, v15  }
0x4f: {  	v16 =	vsel vm13, $0x200, v16;
	v14 =	vsel vm4, $0x280, v14;
	v20 =	vsel vm4, $0x1D80, v20  }
0x50: {  	v21 =	vsel vm4, $0x1E00, v21;
	v22 =	vsel vm4, $0x1E80, v22;
	v23 =	vsel vm4, $0x1F00, v23  }
0x51: {  	v24 =	vsel vm4, $0x1F80, v24;
	v25 =	vsel vm4, $0x3800, v25;
	v26 =	vsel vm4, $0x3880, v26  }
0x52: {  	v27 =	vsel vm4, $0x3900, v27;
	v28 =	vsel vm4, $0x3980, v28;
	v30 =	vsel vm4, $0x3A00, v30  }
0x53: {  	v31 =	vsel vm4, $0x3A80, v31;
	v35 =	vsel vm4, $0x3B00, v35;
	v36 =	vsel vm4, $0x3B80, v36  }
0x54: {  	v37 =	vsel vm4, $0x5400, v37;
	v38 =	vsel vm4, $0x5480, v38;
	v39 =	vsel vm4, $0x5500, v39  }
0x55: {  	v42 =	vsel vm4, $0x5680, v42;
	v44 =	vsel vm4, $0x5780, v44;
	v45 =	vsel vm4, $0x0, v45  }
0x56: {  	v49 =	vsel vm4, $0x180, v49;
	v18 =	vsel vm0, $0x280, v18;
	v17 =	vsel vm13, $0x280, v17  }
0x57: {  	v19 =	vsel vm13, $0x380, v19;
	v15 =	vsel vm14, $0x200, v15;
	v16 =	vsel vm14, $0x280, v16  }
0x58: {  	v14 =	vsel vm5, $0x300, v14;
	v20 =	vsel vm5, $0x1E00, v20;
	v21 =	vsel vm5, $0x1E80, v21  }
0x59: {  	v22 =	vsel vm5, $0x1F00, v22;
	v23 =	vsel vm5, $0x1F80, v23;
	v24 =	vsel vm5, $0x3800, v24  }
0x5a: {  	v25 =	vsel vm5, $0x3880, v25;
	v26 =	vsel vm5, $0x3900, v26;
	v27 =	vsel vm5, $0x3980, v27  }
0x5b: {  	v28 =	vsel vm5, $0x3A00, v28;
	v30 =	vsel vm5, $0x3A80, v30;
	v31 =	vsel vm5, $0x3B00, v31  }
0x5c: {  	v35 =	vsel vm5, $0x3B80, v35;
	v36 =	vsel vm5, $0x5400, v36;
	v37 =	vsel vm5, $0x5480, v37  }
0x5d: {  	v38 =	vsel vm5, $0x5500, v38;
	v39 =	vsel vm5, $0x5580, v39;
	v42 =	vsel vm5, $0x5700, v42  }
0x5e: {  	v44 =	vsel vm5, $0x0, v44;
	v45 =	vsel vm5, $0x80, v45;
	v49 =	vsel vm5, $0x200, v49  }
0x5f: {  	v18 =	vsel vm13, $0x300, v18;
	v17 =	vsel vm14, $0x300, v17;
	v19 =	vsel vm14, $0x1C00, v19  }
0x60: {  	v15 =	vsel vm15, $0x280, v15;
	v16 =	vsel vm15, $0x300, v16;
	v14 =	vsel vm6, $0x380, v14  }
0x61: {  	v20 =	vsel vm6, $0x1E80, v20;
	v21 =	vsel vm6, $0x1F00, v21;
	v22 =	vsel vm6, $0x1F80, v22  }
0x62: {  	v23 =	vsel vm6, $0x3800, v23;
	v24 =	vsel vm6, $0x3880, v24;
	v25 =	vsel vm6, $0x3900, v25  }
0x63: {  	v26 =	vsel vm6, $0x3980, v26;
	v27 =	vsel vm6, $0x3A00, v27;
	v28 =	vsel vm6, $0x3A80, v28  }
0x64: {  	v30 =	vsel vm6, $0x3B00, v30;
	v31 =	vsel vm6, $0x3B80, v31;
	v35 =	vsel vm6, $0x5400, v35  }
0x65: {  	v36 =	vsel vm6, $0x5480, v36;
	v37 =	vsel vm6, $0x5500, v37;
	v38 =	vsel vm6, $0x5580, v38  }
0x66: {  	v39 =	vsel vm6, $0x5600, v39;
	v42 =	vsel vm6, $0x5780, v42;
	v44 =	vsel vm6, $0x80, v44  }
0x67: {  	v45 =	vsel vm6, $0x100, v45;
	v49 =	vsel vm6, $0x280, v49;
	vm13 =	vcmask $0x3B38  }
0x68: {  	v18 =	vsel vm14, $0x380, v18;
	v17 =	vsel vm15, $0x380, v17;
	v19 =	vsel vm15, $0x1C80, v19  }
0x69: {  	v15 =	vsel vm4, $0x300, v15;
	v16 =	vsel vm4, $0x380, v16;
	v14 =	vsel vm7, $0x1C00, v14  }
0x6a: {  	v20 =	vsel vm7, $0x1F00, v20;
	v21 =	vsel vm7, $0x1F80, v21;
	v22 =	vsel vm7, $0x3800, v22  }
0x6b: {  	v23 =	vsel vm7, $0x3880, v23;
	v24 =	vsel vm7, $0x3900, v24;
	v25 =	vsel vm7, $0x3980, v25  }
0x6c: {  	v26 =	vsel vm7, $0x3A00, v26;
	v27 =	vsel vm7, $0x3A80, v27;
	v28 =	vsel vm7, $0x3B00, v28  }
0x6d: {  	v30 =	vsel vm7, $0x3B80, v30;
	v31 =	vsel vm7, $0x5400, v31;
	v35 =	vsel vm7, $0x5480, v35  }
0x6e: {  	v36 =	vsel vm7, $0x5500, v36;
	v37 =	vsel vm7, $0x5580, v37;
	v38 =	vsel vm7, $0x5600, v38  }
0x6f: {  	v39 =	vsel vm7, $0x5680, v39;
	v42 =	vsel vm7, $0x0, v42;
	v44 =	vsel vm7, $0x100, v44  }
0x70: {  	v45 =	vsel vm7, $0x180, v45;
	v49 =	vsel vm7, $0x300, v49;
	v18 =	vsel vm15, $0x1C00, v18  }
0x71: {  	v17 =	vsel vm4, $0x1C00, v17;
	v19 =	vsel vm4, $0x1D00, v19;
	v15 =	vsel vm5, $0x380, v15  }
0x72: {  	v16 =	vsel vm5, $0x1C00, v16;
	v14 =	vsel vm8, $0x1C80, v14;
	v20 =	vsel vm8, $0x1F80, v20  }
0x73: {  	v21 =	vsel vm8, $0x3800, v21;
	v22 =	vsel vm8, $0x3880, v22;
	v23 =	vsel vm8, $0x3900, v23  }
0x74: {  	v24 =	vsel vm8, $0x3980, v24;
	v25 =	vsel vm8, $0x3A00, v25;
	v26 =	vsel vm8, $0x3A80, v26  }
0x75: {  	v27 =	vsel vm8, $0x3B00, v27;
	v28 =	vsel vm8, $0x3B80, v28;
	v30 =	vsel vm8, $0x5400, v30  }
0x76: {  	v31 =	vsel vm8, $0x5480, v31;
	v35 =	vsel vm8, $0x5500, v35;
	v36 =	vsel vm8, $0x5580, v36  }
0x77: {  	v37 =	vsel vm8, $0x5600, v37;
	v38 =	vsel vm8, $0x5680, v38;
	v39 =	vsel vm8, $0x5700, v39  }
0x78: {  	v42 =	vsel vm8, $0x80, v42;
	v44 =	vsel vm8, $0x180, v44;
	v45 =	vsel vm8, $0x200, v45  }
0x79: {  	v49 =	vsel vm8, $0x380, v49;
	v18 =	vsel vm4, $0x1C80, v18;
	v17 =	vsel vm5, $0x1C80, v17  }
0x7a: {  	v19 =	vsel vm5, $0x1D80, v19;
	v15 =	vsel vm6, $0x1C00, v15;
	v16 =	vsel vm6, $0x1C80, v16  }
0x7b: {  	v14 =	vsel vm9, $0x1D00, v14;
	v20 =	vsel vm9, $0x3800, v20;
	v21 =	vsel vm9, $0x3880, v21  }
0x7c: {  	v22 =	vsel vm9, $0x3900, v22;
	v23 =	vsel vm9, $0x3980, v23;
	v24 =	vsel vm9, $0x3A00, v24  }
0x7d: {  	v25 =	vsel vm9, $0x3A80, v25;
	v26 =	vsel vm9, $0x3B00, v26;
	v27 =	vsel vm9, $0x3B80, v27  }
0x7e: {  	v28 =	vsel vm9, $0x5400, v28;
	v30 =	vsel vm9, $0x5480, v30;
	v31 =	vsel vm9, $0x5500, v31  }
0x7f: {  	v35 =	vsel vm9, $0x5580, v35;
	v36 =	vsel vm9, $0x5600, v36;
	v37 =	vsel vm9, $0x5680, v37  }
0x80: {  	v38 =	vsel vm9, $0x5700, v38;
	v39 =	vsel vm9, $0x5780, v39;
	v42 =	vsel vm9, $0x100, v42  }
0x81: {  	v44 =	vsel vm9, $0x200, v44;
	v45 =	vsel vm9, $0x280, v45;
	v49 =	vsel vm9, $0x1C00, v49  }
0x82: {  	v18 =	vsel vm5, $0x1D00, v18;
	v17 =	vsel vm6, $0x1D00, v17;
	v19 =	vsel vm6, $0x1E00, v19  }
0x83: {  	v15 =	vsel vm7, $0x1C80, v15;
	v16 =	vsel vm7, $0x1D00, v16;
	v14 =	vsel vm10, $0x1D80, v14  }
0x84: {  	v20 =	vsel vm10, $0x3880, v20;
	v21 =	vsel vm10, $0x3900, v21;
	v22 =	vsel vm10, $0x3980, v22  }
0x85: {  	v23 =	vsel vm10, $0x3A00, v23;
	v24 =	vsel vm10, $0x3A80, v24;
	v25 =	vsel vm10, $0x3B00, v25  }
0x86: {  	v26 =	vsel vm10, $0x3B80, v26;
	v27 =	vsel vm10, $0x5400, v27;
	v28 =	vsel vm10, $0x5480, v28  }
0x87: {  	v30 =	vsel vm10, $0x5500, v30;
	v31 =	vsel vm10, $0x5580, v31;
	v35 =	vsel vm10, $0x5600, v35  }
0x88: {  	v36 =	vsel vm10, $0x5680, v36;
	v37 =	vsel vm10, $0x5700, v37;
	v38 =	vsel vm10, $0x5780, v38  }
0x89: {  	v39 =	vsel vm10, $0x0, v39;
	v42 =	vsel vm10, $0x180, v42;
	v44 =	vsel vm10, $0x280, v44  }
0x8a: {  	v45 =	vsel vm10, $0x300, v45;
	v49 =	vsel vm10, $0x1C80, v49;
	v18 =	vsel vm6, $0x1D80, v18  }
0x8b: {  	v17 =	vsel vm7, $0x1D80, v17;
	v19 =	vsel vm7, $0x1E80, v19;
	v15 =	vsel vm8, $0x1D00, v15  }
0x8c: {  	v16 =	vsel vm8, $0x1D80, v16;
	v14 =	vsel vm11, $0x1E00, v14;
	v20 =	vsel vm11, $0x3900, v20  }
0x8d: {  	v21 =	vsel vm11, $0x3980, v21;
	v22 =	vsel vm11, $0x3A00, v22;
	v23 =	vsel vm11, $0x3A80, v23  }
0x8e: {  	v24 =	vsel vm11, $0x3B00, v24;
	v25 =	vsel vm11, $0x3B80, v25;
	v26 =	vsel vm11, $0x5400, v26  }
0x8f: {  	v27 =	vsel vm11, $0x5480, v27;
	v28 =	vsel vm11, $0x5500, v28;
	v30 =	vsel vm11, $0x5580, v30  }
0x90: {  	v31 =	vsel vm11, $0x5600, v31;
	v35 =	vsel vm11, $0x5680, v35;
	v36 =	vsel vm11, $0x5700, v36  }
0x91: {  	v37 =	vsel vm11, $0x5780, v37;
	v53 =	vsel vm11, $0x0, v38;
	v39 =	vsel vm11, $0x80, v39  }
0x92: {  	v42 =	vsel vm11, $0x200, v42;
	v12 =	vsel vm11, $0x300, v44;
	v45 =	vsel vm11, $0x380, v45  }
0x93: {  	v18 =	vsel vm7, $0x1E00, v18;
	v17 =	vsel vm8, $0x1E00, v17;
	v19 =	vsel vm8, $0x1F00, v19  }
0x94: {  	v15 =	vsel vm9, $0x1D80, v15;
	v16 =	vsel vm9, $0x1E00, v16;
	v14 =	vsel vm12, $0x1E80, v14  }
0x95: {  	v18 =	vsel vm8, $0x1E80, v18;
	v17 =	vsel vm9, $0x1E80, v17;
	v19 =	vsel vm9, $0x1F80, v19  }
0x96: {  	v15 =	vsel vm10, $0x1E00, v15;
	v16 =	vsel vm10, $0x1E80, v16;
	v63 =	vsel vm13, $0x1F00, v14  }
0x97: {  	v18 =	vsel vm9, $0x1F00, v18;
	v19 =	vsel vm10, $0x3800, v19;
	v15 =	vsel vm11, $0x1E80, v15  }
0x98: {  	v16 =	vsel vm11, $0x1F00, v16;
	v18 =	vsel vm10, $0x1F80, v18;
	v14 =	vsel vm12, $0x1F00, v15  }
0x99: {  	v18 =	vsel vm11, $0x3800, v18;
	v52 =	vsel vm13, $0x1F80, v14;
	v14 =	vsel vm12, $0x1F80, v16  }
0x9a: {  	[tilespmem:$0x1FCD0] =	vst v54;
	v19 =	vsel vm11, $0x3880, v19;
	v54 =	vsel vm13, $0x3800, v14;
	v14 =	vsel vm12, $0x3880, v18  }
0x9b: {  	v17 =	vsel vm10, $0x1F00, v17;
	v18 =	vsel vm13, $0x3900, v14;
	v14 =	vsel vm12, $0x3900, v19  }
0x9c: {  	v17 =	vsel vm11, $0x1F80, v17;
	v19 =	vsel vm13, $0x3980, v14;
	v14 =	vsel vm12, $0x3A00, v21  }
0x9d: {  	v15 =	vsel vm12, $0x3800, v17;
	v21 =	vsel vm13, $0x3A80, v14;
	v14 =	vsel vm12, $0x3A80, v22  }
0x9e: {  	v17 =	vsel vm13, $0x3880, v15;
	v15 =	vsel vm12, $0x3980, v20;
	v14 =	vsel vm13, $0x3B00, v14  }
0x9f: {  	v49 =	vsel vm11, $0x1D00, v49;
	v56 =	vsel vm13, $0x3A00, v15;
	[tilespmem:$0x1FC00] =	vst v14;
	v14 =	vsel vm12, $0x3B80, v24  }
0xa0: {  	v15 =	vsel vm12, $0x3B00, v23;
	v23 =	vsel vm13, $0x5400, v14;
	v14 =	vsel vm12, $0x5400, v25  }
0xa1: {  	v16 =	vsel vm12, $0x280, v42;
	v24 =	vsel vm13, $0x5480, v14;
	v14 =	vsel vm12, $0x5500, v27  }
0xa2: {  	v62 =	vsel vm13, $0x300, v16;
	v8 =	vsel vm13, $0x5580, v14;
	v14 =	vsel vm12, $0x5580, v28  }
0xa3: {  	v16 =	vsel vm12, $0x1C00, v45;
	v27 =	vsel vm13, $0x5600, v14;
	v14 =	vsel vm12, $0x5680, v31  }
0xa4: {  	v22 =	vsel vm13, $0x3B80, v15;
	v51 =	vsel vm13, $0x5700, v14;
	v14 =	vsel vm12, $0x5700, v35  }
0xa5: {  	v15 =	vsel vm12, $0x5480, v26;
	v55 =	vsel vm13, $0x5780, v14;
	v14 =	vsel vm12, $0x0, v37  }
0xa6: {  	v25 =	vsel vm13, $0x5500, v15;
	v15 =	vsel vm12, $0x5600, v30;
	v14 =	vsel vm13, $0x80, v14  }
0xa7: {  	v44 =	vsel vm13, $0x5680, v15;
	v15 =	vsel vm12, $0x5780, v36;
	[tilespmem:$0x1FC10] =	vst v14;
	v14 =	vsel vm12, $0x80, v53  }
0xa8: {  	v28 =	vsel vm13, $0x0, v15;
	v15 =	vsel vm12, $0x100, v39;
	v14 =	vsel vm13, $0x100, v14  }
0xa9: {  	s0 =	rddreg [dreg:$0x0];
	s4 =	simm.s32 $0x0;
	v57 =	vsel vm13, $0x1C80, v16;
	v16 =	vsel vm12, $0x1D80, v49;
	[tilespmem:$0x1FC20] =	vst v14;
	v14 =	vsel vm13, $0x180, v15  }
0xaa: {  	[smem:$0x7FF] =	sst s4;
	v7 =	vcombine.low v1, v7;
	v16 =	vsel vm13, $0x1E00, v16;
	[tilespmem:$0x1FC30] =	vst v14  }
0xab: {  	s2 =	rddreg [dreg:$0x2];
	v40 =	vsel vm14, $0x5480, v40;
	_ =	strace $0x80000047;
	[tilespmem:$0x1FC40] =	vst v16  }
0xac: {  	v41 =	vsel vm14, $0x5500, v41;
	v43 =	vsel vm14, $0x5600, v43;
	v46 =	vsel vm14, $0x5780, v46;
	v39 =	vmovc v63;
	[tilespmem:$0x1FCB0] =	vst v7  }
0xad: {  	v47 =	vsel vm14, $0x0, v47;
	v50 =	vsel vm14, $0x100, v50;
	v58 =	vcombine.low v58, v2;
	[tilespmem:$0x1FD10] =	vst v39  }
0xae: {  	v40 =	vsel vm15, $0x5500, v40;
	v41 =	vsel vm15, $0x5580, v41;
	v42 =	vmovc v18;
	v38 =	vmovc v25;
	v25 =	vmov v28;
	[tilespmem:$0x1FD20] =	vst v52  }
0xaf: {  	v43 =	vsel vm15, $0x5680, v43;
	v46 =	vsel vm15, $0x0, v46;
	v36 =	vlaneseq.u32;
	v49 =	vmovc v25;
	[tilespmem:$0x1FD40] =	vst v42  }
0xb0: {  	v47 =	vsel vm15, $0x80, v47;
	v50 =	vsel vm15, $0x180, v50;
	v35 =	vmovc v27;
	v27 =	vadd.s32 $0xB, v36;
	[tilespmem:$0x1FE10] =	vst v49  }
0xb1: {  	v40 =	vsel vm4, $0x5580, v40;
	v41 =	vsel vm4, $0x5600, v41;
	v25 =	vadd.s32 $0xF, v36;
	[tilespmem:$0x1FE30] =	vst v27  }
0xb2: {  	v43 =	vsel vm4, $0x5700, v43;
	v46 =	vsel vm4, $0x80, v46;
	v47 =	vsel vm4, $0x100, v47;
	[tilespmem:$0x1FE70] =	vst v25  }
0xb3: {  	v50 =	vsel vm4, $0x200, v50;
	v40 =	vsel vm5, $0x5600, v40;
	v26 =	vadd.s32 $0x9, v36;
	[tilespmem:$0x1FE80] =	vst v58  }
0xb4: {  	v41 =	vsel vm5, $0x5680, v41;
	v43 =	vsel vm5, $0x5780, v43;
	v28 =	vadd.s32 $0xC, v36;
	[tilespmem:$0x1FE90] =	vst v26  }
0xb5: {  	v46 =	vsel vm5, $0x100, v46;
	v47 =	vsel vm5, $0x180, v47;
	v50 =	vsel vm5, $0x280, v50;
	v31 =	vmovc v21;
	[tilespmem:$0x1FEB0] =	vst v28  }
0xb6: {  	v40 =	vsel vm6, $0x5680, v40;
	v41 =	vsel vm6, $0x5700, v41;
	v43 =	vsel vm6, $0x0, v43;
	[tilespmem:$0x1FEE0] =	vst v31  }
0xb7: {  	v46 =	vsel vm6, $0x180, v46;
	v47 =	vsel vm6, $0x200, v47;
	v50 =	vsel vm6, $0x300, v50;
	[tilespmem:$0x1FEF0] =	vst v57  }
0xb8: {  	v40 =	vsel vm7, $0x5700, v40;
	v41 =	vsel vm7, $0x5780, v41;
	v43 =	vsel vm7, $0x80, v43;
	[tilespmem:$0x1FF20] =	vst v62  }
0xb9: {  	v46 =	vsel vm7, $0x200, v46;
	v47 =	vsel vm7, $0x280, v47;
	v50 =	vsel vm7, $0x380, v50;
	[tilespmem:$0x1FF40] =	vst v55  }
0xba: {  	vm14 =	vcmask $0x2F10;
	v40 =	vsel vm8, $0x5780, v40;
	v41 =	vsel vm8, $0x0, v41;
	[tilespmem:$0x1FF50] =	vst v51  }
0xbb: {  	v43 =	vsel vm8, $0x100, v43;
	v46 =	vsel vm8, $0x280, v46;
	v47 =	vsel vm8, $0x300, v47;
	[tilespmem:$0x1FF60] =	vst v44  }
0xbc: {  	v50 =	vsel vm8, $0x1C00, v50;
	v40 =	vsel vm9, $0x0, v40;
	v41 =	vsel vm9, $0x80, v41;
	[tilespmem:$0x1FF70] =	vst v35  }
0xbd: {  	v43 =	vsel vm9, $0x180, v43;
	v40 =	vsel vm10, $0x80, v40;
	v41 =	vsel vm10, $0x100, v41;
	[tilespmem:$0x1FF80] =	vst v38  }
0xbe: {  	v43 =	vsel vm10, $0x200, v43;
	v41 =	vsel vm11, $0x180, v41;
	v37 =	vadd.s32 $0x2, v36;
	[tilespmem:$0x1FF90] =	vst v8  }
0xbf: {  	v46 =	vsel vm9, $0x300, v46;
	v40 =	vsel vm11, $0x100, v40;
	v43 =	vsel vm11, $0x280, v43;
	v45 =	vmovc v22;
	[tilespmem:$0x1FFC0] =	vst v37  }
0xc0: {  	v47 =	vsel vm9, $0x380, v47;
	v50 =	vsel vm9, $0x1C80, v50;
	v14 =	vsel vm12, $0x180, v40;
	[tilespmem:$0x1FFE0] =	vst v45  }
0xc1: {  	v50 =	vsel vm10, $0x1D00, v50;
	v20 =	vsel vm13, $0x200, v14;
	v14 =	vsel vm12, $0x200, v41;
	v41 =	vmovc v17;
	[tilespmem:$0x1FFF0] =	vst v56  }
0xc2: {  	s1 =	srdreg.scid;
	s3 =	stileid.u32;
	v46 =	vsel vm10, $0x380, v46;
	v50 =	vsel vm11, $0x1D80, v50;
	v17 =	vsel vm12, $0x300, v43;
	v43 =	vmovc v19;
	[tilespmem:$0x1FD30] =	vst v41  }
0xc3: {  	s1 =	sand.u32 $0x1, s1;
	s3 =	sshll.u32 s3, $0x1;
	v47 =	vsel vm10, $0x1C00, v47;
	v46 =	vsel vm11, $0x1C00, v46;
	v63 =	vsel vm13, $0x380, v17;
	[tilespmem:$0x1FD50] =	vst v43  }
0xc4: {  	s5 =	sor.u32 s1, s3;
	v47 =	vsel vm11, $0x1C80, v47;
	v18 =	vimm.s32 $0x43218765;
	v60 =	vsel vm13, $0x280, v14;
	[tilespmem:$0x1FF10] =	vst v63  }
0xc5: {  	s3 =	smul.u32 $0x1800, s5;
	v18 =	vunpack.c.l.s4.s8 v18;
	v15 =	vimm.s32 $0x32107654;
	v17 =	vsel vm12, $0x1E00, v50;
	v50 =	vmovc v24;
	[tilespmem:$0x1FF30] =	vst v60  }
0xc6: {  	v15 =	vunpack.c.l.s4.s8 v15;
	v14 =	vsel vm12, $0x380, v12;
	v12 =	vadd.s32 $0x1, v36;
	[tilespmem:$0x1FFA0] =	vst v50  }
0xc7: {  	s3 =	sshrl.u32 s3, $0x3;
	v18 =	vunpack.c.0.s8.s32 v18;
	v24 =	vcombine.low v4, v3;
	v16 =	vsel vm13, $0x1E80, v17;
	[tilespmem:$0x1FFB0] =	vst v12  }
0xc8: {  	s3 =	sadd.s32 s0, s3;
	v21 =	vimm.s32 $0x6543A987;
	v19 =	vimm.s32 $0x54329876;
	v15 =	vunpack.c.0.s8.s32 v15;
	[tilespmem:$0x1FC50] =	vst v16  }
0xc9: {  	s9 =	sadd.s32 $0x180, s3;
	v61 =	vsel vm13, $0x1C00, v14;
	v14 =	vsel vm12, $0x1C80, v46;
	v17 =	vand.u32 $0xF, v18;
	[tilespmem:$0x1FE60] =	vst v24  }
0xca: {  	s22 =	sadd.s32 $0x200, s3;
	[dreg:$0x4] =	wrdreg s9;
	v19 =	vunpack.c.l.s4.s8 v19;
	v30 =	vsel vm13, $0x1D00, v14;
	v17 =	vsel vm14, v17, v33;
	[tilespmem:$0x1FF00] =	vst v61  }
0xcb: {  	s6 =	sadd.s32 $0xE00, s2;
	s23 =	sadd.s32 $0x280, s3;
	[dreg:$0x5] =	wrdreg s22;
	v33 =	vcombine.low v10, v9;
	v9 =	vcombine.low v0, v11;
	v11 =	vadd.s32 $0xD, v36;
	[tilespmem:$0x1FD80] =	vst v30  }
0xcc: {  	s2 =	sadd.s32 $0x3D1600, s2;
	[dreg:$0x6] =	wrdreg s23;
	v40 =	vld [tilespmem:$0x1FCD0];
	v14 =	vand.u32 $0xF, v15;
	v15 =	vsel vm12, $0x1D00, v47;
	v19 =	vunpack.c.0.s8.s32 v19;
	[tilespmem:$0x1FDF0] =	vst v11  }
0xcd: {  	s24 =	sadd.s32 $0x1E8600, s3;
	[dreg:$0x7] =	wrdreg s2;
	v14 =	vsel vm14, v14, v29;
	v29 =	vmovc v20;
	v20 =	vimm.s32 $0xB0A0908;
	v59 =	vsel vm13, $0x1D80, v15;
	[tilespmem:$0x1FCA0] =	vst v9  }
0xce: {  	s25 =	sadd.s32 $0xF4380, s3;
	s26 =	sadd.s32 $0x2DC880, s3;
	vm15 =	vcmask $0x3F30;
	[dreg:$0x8] =	wrdreg s24;
	v16 =	vunpack.c.l.s4.s8 v21;
	v20 =	vunpack.c.0.s8.s32 v20;
	[tilespmem:$0x1FD60] =	vst v59  }
0xcf: {  	[dreg:$0x9] =	wrdreg s25;
	v15 =	vimm.s32 $0xC0B0A09;
	v18 =	vand.u32 $0xF, v19;
	v19 =	vimm.s32 $0xD0C0B0A;
	[tilespmem:$0x1FD70] =	vst v33  }
0xd0: {  	s10 =	sadd.s32 $0x1E8680, s3;
	[dreg:$0xa] =	wrdreg s26;
	[tilespmem:$0x1FEA0] =	vst v29;
	v18 =	vsel vm14, v18, v34;
	v34 =	vcombine.low v48, v13;
	v14 =	vsel vm15, v20, v14  }
0xd1: {  	s1 =	ssub.s32 $0x2, s1;
	s11 =	sadd.s32 $0x100, s3;
	[dreg:$0xd] =	wrdreg s10;
	v16 =	vunpack.c.0.s8.s32 v16;
	v19 =	vunpack.c.0.s8.s32 v19;
	v22 =	vcombine.low v40, v5;
	[tilespmem:$0x1FC60] =	vst v14  }
0xd2: {  	s7 =	sshrl.u32 s1, $0x1;
	s13 =	sadd.s32 $0x2DC900, s3;
	[dreg:$0xe] =	wrdreg s11;
	v21 =	vimm.s32 $0xE0D0C0B;
	v15 =	vunpack.c.0.s8.s32 v15;
	[tilespmem:$0x1FD90] =	vst v34  }
0xd3: {  	s1 =	ssub.s32 s1, s7;
	s14 =	sadd.s32 $0x1E8700, s3;
	[dreg:$0xf] =	wrdreg s13;
	v21 =	vunpack.c.0.s8.s32 v21;
	v16 =	vand.u32 $0xF, v16;
	v14 =	vsel vm15, v19, v18;
	[tilespmem:$0x1FE40] =	vst v22  }
0xd4: {  	s1 =	smax.u32 s1, $0x1;
	[dreg:$0x10] =	wrdreg s14;
	v16 =	vsel vm14, v16, v32;
	v32 =	vsel vm15, v15, v17;
	v15 =	vadd.s32 $0x6, v36;
	[tilespmem:$0x1FC70] =	vst v14  }
0xd5: {  	s28 =	simm.s32 $0x2C00;
	s15 =	sadd.s32 $0xF4400, s3;
	[dreg:$0x11] =	wrdreg s1;
	v14 =	vsel vm15, v21, v16;
	[tilespmem:$0x1FDB0] =	vst v15  }
0xd6: {  	s30 =	simm.s32 $0x4800;
	s16 =	sadd.s32 $0x2DC980, s3;
	[dreg:$0x12] =	wrdreg s15;
	[tilespmem:$0x1FC80] =	vst v14;
	v14 =	vadd.s32 $0x4, v36  }
0xd7: {  	s8 =	smul.u32 $0x300, s5;
	s17 =	sadd.s32 $0xF4480, s3;
	[dreg:$0x13] =	wrdreg s16;
	v17 =	vadd.s32 $0x8, v36;
	[tilespmem:$0x1FC90] =	vst v14;
	v14 =	vimm.s32 $0x76543210  }
0xd8: {  	s31 =	simm.s32 $0x6400;
	s18 =	sadd.s32 $0xF4500, s3;
	[dreg:$0x14] =	wrdreg s17;
	v18 =	vadd.s32 $0xA, v36;
	[tilespmem:$0x1FDD0] =	vst v17;
	v13 =	vunpack.c.l.s4.s8 v14  }
0xd9: {  	s7 =	sadd.s32 s0, s8;
	s19 =	sadd.s32 $0x1E8780, s3;
	[dreg:$0x15] =	wrdreg s18;
	[tilespmem:$0x1FDE0] =	vst v18  }
0xda: {  	s21 =	sadd.s32 $0xF4280, s7;
	s20 =	sadd.s32 $0x2DCA00, s3;
	[dreg:$0x16] =	wrdreg s19;
	v16 =	vadd.s32 $0x7, v36;
	[tilespmem:$0x1FE20] =	vst v32;
	v7 =	vunpack.c.0.s8.s32 v13  }
0xdb: {  	s12 =	sadd.s32 $0x80, s0;
	p0 =	sne.s32 s5, $0x0;
	v53 =	vimm.s32 $0x98765432;
	[dreg:$0x17] =	wrdreg s20;
	v19 =	vmovc v23;
	v23 =	vadd.s32 $0xE, v36;
	[tilespmem:$0x1FDC0] =	vst v16;
	v14 =	vimm.s32 $0x87654321  }
0xdc: {  	s29 =	sor.u32 $0x40, s5;
	s3 =	simm.s32 $0x1400;
	[dreg:$0x18] =	wrdreg s21;
	v10 =	vimm.s32 $0xA9876543;
	[tilespmem:$0x1FE50] =	vst v23;
	v9 =	vunpack.c.l.s4.s8 v14;
	v6 =	vcombine.low v6, v7  }
0xdd: {  	s9 =	sadd.s32 s8, s12;
	s22 =	sadd.s32 $0x1E8500, s7;
	[dreg:$0xb] =	wrdreg s7;
	v0 =	vunpack.c.l.s4.s8 v53;
	v20 =	vadd.s32 $0x5, v36;
	[tilespmem:$0x1FED0] =	vst v19  }
0xde: {  	s24 =	sadd.s32 $0x2DC780, s7;
	s1 =	simm.s32 $0x3000;
	s2 =	simm.s32 $0x4C00;
	v21 =	vadd.s32 $0x3, v36;
	v14 =	vmovc v20;
	v9 =	vunpack.c.0.s8.s32 v9;
	[tilespmem:$0x1FCC0] =	vst v6;
	v6 =	vunpack.c.l.s4.s8 v10  }
0xdf: {  	s7 =	simm.s32 $0x6800;
	s15 =	simm.s32 $0x7000;
	[dreg:$0x19] =	wrdreg s22;
	v13 =	vmovc v21;
	v21 =	vor.u32 $0x10, v36;
	[tilespmem:$0x1FDA0] =	vst v14;
	v10 =	vmov v54;
	v54 =	vunpack.c.0.s8.s32 v0  }
0xe0: {  	s16 =	simm.s32 $0x1;
	s8 =	simm.s32 $0xE000;
	[dreg:$0x1b] =	wrdreg s24;
	v7 =	vand.u32 $0xF, v9;
	[tilespmem:$0x1FE00] =	vst v21;
	v47 =	vunpack.c.0.s8.s32 v6  }
.Ltmp0:
0xe1: {  	s23 =	sadd.s32 $0xF4280, s9;
	[dreg:$0xc] =	wrdreg s9;
	[tilespmem:$0x1FEC0] =	vst v13;
	v46 =	vcombine.low v5, v7;
	v48 =	vand.u32 $0xF, v54;
	(pc) =	sbr.rel .LBB2_1-.Ltmp0, $4  }
0xe2: {  	s10 =	simm.s32 $0x14000;
	s25 =	sadd.s32 $0x1E8500, s9;
	[dreg:$0x1a] =	wrdreg s23;
	[tilespmem:$0x1FFD0] =	vst v10;
	v3 =	vcombine.low v3, v48;
	v0 =	vand.u32 $0xF, v47  }
0xe3: {  	s11 =	simm.s32 $0x0;
	s26 =	sadd.s32 $0x2DC780, s9;
	[dreg:$0x1c] =	wrdreg s25;
	[tilespmem:$0x1FCE0] =	vst v46;
	v0 =	vcombine.low v2, v0  }
0xe4: {  	s24 =	simm.s32 $0x4400;
	s9 =	simm.s32 $0x2;
	[dreg:$0x1d] =	wrdreg s26;
	[tilespmem:$0x1FCF0] =	vst v3  }
0xe5: {  	s23 =	simm.s32 $0x2800;
	s25 =	simm.s32 $0x6000;
	s26 =	simm.s32 $0x1000;
	v20 =	vmov v31;
	v54 =	vmov v52;
	[tilespmem:$0x1FD00] =	vst v0  }
.LBB2_15:
0xe6: {  	s13 =	simm.s32 $0x3  }
0xe7: {  	_ =	swait.ge [sflag:s13], $0x6000  }
0xe8: {  	[sflag:s13] =	ssyncset.done $0x0  }
0xe9: {  	s14 =	simm.s32 $0x4;
	[sflag:s13] =	ssyncadd.s32 $0xFFFFA000  }
0xea: {  	_ =	swait.ge [sflag:s14], $0x6000  }
0xeb: {  	s13 =	stileid.u32;
	[sflag:s14] =	ssyncset.done $0x0  }
0xec: {  	s13 =	sshll.u32 @!p0 s13, $0x6;
	s17 =	rddreg [dreg:$0x7];
	[sflag:s14] =	ssyncadd.s32 $0xFFFFA000  }
0xed: {  	s13 =	sor.u32 @!p0 $0x1C05, s13;
	s14 =	rddreg [dreg:$0x1]  }
0xee: {  	[hbm:s17], [sflag:s13] =	dma.local @!p0 [hbm:s14], $0x100  }
0xef: {  	s13 =	simm.s32 @!p0 $0x5  }
0xf0: {  	_ =	swait.ge @!p0 [sflag:s13], $0x100  }
0xf1: {  	s11 =	sadd.s32 $0x1, s11;
	s22 =	rddreg [dreg:$0x11]  }
0xf2: {  	p1 =	sne.s32 s11, s22  }
.Ltmp1:
0xf3: {  	_ = 	snop;
	(pc) =	sbr.rel @!p1 .LBB2_16-.Ltmp1, $3  }
0xf4: {  	_ =	sdelay $0x1  }
0xf5: {  	[sflag:s13] =	ssyncset.done @!p0 $0x0  }
0xf6: {  	[sflag:s13] =	ssyncadd.s32 @!p0 $0xFFFFFF00  }
.LBB2_1:
0xf7: {  	s13 =	rddreg [dreg:$0xb]  }
0xf8: {  	[tilespmem:s4], [sflag:$0x1] =	stream.linear.gather [hbm4b:s13+s4], $0x400, $0x38;
	[tilespmem:$0x1A000] =	vst v63  }
0xf9: {  	s20 =	rddreg [dreg:$0x18];
	s14 =	simm.s32 $0x1C00  }
0xfa: {  	[tilespmem:s14], [sflag:$0x1] =	stream.linear.gather [hbm4b:s20+s4], $0x400, $0x38;
	[tilespmem:$0x1A000] =	vst v63  }
0xfb: {  	s21 =	rddreg [dreg:$0x19];
	s22 =	simm.s32 $0x3800  }
0xfc: {  	[tilespmem:s22], [sflag:$0x1] =	stream.linear.gather [hbm4b:s21+s4], $0x400, $0x38;
	[tilespmem:$0x1A000] =	vst v63  }
0xfd: {  	s17 =	rddreg [dreg:$0x1b];
	s18 =	simm.s32 $0x5400  }
0xfe: {  	[tilespmem:s18], [sflag:$0x1] =	stream.linear.gather [hbm4b:s17+s4], $0x400, $0x38;
	[tilespmem:$0x1A000] =	vst v63  }
0xff: {  	s19 =	rddreg [dreg:$0xc];
	s20 =	simm.s32 $0x400  }
0x100: {  	[tilespmem:s20], [sflag:$0x1] =	stream.linear.gather [hbm4b:s19+s4], $0x400, $0x38;
	[tilespmem:$0x1A000] =	vst v63  }
0x101: {  	s21 =	rddreg [dreg:$0x1a];
	s22 =	simm.s32 $0x2000  }
0x102: {  	[tilespmem:s22], [sflag:$0x1] =	stream.linear.gather [hbm4b:s21+s4], $0x400, $0x38;
	[tilespmem:$0x1A000] =	vst v63  }
0x103: {  	s17 =	rddreg [dreg:$0x1c];
	s18 =	simm.s32 $0x3C00  }
0x104: {  	[tilespmem:s18], [sflag:$0x1] =	stream.linear.gather [hbm4b:s17+s4], $0x400, $0x38;
	[tilespmem:$0x1A000] =	vst v63  }
0x105: {  	s19 =	rddreg [dreg:$0x1d];
	s20 =	simm.s32 $0x5800  }
0x106: {  	[tilespmem:s20], [sflag:$0x1] =	stream.linear.gather [hbm4b:s19+s4], $0x400, $0x38;
	[tilespmem:$0x1A000] =	vst v63  }
0x107: {  	s21 =	rddreg [dreg:$0xe];
	s22 =	simm.s32 $0x800  }
0x108: {  	[tilespmem:s22], [sflag:$0x1] =	stream.linear.gather [hbm4b:s21+s4], $0x400, $0x38;
	[tilespmem:$0x1A000] =	vst v63  }
0x109: {  	s17 =	rddreg [dreg:$0x9];
	s18 =	simm.s32 $0x2400  }
0x10a: {  	[tilespmem:s18], [sflag:$0x1] =	stream.linear.gather [hbm4b:s17+s4], $0x400, $0x38;
	[tilespmem:$0x1A000] =	vst v63  }
0x10b: {  	s19 =	rddreg [dreg:$0x8];
	s20 =	simm.s32 $0x4000  }
0x10c: {  	[tilespmem:s20], [sflag:$0x1] =	stream.linear.gather [hbm4b:s19+s4], $0x400, $0x38;
	[tilespmem:$0x1A000] =	vst v63  }
0x10d: {  	s21 =	rddreg [dreg:$0xa];
	s22 =	simm.s32 $0x5C00  }
0x10e: {  	[tilespmem:s22], [sflag:$0x1] =	stream.linear.gather [hbm4b:s21+s4], $0x400, $0x38;
	[tilespmem:$0x1A000] =	vst v63  }
0x10f: {  	s17 =	rddreg [dreg:$0x4];
	s18 =	simm.s32 $0xC00  }
0x110: {  	[tilespmem:s18], [sflag:$0x1] =	stream.linear.gather [hbm4b:s17+s4], $0x400, $0x38;
	[tilespmem:$0x1A000] =	vst v63  }
0x111: {  	s19 =	rddreg [dreg:$0x12]  }
0x112: {  	[tilespmem:s23], [sflag:$0x1] =	stream.linear.gather [hbm4b:s19+s4], $0x400, $0x38;
	[tilespmem:$0x1A000] =	vst v63  }
0x113: {  	s20 =	rddreg [dreg:$0xd]  }
0x114: {  	[tilespmem:s24], [sflag:$0x1] =	stream.linear.gather [hbm4b:s20+s4], $0x400, $0x38;
	[tilespmem:$0x1A000] =	vst v63  }
0x115: {  	s21 =	rddreg [dreg:$0xf]  }
0x116: {  	[tilespmem:s25], [sflag:$0x1] =	stream.linear.gather [hbm4b:s21+s4], $0x400, $0x38;
	[tilespmem:$0x1A000] =	vst v63  }
0x117: {  	s22 =	rddreg [dreg:$0x5]  }
0x118: {  	[tilespmem:s26], [sflag:$0x1] =	stream.linear.gather [hbm4b:s22+s4], $0x400, $0x38;
	[tilespmem:$0x1A000] =	vst v63  }
0x119: {  	s14 =	rddreg [dreg:$0x14]  }
0x11a: {  	[tilespmem:s28], [sflag:$0x1] =	stream.linear.gather [hbm4b:s14+s4], $0x400, $0x38;
	[tilespmem:$0x1A000] =	vst v63  }
0x11b: {  	s17 =	rddreg [dreg:$0x10]  }
0x11c: {  	[tilespmem:s30], [sflag:$0x1] =	stream.linear.gather [hbm4b:s17+s4], $0x400, $0x38;
	[tilespmem:$0x1A000] =	vst v63  }
0x11d: {  	s18 =	rddreg [dreg:$0x13]  }
0x11e: {  	[tilespmem:s31], [sflag:$0x1] =	stream.linear.gather [hbm4b:s18+s4], $0x400, $0x38;
	[tilespmem:$0x1A000] =	vst v63  }
0x11f: {  	s19 =	rddreg [dreg:$0x6]  }
0x120: {  	[tilespmem:s3], [sflag:$0x1] =	stream.linear.gather [hbm4b:s19+s4], $0x400, $0x38;
	[tilespmem:$0x1A000] =	vst v63  }
0x121: {  	s20 =	rddreg [dreg:$0x15]  }
0x122: {  	[tilespmem:s1], [sflag:$0x1] =	stream.linear.gather [hbm4b:s20+s4], $0x400, $0x38;
	[tilespmem:$0x1A000] =	vst v63  }
.Ltmp2:
0x123: {  	_ = 	snop;
	(pc) =	sbr.rel .LBB2_2-.Ltmp2, $4  }
0x124: {  	s21 =	rddreg [dreg:$0x16]  }
0x125: {  	[tilespmem:s2], [sflag:$0x1] =	stream.linear.gather [hbm4b:s21+s4], $0x400, $0x38;
	[tilespmem:$0x1A000] =	vst v63  }
0x126: {  	s13 =	simm.s32 $0x0;
	s22 =	rddreg [dreg:$0x17]  }
0x127: {  	[tilespmem:s7], [sflag:$0x1] =	stream.linear.gather [hbm4b:s22+s4], $0x400, $0x38;
	[tilespmem:$0x1A000] =	vst v63  }
.LBB2_14:
0x128: {  	s13 =	sadd.s32 $0x1, s13  }
0x129: {  	p1 =	sne.s32 s13, $0x15  }
.Ltmp3:
0x12a: {  	_ = 	snop;
	(pc) =	sbr.rel @!p1 .LBB2_15-.Ltmp3, $1  }
0x12b: {  	_ =	sdelay $0x3  }
.LBB2_2:
0x12c: {  	s14 =	sshll.u32 s13, $0x6  }
0x12d: {  	s17 =	sor.u32 s5, s14  }
0x12e: {  	p1 =	sgt.u32 s17, $0x515  }
.Ltmp4:
0x12f: {  	_ = 	snop;
	(pc) =	sbr.rel @p1 .LBB2_8-.Ltmp4, $1  }
0x130: {  	_ =	sdelay $0x3  }
0x131: {  	s18 =	sor.u32 $0x20, s17  }
0x132: {  	p1 =	sgt.u32 s18, $0x515  }
.Ltmp5:
0x133: {  	_ = 	snop;
	(pc) =	sbr.rel @p1 .LBB2_5-.Ltmp5, $4  }
0x134: {  	_ = 	snop  }
0x135: {  	v52 =	vld [tilespmem:$0x1FC00]  }
0x136: {  	v35 =	vmov v14;
	v14 =	vld [tilespmem:$0x1FC90]  }
0x137: {  	v33 =	vmov v28;
	v31 =	vmov v8;
	v21 =	vmov v11;
	v53 =	vld [tilespmem:$0x1FC10]  }
0x138: {  	s19 =	smul.u32 $0x300, s18;
	_ =	sdelay $0x1  }
0x139: {  	s20 =	sadd.s32 s0, s19  }
0x13a: {  	[tilespmem:s15], [sflag:$0x2] =	stream.linear.gather [hbm4b:s20+s4], $0x400, $0x38;
	[tilespmem:$0x1A000] =	vst v63  }
0x13b: {  	s22 =	simm.s32 $0x8C00;
	s21 =	sadd.s32 $0xF4280, s20  }
0x13c: {  	[tilespmem:s22], [sflag:$0x2] =	stream.linear.gather [hbm4b:s21+s4], $0x400, $0x38;
	[tilespmem:$0x1A000] =	vst v63  }
0x13d: {  	s21 =	sadd.s32 $0x1E8500, s20;
	s22 =	simm.s32 $0xA800  }
0x13e: {  	[tilespmem:s22], [sflag:$0x2] =	stream.linear.gather [hbm4b:s21+s4], $0x400, $0x38;
	[tilespmem:$0x1A000] =	vst v63  }
0x13f: {  	s20 =	sadd.s32 $0x2DC780, s20;
	s22 =	simm.s32 $0xC400  }
0x140: {  	[tilespmem:s22], [sflag:$0x2] =	stream.linear.gather [hbm4b:s20+s4], $0x400, $0x38;
	[tilespmem:$0x1A000] =	vst v63  }
0x141: {  	s19 =	sadd.s32 s19, s12;
	s22 =	simm.s32 $0x7400  }
0x142: {  	[tilespmem:s22], [sflag:$0x2] =	stream.linear.gather [hbm4b:s19+s4], $0x400, $0x38;
	[tilespmem:$0x1A000] =	vst v63  }
0x143: {  	s21 =	sadd.s32 $0xF4280, s19;
	s22 =	simm.s32 $0x9000  }
0x144: {  	[tilespmem:s22], [sflag:$0x2] =	stream.linear.gather [hbm4b:s21+s4], $0x400, $0x38;
	[tilespmem:$0x1A000] =	vst v63  }
0x145: {  	s21 =	sadd.s32 $0x1E8500, s19;
	s22 =	simm.s32 $0xAC00  }
0x146: {  	[tilespmem:s22], [sflag:$0x2] =	stream.linear.gather [hbm4b:s21+s4], $0x400, $0x38;
	[tilespmem:$0x1A000] =	vst v63  }
0x147: {  	s19 =	sadd.s32 $0x2DC780, s19;
	s21 =	smul.u32 $0x1800, s18;
	s22 =	simm.s32 $0xC800  }
0x148: {  	[tilespmem:s22], [sflag:$0x2] =	stream.linear.gather [hbm4b:s19+s4], $0x400, $0x38;
	[tilespmem:$0x1A000] =	vst v63  }
0x149: {  	s18 =	sshrl.u32 s21, $0x3  }
0x14a: {  	s18 =	sadd.s32 s0, s18  }
0x14b: {  	s22 =	simm.s32 $0x7800;
	s21 =	sadd.s32 $0x100, s18  }
0x14c: {  	[tilespmem:s22], [sflag:$0x2] =	stream.linear.gather [hbm4b:s21+s4], $0x400, $0x38;
	[tilespmem:$0x1A000] =	vst v63  }
0x14d: {  	s21 =	sadd.s32 $0xF4380, s18;
	s22 =	simm.s32 $0x9400  }
0x14e: {  	[tilespmem:s22], [sflag:$0x2] =	stream.linear.gather [hbm4b:s21+s4], $0x400, $0x38;
	[tilespmem:$0x1A000] =	vst v63  }
0x14f: {  	s21 =	sadd.s32 $0x1E8600, s18;
	s22 =	simm.s32 $0xB000  }
0x150: {  	[tilespmem:s22], [sflag:$0x2] =	stream.linear.gather [hbm4b:s21+s4], $0x400, $0x38;
	[tilespmem:$0x1A000] =	vst v63  }
0x151: {  	s21 =	sadd.s32 $0x2DC880, s18;
	s22 =	simm.s32 $0xCC00  }
0x152: {  	[tilespmem:s22], [sflag:$0x2] =	stream.linear.gather [hbm4b:s21+s4], $0x400, $0x38;
	[tilespmem:$0x1A000] =	vst v63  }
0x153: {  	s21 =	sadd.s32 $0x180, s18;
	s22 =	simm.s32 $0x7C00  }
0x154: {  	[tilespmem:s22], [sflag:$0x2] =	stream.linear.gather [hbm4b:s21+s4], $0x400, $0x38;
	[tilespmem:$0x1A000] =	vst v63  }
0x155: {  	s21 =	sadd.s32 $0xF4400, s18;
	s22 =	simm.s32 $0x9800  }
0x156: {  	[tilespmem:s22], [sflag:$0x2] =	stream.linear.gather [hbm4b:s21+s4], $0x400, $0x38;
	[tilespmem:$0x1A000] =	vst v63  }
0x157: {  	s21 =	sadd.s32 $0x1E8680, s18;
	s22 =	simm.s32 $0xB400  }
0x158: {  	[tilespmem:s22], [sflag:$0x2] =	stream.linear.gather [hbm4b:s21+s4], $0x400, $0x38;
	[tilespmem:$0x1A000] =	vst v63  }
0x159: {  	s21 =	sadd.s32 $0x2DC900, s18;
	s22 =	simm.s32 $0xD000  }
0x15a: {  	[tilespmem:s22], [sflag:$0x2] =	stream.linear.gather [hbm4b:s21+s4], $0x400, $0x38;
	[tilespmem:$0x1A000] =	vst v63  }
0x15b: {  	s21 =	sadd.s32 $0x200, s18;
	s22 =	simm.s32 $0x8000  }
0x15c: {  	[tilespmem:s22], [sflag:$0x2] =	stream.linear.gather [hbm4b:s21+s4], $0x400, $0x38;
	[tilespmem:$0x1A000] =	vst v63  }
0x15d: {  	s21 =	sadd.s32 $0xF4480, s18;
	s22 =	simm.s32 $0x9C00  }
0x15e: {  	[tilespmem:s22], [sflag:$0x2] =	stream.linear.gather [hbm4b:s21+s4], $0x400, $0x38;
	[tilespmem:$0x1A000] =	vst v63  }
0x15f: {  	s21 =	sadd.s32 $0x1E8700, s18;
	s22 =	simm.s32 $0xB800  }
0x160: {  	[tilespmem:s22], [sflag:$0x2] =	stream.linear.gather [hbm4b:s21+s4], $0x400, $0x38;
	[tilespmem:$0x1A000] =	vst v63  }
0x161: {  	s21 =	sadd.s32 $0x2DC980, s18;
	s22 =	simm.s32 $0xD400  }
0x162: {  	[tilespmem:s22], [sflag:$0x2] =	stream.linear.gather [hbm4b:s21+s4], $0x400, $0x38;
	[tilespmem:$0x1A000] =	vst v63  }
0x163: {  	s21 =	sadd.s32 $0x280, s18;
	s22 =	simm.s32 $0x8400  }
0x164: {  	[tilespmem:s22], [sflag:$0x2] =	stream.linear.gather [hbm4b:s21+s4], $0x400, $0x38;
	[tilespmem:$0x1A000] =	vst v63  }
0x165: {  	s21 =	sadd.s32 $0xF4500, s18;
	s22 =	simm.s32 $0xA000  }
0x166: {  	[tilespmem:s22], [sflag:$0x2] =	stream.linear.gather [hbm4b:s21+s4], $0x400, $0x38;
	[tilespmem:$0x1A000] =	vst v63  }
0x167: {  	s20 =	sadd.s32 $0x1E8780, s18;
	s21 =	simm.s32 $0xBC00  }
0x168: {  	[tilespmem:s21], [sflag:$0x2] =	stream.linear.gather [hbm4b:s20+s4], $0x400, $0x38;
	[tilespmem:$0x1A000] =	vst v63  }
0x169: {  	s18 =	sadd.s32 $0x2DCA00, s18;
	s22 =	simm.s32 $0xD800  }
0x16a: {  	[tilespmem:s22], [sflag:$0x2] =	stream.linear.gather [hbm4b:s18+s4], $0x400, $0x38;
	[tilespmem:$0x1A000] =	vst v63  }
.LBB2_5:
0x16b: {  	s18 =	simm.s32 $0x0  }
0x16c: {  	s21 =	simm.s32 $0x10;
	v0 =	vor.u32 s18, v36;
	v1 =	vmov s18  }
0x16d: {  	v3 =	vmov s21;
	v4 =	vor.u32 s21, v36;
	v1 =	vshll.u32 v1, $0x3  }
0x16e: {  	v2 =	vand.u32 $0x6F, v0;
	v3 =	vshll.u32 v3, $0x3;
	v1 =	vand.u32 $0x1C00, v1  }
0x16f: {  	_ =	swait.ge [sflag:s16], $0x6000;
	v11 =	vor.u32 v2, v1;
	v1 =	vand.u32 $0x7F, v4;
	v2 =	vand.u32 $0x1C00, v3  }
0x170: {  	p1 =	seq.s32 s13, $0x0;
	[sflag:s16] =	ssyncset.done $0x0;
	v3 =	vadd.s32 v39, v11;
	v8 =	vor.u32 v1, v2  }
0x171: {  	s18 =	simm.s32 @!p1 $0x3;
	[sflag:s16] =	ssyncadd.s32 $0xFFFFA000;
	v1 =	vadd.s32 v39, v8  }
0x172: {  	_ =	swait.ge @!p1 [sflag:s18], $0x6000  }
0x173: {  	[sflag:s18] =	ssyncset.done @!p1 $0x0  }
0x174: {  	v9 =	vshll.u32 v0, $0x5;
	[sflag:s18] =	ssyncadd.s32 @!p1 $0xFFFFA000  }
0x175: {  	v6 =	vshll.u32 v4, $0x5;
	v2 =	vor.u32 v36, v9;
	v0 =	vld.idx.msk [tilespmem:v3+s4+$0x0], $0xffff  }
0x176: {  	v4 =	vor.u32 v36, v6;
	v3 =	vadd.s32 v54, v11;
	v1 =	vld.idx.msk [tilespmem:v1+s4+$0x0], $0xffff  }
0x177: {  	v5 =	vadd.s32 v54, v8;
	_ =	sdelay $0x2  }
0x178: {  	[tilespmem:v2+s8+$0x0] =	vst.idx.msk $0xffff, v0  }
0x179: {  	v2 =	vor.u32 v12, v9;
	v0 =	vld.idx.msk [tilespmem:v3+s4+$0x0], $0xffff;
	[tilespmem:v4+s8+$0x0] =	vst.idx.msk $0xffff, v1  }
0x17a: {  	v1 =	vadd.s32 v10, v11;
	v4 =	vor.u32 v12, v6;
	v3 =	vld.idx.msk [tilespmem:v5+s4+$0x0], $0xffff  }
0x17b: {  	v5 =	vadd.s32 v10, v8;
	_ =	sdelay $0x2  }
0x17c: {  	[tilespmem:v2+s8+$0x0] =	vst.idx.msk $0xffff, v0  }
0x17d: {  	v0 =	vor.u32 v37, v9;
	v1 =	vld.idx.msk [tilespmem:v1+s4+$0x0], $0xffff;
	[tilespmem:v4+s8+$0x0] =	vst.idx.msk $0xffff, v3  }
0x17e: {  	v3 =	vadd.s32 v41, v11;
	v4 =	vor.u32 v37, v6;
	v2 =	vld.idx.msk [tilespmem:v5+s4+$0x0], $0xffff  }
0x17f: {  	v5 =	vadd.s32 v41, v8;
	_ =	sdelay $0x2  }
0x180: {  	[tilespmem:v0+s8+$0x0] =	vst.idx.msk $0xffff, v1  }
0x181: {  	v1 =	vor.u32 v13, v9;
	v0 =	vld.idx.msk [tilespmem:v3+s4+$0x0], $0xffff;
	[tilespmem:v4+s8+$0x0] =	vst.idx.msk $0xffff, v2  }
0x182: {  	v3 =	vadd.s32 v42, v11;
	v4 =	vor.u32 v13, v6;
	v2 =	vld.idx.msk [tilespmem:v5+s4+$0x0], $0xffff  }
0x183: {  	v5 =	vadd.s32 v42, v8;
	_ =	sdelay $0x2  }
0x184: {  	[tilespmem:v1+s8+$0x0] =	vst.idx.msk $0xffff, v0  }
0x185: {  	v1 =	vor.u32 v14, v9;
	v0 =	vld.idx.msk [tilespmem:v3+s4+$0x0], $0xffff;
	[tilespmem:v4+s8+$0x0] =	vst.idx.msk $0xffff, v2  }
0x186: {  	v3 =	vadd.s32 v43, v11;
	v4 =	vor.u32 v14, v6;
	v2 =	vld.idx.msk [tilespmem:v5+s4+$0x0], $0xffff  }
0x187: {  	v5 =	vadd.s32 v43, v8;
	_ =	sdelay $0x2  }
0x188: {  	[tilespmem:v1+s8+$0x0] =	vst.idx.msk $0xffff, v0  }
0x189: {  	v1 =	vor.u32 v35, v9;
	v0 =	vld.idx.msk [tilespmem:v3+s4+$0x0], $0xffff;
	[tilespmem:v4+s8+$0x0] =	vst.idx.msk $0xffff, v2  }
0x18a: {  	v3 =	vadd.s32 v56, v11;
	v4 =	vor.u32 v35, v6;
	v2 =	vld.idx.msk [tilespmem:v5+s4+$0x0], $0xffff  }
0x18b: {  	v5 =	vadd.s32 v56, v8;
	_ =	sdelay $0x2  }
0x18c: {  	[tilespmem:v1+s8+$0x0] =	vst.idx.msk $0xffff, v0  }
0x18d: {  	v1 =	vor.u32 v15, v9;
	v0 =	vld.idx.msk [tilespmem:v3+s4+$0x0], $0xffff;
	[tilespmem:v4+s8+$0x0] =	vst.idx.msk $0xffff, v2  }
0x18e: {  	v3 =	vadd.s32 v20, v11;
	v4 =	vor.u32 v15, v6;
	v2 =	vld.idx.msk [tilespmem:v5+s4+$0x0], $0xffff  }
0x18f: {  	v5 =	vadd.s32 v20, v8;
	_ =	sdelay $0x2  }
0x190: {  	[tilespmem:v1+s8+$0x0] =	vst.idx.msk $0xffff, v0  }
0x191: {  	v1 =	vor.u32 v16, v9;
	v0 =	vld.idx.msk [tilespmem:v3+s4+$0x0], $0xffff;
	[tilespmem:v4+s8+$0x0] =	vst.idx.msk $0xffff, v2  }
0x192: {  	v3 =	vadd.s32 v52, v11;
	v4 =	vor.u32 v16, v6;
	v2 =	vld.idx.msk [tilespmem:v5+s4+$0x0], $0xffff  }
0x193: {  	v5 =	vadd.s32 v52, v8;
	_ =	sdelay $0x2  }
0x194: {  	v49 =	vmov v12;
	v28 =	vmov v10;
	v7 =	vor.u32 v17, v9;
	[tilespmem:v1+s8+$0x0] =	vst.idx.msk $0xffff, v0  }
0x195: {  	s22 =	simm.s32 $0x20;
	s19 =	simm.s32 $0x30;
	v12 =	vadd.s32 v45, v8;
	v10 =	vor.u32 v17, v6;
	v3 =	vld.idx.msk [tilespmem:v3+s4+$0x0], $0xffff;
	[tilespmem:v4+s8+$0x0] =	vst.idx.msk $0xffff, v2  }
0x196: {  	v46 =	vmovc v56;
	v48 =	vmovc v14;
	v14 =	vor.u32 s19, v36;
	v1 =	vmov s22;
	v4 =	vld.idx.msk [tilespmem:v5+s4+$0x0], $0xffff;
	v5 =	vadd.s32 v45, v11  }
0x197: {  	v56 =	vmovc v37;
	v37 =	vmovc v13;
	v13 =	vmov s19;
	v0 =	vor.u32 s22, v36;
	v1 =	vshll.u32 v1, $0x3  }
0x198: {  	v13 =	vshll.u32 v13, $0x3;
	v2 =	vand.u32 $0x6F, v0;
	v1 =	vand.u32 $0x1C00, v1  }
0x199: {  	v13 =	vand.u32 $0x1C00, v13;
	v2 =	vor.u32 v2, v1;
	v1 =	vand.u32 $0x7F, v14  }
0x19a: {  	v32 =	vmov v15;
	v15 =	vadd.s32 v39, v2;
	v1 =	vor.u32 v1, v13;
	[tilespmem:v7+s8+$0x0] =	vst.idx.msk $0xffff, v3  }
0x19b: {  	v7 =	vor.u32 v26, v9;
	v5 =	vld.idx.msk [tilespmem:v5+s4+$0x0], $0xffff;
	[tilespmem:v10+s8+$0x0] =	vst.idx.msk $0xffff, v4;
	v4 =	vadd.s32 v39, v1  }
0x19c: {  	v13 =	vor.u32 v26, v6;
	v10 =	vld.idx.msk [tilespmem:v12+s4+$0x0], $0xffff;
	v12 =	vadd.s32 v19, v11  }
0x19d: {  	v47 =	vmov v16;
	v16 =	vadd.s32 v19, v8  }
0x19e: {  	v3 =	vshll.u32 v0, $0x5  }
0x19f: {  	v29 =	vmov v17;
	v0 =	vshll.u32 v14, $0x5;
	v17 =	vor.u32 v36, v3;
	v15 =	vld.idx.msk [tilespmem:v15+s4+$0x0], $0xffff  }
0x1a0: {  	v14 =	vadd.s32 v54, v2;
	v4 =	vld.idx.msk [tilespmem:v4+s4+$0x0], $0xffff;
	[tilespmem:v7+s8+$0x0] =	vst.idx.msk $0xffff, v5;
	v5 =	vor.u32 v36, v0  }
0x1a1: {  	v7 =	vld.idx.msk [tilespmem:v12+s4+$0x0], $0xffff;
	[tilespmem:v13+s8+$0x0] =	vst.idx.msk $0xffff, v10;
	v10 =	vadd.s32 v54, v1;
	v12 =	vor.u32 v18, v9  }
0x1a2: {  	v30 =	vmov v18;
	v18 =	vor.u32 v18, v6;
	v13 =	vld.idx.msk [tilespmem:v16+s4+$0x0], $0xffff;
	v16 =	vadd.s32 v50, v11  }
0x1a3: {  	v58 =	vmov v19;
	v19 =	vadd.s32 v50, v8  }
0x1a4: {  	[tilespmem:v17+s8+$0x0] =	vst.idx.msk $0xffff, v15  }
0x1a5: {  	v15 =	vor.u32 v49, v3;
	v14 =	vld.idx.msk [tilespmem:v14+s4+$0x0], $0xffff;
	[tilespmem:v5+s8+$0x0] =	vst.idx.msk $0xffff, v4  }
0x1a6: {  	v4 =	vadd.s32 v28, v2;
	v5 =	vld.idx.msk [tilespmem:v10+s4+$0x0], $0xffff;
	[tilespmem:v12+s8+$0x0] =	vst.idx.msk $0xffff, v7;
	v7 =	vor.u32 v49, v0  }
0x1a7: {  	v12 =	vadd.s32 v28, v1;
	v10 =	vld.idx.msk [tilespmem:v16+s4+$0x0], $0xffff;
	[tilespmem:v18+s8+$0x0] =	vst.idx.msk $0xffff, v13;
	v13 =	vor.u32 v27, v9  }
0x1a8: {  	v17 =	vadd.s32 v38, v11;
	v18 =	vor.u32 v27, v6;
	v16 =	vld.idx.msk [tilespmem:v19+s4+$0x0], $0xffff  }
0x1a9: {  	v19 =	vadd.s32 v38, v8  }
0x1aa: {  	[tilespmem:v15+s8+$0x0] =	vst.idx.msk $0xffff, v14  }
0x1ab: {  	v14 =	vor.u32 v56, v3;
	v4 =	vld.idx.msk [tilespmem:v4+s4+$0x0], $0xffff;
	[tilespmem:v7+s8+$0x0] =	vst.idx.msk $0xffff, v5  }
0x1ac: {  	v5 =	vld.idx.msk [tilespmem:v12+s4+$0x0], $0xffff;
	[tilespmem:v13+s8+$0x0] =	vst.idx.msk $0xffff, v10;
	v10 =	vor.u32 v56, v0  }
0x1ad: {  	v15 =	vor.u32 v33, v9;
	v12 =	vld.idx.msk [tilespmem:v17+s4+$0x0], $0xffff;
	[tilespmem:v18+s8+$0x0] =	vst.idx.msk $0xffff, v16  }
0x1ae: {  	v18 =	vor.u32 v33, v6;
	v16 =	vld.idx.msk [tilespmem:v19+s4+$0x0], $0xffff;
	_ =	sdelay $0x1  }
0x1af: {  	[tilespmem:v14+s8+$0x0] =	vst.idx.msk $0xffff, v4  }
0x1b0: {  	v7 =	vadd.s32 v41, v2;
	[tilespmem:v10+s8+$0x0] =	vst.idx.msk $0xffff, v5  }
0x1b1: {  	v13 =	vadd.s32 v41, v1;
	[tilespmem:v15+s8+$0x0] =	vst.idx.msk $0xffff, v12  }
0x1b2: {  	v17 =	vadd.s32 v31, v11;
	[tilespmem:v18+s8+$0x0] =	vst.idx.msk $0xffff, v16  }
0x1b3: {  	v34 =	vmov v45;
	v45 =	vmov v49;
	v19 =	vadd.s32 v31, v8;
	v49 =	vld [tilespmem:$0x1FF70];
	_ =	sdelay $0x1  }
0x1b4: {  	v4 =	vld.idx.msk [tilespmem:v7+s4+$0x0], $0xffff;
	v5 =	vor.u32 v37, v3  }
0x1b5: {  	v10 =	vadd.s32 v42, v2;
	v7 =	vld.idx.msk [tilespmem:v13+s4+$0x0], $0xffff;
	v12 =	vor.u32 v37, v0  }
0x1b6: {  	v14 =	vadd.s32 v42, v1;
	v15 =	vor.u32 v21, v9;
	v13 =	vld.idx.msk [tilespmem:v17+s4+$0x0], $0xffff  }
0x1b7: {  	v18 =	vor.u32 v21, v6;
	v16 =	vld.idx.msk [tilespmem:v19+s4+$0x0], $0xffff;
	v17 =	vadd.s32 v49, v11  }
0x1b8: {  	v19 =	vadd.s32 v49, v8  }
0x1b9: {  	[tilespmem:v5+s8+$0x0] =	vst.idx.msk $0xffff, v4  }
0x1ba: {  	v5 =	vor.u32 v48, v3;
	v4 =	vld.idx.msk [tilespmem:v10+s4+$0x0], $0xffff;
	[tilespmem:v12+s8+$0x0] =	vst.idx.msk $0xffff, v7  }
0x1bb: {  	v10 =	vadd.s32 v43, v2;
	v12 =	vor.u32 v48, v0;
	v7 =	vld.idx.msk [tilespmem:v14+s4+$0x0], $0xffff;
	[tilespmem:v15+s8+$0x0] =	vst.idx.msk $0xffff, v13  }
0x1bc: {  	v14 =	vadd.s32 v43, v1;
	v15 =	vor.u32 v23, v9;
	[tilespmem:v18+s8+$0x0] =	vst.idx.msk $0xffff, v16;
	v13 =	vld.idx.msk [tilespmem:v17+s4+$0x0], $0xffff  }
0x1bd: {  	v18 =	vor.u32 v23, v6;
	v16 =	vld.idx.msk [tilespmem:v19+s4+$0x0], $0xffff;
	v17 =	vadd.s32 v44, v11  }
0x1be: {  	v19 =	vadd.s32 v44, v8  }
0x1bf: {  	[tilespmem:v5+s8+$0x0] =	vst.idx.msk $0xffff, v4  }
0x1c0: {  	v5 =	vor.u32 v35, v3;
	v4 =	vld.idx.msk [tilespmem:v10+s4+$0x0], $0xffff;
	[tilespmem:v12+s8+$0x0] =	vst.idx.msk $0xffff, v7  }
0x1c1: {  	v12 =	vor.u32 v35, v0;
	v7 =	vld.idx.msk [tilespmem:v14+s4+$0x0], $0xffff;
	[tilespmem:v15+s8+$0x0] =	vst.idx.msk $0xffff, v13  }
0x1c2: {  	[tilespmem:v18+s8+$0x0] =	vst.idx.msk $0xffff, v16;
	v15 =	vor.u32 v25, v9;
	v13 =	vld.idx.msk [tilespmem:v17+s4+$0x0], $0xffff  }
0x1c3: {  	v18 =	vor.u32 v25, v6;
	v16 =	vld.idx.msk [tilespmem:v19+s4+$0x0], $0xffff;
	_ =	sdelay $0x1  }
0x1c4: {  	[tilespmem:v5+s8+$0x0] =	vst.idx.msk $0xffff, v4  }
0x1c5: {  	[tilespmem:v12+s8+$0x0] =	vst.idx.msk $0xffff, v7  }
0x1c6: {  	v10 =	vadd.s32 v46, v2;
	[tilespmem:v15+s8+$0x0] =	vst.idx.msk $0xffff, v13  }
0x1c7: {  	v14 =	vadd.s32 v46, v1;
	[tilespmem:v18+s8+$0x0] =	vst.idx.msk $0xffff, v16  }
0x1c8: {  	v17 =	vadd.s32 v51, v11;
	v46 =	vld [tilespmem:$0x1FE00]  }
0x1c9: {  	v19 =	vadd.s32 v51, v8;
	_ =	sdelay $0x1  }
0x1ca: {  	v5 =	vor.u32 v32, v3;
	v4 =	vld.idx.msk [tilespmem:v10+s4+$0x0], $0xffff  }
0x1cb: {  	v12 =	vor.u32 v32, v0;
	v7 =	vld.idx.msk [tilespmem:v14+s4+$0x0], $0xffff  }
0x1cc: {  	v13 =	vld.idx.msk [tilespmem:v17+s4+$0x0], $0xffff;
	v15 =	vor.u32 v46, v9  }
0x1cd: {  	v16 =	vld.idx.msk [tilespmem:v19+s4+$0x0], $0xffff;
	v18 =	vor.u32 v46, v6;
	_ =	sdelay $0x1  }
0x1ce: {  	[tilespmem:v5+s8+$0x0] =	vst.idx.msk $0xffff, v4  }
0x1cf: {  	v10 =	vadd.s32 v20, v2;
	[tilespmem:v12+s8+$0x0] =	vst.idx.msk $0xffff, v7  }
0x1d0: {  	v14 =	vadd.s32 v20, v1;
	[tilespmem:v15+s8+$0x0] =	vst.idx.msk $0xffff, v13  }
0x1d1: {  	v17 =	vadd.s32 v55, v11;
	[tilespmem:v18+s8+$0x0] =	vst.idx.msk $0xffff, v16  }
0x1d2: {  	v19 =	vadd.s32 v55, v8;
	v32 =	vld [tilespmem:$0x1FE10];
	_ =	sdelay $0x1  }
0x1d3: {  	v7 =	vor.u32 v47, v3;
	v10 =	vld.idx.msk [tilespmem:v10+s4+$0x0], $0xffff  }
0x1d4: {  	v12 =	vld.idx.msk [tilespmem:v14+s4+$0x0], $0xffff;
	v14 =	vor.u32 v47, v0;
	v13 =	vadd.s32 v52, v2  }
0x1d5: {  	v16 =	vadd.s32 v52, v1;
	v15 =	vld.idx.msk [tilespmem:v17+s4+$0x0], $0xffff;
	v17 =	vor.u32 v22, v9  }
0x1d6: {  	v20 =	vor.u32 v22, v6;
	v18 =	vld.idx.msk [tilespmem:v19+s4+$0x0], $0xffff;
	v19 =	vadd.s32 v32, v11  }
0x1d7: {  	v22 =	vadd.s32 v32, v8  }
0x1d8: {  	s20 =	simm.s32 $0x40;
	v50 =	vmov v38;
	[tilespmem:v7+s8+$0x0] =	vst.idx.msk $0xffff, v10  }
0x1d9: {  	v38 =	vmovc v31;
	v31 =	vmov v21;
	v4 =	vmov s20;
	v10 =	vor.u32 v29, v3;
	[tilespmem:v14+s8+$0x0] =	vst.idx.msk $0xffff, v12;
	v13 =	vld.idx.msk [tilespmem:v13+s4+$0x0], $0xffff  }
0x1da: {  	v5 =	vor.u32 s20, v36;
	v4 =	vshll.u32 v4, $0x3;
	v12 =	vld.idx.msk [tilespmem:v16+s4+$0x0], $0xffff;
	[tilespmem:v17+s8+$0x0] =	vst.idx.msk $0xffff, v15;
	v15 =	vor.u32 v29, v0  }
0x1db: {  	v21 =	vand.u32 $0x6F, v5;
	v4 =	vand.u32 $0x1C00, v4;
	v7 =	vor.u32 v24, v9;
	[tilespmem:v20+s8+$0x0] =	vst.idx.msk $0xffff, v18;
	v16 =	vld.idx.msk [tilespmem:v19+s4+$0x0], $0xffff  }
0x1dc: {  	v4 =	vor.u32 v21, v4;
	v21 =	vor.u32 v24, v6;
	v20 =	vld.idx.msk [tilespmem:v22+s4+$0x0], $0xffff;
	_ =	sdelay $0x1  }
0x1dd: {  	[tilespmem:v10+s8+$0x0] =	vst.idx.msk $0xffff, v13  }
0x1de: {  	[tilespmem:v15+s8+$0x0] =	vst.idx.msk $0xffff, v12  }
0x1df: {  	v14 =	vadd.s32 v34, v2;
	[tilespmem:v7+s8+$0x0] =	vst.idx.msk $0xffff, v16  }
0x1e0: {  	v17 =	vadd.s32 v34, v1;
	[tilespmem:v21+s8+$0x0] =	vst.idx.msk $0xffff, v20  }
0x1e1: {  	s21 =	simm.s32 $0x50;
	v47 =	vmov v27;
	v19 =	vadd.s32 v53, v11;
	v27 =	vld [tilespmem:$0x1FE80]  }
0x1e2: {  	v18 =	vmov s21;
	v29 =	vmov v23;
	v23 =	vadd.s32 v53, v8  }
0x1e3: {  	v18 =	vshll.u32 v18, $0x3  }
0x1e4: {  	v18 =	vand.u32 $0x1C00, v18;
	v22 =	vor.u32 s21, v36;
	v13 =	vld.idx.msk [tilespmem:v14+s4+$0x0], $0xffff;
	v14 =	vor.u32 v26, v3  }
0x1e5: {  	v24 =	vand.u32 $0x7F, v22;
	v15 =	vld.idx.msk [tilespmem:v17+s4+$0x0], $0xffff;
	v17 =	vor.u32 v26, v0;
	v16 =	vadd.s32 v58, v2  }
0x1e6: {  	v10 =	vor.u32 v24, v18;
	v18 =	vld.idx.msk [tilespmem:v19+s4+$0x0], $0xffff;
	v19 =	vadd.s32 v58, v1;
	v20 =	vor.u32 v27, v9  }
0x1e7: {  	v21 =	vld.idx.msk [tilespmem:v23+s4+$0x0], $0xffff;
	v24 =	vor.u32 v27, v6  }
0x1e8: {  	v7 =	vld [tilespmem:$0x1FC20]  }
0x1e9: {  	v34 =	vmov v25;
	v25 =	vadd.s32 v39, v4;
	[tilespmem:v14+s8+$0x0] =	vst.idx.msk $0xffff, v13  }
0x1ea: {  	v12 =	vadd.s32 v39, v10;
	[tilespmem:v17+s8+$0x0] =	vst.idx.msk $0xffff, v15;
	v14 =	vld.idx.msk [tilespmem:v16+s4+$0x0], $0xffff  }
0x1eb: {  	v17 =	vld.idx.msk [tilespmem:v19+s4+$0x0], $0xffff;
	[tilespmem:v20+s8+$0x0] =	vst.idx.msk $0xffff, v18  }
0x1ec: {  	v5 =	vshll.u32 v5, $0x5;
	v40 =	vld [tilespmem:$0x1FFA0];
	[tilespmem:v24+s8+$0x0] =	vst.idx.msk $0xffff, v21  }
0x1ed: {  	v16 =	vor.u32 v30, v3;
	v23 =	vadd.s32 v7, v11;
	v19 =	vor.u32 v30, v0;
	v30 =	vld [tilespmem:$0x1FD90]  }
0x1ee: {  	v25 =	vld.idx.msk [tilespmem:v25+s4+$0x0], $0xffff;
	v26 =	vor.u32 v36, v5;
	v27 =	vadd.s32 v7, v8;
	v7 =	vshll.u32 v22, $0x5  }
0x1ef: {  	v12 =	vld.idx.msk [tilespmem:v12+s4+$0x0], $0xffff;
	v13 =	vor.u32 v36, v7;
	_ =	sdelay $0x2  }
0x1f0: {  	v20 =	vld.idx.msk [tilespmem:v23+s4+$0x0], $0xffff;
	v23 =	vor.u32 v30, v9  }
0x1f1: {  	[tilespmem:v26+s8+$0x0] =	vst.idx.msk $0xffff, v25;
	v24 =	vld.idx.msk [tilespmem:v27+s4+$0x0], $0xffff;
	v26 =	vor.u32 v30, v6  }
0x1f2: {  	v58 =	vld [tilespmem:$0x1FC30];
	[tilespmem:v13+s8+$0x0] =	vst.idx.msk $0xffff, v12  }
0x1f3: {  	v22 =	vadd.s32 v54, v4;
	[tilespmem:v16+s8+$0x0] =	vst.idx.msk $0xffff, v14  }
0x1f4: {  	v15 =	vadd.s32 v54, v10;
	[tilespmem:v19+s8+$0x0] =	vst.idx.msk $0xffff, v17  }
0x1f5: {  	v18 =	vadd.s32 v40, v2;
	[tilespmem:v23+s8+$0x0] =	vst.idx.msk $0xffff, v20  }
0x1f6: {  	v21 =	vadd.s32 v40, v1;
	[tilespmem:v26+s8+$0x0] =	vst.idx.msk $0xffff, v24  }
0x1f7: {  	v25 =	vadd.s32 v58, v11;
	v26 =	vld [tilespmem:$0x1FD70]  }
0x1f8: {  	v27 =	vor.u32 v45, v5;
	v22 =	vld.idx.msk [tilespmem:v22+s4+$0x0], $0xffff;
	v12 =	vadd.s32 v58, v8  }
0x1f9: {  	v14 =	vor.u32 v45, v7;
	v15 =	vld.idx.msk [tilespmem:v15+s4+$0x0], $0xffff  }
0x1fa: {  	v16 =	vld.idx.msk [tilespmem:v18+s4+$0x0], $0xffff;
	v18 =	vor.u32 v47, v3  }
0x1fb: {  	v19 =	vld.idx.msk [tilespmem:v21+s4+$0x0], $0xffff;
	v21 =	vor.u32 v47, v0  }
0x1fc: {  	v23 =	vld.idx.msk [tilespmem:v25+s4+$0x0], $0xffff;
	v25 =	vor.u32 v26, v9  }
0x1fd: {  	[tilespmem:v27+s8+$0x0] =	vst.idx.msk $0xffff, v22;
	v12 =	vld.idx.msk [tilespmem:v12+s4+$0x0], $0xffff;
	v26 =	vor.u32 v26, v6  }
0x1fe: {  	v30 =	vld [tilespmem:$0x1FEA0];
	[tilespmem:v14+s8+$0x0] =	vst.idx.msk $0xffff, v15  }
0x1ff: {  	v13 =	vadd.s32 v28, v4;
	[tilespmem:v18+s8+$0x0] =	vst.idx.msk $0xffff, v16  }
0x200: {  	v17 =	vadd.s32 v28, v10;
	[tilespmem:v21+s8+$0x0] =	vst.idx.msk $0xffff, v19  }
0x201: {  	v20 =	vadd.s32 v50, v2;
	[tilespmem:v25+s8+$0x0] =	vst.idx.msk $0xffff, v23  }
0x202: {  	v24 =	vadd.s32 v50, v1;
	[tilespmem:v26+s8+$0x0] =	vst.idx.msk $0xffff, v12  }
0x203: {  	v22 =	vadd.s32 v30, v11;
	v26 =	vld [tilespmem:$0x1FCA0]  }
0x204: {  	v27 =	vor.u32 v56, v5;
	v13 =	vld.idx.msk [tilespmem:v13+s4+$0x0], $0xffff;
	v14 =	vadd.s32 v30, v8  }
0x205: {  	v15 =	vld.idx.msk [tilespmem:v17+s4+$0x0], $0xffff;
	v17 =	vor.u32 v56, v7  }
0x206: {  	v18 =	vld.idx.msk [tilespmem:v20+s4+$0x0], $0xffff;
	v20 =	vor.u32 v33, v3  }
0x207: {  	v21 =	vld.idx.msk [tilespmem:v24+s4+$0x0], $0xffff;
	v24 =	vor.u32 v33, v0  }
0x208: {  	v22 =	vld.idx.msk [tilespmem:v22+s4+$0x0], $0xffff;
	v25 =	vor.u32 v26, v9  }
0x209: {  	v12 =	vadd.s32 v38, v1;
	[tilespmem:v27+s8+$0x0] =	vst.idx.msk $0xffff, v13;
	v13 =	vld.idx.msk [tilespmem:v14+s4+$0x0], $0xffff;
	v26 =	vor.u32 v26, v6  }
0x20a: {  	[tilespmem:v17+s8+$0x0] =	vst.idx.msk $0xffff, v15  }
0x20b: {  	v16 =	vadd.s32 v41, v4;
	[tilespmem:v20+s8+$0x0] =	vst.idx.msk $0xffff, v18  }
0x20c: {  	v19 =	vadd.s32 v41, v10;
	[tilespmem:v24+s8+$0x0] =	vst.idx.msk $0xffff, v21  }
0x20d: {  	v23 =	vadd.s32 v38, v2;
	[tilespmem:v25+s8+$0x0] =	vst.idx.msk $0xffff, v22  }
0x20e: {  	v27 =	vld.idx.msk [tilespmem:v12+s4+$0x0], $0xffff;
	[tilespmem:v26+s8+$0x0] =	vst.idx.msk $0xffff, v13  }
0x20f: {  	v14 =	vadd.s32 v60, v11;
	v12 =	vld [tilespmem:$0x1FCB0]  }
0x210: {  	v15 =	vadd.s32 v60, v8;
	v17 =	vor.u32 v37, v5;
	v16 =	vld.idx.msk [tilespmem:v16+s4+$0x0], $0xffff  }
0x211: {  	v18 =	vadd.s32 v42, v4;
	v20 =	vor.u32 v37, v7;
	v19 =	vld.idx.msk [tilespmem:v19+s4+$0x0], $0xffff  }
0x212: {  	v21 =	vadd.s32 v42, v10;
	v24 =	vor.u32 v31, v3;
	v23 =	vld.idx.msk [tilespmem:v23+s4+$0x0], $0xffff  }
0x213: {  	v25 =	vor.u32 v31, v0  }
0x214: {  	v14 =	vld.idx.msk [tilespmem:v14+s4+$0x0], $0xffff;
	v26 =	vor.u32 v12, v9  }
0x215: {  	v15 =	vld.idx.msk [tilespmem:v15+s4+$0x0], $0xffff;
	[tilespmem:v17+s8+$0x0] =	vst.idx.msk $0xffff, v16;
	v17 =	vor.u32 v12, v6  }
0x216: {  	[tilespmem:v20+s8+$0x0] =	vst.idx.msk $0xffff, v19;
	v20 =	vor.u32 v48, v5;
	v18 =	vld.idx.msk [tilespmem:v18+s4+$0x0], $0xffff  }
0x217: {  	[tilespmem:v24+s8+$0x0] =	vst.idx.msk $0xffff, v23;
	v24 =	vor.u32 v48, v7;
	v21 =	vld.idx.msk [tilespmem:v21+s4+$0x0], $0xffff  }
0x218: {  	[tilespmem:v25+s8+$0x0] =	vst.idx.msk $0xffff, v27  }
0x219: {  	[tilespmem:v26+s8+$0x0] =	vst.idx.msk $0xffff, v14  }
0x21a: {  	v22 =	vadd.s32 v49, v2;
	[tilespmem:v17+s8+$0x0] =	vst.idx.msk $0xffff, v15  }
0x21b: {  	s22 =	simm.s32 $0x60;
	v13 =	vadd.s32 v49, v1;
	v15 =	vld [tilespmem:$0x1FCC0];
	[tilespmem:v20+s8+$0x0] =	vst.idx.msk $0xffff, v18  }
0x21c: {  	v16 =	vadd.s32 v62, v11;
	v14 =	vmov s22;
	[tilespmem:v24+s8+$0x0] =	vst.idx.msk $0xffff, v21  }
0x21d: {  	v19 =	vadd.s32 v62, v8;
	v31 =	vshll.u32 v14, $0x3;
	v14 =	vld [tilespmem:$0x1FE20]  }
0x21e: {  	v23 =	vadd.s32 v43, v4  }
0x21f: {  	v22 =	vld.idx.msk [tilespmem:v22+s4+$0x0], $0xffff;
	v27 =	vor.u32 v29, v3  }
0x220: {  	v13 =	vld.idx.msk [tilespmem:v13+s4+$0x0], $0xffff  }
0x221: {  	v29 =	vor.u32 v29, v0;
	v16 =	vld.idx.msk [tilespmem:v16+s4+$0x0], $0xffff  }
0x222: {  	v19 =	vld.idx.msk [tilespmem:v19+s4+$0x0], $0xffff;
	v30 =	vor.u32 v15, v9;
	v14 =	vor.u32 v14, v9  }
0x223: {  	v23 =	vld.idx.msk [tilespmem:v23+s4+$0x0], $0xffff;
	v20 =	vor.u32 v15, v6;
	[tilespmem:$0x1FBF0] =	vst v14  }
0x224: {  	[tilespmem:v27+s8+$0x0] =	vst.idx.msk $0xffff, v22  }
0x225: {  	v25 =	vadd.s32 v43, v10;
	v15 =	vld [tilespmem:$0x1FC60]  }
0x226: {  	v28 =	vor.u32 s22, v36;
	v26 =	vadd.s32 v44, v2;
	v47 =	vld [tilespmem:$0x1FFF0];
	[tilespmem:v29+s8+$0x0] =	vst.idx.msk $0xffff, v13  }
0x227: {  	v12 =	vshll.u32 v28, $0x5;
	v17 =	vand.u32 $0x6F, v28;
	v28 =	vadd.s32 v44, v1;
	[tilespmem:v30+s8+$0x0] =	vst.idx.msk $0xffff, v16  }
0x228: {  	v18 =	vadd.s32 v63, v11;
	[tilespmem:v20+s8+$0x0] =	vst.idx.msk $0xffff, v19  }
0x229: {  	v24 =	vor.u32 v35, v5;
	v14 =	vld [tilespmem:$0x1FCE0]  }
0x22a: {  	v21 =	vadd.s32 v63, v8;
	v25 =	vld.idx.msk [tilespmem:v25+s4+$0x0], $0xffff;
	v27 =	vor.u32 v35, v7  }
0x22b: {  	v26 =	vld.idx.msk [tilespmem:v26+s4+$0x0], $0xffff  }
0x22c: {  	v40 =	vor.u32 v34, v3;
	v28 =	vld.idx.msk [tilespmem:v28+s4+$0x0], $0xffff  }
0x22d: {  	v30 =	vor.u32 v34, v0;
	v18 =	vld.idx.msk [tilespmem:v18+s4+$0x0], $0xffff  }
0x22e: {  	v34 =	vld [tilespmem:$0x1FD00];
	[tilespmem:v24+s8+$0x0] =	vst.idx.msk $0xffff, v23;
	v20 =	vor.u32 v14, v9  }
0x22f: {  	v21 =	vld.idx.msk [tilespmem:v21+s4+$0x0], $0xffff;
	[tilespmem:v27+s8+$0x0] =	vst.idx.msk $0xffff, v25;
	v24 =	vor.u32 v14, v6  }
0x230: {  	v14 =	vld [tilespmem:$0x1FDB0]  }
0x231: {  	[tilespmem:v40+s8+$0x0] =	vst.idx.msk $0xffff, v26  }
0x232: {  	v16 =	vadd.s32 v51, v2;
	v48 =	vld [tilespmem:$0x1FEE0];
	[tilespmem:v30+s8+$0x0] =	vst.idx.msk $0xffff, v28  }
0x233: {  	v22 =	vadd.s32 v47, v4;
	[tilespmem:v20+s8+$0x0] =	vst.idx.msk $0xffff, v18  }
0x234: {  	v29 =	vadd.s32 v47, v10;
	[tilespmem:v24+s8+$0x0] =	vst.idx.msk $0xffff, v21  }
0x235: {  	v13 =	vand.u32 $0x1C00, v31;
	v27 =	vor.u32 v14, v5;
	v31 =	vor.u32 v14, v7;
	v14 =	vld [tilespmem:$0x1FE60];
	_ =	sdelay $0x1  }
0x236: {  	v37 =	vmov v32;
	v32 =	vld.idx.msk [tilespmem:v16+s4+$0x0], $0xffff  }
0x237: {  	v13 =	vor.u32 v17, v13;
	v17 =	vld.idx.msk [tilespmem:v22+s4+$0x0], $0xffff  }
0x238: {  	v19 =	vadd.s32 v51, v1;
	v29 =	vld.idx.msk [tilespmem:v29+s4+$0x0], $0xffff  }
0x239: {  	v23 =	vadd.s32 v61, v11;
	v30 =	vor.u32 v46, v3;
	v16 =	vor.u32 v14, v3;
	v14 =	vld [tilespmem:$0x1FCF0];
	_ =	sdelay $0x2  }
0x23a: {  	[tilespmem:v27+s8+$0x0] =	vst.idx.msk $0xffff, v17  }
0x23b: {  	v19 =	vld.idx.msk [tilespmem:v19+s4+$0x0], $0xffff;
	v20 =	vor.u32 v46, v0;
	[tilespmem:v31+s8+$0x0] =	vst.idx.msk $0xffff, v29  }
0x23c: {  	v22 =	vadd.s32 v61, v8;
	v23 =	vld.idx.msk [tilespmem:v23+s4+$0x0], $0xffff;
	[tilespmem:v30+s8+$0x0] =	vst.idx.msk $0xffff, v32;
	v24 =	vor.u32 v14, v9  }
0x23d: {  	v27 =	vor.u32 v14, v6;
	v14 =	vld [tilespmem:$0x1FDC0]  }
0x23e: {  	v25 =	vadd.s32 v39, v13  }
0x23f: {  	v26 =	vadd.s32 v48, v4  }
0x240: {  	v28 =	vadd.s32 v48, v10;
	[tilespmem:v20+s8+$0x0] =	vst.idx.msk $0xffff, v19  }
0x241: {  	v40 =	vadd.s32 v55, v2;
	v22 =	vld.idx.msk [tilespmem:v22+s4+$0x0], $0xffff;
	[tilespmem:v24+s8+$0x0] =	vst.idx.msk $0xffff, v23  }
0x242: {  	v21 =	vadd.s32 v55, v1;
	v48 =	vor.u32 v14, v5;
	v20 =	vor.u32 v14, v7;
	v14 =	vld [tilespmem:$0x1FE40]  }
0x243: {  	v46 =	vld.idx.msk [tilespmem:v25+s4+$0x0], $0xffff;
	v18 =	vadd.s32 v57, v11;
	v29 =	vor.u32 v36, v12  }
0x244: {  	v25 =	vld.idx.msk [tilespmem:v26+s4+$0x0], $0xffff  }
0x245: {  	v31 =	vadd.s32 v57, v8;
	v28 =	vld.idx.msk [tilespmem:v28+s4+$0x0], $0xffff  }
0x246: {  	v30 =	vadd.s32 v54, v13;
	v33 =	vld.idx.msk [tilespmem:v40+s4+$0x0], $0xffff  }
0x247: {  	v26 =	vadd.s32 v52, v10;
	v40 =	vld.idx.msk [tilespmem:v21+s4+$0x0], $0xffff;
	[tilespmem:v27+s8+$0x0] =	vst.idx.msk $0xffff, v22;
	v17 =	vor.u32 v14, v3  }
0x248: {  	v19 =	vadd.s32 v52, v4;
	v52 =	vld.idx.msk [tilespmem:v18+s4+$0x0], $0xffff;
	[tilespmem:v29+s8+$0x0] =	vst.idx.msk $0xffff, v46;
	v27 =	vor.u32 v14, v0  }
0x249: {  	v29 =	vld [tilespmem:$0x1FDD0]  }
0x24a: {  	v21 =	vld.idx.msk [tilespmem:v31+s4+$0x0], $0xffff;
	[tilespmem:v48+s8+$0x0] =	vst.idx.msk $0xffff, v25  }
0x24b: {  	v14 =	vld [tilespmem:$0x1FD80];
	[tilespmem:v20+s8+$0x0] =	vst.idx.msk $0xffff, v28  }
0x24c: {  	v22 =	vadd.s32 v37, v2;
	v31 =	vld.idx.msk [tilespmem:v30+s4+$0x0], $0xffff;
	[tilespmem:v17+s8+$0x0] =	vst.idx.msk $0xffff, v33  }
0x24d: {  	v35 =	vor.u32 v34, v9;
	v37 =	vadd.s32 v37, v1;
	v17 =	vld [tilespmem:$0x1FFD0];
	[tilespmem:v27+s8+$0x0] =	vst.idx.msk $0xffff, v40  }
0x24e: {  	v48 =	vld [tilespmem:$0x1FFE0]  }
0x24f: {  	v15 =	vor.u32 v15, v9;
	v32 =	vor.u32 v45, v12;
	v45 =	vmovc v47;
	v47 =	vmov v50;
	v25 =	vld.idx.msk [tilespmem:v19+s4+$0x0], $0xffff  }
0x250: {  	v23 =	vor.u32 v34, v6;
	v30 =	vor.u32 v56, v12;
	v24 =	vor.u32 v29, v5;
	v26 =	vld.idx.msk [tilespmem:v26+s4+$0x0], $0xffff  }
0x251: {  	v28 =	vor.u32 v29, v7;
	v18 =	vadd.s32 v14, v11;
	v19 =	vadd.s32 v14, v8;
	v20 =	vld.idx.msk [tilespmem:v22+s4+$0x0], $0xffff  }
0x252: {  	v56 =	vmov v58;
	[tilespmem:v35+s8+$0x0] =	vst.idx.msk $0xffff, v52;
	v22 =	vld.idx.msk [tilespmem:v37+s4+$0x0], $0xffff;
	v52 =	vmov v38;
	v33 =	vadd.s32 v17, v13  }
0x253: {  	s18 =	simm.s32 $0x80;
	s19 =	simm.s32 $0x70;
	v38 =	vmovc v49;
	v50 =	vld [tilespmem:$0x1FFA0];
	v17 =	vadd.s32 v59, v11;
	v27 =	vadd.s32 v48, v4;
	v29 =	vadd.s32 v48, v10  }
.LBB2_6:
0x254: {  	_ =	sdelay $0x1  }
0x255: {  	v46 =	vld [tilespmem:$0x1FE60]  }
0x256: {  	v37 =	vld.idx.msk [tilespmem:v18+s4+$0x0], $0xffff  }
0x257: {  	v14 =	vld [tilespmem:$0x1FC40]  }
0x258: {  	v35 =	vadd.s32 v53, v2;
	v58 =	vmov v53;
	[tilespmem:v23+s8+$0x0] =	vst.idx.msk $0xffff, v21;
	v23 =	vadd.s32 v53, v1;
	v53 =	vld [tilespmem:$0x1FC60]  }
0x259: {  	[tilespmem:v32+s8+$0x0] =	vst.idx.msk $0xffff, v31;
	v19 =	vld.idx.msk [tilespmem:v19+s4+$0x0], $0xffff  }
0x25a: {  	v34 =	vmov s19;
	v40 =	vmov v38;
	v38 =	vlaneseq.u32;
	v31 =	vld.idx.msk [tilespmem:v33+s4+$0x0], $0xffff;
	[tilespmem:v24+s8+$0x0] =	vst.idx.msk $0xffff, v25  }
0x25b: {  	v18 =	vshll.u32 v34, $0x3;
	v21 =	vor.u32 s19, v38;
	[tilespmem:v28+s8+$0x0] =	vst.idx.msk $0xffff, v26;
	v26 =	vadd.s32 v59, v8;
	v59 =	vld [tilespmem:$0x1FED0]  }
0x25c: {  	v18 =	vand.u32 $0x1C00, v18;
	v49 =	vand.u32 $0x7F, v21;
	v25 =	vld.idx.msk [tilespmem:v27+s4+$0x0], $0xffff;
	v36 =	vor.u32 v46, v0  }
0x25d: {  	v18 =	vor.u32 v49, v18;
	v49 =	vld [tilespmem:$0x1FE90]  }
0x25e: {  	v29 =	vld.idx.msk [tilespmem:v29+s4+$0x0], $0xffff;
	[tilespmem:v16+s8+$0x0] =	vst.idx.msk $0xffff, v20;
	v24 =	vor.u32 v53, v6  }
0x25f: {  	v32 =	vld.idx.msk [tilespmem:v35+s4+$0x0], $0xffff;
	[tilespmem:v15+s8+$0x0] =	vst.idx.msk $0xffff, v37  }
0x260: {  	v27 =	vadd.s32 v39, v18;
	v17 =	vld.idx.msk [tilespmem:v17+s4+$0x0], $0xffff  }
0x261: {  	[tilespmem:v36+s8+$0x0] =	vst.idx.msk $0xffff, v22;
	v36 =	vld [tilespmem:$0x1FE80]  }
0x262: {  	v28 =	vor.u32 v49, v5;
	v20 =	vor.u32 v49, v7;
	v49 =	vld [tilespmem:$0x1FC20]  }
0x263: {  	v23 =	vld.idx.msk [tilespmem:v23+s4+$0x0], $0xffff;
	[tilespmem:v24+s8+$0x0] =	vst.idx.msk $0xffff, v19  }
0x264: {  	v26 =	vld.idx.msk [tilespmem:v26+s4+$0x0], $0xffff  }
0x265: {  	v16 =	vadd.s32 v59, v4;
	v27 =	vld.idx.msk [tilespmem:v27+s4+$0x0], $0xffff  }
0x266: {  	v22 =	vadd.s32 v59, v10;
	v33 =	vor.u32 v36, v3;
	v34 =	vor.u32 v36, v0;
	v36 =	vld [tilespmem:$0x1FE20]  }
0x267: {  	v24 =	vadd.s32 v14, v11;
	[tilespmem:v20+s8+$0x0] =	vst.idx.msk $0xffff, v29;
	v20 =	vadd.s32 v14, v8;
	v14 =	vld [tilespmem:$0x1FBF0]  }
0x268: {  	v59 =	vld [tilespmem:$0x1FDE0];
	v15 =	vadd.s32 v49, v2  }
0x269: {  	[tilespmem:v30+s8+$0x0] =	vst.idx.msk $0xffff, v31;
	v19 =	vadd.s32 v49, v1;
	v49 =	vld [tilespmem:$0x1FD90]  }
0x26a: {  	v37 =	vmov v54;
	[tilespmem:v28+s8+$0x0] =	vst.idx.msk $0xffff, v25;
	v29 =	vadd.s32 v54, v18;
	v54 =	vmov v44;
	v44 =	vld [tilespmem:$0x1FFB0]  }
0x26b: {  	v21 =	vshll.u32 v21, $0x5;
	v16 =	vld.idx.msk [tilespmem:v16+s4+$0x0], $0xffff;
	v25 =	vor.u32 v36, v6  }
0x26c: {  	v28 =	vor.u32 v38, v21;
	v22 =	vld.idx.msk [tilespmem:v22+s4+$0x0], $0xffff;
	[tilespmem:v33+s8+$0x0] =	vst.idx.msk $0xffff, v32  }
0x26d: {  	v30 =	vor.u32 v59, v5;
	[tilespmem:v34+s8+$0x0] =	vst.idx.msk $0xffff, v23;
	v15 =	vld.idx.msk [tilespmem:v15+s4+$0x0], $0xffff  }
0x26e: {  	v19 =	vld.idx.msk [tilespmem:v19+s4+$0x0], $0xffff  }
0x26f: {  	v33 =	vor.u32 v49, v3;
	[tilespmem:v14+s8+$0x0] =	vst.idx.msk $0xffff, v17;
	v17 =	vor.u32 v49, v0;
	v49 =	vld [tilespmem:$0x1FFD0]  }
0x270: {  	v24 =	vld.idx.msk [tilespmem:v24+s4+$0x0], $0xffff;
	[tilespmem:v25+s8+$0x0] =	vst.idx.msk $0xffff, v26  }
0x271: {  	v31 =	vadd.s32 v50, v4;
	v32 =	vor.u32 v59, v7;
	[tilespmem:v28+s8+$0x0] =	vst.idx.msk $0xffff, v27;
	v28 =	vld [tilespmem:$0x1FC70]  }
0x272: {  	v59 =	vmovc v57;
	v57 =	vmovc v61;
	v61 =	vmov v63;
	v63 =	vmov v62;
	v62 =	vmov v60;
	[tilespmem:v30+s8+$0x0] =	vst.idx.msk $0xffff, v16;
	v30 =	vld [tilespmem:$0x1FC50]  }
0x273: {  	v60 =	vmovc v56;
	v14 =	vadd.s32 v56, v2;
	v25 =	vadd.s32 v56, v1;
	v56 =	vmovc v55;
	v55 =	vmov v51;
	v51 =	vld [tilespmem:$0x1FEA0]  }
0x274: {  	v23 =	vadd.s32 v50, v10;
	v20 =	vld.idx.msk [tilespmem:v20+s4+$0x0], $0xffff  }
0x275: {  	v27 =	vld.idx.msk [tilespmem:v29+s4+$0x0], $0xffff  }
0x276: {  	v29 =	vld.idx.msk [tilespmem:v31+s4+$0x0], $0xffff;
	v16 =	vor.u32 v28, v6  }
0x277: {  	v31 =	vld [tilespmem:$0x1FE30];
	v26 =	vor.u32 v28, v9;
	v28 =	vor.u32 v44, v21  }
0x278: {  	[tilespmem:v32+s8+$0x0] =	vst.idx.msk $0xffff, v22;
	v32 =	vld [tilespmem:$0x1FD70];
	v8 =	vadd.s32 v30, v8  }
0x279: {  	[tilespmem:v33+s8+$0x0] =	vst.idx.msk $0xffff, v15;
	v23 =	vld.idx.msk [tilespmem:v23+s4+$0x0], $0xffff  }
0x27a: {  	v14 =	vld.idx.msk [tilespmem:v14+s4+$0x0], $0xffff;
	[tilespmem:v17+s8+$0x0] =	vst.idx.msk $0xffff, v19  }
0x27b: {  	v25 =	vld.idx.msk [tilespmem:v25+s4+$0x0], $0xffff;
	[tilespmem:v16+s8+$0x0] =	vst.idx.msk $0xffff, v20  }
0x27c: {  	v11 =	vadd.s32 v30, v11;
	v30 =	vor.u32 v31, v5;
	[tilespmem:v28+s8+$0x0] =	vst.idx.msk $0xffff, v27;
	v27 =	vld [tilespmem:$0x1FC80]  }
0x27d: {  	v15 =	vadd.s32 v47, v4;
	v19 =	vor.u32 v32, v3;
	v20 =	vld.idx.msk [tilespmem:v8+s4+$0x0], $0xffff  }
0x27e: {  	v17 =	vadd.s32 v47, v10;
	v16 =	vadd.s32 v51, v1;
	v8 =	vmovc v1;
	v1 =	vmov v10;
	v10 =	vld [tilespmem:$0x1FEB0]  }
0x27f: {  	v22 =	vadd.s32 v49, v18;
	v31 =	vor.u32 v31, v7  }
0x280: {  	[tilespmem:v26+s8+$0x0] =	vst.idx.msk $0xffff, v24;
	v24 =	vadd.s32 v51, v2;
	v51 =	vmov v47;
	v47 =	vld [tilespmem:$0x1FFC0]  }
0x281: {  	v26 =	vor.u32 v32, v0;
	v11 =	vld.idx.msk [tilespmem:v11+s4+$0x0], $0xffff;
	[tilespmem:v30+s8+$0x0] =	vst.idx.msk $0xffff, v29  }
0x282: {  	v15 =	vld.idx.msk [tilespmem:v15+s4+$0x0], $0xffff;
	[tilespmem:v19+s8+$0x0] =	vst.idx.msk $0xffff, v14;
	v9 =	vor.u32 v27, v9;
	v6 =	vor.u32 v27, v6  }
0x283: {  	v27 =	vadd.s32 v41, v13;
	v29 =	vor.u32 v10, v5;
	v19 =	vor.u32 v10, v7;
	v10 =	vld [tilespmem:$0x1FCA0]  }
0x284: {  	v22 =	vld.idx.msk [tilespmem:v22+s4+$0x0], $0xffff;
	[tilespmem:v31+s8+$0x0] =	vst.idx.msk $0xffff, v23  }
0x285: {  	v17 =	vld.idx.msk [tilespmem:v17+s4+$0x0], $0xffff;
	v28 =	vor.u32 v47, v21  }
0x286: {  	v23 =	vadd.s32 v41, v18;
	v24 =	vld.idx.msk [tilespmem:v24+s4+$0x0], $0xffff;
	[tilespmem:v26+s8+$0x0] =	vst.idx.msk $0xffff, v25  }
0x287: {  	v14 =	vadd.s32 v52, v4;
	v25 =	vadd.s32 v52, v1;
	v16 =	vld.idx.msk [tilespmem:v16+s4+$0x0], $0xffff;
	[tilespmem:v9+s8+$0x0] =	vst.idx.msk $0xffff, v11  }
0x288: {  	v26 =	vor.u32 v10, v3;
	v30 =	vor.u32 v10, v0;
	v10 =	vmov v18;
	v18 =	vld.idx.msk [tilespmem:v27+s4+$0x0], $0xffff  }
0x289: {  	[tilespmem:v6+s8+$0x0] =	vst.idx.msk $0xffff, v20;
	v27 =	vld [tilespmem:$0x1FEC0]  }
0x28a: {  	v11 =	vadd.s32 v62, v2;
	v9 =	vmov v3;
	[tilespmem:v28+s8+$0x0] =	vst.idx.msk $0xffff, v22;
	v3 =	vld [tilespmem:$0x1FDF0]  }
0x28b: {  	[tilespmem:v29+s8+$0x0] =	vst.idx.msk $0xffff, v15;
	v23 =	vld.idx.msk [tilespmem:v23+s4+$0x0], $0xffff  }
0x28c: {  	v14 =	vld.idx.msk [tilespmem:v14+s4+$0x0], $0xffff;
	[tilespmem:v19+s8+$0x0] =	vst.idx.msk $0xffff, v17  }
0x28d: {  	v20 =	vadd.s32 v62, v8;
	v25 =	vld.idx.msk [tilespmem:v25+s4+$0x0], $0xffff;
	[tilespmem:v26+s8+$0x0] =	vst.idx.msk $0xffff, v24  }
0x28e: {  	v6 =	vmovc v0;
	v0 =	vmov v7;
	v7 =	vmov v21;
	v22 =	vor.u32 v27, v12;
	[tilespmem:v30+s8+$0x0] =	vst.idx.msk $0xffff, v16;
	v30 =	vld [tilespmem:$0x1FC90]  }
0x28f: {  	v15 =	vadd.s32 v42, v13;
	v21 =	vor.u32 v27, v7;
	v27 =	vld.idx.msk [tilespmem:v11+s4+$0x0], $0xffff  }
0x290: {  	v19 =	vor.u32 v3, v5;
	v11 =	vld [tilespmem:$0x1FCB0];
	_ =	sdelay $0x1  }
0x291: {  	v17 =	vadd.s32 v42, v10  }
0x292: {  	v26 =	vor.u32 v3, v0;
	v3 =	vmov v5;
	v5 =	vmov v12;
	v20 =	vld.idx.msk [tilespmem:v20+s4+$0x0], $0xffff;
	[tilespmem:v22+s8+$0x0] =	vst.idx.msk $0xffff, v18  }
0x293: {  	v24 =	vadd.s32 v40, v4;
	[tilespmem:v21+s8+$0x0] =	vst.idx.msk $0xffff, v23;
	v23 =	vor.u32 v30, v5;
	v15 =	vld.idx.msk [tilespmem:v15+s4+$0x0], $0xffff  }
0x294: {  	v28 =	vor.u32 v11, v9;
	[tilespmem:v19+s8+$0x0] =	vst.idx.msk $0xffff, v14;
	v14 =	vor.u32 v30, v7;
	v30 =	vld [tilespmem:$0x1FE50]  }
0x295: {  	v16 =	vadd.s32 v40, v1;
	_ =	sdelay $0x1  }
0x296: {  	v18 =	vadd.s32 v63, v2;
	v22 =	vor.u32 v11, v6;
	v17 =	vld.idx.msk [tilespmem:v17+s4+$0x0], $0xffff  }
0x297: {  	v21 =	vadd.s32 v63, v8;
	v11 =	vmov v2;
	v2 =	vmov v4;
	[tilespmem:v26+s8+$0x0] =	vst.idx.msk $0xffff, v25;
	v19 =	vld.idx.msk [tilespmem:v24+s4+$0x0], $0xffff  }
0x298: {  	v4 =	vmov v13;
	v25 =	vor.u32 v30, v3;
	[tilespmem:v28+s8+$0x0] =	vst.idx.msk $0xffff, v27;
	v28 =	vor.u32 v30, v0;
	v30 =	vld [tilespmem:$0x1FCC0]  }
0x299: {  	v13 =	vadd.s32 v43, v4;
	v16 =	vld.idx.msk [tilespmem:v16+s4+$0x0], $0xffff  }
0x29a: {  	v24 =	vadd.s32 v43, v10;
	v43 =	vld [tilespmem:$0x1FDA0]  }
0x29b: {  	v29 =	vor.u32 s18, v38;
	v27 =	vadd.s32 v54, v2;
	[tilespmem:v22+s8+$0x0] =	vst.idx.msk $0xffff, v20;
	v18 =	vld.idx.msk [tilespmem:v18+s4+$0x0], $0xffff  }
0x29c: {  	v12 =	vshll.u32 v29, $0x5;
	v20 =	vand.u32 $0x6F, v29;
	v22 =	vadd.s32 v54, v1;
	v21 =	vld.idx.msk [tilespmem:v21+s4+$0x0], $0xffff;
	[tilespmem:v23+s8+$0x0] =	vst.idx.msk $0xffff, v15  }
0x29d: {  	v23 =	vadd.s32 v61, v11;
	v15 =	vor.u32 v53, v9;
	v53 =	vld [tilespmem:$0x1FE70];
	v29 =	vor.u32 v30, v9  }
0x29e: {  	[tilespmem:v14+s8+$0x0] =	vst.idx.msk $0xffff, v17;
	v14 =	vor.u32 v36, v9;
	v13 =	vld.idx.msk [tilespmem:v13+s4+$0x0], $0xffff;
	v30 =	vor.u32 v30, v6  }
0x29f: {  	v17 =	vadd.s32 v61, v8;
	v24 =	vld.idx.msk [tilespmem:v24+s4+$0x0], $0xffff;
	[tilespmem:v25+s8+$0x0] =	vst.idx.msk $0xffff, v19;
	v25 =	vor.u32 v43, v7  }
0x2a0: {  	v31 =	vor.u32 v43, v5;
	v36 =	vld [tilespmem:$0x1FCE0];
	[tilespmem:v28+s8+$0x0] =	vst.idx.msk $0xffff, v16;
	v16 =	vadd.s32 v45, v10  }
0x2a1: {  	v27 =	vld.idx.msk [tilespmem:v27+s4+$0x0], $0xffff  }
0x2a2: {  	v26 =	vmov s18;
	v22 =	vld.idx.msk [tilespmem:v22+s4+$0x0], $0xffff;
	[tilespmem:v29+s8+$0x0] =	vst.idx.msk $0xffff, v18  }
0x2a3: {  	v26 =	vshll.u32 v26, $0x3;
	[tilespmem:v30+s8+$0x0] =	vst.idx.msk $0xffff, v21;
	v23 =	vld.idx.msk [tilespmem:v23+s4+$0x0], $0xffff  }
0x2a4: {  	v26 =	vand.u32 $0x1C00, v26;
	v19 =	vadd.s32 v45, v4;
	v17 =	vld.idx.msk [tilespmem:v17+s4+$0x0], $0xffff;
	[tilespmem:v25+s8+$0x0] =	vst.idx.msk $0xffff, v24  }
0x2a5: {  	v28 =	vor.u32 v53, v3;
	[tilespmem:v31+s8+$0x0] =	vst.idx.msk $0xffff, v13;
	v13 =	vor.u32 v20, v26;
	v26 =	vld.idx.msk [tilespmem:v16+s4+$0x0], $0xffff  }
0x2a6: {  	v29 =	vor.u32 v53, v0;
	v16 =	vld [tilespmem:$0x1FEE0];
	_ =	sdelay $0x2  }
0x2a7: {  	v18 =	vadd.s32 v55, v2;
	v24 =	vadd.s32 v39, v13;
	v39 =	vld [tilespmem:$0x1FDB0]  }
0x2a8: {  	v21 =	vadd.s32 v55, v1;
	v30 =	vor.u32 v36, v9;
	v19 =	vld.idx.msk [tilespmem:v19+s4+$0x0], $0xffff;
	[tilespmem:v28+s8+$0x0] =	vst.idx.msk $0xffff, v27  }
0x2a9: {  	[tilespmem:v29+s8+$0x0] =	vst.idx.msk $0xffff, v22;
	v27 =	vadd.s32 v16, v4;
	v22 =	vadd.s32 v16, v10;
	v16 =	vld [tilespmem:$0x1FE00]  }
0x2aa: {  	v41 =	vld [tilespmem:$0x1FCF0];
	v32 =	vor.u32 v36, v6  }
0x2ab: {  	[tilespmem:$0x1FBF0] =	vst v14;
	v14 =	vld [tilespmem:$0x1FD00];
	v31 =	vadd.s32 v57, v11  }
0x2ac: {  	v43 =	vld [tilespmem:$0x1FDC0];
	v25 =	vor.u32 v39, v5  }
0x2ad: {  	v18 =	vld.idx.msk [tilespmem:v18+s4+$0x0], $0xffff  }
0x2ae: {  	v20 =	vadd.s32 v57, v8;
	v21 =	vld.idx.msk [tilespmem:v21+s4+$0x0], $0xffff;
	[tilespmem:v30+s8+$0x0] =	vst.idx.msk $0xffff, v23;
	v29 =	vor.u32 v16, v3  }
0x2af: {  	[tilespmem:v32+s8+$0x0] =	vst.idx.msk $0xffff, v17;
	v32 =	vor.u32 v44, v12;
	v44 =	vmov v54;
	v54 =	vld [tilespmem:$0x1FD20];
	v28 =	vor.u32 v39, v7  }
0x2b0: {  	v31 =	vld.idx.msk [tilespmem:v31+s4+$0x0], $0xffff;
	v30 =	vor.u32 v16, v0  }
0x2b1: {  	v24 =	vld.idx.msk [tilespmem:v24+s4+$0x0], $0xffff;
	[tilespmem:v25+s8+$0x0] =	vst.idx.msk $0xffff, v19  }
0x2b2: {  	v42 =	vor.u32 v41, v9;
	v27 =	vld.idx.msk [tilespmem:v27+s4+$0x0], $0xffff  }
0x2b3: {  	v33 =	vor.u32 v38, v12;
	v23 =	vadd.s32 v56, v2;
	[tilespmem:v29+s8+$0x0] =	vst.idx.msk $0xffff, v18;
	v18 =	vld [tilespmem:$0x1FC00]  }
0x2b4: {  	v17 =	vadd.s32 v56, v1;
	v20 =	vld.idx.msk [tilespmem:v20+s4+$0x0], $0xffff;
	v19 =	vadd.s32 v59, v11;
	[tilespmem:v28+s8+$0x0] =	vst.idx.msk $0xffff, v26  }
0x2b5: {  	v25 =	vor.u32 v41, v6;
	v26 =	vadd.s32 v59, v8;
	v22 =	vld.idx.msk [tilespmem:v22+s4+$0x0], $0xffff;
	[tilespmem:v30+s8+$0x0] =	vst.idx.msk $0xffff, v21  }
0x2b6: {  	v21 =	vld [tilespmem:$0x1FE10];
	v30 =	vor.u32 v47, v12;
	v47 =	vmovc v51;
	v51 =	vmovc v55;
	v55 =	vmov v56;
	v56 =	vmov v60  }
0x2b7: {  	v60 =	vmovc v62;
	v62 =	vmovc v63;
	v63 =	vmov v61;
	v61 =	vmov v57;
	v57 =	vmov v59;
	v59 =	vld [tilespmem:$0x1FD60]  }
0x2b8: {  	v16 =	vor.u32 v46, v3;
	v29 =	vadd.s32 v18, v4;
	v46 =	vadd.s32 v18, v10;
	v18 =	vld [tilespmem:$0x1FE40]  }
0x2b9: {  	v28 =	vadd.s32 v37, v13;
	v37 =	vld.idx.msk [tilespmem:v23+s4+$0x0], $0xffff  }
0x2ba: {  	v35 =	vor.u32 v43, v5;
	v17 =	vld.idx.msk [tilespmem:v17+s4+$0x0], $0xffff;
	[tilespmem:v42+s8+$0x0] =	vst.idx.msk $0xffff, v31  }
0x2bb: {  	v36 =	vor.u32 v43, v7;
	[tilespmem:v25+s8+$0x0] =	vst.idx.msk $0xffff, v20;
	v20 =	vld [tilespmem:$0x1FDD0]  }
0x2bc: {  	v42 =	vld.idx.msk [tilespmem:v19+s4+$0x0], $0xffff  }
0x2bd: {  	[tilespmem:v33+s8+$0x0] =	vst.idx.msk $0xffff, v24;
	v19 =	vld [tilespmem:$0x1FD80];
	v39 =	vor.u32 v18, v3  }
0x2be: {  	v53 =	vmov v40;
	v31 =	vld.idx.msk [tilespmem:v28+s4+$0x0], $0xffff;
	v41 =	vor.u32 v18, v0  }
0x2bf: {  	[tilespmem:v35+s8+$0x0] =	vst.idx.msk $0xffff, v27;
	v40 =	vadd.s32 v21, v2;
	v43 =	vadd.s32 v21, v1;
	v21 =	vld.idx.msk [tilespmem:v26+s4+$0x0], $0xffff  }
0x2c0: {  	[tilespmem:v36+s8+$0x0] =	vst.idx.msk $0xffff, v22;
	v25 =	vld.idx.msk [tilespmem:v29+s4+$0x0], $0xffff  }
0x2c1: {  	v26 =	vld.idx.msk [tilespmem:v46+s4+$0x0], $0xffff  }
0x2c2: {  	p1 =	slt.u32 s18, $0x2E0;
	v34 =	vor.u32 v14, v9;
	[tilespmem:v39+s8+$0x0] =	vst.idx.msk $0xffff, v37;
	v39 =	vld [tilespmem:$0x1FD10]  }
.Ltmp6:
0x2c3: {  	[tilespmem:v41+s8+$0x0] =	vst.idx.msk $0xffff, v17;
	v41 =	vld [tilespmem:$0x1FD30];
	(pc) =	sbr.rel @p1 .LBB2_6-.Ltmp6, $4  }
0x2c4: {  	v24 =	vor.u32 v20, v5;
	v28 =	vor.u32 v20, v7;
	v20 =	vld.idx.msk [tilespmem:v40+s4+$0x0], $0xffff  }
0x2c5: {  	v23 =	vor.u32 v14, v6;
	v33 =	vadd.s32 v49, v13;
	v22 =	vld.idx.msk [tilespmem:v43+s4+$0x0], $0xffff  }
0x2c6: {  	v38 =	vmovc v53;
	v27 =	vadd.s32 v48, v4;
	v18 =	vadd.s32 v19, v11;
	v19 =	vadd.s32 v19, v8;
	v43 =	vld [tilespmem:$0x1FD50]  }
0x2c7: {  	s19 =	sadd.s32 $0x10, s18;
	s18 =	sadd.s32 $0x20, s18;
	v53 =	vmov v58;
	v29 =	vadd.s32 v48, v10;
	v17 =	vadd.s32 v59, v11;
	[tilespmem:v34+s8+$0x0] =	vst.idx.msk $0xffff, v42;
	v42 =	vld [tilespmem:$0x1FD40]  }
0x2c8: {  	v34 =	vmov s19;
	v14 =	vlaneseq.u32  }
0x2c9: {  	v35 =	vor.u32 s19, v14;
	v34 =	vshll.u32 v34, $0x3  }
0x2ca: {  	v36 =	vand.u32 $0x7F, v35;
	v34 =	vand.u32 $0x1C00, v34  }
0x2cb: {  	v46 =	vor.u32 v36, v34  }
0x2cc: {  	v34 =	vadd.s32 v39, v46;
	_ =	sdelay $0x3  }
0x2cd: {  	v37 =	vshll.u32 v35, $0x5  }
0x2ce: {  	v35 =	vor.u32 v14, v37;
	v34 =	vld.idx.msk [tilespmem:v34+s4+$0x0], $0xffff;
	_ =	sdelay $0x4  }
0x2cf: {  	[tilespmem:v35+s8+$0x0] =	vst.idx.msk $0xffff, v34  }
0x2d0: {  	v36 =	vadd.s32 v54, v46;
	v14 =	vld [tilespmem:$0x1FFB0];
	_ =	sdelay $0x4  }
0x2d1: {  	v34 =	vld.idx.msk [tilespmem:v36+s4+$0x0], $0xffff;
	v58 =	vor.u32 v14, v37  }
0x2d2: {  	v14 =	vld [tilespmem:$0x1FFD0];
	_ =	sdelay $0x2  }
0x2d3: {  	[tilespmem:v32+s8+$0x0] =	vst.idx.msk $0xffff, v31  }
0x2d4: {  	[tilespmem:v58+s8+$0x0] =	vst.idx.msk $0xffff, v34  }
0x2d5: {  	v40 =	vadd.s32 v14, v46;
	v14 =	vld [tilespmem:$0x1FFC0];
	_ =	sdelay $0x3  }
0x2d6: {  	v31 =	vld.idx.msk [tilespmem:v33+s4+$0x0], $0xffff  }
0x2d7: {  	v49 =	vld.idx.msk [tilespmem:v40+s4+$0x0], $0xffff;
	v36 =	vor.u32 v14, v37;
	_ =	sdelay $0x3  }
0x2d8: {  	[tilespmem:v30+s8+$0x0] =	vst.idx.msk $0xffff, v31  }
0x2d9: {  	[tilespmem:v36+s8+$0x0] =	vst.idx.msk $0xffff, v49  }
0x2da: {  	v58 =	vadd.s32 v41, v13;
	v14 =	vld [tilespmem:$0x1FEC0]  }
0x2db: {  	v40 =	vadd.s32 v41, v46;
	_ =	sdelay $0x3  }
0x2dc: {  	v30 =	vld.idx.msk [tilespmem:v58+s4+$0x0], $0xffff;
	v31 =	vor.u32 v14, v12  }
0x2dd: {  	v32 =	vld.idx.msk [tilespmem:v40+s4+$0x0], $0xffff;
	v58 =	vor.u32 v14, v37;
	_ =	sdelay $0x3  }
0x2de: {  	[tilespmem:v31+s8+$0x0] =	vst.idx.msk $0xffff, v30  }
0x2df: {  	[tilespmem:v58+s8+$0x0] =	vst.idx.msk $0xffff, v32  }
0x2e0: {  	v49 =	vadd.s32 v42, v13;
	v14 =	vld [tilespmem:$0x1FC90]  }
0x2e1: {  	v36 =	vadd.s32 v42, v46;
	_ =	sdelay $0x3  }
0x2e2: {  	v30 =	vld.idx.msk [tilespmem:v49+s4+$0x0], $0xffff;
	v31 =	vor.u32 v14, v12  }
0x2e3: {  	v32 =	vld.idx.msk [tilespmem:v36+s4+$0x0], $0xffff;
	v49 =	vor.u32 v14, v37;
	_ =	sdelay $0x3  }
0x2e4: {  	[tilespmem:v31+s8+$0x0] =	vst.idx.msk $0xffff, v30  }
0x2e5: {  	[tilespmem:v49+s8+$0x0] =	vst.idx.msk $0xffff, v32  }
0x2e6: {  	v40 =	vadd.s32 v43, v13;
	v14 =	vld [tilespmem:$0x1FDA0]  }
0x2e7: {  	v58 =	vadd.s32 v43, v46;
	_ =	sdelay $0x3  }
0x2e8: {  	v30 =	vld.idx.msk [tilespmem:v40+s4+$0x0], $0xffff;
	v31 =	vor.u32 v14, v12  }
0x2e9: {  	v32 =	vld.idx.msk [tilespmem:v58+s4+$0x0], $0xffff;
	v49 =	vor.u32 v14, v37;
	_ =	sdelay $0x3  }
0x2ea: {  	[tilespmem:v31+s8+$0x0] =	vst.idx.msk $0xffff, v30  }
0x2eb: {  	[tilespmem:v49+s8+$0x0] =	vst.idx.msk $0xffff, v32  }
0x2ec: {  	v36 =	vadd.s32 v45, v13;
	v14 =	vld [tilespmem:$0x1FDB0]  }
0x2ed: {  	v58 =	vadd.s32 v45, v46;
	_ =	sdelay $0x3  }
0x2ee: {  	v30 =	vld.idx.msk [tilespmem:v36+s4+$0x0], $0xffff;
	v31 =	vor.u32 v14, v12  }
0x2ef: {  	v32 =	vld.idx.msk [tilespmem:v58+s4+$0x0], $0xffff;
	v49 =	vor.u32 v14, v37  }
0x2f0: {  	v36 =	vld [tilespmem:$0x1FEE0];
	_ =	sdelay $0x2  }
0x2f1: {  	[tilespmem:v31+s8+$0x0] =	vst.idx.msk $0xffff, v30  }
0x2f2: {  	[tilespmem:v49+s8+$0x0] =	vst.idx.msk $0xffff, v32  }
0x2f3: {  	v40 =	vmov v45;
	v45 =	vadd.s32 v36, v13;
	v14 =	vld [tilespmem:$0x1FDC0];
	_ =	sdelay $0x2  }
0x2f4: {  	v35 =	vadd.s32 v36, v46;
	_ =	sdelay $0x1  }
0x2f5: {  	v30 =	vld.idx.msk [tilespmem:v45+s4+$0x0], $0xffff;
	v31 =	vor.u32 v14, v12;
	_ =	sdelay $0x2  }
0x2f6: {  	v32 =	vld.idx.msk [tilespmem:v35+s4+$0x0], $0xffff;
	v45 =	vor.u32 v14, v37  }
0x2f7: {  	v58 =	vld [tilespmem:$0x1FC00]  }
0x2f8: {  	[tilespmem:v31+s8+$0x0] =	vst.idx.msk $0xffff, v30  }
0x2f9: {  	v14 =	vld [tilespmem:$0x1FDD0];
	_ =	sdelay $0x1  }
0x2fa: {  	[tilespmem:v45+s8+$0x0] =	vst.idx.msk $0xffff, v32  }
0x2fb: {  	v36 =	vadd.s32 v58, v13;
	[tilespmem:v24+s8+$0x0] =	vst.idx.msk $0xffff, v25  }
0x2fc: {  	v35 =	vadd.s32 v58, v46;
	[tilespmem:v28+s8+$0x0] =	vst.idx.msk $0xffff, v26  }
0x2fd: {  	v30 =	vor.u32 v14, v12;
	v49 =	vor.u32 v14, v37;
	v14 =	vld [tilespmem:$0x1FE90];
	_ =	sdelay $0x2  }
0x2fe: {  	v31 =	vld.idx.msk [tilespmem:v36+s4+$0x0], $0xffff  }
0x2ff: {  	v32 =	vld.idx.msk [tilespmem:v35+s4+$0x0], $0xffff  }
0x300: {  	v24 =	vld.idx.msk [tilespmem:v27+s4+$0x0], $0xffff;
	v25 =	vor.u32 v14, v5  }
0x301: {  	v58 =	vadd.s32 v48, v46;
	v26 =	vld.idx.msk [tilespmem:v29+s4+$0x0], $0xffff;
	v28 =	vor.u32 v14, v7  }
0x302: {  	v33 =	vadd.s32 v48, v13;
	v45 =	vmov v48;
	v48 =	vld [tilespmem:$0x1FED0]  }
0x303: {  	[tilespmem:v30+s8+$0x0] =	vst.idx.msk $0xffff, v31  }
0x304: {  	[tilespmem:v49+s8+$0x0] =	vst.idx.msk $0xffff, v32  }
0x305: {  	[tilespmem:v25+s8+$0x0] =	vst.idx.msk $0xffff, v24  }
0x306: {  	v36 =	vmov v37;
	v32 =	vld.idx.msk [tilespmem:v58+s4+$0x0], $0xffff;
	[tilespmem:v28+s8+$0x0] =	vst.idx.msk $0xffff, v26  }
0x307: {  	v27 =	vadd.s32 v48, v4;
	v31 =	vor.u32 v14, v12;
	v58 =	vor.u32 v14, v36;
	v14 =	vld [tilespmem:$0x1FDE0]  }
0x308: {  	v29 =	vadd.s32 v48, v10;
	_ =	sdelay $0x1  }
0x309: {  	v30 =	vld.idx.msk [tilespmem:v33+s4+$0x0], $0xffff;
	_ =	sdelay $0x1  }
0x30a: {  	v24 =	vld.idx.msk [tilespmem:v27+s4+$0x0], $0xffff;
	v25 =	vor.u32 v14, v5  }
0x30b: {  	v49 =	vadd.s32 v48, v13;
	v26 =	vld.idx.msk [tilespmem:v29+s4+$0x0], $0xffff;
	v28 =	vor.u32 v14, v7;
	_ =	sdelay $0x1  }
0x30c: {  	[tilespmem:v31+s8+$0x0] =	vst.idx.msk $0xffff, v30  }
0x30d: {  	[tilespmem:v58+s8+$0x0] =	vst.idx.msk $0xffff, v32  }
0x30e: {  	v37 =	vmov v46;
	[tilespmem:v25+s8+$0x0] =	vst.idx.msk $0xffff, v24  }
0x30f: {  	v46 =	vadd.s32 v48, v37;
	v30 =	vld.idx.msk [tilespmem:v49+s4+$0x0], $0xffff;
	[tilespmem:v28+s8+$0x0] =	vst.idx.msk $0xffff, v26  }
0x310: {  	v27 =	vadd.s32 v50, v4;
	v31 =	vor.u32 v14, v12;
	v49 =	vor.u32 v14, v36;
	v14 =	vld [tilespmem:$0x1FE30]  }
0x311: {  	v29 =	vadd.s32 v50, v10;
	_ =	sdelay $0x2  }
0x312: {  	v32 =	vld.idx.msk [tilespmem:v46+s4+$0x0], $0xffff  }
0x313: {  	v24 =	vld.idx.msk [tilespmem:v27+s4+$0x0], $0xffff;
	v25 =	vor.u32 v14, v5  }
0x314: {  	v48 =	vadd.s32 v50, v13;
	v26 =	vld.idx.msk [tilespmem:v29+s4+$0x0], $0xffff;
	v28 =	vor.u32 v14, v7;
	_ =	sdelay $0x1  }
0x315: {  	[tilespmem:v31+s8+$0x0] =	vst.idx.msk $0xffff, v30  }
0x316: {  	[tilespmem:v49+s8+$0x0] =	vst.idx.msk $0xffff, v32  }
0x317: {  	[tilespmem:v25+s8+$0x0] =	vst.idx.msk $0xffff, v24  }
0x318: {  	v58 =	vadd.s32 v50, v37;
	v30 =	vld.idx.msk [tilespmem:v48+s4+$0x0], $0xffff;
	[tilespmem:v28+s8+$0x0] =	vst.idx.msk $0xffff, v26  }
0x319: {  	v27 =	vadd.s32 v47, v4;
	v31 =	vor.u32 v14, v12;
	v48 =	vor.u32 v14, v36;
	v14 =	vld [tilespmem:$0x1FEB0]  }
0x31a: {  	v29 =	vadd.s32 v47, v10;
	_ =	sdelay $0x2  }
0x31b: {  	v32 =	vld.idx.msk [tilespmem:v58+s4+$0x0], $0xffff  }
0x31c: {  	v24 =	vld.idx.msk [tilespmem:v27+s4+$0x0], $0xffff;
	v25 =	vor.u32 v14, v5  }
0x31d: {  	v46 =	vadd.s32 v47, v13;
	v26 =	vld.idx.msk [tilespmem:v29+s4+$0x0], $0xffff;
	v28 =	vor.u32 v14, v7;
	_ =	sdelay $0x1  }
0x31e: {  	[tilespmem:v31+s8+$0x0] =	vst.idx.msk $0xffff, v30  }
0x31f: {  	[tilespmem:v48+s8+$0x0] =	vst.idx.msk $0xffff, v32  }
0x320: {  	v49 =	vadd.s32 v47, v37;
	[tilespmem:v25+s8+$0x0] =	vst.idx.msk $0xffff, v24  }
0x321: {  	v30 =	vld.idx.msk [tilespmem:v46+s4+$0x0], $0xffff;
	[tilespmem:v28+s8+$0x0] =	vst.idx.msk $0xffff, v26  }
0x322: {  	v27 =	vadd.s32 v52, v4;
	v31 =	vor.u32 v14, v12;
	v46 =	vor.u32 v14, v36;
	v14 =	vld [tilespmem:$0x1FDF0]  }
0x323: {  	v29 =	vadd.s32 v52, v10;
	_ =	sdelay $0x1  }
0x324: {  	v32 =	vld.idx.msk [tilespmem:v49+s4+$0x0], $0xffff;
	_ =	sdelay $0x1  }
0x325: {  	v58 =	vadd.s32 v52, v13;
	v24 =	vld.idx.msk [tilespmem:v27+s4+$0x0], $0xffff;
	v25 =	vor.u32 v14, v5  }
0x326: {  	v26 =	vld.idx.msk [tilespmem:v29+s4+$0x0], $0xffff;
	v28 =	vor.u32 v14, v7  }
0x327: {  	[tilespmem:v31+s8+$0x0] =	vst.idx.msk $0xffff, v30  }
0x328: {  	[tilespmem:v46+s8+$0x0] =	vst.idx.msk $0xffff, v32  }
0x329: {  	v48 =	vadd.s32 v52, v37;
	[tilespmem:v23+s8+$0x0] =	vst.idx.msk $0xffff, v21  }
0x32a: {  	v30 =	vld.idx.msk [tilespmem:v58+s4+$0x0], $0xffff;
	[tilespmem:v25+s8+$0x0] =	vst.idx.msk $0xffff, v24  }
0x32b: {  	v35 =	vld [tilespmem:$0x1FE60];
	[tilespmem:v28+s8+$0x0] =	vst.idx.msk $0xffff, v26  }
0x32c: {  	v27 =	vadd.s32 v38, v4;
	v31 =	vor.u32 v14, v12;
	v58 =	vor.u32 v14, v36;
	v14 =	vld [tilespmem:$0x1FE50]  }
0x32d: {  	v29 =	vadd.s32 v38, v10  }
0x32e: {  	v32 =	vld.idx.msk [tilespmem:v48+s4+$0x0], $0xffff;
	_ =	sdelay $0x1  }
0x32f: {  	v23 =	vor.u32 v35, v0  }
0x330: {  	v21 =	vadd.s32 v38, v37;
	v24 =	vld.idx.msk [tilespmem:v27+s4+$0x0], $0xffff;
	v25 =	vor.u32 v14, v5  }
0x331: {  	v26 =	vld.idx.msk [tilespmem:v29+s4+$0x0], $0xffff;
	[tilespmem:v31+s8+$0x0] =	vst.idx.msk $0xffff, v30;
	v28 =	vor.u32 v14, v7  }
0x332: {  	[tilespmem:v58+s8+$0x0] =	vst.idx.msk $0xffff, v32  }
0x333: {  	v49 =	vadd.s32 v38, v13;
	[tilespmem:v16+s8+$0x0] =	vst.idx.msk $0xffff, v20  }
0x334: {  	[tilespmem:v23+s8+$0x0] =	vst.idx.msk $0xffff, v22  }
0x335: {  	v16 =	vld.idx.msk [tilespmem:v21+s4+$0x0], $0xffff;
	[tilespmem:v25+s8+$0x0] =	vst.idx.msk $0xffff, v24  }
0x336: {  	v46 =	vld [tilespmem:$0x1FC60];
	[tilespmem:v28+s8+$0x0] =	vst.idx.msk $0xffff, v26  }
0x337: {  	v27 =	vadd.s32 v44, v4;
	v31 =	vor.u32 v14, v12;
	v21 =	vor.u32 v14, v36;
	v14 =	vld [tilespmem:$0x1FE70]  }
0x338: {  	v29 =	vadd.s32 v44, v10;
	v30 =	vld.idx.msk [tilespmem:v49+s4+$0x0], $0xffff;
	_ =	sdelay $0x1  }
0x339: {  	v18 =	vld.idx.msk [tilespmem:v18+s4+$0x0], $0xffff  }
0x33a: {  	v19 =	vld.idx.msk [tilespmem:v19+s4+$0x0], $0xffff;
	v24 =	vor.u32 v46, v6  }
0x33b: {  	v26 =	vld.idx.msk [tilespmem:v27+s4+$0x0], $0xffff;
	v27 =	vor.u32 v14, v5  }
0x33c: {  	v22 =	vadd.s32 v44, v37;
	v28 =	vld.idx.msk [tilespmem:v29+s4+$0x0], $0xffff;
	[tilespmem:v31+s8+$0x0] =	vst.idx.msk $0xffff, v30;
	v30 =	vor.u32 v14, v7  }
0x33d: {  	[tilespmem:v21+s8+$0x0] =	vst.idx.msk $0xffff, v16  }
0x33e: {  	v20 =	vadd.s32 v44, v13;
	[tilespmem:v15+s8+$0x0] =	vst.idx.msk $0xffff, v18  }
0x33f: {  	[tilespmem:v24+s8+$0x0] =	vst.idx.msk $0xffff, v19  }
0x340: {  	v23 =	vadd.s32 v53, v2;
	v58 =	vld [tilespmem:$0x1FE80];
	[tilespmem:v27+s8+$0x0] =	vst.idx.msk $0xffff, v26  }
0x341: {  	v25 =	vadd.s32 v53, v1;
	v15 =	vld.idx.msk [tilespmem:v22+s4+$0x0], $0xffff;
	[tilespmem:v30+s8+$0x0] =	vst.idx.msk $0xffff, v28  }
0x342: {  	v29 =	vadd.s32 v51, v4;
	v21 =	vor.u32 v14, v12;
	v22 =	vor.u32 v14, v36;
	v14 =	vld [tilespmem:$0x1FE00]  }
0x343: {  	v20 =	vld.idx.msk [tilespmem:v20+s4+$0x0], $0xffff  }
0x344: {  	v16 =	vadd.s32 v51, v10  }
0x345: {  	v18 =	vadd.s32 v51, v13;
	v23 =	vld.idx.msk [tilespmem:v23+s4+$0x0], $0xffff;
	v19 =	vor.u32 v58, v3  }
0x346: {  	v25 =	vld.idx.msk [tilespmem:v25+s4+$0x0], $0xffff;
	v24 =	vadd.s32 v51, v37;
	v26 =	vor.u32 v58, v0  }
0x347: {  	v28 =	vld.idx.msk [tilespmem:v29+s4+$0x0], $0xffff;
	v29 =	vor.u32 v14, v5  }
0x348: {  	[tilespmem:v21+s8+$0x0] =	vst.idx.msk $0xffff, v20  }
0x349: {  	v16 =	vld.idx.msk [tilespmem:v16+s4+$0x0], $0xffff;
	[tilespmem:v22+s8+$0x0] =	vst.idx.msk $0xffff, v15;
	v21 =	vor.u32 v14, v7  }
0x34a: {  	v18 =	vld.idx.msk [tilespmem:v18+s4+$0x0], $0xffff;
	v22 =	vor.u32 v14, v12;
	[tilespmem:v19+s8+$0x0] =	vst.idx.msk $0xffff, v23  }
0x34b: {  	v19 =	vld.idx.msk [tilespmem:v24+s4+$0x0], $0xffff;
	v24 =	vor.u32 v14, v36;
	[tilespmem:v26+s8+$0x0] =	vst.idx.msk $0xffff, v25  }
0x34c: {  	[tilespmem:v29+s8+$0x0] =	vst.idx.msk $0xffff, v28  }
0x34d: {  	v38 =	vmov v47;
	v47 =	vld [tilespmem:$0x1FC20]  }
0x34e: {  	v27 =	vadd.s32 v59, v8;
	v33 =	vld [tilespmem:$0x1FE20];
	[tilespmem:v21+s8+$0x0] =	vst.idx.msk $0xffff, v16  }
0x34f: {  	v30 =	vmov v53;
	v53 =	vld [tilespmem:$0x1FE40];
	[tilespmem:v22+s8+$0x0] =	vst.idx.msk $0xffff, v18  }
0x350: {  	v49 =	vld [tilespmem:$0x1FE10];
	[tilespmem:v24+s8+$0x0] =	vst.idx.msk $0xffff, v19  }
0x351: {  	v14 =	vld [tilespmem:$0x1FBF0];
	_ =	sdelay $0x1  }
0x352: {  	v27 =	vld.idx.msk [tilespmem:v27+s4+$0x0], $0xffff;
	v28 =	vor.u32 v33, v6  }
0x353: {  	v17 =	vld.idx.msk [tilespmem:v17+s4+$0x0], $0xffff;
	_ =	sdelay $0x1  }
0x354: {  	v20 =	vadd.s32 v55, v4  }
0x355: {  	v15 =	vadd.s32 v55, v10  }
0x356: {  	v23 =	vadd.s32 v55, v13;
	[tilespmem:v28+s8+$0x0] =	vst.idx.msk $0xffff, v27  }
0x357: {  	v25 =	vadd.s32 v55, v37;
	[tilespmem:v14+s8+$0x0] =	vst.idx.msk $0xffff, v17  }
0x358: {  	v26 =	vadd.s32 v47, v2;
	v34 =	vld [tilespmem:$0x1FD90]  }
0x359: {  	v20 =	vld.idx.msk [tilespmem:v20+s4+$0x0], $0xffff;
	v16 =	vadd.s32 v47, v1;
	v21 =	vor.u32 v53, v5  }
0x35a: {  	v15 =	vld.idx.msk [tilespmem:v15+s4+$0x0], $0xffff;
	v22 =	vor.u32 v53, v7  }
0x35b: {  	v23 =	vld.idx.msk [tilespmem:v23+s4+$0x0], $0xffff;
	v24 =	vor.u32 v53, v12  }
0x35c: {  	v14 =	vld.idx.msk [tilespmem:v25+s4+$0x0], $0xffff;
	v25 =	vor.u32 v53, v36  }
0x35d: {  	v26 =	vld.idx.msk [tilespmem:v26+s4+$0x0], $0xffff;
	v27 =	vor.u32 v34, v3  }
0x35e: {  	v16 =	vld.idx.msk [tilespmem:v16+s4+$0x0], $0xffff;
	[tilespmem:v21+s8+$0x0] =	vst.idx.msk $0xffff, v20;
	v21 =	vor.u32 v34, v0  }
0x35f: {  	v32 =	vld [tilespmem:$0x1FC40];
	[tilespmem:v22+s8+$0x0] =	vst.idx.msk $0xffff, v15  }
0x360: {  	v18 =	vadd.s32 v49, v4;
	[tilespmem:v24+s8+$0x0] =	vst.idx.msk $0xffff, v23  }
0x361: {  	v19 =	vadd.s32 v49, v10;
	[tilespmem:v25+s8+$0x0] =	vst.idx.msk $0xffff, v14  }
0x362: {  	v17 =	vadd.s32 v49, v13;
	[tilespmem:v27+s8+$0x0] =	vst.idx.msk $0xffff, v26  }
0x363: {  	v28 =	vadd.s32 v49, v37;
	[tilespmem:v21+s8+$0x0] =	vst.idx.msk $0xffff, v16  }
0x364: {  	v20 =	vadd.s32 v32, v11;
	v31 =	vld [tilespmem:$0x1FC70]  }
0x365: {  	v22 =	vor.u32 v35, v5;
	v18 =	vld.idx.msk [tilespmem:v18+s4+$0x0], $0xffff;
	v15 =	vadd.s32 v32, v8  }
0x366: {  	v24 =	vor.u32 v35, v7;
	v19 =	vld.idx.msk [tilespmem:v19+s4+$0x0], $0xffff  }
0x367: {  	v25 =	vor.u32 v35, v12;
	v17 =	vld.idx.msk [tilespmem:v17+s4+$0x0], $0xffff  }
0x368: {  	v26 =	vld.idx.msk [tilespmem:v28+s4+$0x0], $0xffff;
	v28 =	vor.u32 v35, v36  }
0x369: {  	v20 =	vld.idx.msk [tilespmem:v20+s4+$0x0], $0xffff;
	v16 =	vor.u32 v31, v9  }
0x36a: {  	[tilespmem:v22+s8+$0x0] =	vst.idx.msk $0xffff, v18;
	v15 =	vld.idx.msk [tilespmem:v15+s4+$0x0], $0xffff;
	v22 =	vor.u32 v31, v6  }
0x36b: {  	[tilespmem:v24+s8+$0x0] =	vst.idx.msk $0xffff, v19  }
0x36c: {  	v23 =	vadd.s32 v30, v4;
	[tilespmem:v25+s8+$0x0] =	vst.idx.msk $0xffff, v17  }
0x36d: {  	v14 =	vadd.s32 v30, v10;
	[tilespmem:v28+s8+$0x0] =	vst.idx.msk $0xffff, v26  }
0x36e: {  	v27 =	vadd.s32 v30, v13;
	[tilespmem:v16+s8+$0x0] =	vst.idx.msk $0xffff, v20  }
0x36f: {  	v21 =	vadd.s32 v30, v37;
	[tilespmem:v22+s8+$0x0] =	vst.idx.msk $0xffff, v15  }
0x370: {  	v18 =	vadd.s32 v56, v2;
	v30 =	vld [tilespmem:$0x1FD70]  }
0x371: {  	v19 =	vadd.s32 v56, v1;
	v24 =	vor.u32 v58, v5;
	v23 =	vld.idx.msk [tilespmem:v23+s4+$0x0], $0xffff  }
0x372: {  	v25 =	vor.u32 v58, v7;
	v14 =	vld.idx.msk [tilespmem:v14+s4+$0x0], $0xffff  }
0x373: {  	v27 =	vld.idx.msk [tilespmem:v27+s4+$0x0], $0xffff;
	v28 =	vor.u32 v58, v12  }
0x374: {  	v16 =	vld.idx.msk [tilespmem:v21+s4+$0x0], $0xffff;
	v21 =	vor.u32 v58, v36  }
0x375: {  	v18 =	vld.idx.msk [tilespmem:v18+s4+$0x0], $0xffff;
	v15 =	vor.u32 v30, v3  }
0x376: {  	v19 =	vld.idx.msk [tilespmem:v19+s4+$0x0], $0xffff;
	[tilespmem:v24+s8+$0x0] =	vst.idx.msk $0xffff, v23;
	v23 =	vor.u32 v30, v0  }
0x377: {  	v29 =	vld [tilespmem:$0x1FC50];
	[tilespmem:v25+s8+$0x0] =	vst.idx.msk $0xffff, v14  }
0x378: {  	v17 =	vadd.s32 v47, v4;
	[tilespmem:v28+s8+$0x0] =	vst.idx.msk $0xffff, v27  }
0x379: {  	v26 =	vadd.s32 v47, v10;
	[tilespmem:v21+s8+$0x0] =	vst.idx.msk $0xffff, v16  }
0x37a: {  	v20 =	vadd.s32 v47, v13;
	[tilespmem:v15+s8+$0x0] =	vst.idx.msk $0xffff, v18  }
0x37b: {  	v22 =	vadd.s32 v47, v37;
	[tilespmem:v23+s8+$0x0] =	vst.idx.msk $0xffff, v19  }
0x37c: {  	v11 =	vadd.s32 v29, v11;
	v28 =	vld [tilespmem:$0x1FC80]  }
0x37d: {  	v14 =	vld.idx.msk [tilespmem:v17+s4+$0x0], $0xffff;
	v17 =	vor.u32 v34, v5;
	v8 =	vadd.s32 v29, v8  }
0x37e: {  	v24 =	vld.idx.msk [tilespmem:v26+s4+$0x0], $0xffff;
	v26 =	vor.u32 v34, v7  }
0x37f: {  	v20 =	vld.idx.msk [tilespmem:v20+s4+$0x0], $0xffff;
	v21 =	vor.u32 v34, v12  }
0x380: {  	v15 =	vld.idx.msk [tilespmem:v22+s4+$0x0], $0xffff;
	v22 =	vor.u32 v34, v36  }
0x381: {  	v11 =	vld.idx.msk [tilespmem:v11+s4+$0x0], $0xffff;
	v9 =	vor.u32 v28, v9  }
0x382: {  	v25 =	vadd.s32 v56, v4;
	[tilespmem:v17+s8+$0x0] =	vst.idx.msk $0xffff, v14;
	v8 =	vld.idx.msk [tilespmem:v8+s4+$0x0], $0xffff;
	v6 =	vor.u32 v28, v6  }
0x383: {  	v27 =	vld [tilespmem:$0x1FEA0];
	[tilespmem:v26+s8+$0x0] =	vst.idx.msk $0xffff, v24  }
0x384: {  	[tilespmem:v21+s8+$0x0] =	vst.idx.msk $0xffff, v20  }
0x385: {  	v16 =	vadd.s32 v56, v10;
	[tilespmem:v22+s8+$0x0] =	vst.idx.msk $0xffff, v15  }
0x386: {  	v18 =	vadd.s32 v56, v13;
	[tilespmem:v9+s8+$0x0] =	vst.idx.msk $0xffff, v11  }
0x387: {  	v19 =	vadd.s32 v56, v37;
	v23 =	vld.idx.msk [tilespmem:v25+s4+$0x0], $0xffff;
	[tilespmem:v6+s8+$0x0] =	vst.idx.msk $0xffff, v8  }
0x388: {  	v14 =	vadd.s32 v27, v2;
	v25 =	vld [tilespmem:$0x1FCA0]  }
0x389: {  	v24 =	vor.u32 v30, v5;
	v17 =	vadd.s32 v27, v1  }
0x38a: {  	v21 =	vor.u32 v30, v7;
	v16 =	vld.idx.msk [tilespmem:v16+s4+$0x0], $0xffff  }
0x38b: {  	v18 =	vld.idx.msk [tilespmem:v18+s4+$0x0], $0xffff;
	v22 =	vor.u32 v30, v12  }
0x38c: {  	v9 =	vld.idx.msk [tilespmem:v19+s4+$0x0], $0xffff;
	v19 =	vor.u32 v30, v36  }
0x38d: {  	v14 =	vld.idx.msk [tilespmem:v14+s4+$0x0], $0xffff;
	v6 =	vor.u32 v25, v3  }
0x38e: {  	v17 =	vld.idx.msk [tilespmem:v17+s4+$0x0], $0xffff;
	[tilespmem:v24+s8+$0x0] =	vst.idx.msk $0xffff, v23;
	v24 =	vor.u32 v25, v0  }
0x38f: {  	[tilespmem:v21+s8+$0x0] =	vst.idx.msk $0xffff, v16  }
0x390: {  	v20 =	vadd.s32 v27, v4;
	[tilespmem:v22+s8+$0x0] =	vst.idx.msk $0xffff, v18  }
0x391: {  	v15 =	vadd.s32 v27, v10;
	[tilespmem:v19+s8+$0x0] =	vst.idx.msk $0xffff, v9  }
0x392: {  	v11 =	vadd.s32 v27, v13;
	v8 =	vadd.s32 v27, v37;
	[tilespmem:v6+s8+$0x0] =	vst.idx.msk $0xffff, v14  }
0x393: {  	v23 =	vadd.s32 v60, v2;
	v21 =	vor.u32 v25, v5;
	[tilespmem:v24+s8+$0x0] =	vst.idx.msk $0xffff, v17  }
0x394: {  	v22 =	vor.u32 v25, v7;
	v19 =	vor.u32 v25, v12;
	v14 =	vor.u32 v25, v36;
	v25 =	vld [tilespmem:$0x1FCB0]  }
0x395: {  	v16 =	vadd.s32 v60, v1;
	v20 =	vld.idx.msk [tilespmem:v20+s4+$0x0], $0xffff  }
0x396: {  	v15 =	vld.idx.msk [tilespmem:v15+s4+$0x0], $0xffff  }
0x397: {  	v11 =	vld.idx.msk [tilespmem:v11+s4+$0x0], $0xffff  }
0x398: {  	v6 =	vld.idx.msk [tilespmem:v8+s4+$0x0], $0xffff  }
0x399: {  	v23 =	vld.idx.msk [tilespmem:v23+s4+$0x0], $0xffff;
	v17 =	vor.u32 v25, v3  }
0x39a: {  	v24 =	vadd.s32 v60, v37;
	v16 =	vld.idx.msk [tilespmem:v16+s4+$0x0], $0xffff;
	[tilespmem:v21+s8+$0x0] =	vst.idx.msk $0xffff, v20;
	v21 =	vor.u32 v25, v0  }
0x39b: {  	[tilespmem:v22+s8+$0x0] =	vst.idx.msk $0xffff, v15  }
0x39c: {  	v18 =	vadd.s32 v60, v4;
	[tilespmem:v19+s8+$0x0] =	vst.idx.msk $0xffff, v11  }
0x39d: {  	v9 =	vadd.s32 v60, v10;
	[tilespmem:v14+s8+$0x0] =	vst.idx.msk $0xffff, v6  }
0x39e: {  	v8 =	vadd.s32 v60, v13;
	[tilespmem:v17+s8+$0x0] =	vst.idx.msk $0xffff, v23  }
0x39f: {  	v20 =	vadd.s32 v62, v2;
	v22 =	vor.u32 v25, v5;
	v17 =	vld.idx.msk [tilespmem:v24+s4+$0x0], $0xffff;
	[tilespmem:v21+s8+$0x0] =	vst.idx.msk $0xffff, v16  }
0x3a0: {  	v19 =	vor.u32 v25, v7;
	v14 =	vor.u32 v25, v12;
	v24 =	vor.u32 v25, v36;
	v25 =	vld [tilespmem:$0x1FCC0]  }
0x3a1: {  	v15 =	vadd.s32 v62, v1;
	v18 =	vld.idx.msk [tilespmem:v18+s4+$0x0], $0xffff  }
0x3a2: {  	v9 =	vld.idx.msk [tilespmem:v9+s4+$0x0], $0xffff  }
0x3a3: {  	v8 =	vld.idx.msk [tilespmem:v8+s4+$0x0], $0xffff;
	_ =	sdelay $0x1  }
0x3a4: {  	v20 =	vld.idx.msk [tilespmem:v20+s4+$0x0], $0xffff;
	v16 =	vor.u32 v25, v3  }
0x3a5: {  	v21 =	vadd.s32 v62, v37;
	v15 =	vld.idx.msk [tilespmem:v15+s4+$0x0], $0xffff;
	[tilespmem:v22+s8+$0x0] =	vst.idx.msk $0xffff, v18;
	v22 =	vor.u32 v25, v0  }
0x3a6: {  	[tilespmem:v19+s8+$0x0] =	vst.idx.msk $0xffff, v9  }
0x3a7: {  	v11 =	vadd.s32 v62, v4;
	[tilespmem:v14+s8+$0x0] =	vst.idx.msk $0xffff, v8  }
0x3a8: {  	v6 =	vadd.s32 v62, v10;
	[tilespmem:v24+s8+$0x0] =	vst.idx.msk $0xffff, v17  }
0x3a9: {  	v23 =	vadd.s32 v62, v13;
	[tilespmem:v16+s8+$0x0] =	vst.idx.msk $0xffff, v20  }
0x3aa: {  	v18 =	vadd.s32 v63, v2;
	v19 =	vor.u32 v25, v5;
	v16 =	vld.idx.msk [tilespmem:v21+s4+$0x0], $0xffff;
	[tilespmem:v22+s8+$0x0] =	vst.idx.msk $0xffff, v15  }
0x3ab: {  	v14 =	vor.u32 v25, v7;
	v24 =	vor.u32 v25, v12;
	v21 =	vor.u32 v25, v36;
	v25 =	vld [tilespmem:$0x1FCE0]  }
0x3ac: {  	v9 =	vadd.s32 v63, v1;
	v11 =	vld.idx.msk [tilespmem:v11+s4+$0x0], $0xffff  }
0x3ad: {  	v6 =	vld.idx.msk [tilespmem:v6+s4+$0x0], $0xffff  }
0x3ae: {  	v23 =	vld.idx.msk [tilespmem:v23+s4+$0x0], $0xffff;
	_ =	sdelay $0x1  }
0x3af: {  	v18 =	vld.idx.msk [tilespmem:v18+s4+$0x0], $0xffff;
	v15 =	vor.u32 v25, v3  }
0x3b0: {  	v22 =	vadd.s32 v63, v37;
	v9 =	vld.idx.msk [tilespmem:v9+s4+$0x0], $0xffff;
	[tilespmem:v19+s8+$0x0] =	vst.idx.msk $0xffff, v11;
	v19 =	vor.u32 v25, v0  }
0x3b1: {  	[tilespmem:v14+s8+$0x0] =	vst.idx.msk $0xffff, v6  }
0x3b2: {  	v8 =	vadd.s32 v63, v4;
	[tilespmem:v24+s8+$0x0] =	vst.idx.msk $0xffff, v23  }
0x3b3: {  	v17 =	vadd.s32 v63, v10;
	[tilespmem:v21+s8+$0x0] =	vst.idx.msk $0xffff, v16  }
0x3b4: {  	v20 =	vadd.s32 v63, v13;
	[tilespmem:v15+s8+$0x0] =	vst.idx.msk $0xffff, v18  }
0x3b5: {  	v11 =	vadd.s32 v61, v2;
	v14 =	vor.u32 v25, v5;
	v15 =	vld.idx.msk [tilespmem:v22+s4+$0x0], $0xffff;
	[tilespmem:v19+s8+$0x0] =	vst.idx.msk $0xffff, v9  }
0x3b6: {  	v24 =	vor.u32 v25, v7;
	v21 =	vor.u32 v25, v12;
	v22 =	vor.u32 v25, v36;
	v25 =	vld [tilespmem:$0x1FCF0]  }
0x3b7: {  	v6 =	vadd.s32 v61, v1;
	v8 =	vld.idx.msk [tilespmem:v8+s4+$0x0], $0xffff  }
0x3b8: {  	v23 =	vadd.s32 v61, v4;
	v17 =	vld.idx.msk [tilespmem:v17+s4+$0x0], $0xffff  }
0x3b9: {  	v20 =	vld.idx.msk [tilespmem:v20+s4+$0x0], $0xffff;
	_ =	sdelay $0x1  }
0x3ba: {  	v11 =	vld.idx.msk [tilespmem:v11+s4+$0x0], $0xffff;
	v9 =	vor.u32 v25, v3  }
0x3bb: {  	v19 =	vadd.s32 v61, v37;
	v6 =	vld.idx.msk [tilespmem:v6+s4+$0x0], $0xffff;
	[tilespmem:v14+s8+$0x0] =	vst.idx.msk $0xffff, v8;
	v14 =	vor.u32 v25, v0  }
0x3bc: {  	[tilespmem:v24+s8+$0x0] =	vst.idx.msk $0xffff, v17;
	v23 =	vld.idx.msk [tilespmem:v23+s4+$0x0], $0xffff;
	v24 =	vor.u32 v25, v5  }
0x3bd: {  	[tilespmem:v21+s8+$0x0] =	vst.idx.msk $0xffff, v20  }
0x3be: {  	v16 =	vadd.s32 v61, v10;
	[tilespmem:v22+s8+$0x0] =	vst.idx.msk $0xffff, v15  }
0x3bf: {  	v18 =	vadd.s32 v61, v13;
	[tilespmem:v9+s8+$0x0] =	vst.idx.msk $0xffff, v11  }
0x3c0: {  	v9 =	vld.idx.msk [tilespmem:v19+s4+$0x0], $0xffff;
	[tilespmem:v14+s8+$0x0] =	vst.idx.msk $0xffff, v6  }
0x3c1: {  	v8 =	vadd.s32 v57, v2;
	v17 =	vadd.s32 v57, v1;
	v26 =	vld [tilespmem:$0x1FD00];
	[tilespmem:v24+s8+$0x0] =	vst.idx.msk $0xffff, v23  }
0x3c2: {  	v21 =	vor.u32 v25, v7;
	v22 =	vor.u32 v25, v12;
	v19 =	vor.u32 v25, v36;
	v25 =	vld [tilespmem:$0x1FD80]  }
0x3c3: {  	v20 =	vadd.s32 v57, v4;
	v16 =	vld.idx.msk [tilespmem:v16+s4+$0x0], $0xffff  }
0x3c4: {  	v15 =	vadd.s32 v57, v10;
	v18 =	vld.idx.msk [tilespmem:v18+s4+$0x0], $0xffff  }
0x3c5: {  	v11 =	vadd.s32 v57, v13  }
0x3c6: {  	v14 =	vadd.s32 v57, v37;
	v8 =	vld.idx.msk [tilespmem:v8+s4+$0x0], $0xffff;
	v6 =	vor.u32 v26, v3  }
0x3c7: {  	v17 =	vld.idx.msk [tilespmem:v17+s4+$0x0], $0xffff;
	v24 =	vor.u32 v26, v0;
	v23 =	vadd.s32 v25, v2  }
0x3c8: {  	[tilespmem:v21+s8+$0x0] =	vst.idx.msk $0xffff, v16;
	v20 =	vld.idx.msk [tilespmem:v20+s4+$0x0], $0xffff;
	v21 =	vor.u32 v26, v5;
	v16 =	vadd.s32 v25, v1  }
0x3c9: {  	[tilespmem:v22+s8+$0x0] =	vst.idx.msk $0xffff, v18;
	v15 =	vld.idx.msk [tilespmem:v15+s4+$0x0], $0xffff;
	v22 =	vor.u32 v26, v7;
	v18 =	vadd.s32 v25, v4  }
0x3ca: {  	[tilespmem:v19+s8+$0x0] =	vst.idx.msk $0xffff, v9;
	v11 =	vld.idx.msk [tilespmem:v11+s4+$0x0], $0xffff;
	v19 =	vor.u32 v26, v12;
	v9 =	vadd.s32 v25, v10  }
0x3cb: {  	[tilespmem:v6+s8+$0x0] =	vst.idx.msk $0xffff, v8;
	v6 =	vld.idx.msk [tilespmem:v14+s4+$0x0], $0xffff;
	v8 =	vadd.s32 v25, v13;
	v14 =	vor.u32 v26, v36  }
0x3cc: {  	[tilespmem:v24+s8+$0x0] =	vst.idx.msk $0xffff, v17;
	v17 =	vor.u32 v46, v3;
	v24 =	vadd.s32 v25, v37;
	v23 =	vld.idx.msk [tilespmem:v23+s4+$0x0], $0xffff  }
0x3cd: {  	[tilespmem:v21+s8+$0x0] =	vst.idx.msk $0xffff, v20;
	v20 =	vadd.s32 v59, v2;
	v21 =	vor.u32 v46, v0;
	v16 =	vld.idx.msk [tilespmem:v16+s4+$0x0], $0xffff  }
0x3ce: {  	[tilespmem:v22+s8+$0x0] =	vst.idx.msk $0xffff, v15;
	v15 =	vadd.s32 v59, v1;
	v22 =	vor.u32 v46, v5;
	v18 =	vld.idx.msk [tilespmem:v18+s4+$0x0], $0xffff  }
0x3cf: {  	[tilespmem:v19+s8+$0x0] =	vst.idx.msk $0xffff, v11;
	v11 =	vadd.s32 v59, v4;
	v19 =	vor.u32 v46, v7;
	v9 =	vld.idx.msk [tilespmem:v9+s4+$0x0], $0xffff  }
0x3d0: {  	[tilespmem:v14+s8+$0x0] =	vst.idx.msk $0xffff, v6;
	v6 =	vadd.s32 v59, v10;
	v14 =	vor.u32 v46, v12;
	v8 =	vld.idx.msk [tilespmem:v8+s4+$0x0], $0xffff  }
0x3d1: {  	[tilespmem:v17+s8+$0x0] =	vst.idx.msk $0xffff, v23;
	v17 =	vadd.s32 v59, v13;
	v23 =	vld.idx.msk [tilespmem:v24+s4+$0x0], $0xffff;
	v24 =	vor.u32 v46, v36  }
0x3d2: {  	[tilespmem:v21+s8+$0x0] =	vst.idx.msk $0xffff, v16;
	v16 =	vor.u32 v33, v3;
	v21 =	vadd.s32 v59, v37;
	v20 =	vld.idx.msk [tilespmem:v20+s4+$0x0], $0xffff  }
0x3d3: {  	[tilespmem:v22+s8+$0x0] =	vst.idx.msk $0xffff, v18;
	v18 =	vadd.s32 v32, v2;
	v22 =	vor.u32 v33, v0;
	v15 =	vld.idx.msk [tilespmem:v15+s4+$0x0], $0xffff  }
0x3d4: {  	[tilespmem:v19+s8+$0x0] =	vst.idx.msk $0xffff, v9;
	v9 =	vadd.s32 v32, v1;
	v19 =	vor.u32 v33, v5;
	v11 =	vld.idx.msk [tilespmem:v11+s4+$0x0], $0xffff  }
0x3d5: {  	[tilespmem:v14+s8+$0x0] =	vst.idx.msk $0xffff, v8;
	v8 =	vadd.s32 v32, v4;
	v6 =	vld.idx.msk [tilespmem:v6+s4+$0x0], $0xffff;
	v14 =	vor.u32 v33, v7  }
0x3d6: {  	[tilespmem:v24+s8+$0x0] =	vst.idx.msk $0xffff, v23;
	v23 =	vadd.s32 v32, v10;
	v24 =	vor.u32 v33, v12;
	v17 =	vld.idx.msk [tilespmem:v17+s4+$0x0], $0xffff  }
0x3d7: {  	[tilespmem:v16+s8+$0x0] =	vst.idx.msk $0xffff, v20;
	v16 =	vadd.s32 v32, v13;
	v20 =	vld.idx.msk [tilespmem:v21+s4+$0x0], $0xffff;
	v21 =	vor.u32 v33, v36  }
0x3d8: {  	[tilespmem:v22+s8+$0x0] =	vst.idx.msk $0xffff, v15;
	v15 =	vor.u32 v31, v3;
	v22 =	vadd.s32 v32, v37;
	v18 =	vld.idx.msk [tilespmem:v18+s4+$0x0], $0xffff  }
0x3d9: {  	[tilespmem:v19+s8+$0x0] =	vst.idx.msk $0xffff, v11;
	v32 =	vadd.s32 v29, v2;
	v11 =	vor.u32 v31, v0;
	v9 =	vld.idx.msk [tilespmem:v9+s4+$0x0], $0xffff  }
0x3da: {  	v33 =	vadd.s32 v29, v1;
	[tilespmem:v14+s8+$0x0] =	vst.idx.msk $0xffff, v6;
	v6 =	vld.idx.msk [tilespmem:v8+s4+$0x0], $0xffff;
	v8 =	vor.u32 v31, v5  }
0x3db: {  	v34 =	vadd.s32 v29, v4;
	[tilespmem:v24+s8+$0x0] =	vst.idx.msk $0xffff, v17;
	v14 =	vld.idx.msk [tilespmem:v23+s4+$0x0], $0xffff;
	v17 =	vor.u32 v31, v7  }
0x3dc: {  	v10 =	vadd.s32 v29, v10;
	v19 =	vor.u32 v31, v12;
	[tilespmem:v21+s8+$0x0] =	vst.idx.msk $0xffff, v20;
	v16 =	vld.idx.msk [tilespmem:v16+s4+$0x0], $0xffff  }
0x3dd: {  	v13 =	vadd.s32 v29, v13;
	[tilespmem:v15+s8+$0x0] =	vst.idx.msk $0xffff, v18;
	v15 =	vld.idx.msk [tilespmem:v22+s4+$0x0], $0xffff;
	v18 =	vor.u32 v31, v36  }
0x3de: {  	v46 =	vor.u32 v28, v3;
	[tilespmem:v11+s8+$0x0] =	vst.idx.msk $0xffff, v9;
	v9 =	vadd.s32 v29, v37;
	v2 =	vld.idx.msk [tilespmem:v32+s4+$0x0], $0xffff  }
0x3df: {  	v47 =	vor.u32 v28, v0;
	v1 =	vld.idx.msk [tilespmem:v33+s4+$0x0], $0xffff;
	[tilespmem:v8+s8+$0x0] =	vst.idx.msk $0xffff, v6  }
0x3e0: {  	v48 =	vor.u32 v28, v5;
	[tilespmem:v17+s8+$0x0] =	vst.idx.msk $0xffff, v14;
	v4 =	vld.idx.msk [tilespmem:v34+s4+$0x0], $0xffff  }
0x3e1: {  	v7 =	vor.u32 v28, v7;
	[tilespmem:v19+s8+$0x0] =	vst.idx.msk $0xffff, v16;
	v6 =	vld.idx.msk [tilespmem:v10+s4+$0x0], $0xffff  }
0x3e2: {  	v10 =	vor.u32 v28, v12;
	[tilespmem:v18+s8+$0x0] =	vst.idx.msk $0xffff, v15;
	v8 =	vld.idx.msk [tilespmem:v13+s4+$0x0], $0xffff  }
0x3e3: {  	v56 =	vor.u32 v28, v36;
	[tilespmem:v46+s8+$0x0] =	vst.idx.msk $0xffff, v2;
	v49 =	vld.idx.msk [tilespmem:v9+s4+$0x0], $0xffff  }
0x3e4: {  	[tilespmem:v47+s8+$0x0] =	vst.idx.msk $0xffff, v1  }
0x3e5: {  	[tilespmem:v48+s8+$0x0] =	vst.idx.msk $0xffff, v4  }
0x3e6: {  	[tilespmem:v7+s8+$0x0] =	vst.idx.msk $0xffff, v6  }
0x3e7: {  	[tilespmem:v10+s8+$0x0] =	vst.idx.msk $0xffff, v8  }
0x3e8: {  	[tilespmem:v56+s8+$0x0] =	vst.idx.msk $0xffff, v49  }
0x3e9: {  	v10 =	vld [tilespmem:$0x1FFD0]  }
0x3ea: {  	v20 =	vld [tilespmem:$0x1FEE0]  }
0x3eb: {  	v19 =	vld [tilespmem:$0x1FED0]  }
0x3ec: {  	v12 =	vld [tilespmem:$0x1FFB0]  }
0x3ed: {  	v37 =	vld [tilespmem:$0x1FFC0]  }
0x3ee: {  	v13 =	vld [tilespmem:$0x1FEC0]  }
0x3ef: {  	v14 =	vld [tilespmem:$0x1FDA0]  }
0x3f0: {  	v15 =	vld [tilespmem:$0x1FDB0]  }
0x3f1: {  	v16 =	vld [tilespmem:$0x1FDC0]  }
0x3f2: {  	v26 =	vld [tilespmem:$0x1FE90]  }
0x3f3: {  	v18 =	vld [tilespmem:$0x1FDE0]  }
0x3f4: {  	v17 =	vld [tilespmem:$0x1FDD0]  }
0x3f5: {  	v27 =	vld [tilespmem:$0x1FE30]  }
0x3f6: {  	v28 =	vld [tilespmem:$0x1FEB0]  }
0x3f7: {  	s17 =	smul.u32 $0xC00, s17;
	v11 =	vld [tilespmem:$0x1FDF0]  }
0x3f8: {  	v23 =	vld [tilespmem:$0x1FE50]  }
0x3f9: {  	s17 =	sadd.s32 s6, s17;
	v25 =	vld [tilespmem:$0x1FE70]  }
0x3fa: {  	v24 =	vmovc v35;
	v36 =	vlaneseq.u32;
	v22 =	vmovc v53;
	v8 =	vmov v52;
	v56 =	vmov v40;
	[hbm4b:s17+s4] =	stream.linear.scatter [tilespmem:s8], [sflag:$0x3], $0x6000, $0x38;
	v21 =	vld [tilespmem:$0x1FE00]  }
.LBB2_8:
0x3fb: {  	s17 =	sshll.u32 s13, $0x1  }
0x3fc: {  	s17 =	sor.u32 $0x1, s17  }
0x3fd: {  	p1 =	sgt.u32 s17, $0x28  }
0x3fe: {  	s17 =	sshll.u32 @!p1 s17, $0x5  }
0x3ff: {  	s17 =	sor.u32 @!p1 s5, s17  }
0x400: {  	p2 =	sgt.u32 @!p1 s17, $0x515  }
0x401: {  	p1 =	por p1, p2  }
.Ltmp7:
0x402: {  	_ = 	snop;
	(pc) =	sbr.rel @p1 .LBB2_14-.Ltmp7, $1  }
0x403: {  	_ =	sdelay $0x3  }
0x404: {  	s14 =	sadd.s32 s29, s14  }
0x405: {  	p1 =	sgt.u32 s14, $0x515  }
.Ltmp8:
0x406: {  	_ = 	snop;
	(pc) =	sbr.rel @p1 .LBB2_11-.Ltmp8, $2  }
0x407: {  	_ =	sdelay $0x2  }
0x408: {  	v31 =	vmovc v27;
	v40 =	vmovc v38;
	v47 =	vmov v8;
	v48 =	vmov v45;
	v7 =	vmov v37;
	v33 =	vld [tilespmem:$0x1FC00]  }
0x409: {  	s18 =	smul.u32 $0x300, s14;
	_ =	sdelay $0x1  }
0x40a: {  	s19 =	sadd.s32 s0, s18  }
0x40b: {  	[tilespmem:s4], [sflag:$0x1] =	stream.linear.gather [hbm4b:s19+s4], $0x400, $0x38;
	[tilespmem:$0x1A000] =	vst v63  }
0x40c: {  	s21 =	simm.s32 $0x1C00;
	s20 =	sadd.s32 $0xF4280, s19  }
0x40d: {  	[tilespmem:s21], [sflag:$0x1] =	stream.linear.gather [hbm4b:s20+s4], $0x400, $0x38;
	[tilespmem:$0x1A000] =	vst v63  }
0x40e: {  	s22 =	simm.s32 $0x3800;
	s21 =	sadd.s32 $0x1E8500, s19  }
0x40f: {  	[tilespmem:s22], [sflag:$0x1] =	stream.linear.gather [hbm4b:s21+s4], $0x400, $0x38;
	[tilespmem:$0x1A000] =	vst v63  }
0x410: {  	s19 =	sadd.s32 $0x2DC780, s19;
	s22 =	simm.s32 $0x5400  }
0x411: {  	[tilespmem:s22], [sflag:$0x1] =	stream.linear.gather [hbm4b:s19+s4], $0x400, $0x38;
	[tilespmem:$0x1A000] =	vst v63  }
0x412: {  	s18 =	sadd.s32 s18, s12;
	s20 =	simm.s32 $0x400  }
0x413: {  	[tilespmem:s20], [sflag:$0x1] =	stream.linear.gather [hbm4b:s18+s4], $0x400, $0x38;
	[tilespmem:$0x1A000] =	vst v63  }
0x414: {  	s21 =	sadd.s32 $0xF4280, s18;
	s22 =	simm.s32 $0x2000  }
0x415: {  	[tilespmem:s22], [sflag:$0x1] =	stream.linear.gather [hbm4b:s21+s4], $0x400, $0x38;
	[tilespmem:$0x1A000] =	vst v63  }
0x416: {  	s21 =	sadd.s32 $0x1E8500, s18;
	s22 =	simm.s32 $0x3C00  }
0x417: {  	[tilespmem:s22], [sflag:$0x1] =	stream.linear.gather [hbm4b:s21+s4], $0x400, $0x38;
	[tilespmem:$0x1A000] =	vst v63  }
0x418: {  	s18 =	sadd.s32 $0x2DC780, s18;
	s21 =	smul.u32 $0x1800, s14;
	s22 =	simm.s32 $0x5800  }
0x419: {  	[tilespmem:s22], [sflag:$0x1] =	stream.linear.gather [hbm4b:s18+s4], $0x400, $0x38;
	[tilespmem:$0x1A000] =	vst v63  }
0x41a: {  	s14 =	sshrl.u32 s21, $0x3  }
0x41b: {  	s14 =	sadd.s32 s0, s14  }
0x41c: {  	s20 =	simm.s32 $0x800;
	s19 =	sadd.s32 $0x100, s14  }
0x41d: {  	[tilespmem:s20], [sflag:$0x1] =	stream.linear.gather [hbm4b:s19+s4], $0x400, $0x38;
	[tilespmem:$0x1A000] =	vst v63  }
0x41e: {  	s22 =	simm.s32 $0x2400;
	s21 =	sadd.s32 $0xF4380, s14  }
0x41f: {  	[tilespmem:s22], [sflag:$0x1] =	stream.linear.gather [hbm4b:s21+s4], $0x400, $0x38;
	[tilespmem:$0x1A000] =	vst v63  }
0x420: {  	s19 =	sadd.s32 $0x1E8600, s14;
	s20 =	simm.s32 $0x4000  }
0x421: {  	[tilespmem:s20], [sflag:$0x1] =	stream.linear.gather [hbm4b:s19+s4], $0x400, $0x38;
	[tilespmem:$0x1A000] =	vst v63  }
0x422: {  	s21 =	sadd.s32 $0x2DC880, s14;
	s22 =	simm.s32 $0x5C00  }
0x423: {  	[tilespmem:s22], [sflag:$0x1] =	stream.linear.gather [hbm4b:s21+s4], $0x400, $0x38;
	[tilespmem:$0x1A000] =	vst v63  }
0x424: {  	s19 =	sadd.s32 $0x180, s14;
	s20 =	simm.s32 $0xC00  }
0x425: {  	[tilespmem:s20], [sflag:$0x1] =	stream.linear.gather [hbm4b:s19+s4], $0x400, $0x38;
	[tilespmem:$0x1A000] =	vst v63  }
0x426: {  	s21 =	sadd.s32 $0xF4400, s14  }
0x427: {  	[tilespmem:s23], [sflag:$0x1] =	stream.linear.gather [hbm4b:s21+s4], $0x400, $0x38;
	[tilespmem:$0x1A000] =	vst v63  }
0x428: {  	s22 =	sadd.s32 $0x1E8680, s14  }
0x429: {  	[tilespmem:s24], [sflag:$0x1] =	stream.linear.gather [hbm4b:s22+s4], $0x400, $0x38;
	[tilespmem:$0x1A000] =	vst v63  }
0x42a: {  	s19 =	sadd.s32 $0x2DC900, s14  }
0x42b: {  	[tilespmem:s25], [sflag:$0x1] =	stream.linear.gather [hbm4b:s19+s4], $0x400, $0x38;
	[tilespmem:$0x1A000] =	vst v63  }
0x42c: {  	s20 =	sadd.s32 $0x200, s14  }
0x42d: {  	[tilespmem:s26], [sflag:$0x1] =	stream.linear.gather [hbm4b:s20+s4], $0x400, $0x38;
	[tilespmem:$0x1A000] =	vst v63  }
0x42e: {  	s21 =	sadd.s32 $0xF4480, s14  }
0x42f: {  	[tilespmem:s28], [sflag:$0x1] =	stream.linear.gather [hbm4b:s21+s4], $0x400, $0x38;
	[tilespmem:$0x1A000] =	vst v63  }
0x430: {  	s22 =	sadd.s32 $0x1E8700, s14  }
0x431: {  	[tilespmem:s30], [sflag:$0x1] =	stream.linear.gather [hbm4b:s22+s4], $0x400, $0x38;
	[tilespmem:$0x1A000] =	vst v63  }
0x432: {  	s19 =	sadd.s32 $0x2DC980, s14  }
0x433: {  	[tilespmem:s31], [sflag:$0x1] =	stream.linear.gather [hbm4b:s19+s4], $0x400, $0x38;
	[tilespmem:$0x1A000] =	vst v63  }
0x434: {  	s20 =	sadd.s32 $0x280, s14  }
0x435: {  	[tilespmem:s3], [sflag:$0x1] =	stream.linear.gather [hbm4b:s20+s4], $0x400, $0x38;
	[tilespmem:$0x1A000] =	vst v63  }
0x436: {  	s21 =	sadd.s32 $0xF4500, s14  }
0x437: {  	[tilespmem:s1], [sflag:$0x1] =	stream.linear.gather [hbm4b:s21+s4], $0x400, $0x38;
	[tilespmem:$0x1A000] =	vst v63  }
0x438: {  	s22 =	sadd.s32 $0x1E8780, s14  }
0x439: {  	[tilespmem:s2], [sflag:$0x1] =	stream.linear.gather [hbm4b:s22+s4], $0x400, $0x38;
	[tilespmem:$0x1A000] =	vst v63  }
0x43a: {  	s14 =	sadd.s32 $0x2DCA00, s14  }
0x43b: {  	[tilespmem:s7], [sflag:$0x1] =	stream.linear.gather [hbm4b:s14+s4], $0x400, $0x38;
	[tilespmem:$0x1A000] =	vst v63  }
.LBB2_11:
0x43c: {  	s14 =	simm.s32 $0x0  }
0x43d: {  	s22 =	simm.s32 $0x10;
	v0 =	vor.u32 s14, v36;
	v1 =	vmov s14  }
0x43e: {  	v3 =	vmov s22;
	v4 =	vor.u32 s22, v36;
	v1 =	vshll.u32 v1, $0x3  }
0x43f: {  	v2 =	vand.u32 $0x6F, v0;
	v3 =	vshll.u32 v3, $0x3;
	v1 =	vand.u32 $0x1C00, v1  }
0x440: {  	_ =	swait.ge [sflag:s9], $0x6000;
	v11 =	vor.u32 v2, v1;
	v1 =	vand.u32 $0x7F, v4;
	v2 =	vand.u32 $0x1C00, v3  }
0x441: {  	p1 =	seq.s32 s13, $0x0;
	[sflag:s9] =	ssyncset.done $0x0;
	v3 =	vadd.s32 v39, v11;
	v8 =	vor.u32 v1, v2  }
0x442: {  	s14 =	simm.s32 @!p1 $0x4;
	[sflag:s9] =	ssyncadd.s32 $0xFFFFA000;
	v1 =	vadd.s32 v39, v8  }
0x443: {  	_ =	swait.ge @!p1 [sflag:s14], $0x6000  }
0x444: {  	[sflag:s14] =	ssyncset.done @!p1 $0x0  }
0x445: {  	v9 =	vshll.u32 v0, $0x5;
	[sflag:s14] =	ssyncadd.s32 @!p1 $0xFFFFA000  }
0x446: {  	v6 =	vshll.u32 v4, $0x5;
	v2 =	vor.u32 v36, v9;
	v0 =	vld.idx.msk [tilespmem:v3+s15+$0x0], $0xffff  }
0x447: {  	v4 =	vor.u32 v36, v6;
	v3 =	vadd.s32 v54, v11;
	v1 =	vld.idx.msk [tilespmem:v1+s15+$0x0], $0xffff  }
0x448: {  	v5 =	vadd.s32 v54, v8;
	_ =	sdelay $0x2  }
0x449: {  	[tilespmem:v2+s10+$0x0] =	vst.idx.msk $0xffff, v0  }
0x44a: {  	v2 =	vor.u32 v12, v9;
	v0 =	vld.idx.msk [tilespmem:v3+s15+$0x0], $0xffff;
	[tilespmem:v4+s10+$0x0] =	vst.idx.msk $0xffff, v1  }
0x44b: {  	v1 =	vadd.s32 v10, v11;
	v4 =	vor.u32 v12, v6;
	v3 =	vld.idx.msk [tilespmem:v5+s15+$0x0], $0xffff  }
0x44c: {  	v5 =	vadd.s32 v10, v8;
	_ =	sdelay $0x2  }
0x44d: {  	[tilespmem:v2+s10+$0x0] =	vst.idx.msk $0xffff, v0  }
0x44e: {  	v0 =	vor.u32 v7, v9;
	v1 =	vld.idx.msk [tilespmem:v1+s15+$0x0], $0xffff;
	[tilespmem:v4+s10+$0x0] =	vst.idx.msk $0xffff, v3  }
0x44f: {  	v3 =	vadd.s32 v41, v11;
	v4 =	vor.u32 v7, v6;
	v2 =	vld.idx.msk [tilespmem:v5+s15+$0x0], $0xffff  }
0x450: {  	v5 =	vadd.s32 v41, v8;
	_ =	sdelay $0x2  }
0x451: {  	[tilespmem:v0+s10+$0x0] =	vst.idx.msk $0xffff, v1  }
0x452: {  	v1 =	vor.u32 v13, v9;
	v0 =	vld.idx.msk [tilespmem:v3+s15+$0x0], $0xffff;
	[tilespmem:v4+s10+$0x0] =	vst.idx.msk $0xffff, v2  }
0x453: {  	v4 =	vor.u32 v13, v6;
	v2 =	vld.idx.msk [tilespmem:v5+s15+$0x0], $0xffff;
	_ =	sdelay $0x3  }
0x454: {  	[tilespmem:v1+s10+$0x0] =	vst.idx.msk $0xffff, v0  }
0x455: {  	[tilespmem:v4+s10+$0x0] =	vst.idx.msk $0xffff, v2  }
0x456: {  	v3 =	vadd.s32 v42, v11;
	v49 =	vld [tilespmem:$0x1FC90]  }
0x457: {  	v5 =	vadd.s32 v42, v8;
	_ =	sdelay $0x3  }
0x458: {  	v0 =	vld.idx.msk [tilespmem:v3+s15+$0x0], $0xffff;
	v1 =	vor.u32 v49, v9  }
0x459: {  	v3 =	vadd.s32 v43, v11;
	v2 =	vld.idx.msk [tilespmem:v5+s15+$0x0], $0xffff;
	v4 =	vor.u32 v49, v6  }
0x45a: {  	v5 =	vadd.s32 v43, v8;
	_ =	sdelay $0x2  }
0x45b: {  	[tilespmem:v1+s10+$0x0] =	vst.idx.msk $0xffff, v0  }
0x45c: {  	[tilespmem:v4+s10+$0x0] =	vst.idx.msk $0xffff, v2;
	v1 =	vor.u32 v14, v9;
	v0 =	vld.idx.msk [tilespmem:v3+s15+$0x0], $0xffff  }
0x45d: {  	v4 =	vor.u32 v14, v6;
	v2 =	vld.idx.msk [tilespmem:v5+s15+$0x0], $0xffff;
	v3 =	vadd.s32 v56, v11  }
0x45e: {  	v5 =	vadd.s32 v56, v8;
	_ =	sdelay $0x2  }
0x45f: {  	[tilespmem:v1+s10+$0x0] =	vst.idx.msk $0xffff, v0  }
0x460: {  	[tilespmem:v4+s10+$0x0] =	vst.idx.msk $0xffff, v2;
	v1 =	vor.u32 v15, v9;
	v0 =	vld.idx.msk [tilespmem:v3+s15+$0x0], $0xffff  }
0x461: {  	v4 =	vor.u32 v15, v6;
	v2 =	vld.idx.msk [tilespmem:v5+s15+$0x0], $0xffff;
	v3 =	vadd.s32 v20, v11  }
0x462: {  	v5 =	vadd.s32 v20, v8;
	_ =	sdelay $0x2  }
0x463: {  	[tilespmem:v1+s10+$0x0] =	vst.idx.msk $0xffff, v0  }
0x464: {  	[tilespmem:v4+s10+$0x0] =	vst.idx.msk $0xffff, v2;
	v1 =	vor.u32 v16, v9;
	v0 =	vld.idx.msk [tilespmem:v3+s15+$0x0], $0xffff  }
0x465: {  	v4 =	vor.u32 v16, v6;
	v2 =	vld.idx.msk [tilespmem:v5+s15+$0x0], $0xffff;
	v3 =	vadd.s32 v33, v11  }
0x466: {  	v5 =	vadd.s32 v33, v8;
	_ =	sdelay $0x2  }
0x467: {  	v30 =	vmovc v12;
	v37 =	vmov v7;
	v34 =	vmov v10;
	v12 =	vadd.s32 v48, v8;
	[tilespmem:v1+s10+$0x0] =	vst.idx.msk $0xffff, v0  }
0x468: {  	s18 =	simm.s32 $0x20;
	s19 =	simm.s32 $0x30;
	v10 =	vor.u32 v17, v6;
	v7 =	vor.u32 v17, v9;
	[tilespmem:v4+s10+$0x0] =	vst.idx.msk $0xffff, v2;
	v3 =	vld.idx.msk [tilespmem:v3+s15+$0x0], $0xffff  }
0x469: {  	v29 =	vmovc v13;
	v13 =	vmov s19;
	v1 =	vmov s18;
	v4 =	vld.idx.msk [tilespmem:v5+s15+$0x0], $0xffff;
	v5 =	vadd.s32 v48, v11  }
0x46a: {  	v13 =	vshll.u32 v13, $0x3;
	v0 =	vor.u32 s18, v36;
	v1 =	vshll.u32 v1, $0x3  }
0x46b: {  	v52 =	vmovc v14;
	v14 =	vor.u32 s19, v36;
	v2 =	vand.u32 $0x6F, v0;
	v1 =	vand.u32 $0x1C00, v1  }
0x46c: {  	v13 =	vand.u32 $0x1C00, v13;
	v2 =	vor.u32 v2, v1;
	v1 =	vand.u32 $0x7F, v14  }
0x46d: {  	v59 =	vmov v15;
	v15 =	vadd.s32 v39, v2;
	v1 =	vor.u32 v1, v13;
	[tilespmem:v7+s10+$0x0] =	vst.idx.msk $0xffff, v3  }
0x46e: {  	[tilespmem:v10+s10+$0x0] =	vst.idx.msk $0xffff, v4;
	v4 =	vadd.s32 v39, v1;
	v7 =	vor.u32 v26, v9;
	v5 =	vld.idx.msk [tilespmem:v5+s15+$0x0], $0xffff  }
0x46f: {  	v13 =	vor.u32 v26, v6;
	v10 =	vld.idx.msk [tilespmem:v12+s15+$0x0], $0xffff;
	v12 =	vadd.s32 v19, v11  }
0x470: {  	v46 =	vmov v16;
	v16 =	vadd.s32 v19, v8  }
0x471: {  	v3 =	vshll.u32 v0, $0x5  }
0x472: {  	v53 =	vmov v17;
	v0 =	vshll.u32 v14, $0x5;
	v17 =	vor.u32 v36, v3;
	v15 =	vld.idx.msk [tilespmem:v15+s15+$0x0], $0xffff  }
0x473: {  	v14 =	vadd.s32 v54, v2;
	v4 =	vld.idx.msk [tilespmem:v4+s15+$0x0], $0xffff;
	[tilespmem:v7+s10+$0x0] =	vst.idx.msk $0xffff, v5;
	v5 =	vor.u32 v36, v0  }
0x474: {  	[tilespmem:v13+s10+$0x0] =	vst.idx.msk $0xffff, v10;
	v10 =	vadd.s32 v54, v1;
	v7 =	vld.idx.msk [tilespmem:v12+s15+$0x0], $0xffff;
	v12 =	vor.u32 v18, v9  }
0x475: {  	v32 =	vmov v18;
	v13 =	vld.idx.msk [tilespmem:v16+s15+$0x0], $0xffff;
	v16 =	vadd.s32 v50, v11;
	v18 =	vor.u32 v18, v6  }
0x476: {  	v27 =	vmov v19;
	v19 =	vadd.s32 v50, v8  }
0x477: {  	[tilespmem:v17+s10+$0x0] =	vst.idx.msk $0xffff, v15  }
0x478: {  	v15 =	vor.u32 v30, v3;
	v14 =	vld.idx.msk [tilespmem:v14+s15+$0x0], $0xffff;
	[tilespmem:v5+s10+$0x0] =	vst.idx.msk $0xffff, v4  }
0x479: {  	v4 =	vadd.s32 v34, v2;
	v5 =	vld.idx.msk [tilespmem:v10+s15+$0x0], $0xffff;
	[tilespmem:v12+s10+$0x0] =	vst.idx.msk $0xffff, v7;
	v7 =	vor.u32 v30, v0  }
0x47a: {  	[tilespmem:v18+s10+$0x0] =	vst.idx.msk $0xffff, v13;
	v12 =	vadd.s32 v34, v1;
	v13 =	vor.u32 v31, v9;
	v10 =	vld.idx.msk [tilespmem:v16+s15+$0x0], $0xffff  }
0x47b: {  	v17 =	vadd.s32 v40, v11;
	v18 =	vor.u32 v31, v6;
	v16 =	vld.idx.msk [tilespmem:v19+s15+$0x0], $0xffff  }
0x47c: {  	v19 =	vadd.s32 v40, v8  }
0x47d: {  	[tilespmem:v15+s10+$0x0] =	vst.idx.msk $0xffff, v14  }
0x47e: {  	v14 =	vor.u32 v37, v3;
	v4 =	vld.idx.msk [tilespmem:v4+s15+$0x0], $0xffff;
	[tilespmem:v7+s10+$0x0] =	vst.idx.msk $0xffff, v5  }
0x47f: {  	v5 =	vld.idx.msk [tilespmem:v12+s15+$0x0], $0xffff;
	[tilespmem:v13+s10+$0x0] =	vst.idx.msk $0xffff, v10;
	v10 =	vor.u32 v37, v0  }
0x480: {  	v15 =	vor.u32 v28, v9;
	[tilespmem:v18+s10+$0x0] =	vst.idx.msk $0xffff, v16;
	v12 =	vld.idx.msk [tilespmem:v17+s15+$0x0], $0xffff  }
0x481: {  	v18 =	vor.u32 v28, v6;
	v16 =	vld.idx.msk [tilespmem:v19+s15+$0x0], $0xffff;
	_ =	sdelay $0x1  }
0x482: {  	[tilespmem:v14+s10+$0x0] =	vst.idx.msk $0xffff, v4  }
0x483: {  	[tilespmem:v10+s10+$0x0] =	vst.idx.msk $0xffff, v5  }
0x484: {  	v7 =	vadd.s32 v41, v2;
	[tilespmem:v15+s10+$0x0] =	vst.idx.msk $0xffff, v12  }
0x485: {  	v13 =	vadd.s32 v41, v1;
	[tilespmem:v18+s10+$0x0] =	vst.idx.msk $0xffff, v16  }
0x486: {  	v50 =	vmovc v40;
	v40 =	vmov v47;
	v17 =	vadd.s32 v47, v11;
	v19 =	vadd.s32 v47, v8;
	v47 =	vld [tilespmem:$0x1FDF0]  }
0x487: {  	v45 =	vmov v56;
	v56 =	vmov v48;
	v48 =	vld [tilespmem:$0x1FF70];
	_ =	sdelay $0x1  }
0x488: {  	v4 =	vld.idx.msk [tilespmem:v7+s15+$0x0], $0xffff;
	v5 =	vor.u32 v29, v3  }
0x489: {  	v10 =	vadd.s32 v42, v2;
	v7 =	vld.idx.msk [tilespmem:v13+s15+$0x0], $0xffff;
	v12 =	vor.u32 v29, v0  }
0x48a: {  	v14 =	vadd.s32 v42, v1;
	v13 =	vld.idx.msk [tilespmem:v17+s15+$0x0], $0xffff;
	v15 =	vor.u32 v47, v9  }
0x48b: {  	v16 =	vld.idx.msk [tilespmem:v19+s15+$0x0], $0xffff;
	v17 =	vadd.s32 v48, v11;
	v18 =	vor.u32 v47, v6  }
0x48c: {  	v19 =	vadd.s32 v48, v8  }
0x48d: {  	[tilespmem:v5+s10+$0x0] =	vst.idx.msk $0xffff, v4  }
0x48e: {  	v5 =	vor.u32 v49, v3;
	v4 =	vld.idx.msk [tilespmem:v10+s15+$0x0], $0xffff;
	[tilespmem:v12+s10+$0x0] =	vst.idx.msk $0xffff, v7  }
0x48f: {  	v10 =	vadd.s32 v43, v2;
	v12 =	vor.u32 v49, v0;
	v7 =	vld.idx.msk [tilespmem:v14+s15+$0x0], $0xffff;
	[tilespmem:v15+s10+$0x0] =	vst.idx.msk $0xffff, v13  }
0x490: {  	v14 =	vadd.s32 v43, v1;
	[tilespmem:v18+s10+$0x0] =	vst.idx.msk $0xffff, v16;
	v15 =	vor.u32 v23, v9;
	v13 =	vld.idx.msk [tilespmem:v17+s15+$0x0], $0xffff  }
0x491: {  	v18 =	vor.u32 v23, v6;
	v16 =	vld.idx.msk [tilespmem:v19+s15+$0x0], $0xffff;
	v17 =	vadd.s32 v44, v11  }
0x492: {  	v19 =	vadd.s32 v44, v8  }
0x493: {  	[tilespmem:v5+s10+$0x0] =	vst.idx.msk $0xffff, v4  }
0x494: {  	v5 =	vor.u32 v52, v3;
	v4 =	vld.idx.msk [tilespmem:v10+s15+$0x0], $0xffff;
	[tilespmem:v12+s10+$0x0] =	vst.idx.msk $0xffff, v7  }
0x495: {  	v10 =	vadd.s32 v45, v2;
	v12 =	vor.u32 v52, v0;
	v7 =	vld.idx.msk [tilespmem:v14+s15+$0x0], $0xffff;
	[tilespmem:v15+s10+$0x0] =	vst.idx.msk $0xffff, v13  }
0x496: {  	v14 =	vadd.s32 v45, v1;
	[tilespmem:v18+s10+$0x0] =	vst.idx.msk $0xffff, v16;
	v15 =	vor.u32 v25, v9;
	v13 =	vld.idx.msk [tilespmem:v17+s15+$0x0], $0xffff  }
0x497: {  	v18 =	vor.u32 v25, v6;
	v16 =	vld.idx.msk [tilespmem:v19+s15+$0x0], $0xffff;
	v17 =	vadd.s32 v51, v11  }
0x498: {  	v19 =	vadd.s32 v51, v8  }
0x499: {  	[tilespmem:v5+s10+$0x0] =	vst.idx.msk $0xffff, v4  }
0x49a: {  	v5 =	vor.u32 v59, v3;
	v4 =	vld.idx.msk [tilespmem:v10+s15+$0x0], $0xffff;
	[tilespmem:v12+s10+$0x0] =	vst.idx.msk $0xffff, v7  }
0x49b: {  	v10 =	vadd.s32 v20, v2;
	v12 =	vor.u32 v59, v0;
	v7 =	vld.idx.msk [tilespmem:v14+s15+$0x0], $0xffff;
	[tilespmem:v15+s10+$0x0] =	vst.idx.msk $0xffff, v13  }
0x49c: {  	v14 =	vadd.s32 v20, v1;
	[tilespmem:v18+s10+$0x0] =	vst.idx.msk $0xffff, v16;
	v15 =	vor.u32 v21, v9;
	v13 =	vld.idx.msk [tilespmem:v17+s15+$0x0], $0xffff  }
0x49d: {  	v18 =	vor.u32 v21, v6;
	v16 =	vld.idx.msk [tilespmem:v19+s15+$0x0], $0xffff;
	v17 =	vadd.s32 v55, v11  }
0x49e: {  	v19 =	vadd.s32 v55, v8  }
0x49f: {  	[tilespmem:v5+s10+$0x0] =	vst.idx.msk $0xffff, v4  }
0x4a0: {  	v10 =	vld.idx.msk [tilespmem:v10+s15+$0x0], $0xffff;
	[tilespmem:v12+s10+$0x0] =	vst.idx.msk $0xffff, v7  }
0x4a1: {  	v7 =	vor.u32 v46, v3;
	v12 =	vld.idx.msk [tilespmem:v14+s15+$0x0], $0xffff;
	[tilespmem:v15+s10+$0x0] =	vst.idx.msk $0xffff, v13  }
0x4a2: {  	v14 =	vor.u32 v46, v0;
	[tilespmem:v18+s10+$0x0] =	vst.idx.msk $0xffff, v16;
	v15 =	vld.idx.msk [tilespmem:v17+s15+$0x0], $0xffff  }
0x4a3: {  	v17 =	vor.u32 v22, v9;
	v18 =	vld.idx.msk [tilespmem:v19+s15+$0x0], $0xffff  }
0x4a4: {  	v20 =	vor.u32 v22, v6;
	v38 =	vld [tilespmem:$0x1FE10];
	_ =	sdelay $0x1  }
0x4a5: {  	v13 =	vadd.s32 v33, v2;
	[tilespmem:v7+s10+$0x0] =	vst.idx.msk $0xffff, v10  }
0x4a6: {  	v16 =	vadd.s32 v33, v1;
	[tilespmem:v14+s10+$0x0] =	vst.idx.msk $0xffff, v12  }
0x4a7: {  	[tilespmem:v17+s10+$0x0] =	vst.idx.msk $0xffff, v15  }
0x4a8: {  	v19 =	vadd.s32 v38, v11;
	[tilespmem:v20+s10+$0x0] =	vst.idx.msk $0xffff, v18  }
0x4a9: {  	s20 =	simm.s32 $0x40;
	v14 =	vadd.s32 v56, v2;
	v22 =	vadd.s32 v38, v8;
	v17 =	vadd.s32 v56, v1;
	v56 =	vld [tilespmem:$0x1FC10]  }
0x4aa: {  	v4 =	vmov s20;
	v10 =	vor.u32 v53, v3;
	v13 =	vld.idx.msk [tilespmem:v13+s15+$0x0], $0xffff  }
0x4ab: {  	v5 =	vor.u32 s20, v36;
	v4 =	vshll.u32 v4, $0x3;
	v12 =	vld.idx.msk [tilespmem:v16+s15+$0x0], $0xffff;
	v15 =	vor.u32 v53, v0  }
0x4ac: {  	v37 =	vmov v21;
	v21 =	vand.u32 $0x6F, v5;
	v4 =	vand.u32 $0x1C00, v4  }
0x4ad: {  	s21 =	simm.s32 $0x50;
	v4 =	vor.u32 v21, v4;
	v7 =	vor.u32 v24, v9;
	v16 =	vld.idx.msk [tilespmem:v19+s15+$0x0], $0xffff  }
0x4ae: {  	v21 =	vor.u32 v24, v6;
	v18 =	vmov s21;
	v20 =	vld.idx.msk [tilespmem:v22+s15+$0x0], $0xffff;
	v19 =	vadd.s32 v56, v11  }
0x4af: {  	v46 =	vmovc v23;
	v33 =	vmov v25;
	v18 =	vshll.u32 v18, $0x3;
	[tilespmem:v10+s10+$0x0] =	vst.idx.msk $0xffff, v13;
	v23 =	vadd.s32 v56, v8  }
0x4b0: {  	v25 =	vadd.s32 v39, v4;
	v18 =	vand.u32 $0x1C00, v18;
	v22 =	vor.u32 s21, v36;
	v13 =	vld.idx.msk [tilespmem:v14+s15+$0x0], $0xffff;
	[tilespmem:v15+s10+$0x0] =	vst.idx.msk $0xffff, v12  }
0x4b1: {  	v14 =	vor.u32 v26, v3;
	v24 =	vand.u32 $0x7F, v22;
	v15 =	vld.idx.msk [tilespmem:v17+s15+$0x0], $0xffff;
	v17 =	vor.u32 v26, v0  }
0x4b2: {  	v10 =	vor.u32 v24, v18;
	[tilespmem:v7+s10+$0x0] =	vst.idx.msk $0xffff, v16;
	v16 =	vadd.s32 v27, v2  }
0x4b3: {  	[tilespmem:v21+s10+$0x0] =	vst.idx.msk $0xffff, v20;
	v20 =	vor.u32 v58, v9;
	v18 =	vld.idx.msk [tilespmem:v19+s15+$0x0], $0xffff;
	v19 =	vadd.s32 v27, v1  }
0x4b4: {  	v24 =	vor.u32 v58, v6;
	v21 =	vld.idx.msk [tilespmem:v23+s15+$0x0], $0xffff  }
0x4b5: {  	v7 =	vld [tilespmem:$0x1FC20]  }
0x4b6: {  	v25 =	vld.idx.msk [tilespmem:v25+s15+$0x0], $0xffff;
	[tilespmem:v14+s10+$0x0] =	vst.idx.msk $0xffff, v13  }
0x4b7: {  	v5 =	vshll.u32 v5, $0x5;
	[tilespmem:v17+s10+$0x0] =	vst.idx.msk $0xffff, v15;
	v14 =	vld.idx.msk [tilespmem:v16+s15+$0x0], $0xffff  }
0x4b8: {  	v26 =	vor.u32 v36, v5;
	v12 =	vadd.s32 v39, v10;
	v17 =	vld.idx.msk [tilespmem:v19+s15+$0x0], $0xffff;
	[tilespmem:v20+s10+$0x0] =	vst.idx.msk $0xffff, v18  }
0x4b9: {  	v58 =	vld [tilespmem:$0x1FFA0];
	[tilespmem:v24+s10+$0x0] =	vst.idx.msk $0xffff, v21  }
0x4ba: {  	v16 =	vor.u32 v32, v3;
	v23 =	vadd.s32 v7, v11;
	v19 =	vor.u32 v32, v0;
	v32 =	vld [tilespmem:$0x1FD90]  }
0x4bb: {  	v27 =	vadd.s32 v7, v8;
	_ =	sdelay $0x1  }
0x4bc: {  	v12 =	vld.idx.msk [tilespmem:v12+s15+$0x0], $0xffff;
	v7 =	vshll.u32 v22, $0x5;
	[tilespmem:v26+s10+$0x0] =	vst.idx.msk $0xffff, v25  }
0x4bd: {  	v13 =	vor.u32 v36, v7;
	v35 =	vld [tilespmem:$0x1FC30]  }
0x4be: {  	v20 =	vld.idx.msk [tilespmem:v23+s15+$0x0], $0xffff;
	v23 =	vor.u32 v32, v9  }
0x4bf: {  	v22 =	vadd.s32 v54, v4;
	v24 =	vld.idx.msk [tilespmem:v27+s15+$0x0], $0xffff;
	v26 =	vor.u32 v32, v6  }
0x4c0: {  	[tilespmem:v16+s10+$0x0] =	vst.idx.msk $0xffff, v14  }
0x4c1: {  	v15 =	vadd.s32 v54, v10;
	[tilespmem:v19+s10+$0x0] =	vst.idx.msk $0xffff, v17  }
0x4c2: {  	v18 =	vadd.s32 v58, v2;
	[tilespmem:v13+s10+$0x0] =	vst.idx.msk $0xffff, v12  }
0x4c3: {  	v21 =	vadd.s32 v58, v1;
	[tilespmem:v23+s10+$0x0] =	vst.idx.msk $0xffff, v20  }
0x4c4: {  	v22 =	vld.idx.msk [tilespmem:v22+s15+$0x0], $0xffff;
	v25 =	vadd.s32 v35, v11;
	[tilespmem:v26+s10+$0x0] =	vst.idx.msk $0xffff, v24  }
0x4c5: {  	v27 =	vor.u32 v30, v5;
	v12 =	vadd.s32 v35, v8;
	v53 =	vld [tilespmem:$0x1FD70]  }
0x4c6: {  	v15 =	vld.idx.msk [tilespmem:v15+s15+$0x0], $0xffff  }
0x4c7: {  	v14 =	vor.u32 v30, v7;
	v16 =	vld.idx.msk [tilespmem:v18+s15+$0x0], $0xffff  }
0x4c8: {  	v18 =	vor.u32 v31, v3;
	v19 =	vld.idx.msk [tilespmem:v21+s15+$0x0], $0xffff  }
0x4c9: {  	v21 =	vor.u32 v31, v0;
	v23 =	vld.idx.msk [tilespmem:v25+s15+$0x0], $0xffff  }
0x4ca: {  	[tilespmem:v27+s10+$0x0] =	vst.idx.msk $0xffff, v22;
	v12 =	vld.idx.msk [tilespmem:v12+s15+$0x0], $0xffff;
	v25 =	vor.u32 v53, v9  }
0x4cb: {  	v58 =	vld [tilespmem:$0x1FEA0];
	v26 =	vor.u32 v53, v6  }
0x4cc: {  	v20 =	vadd.s32 v50, v2;
	v24 =	vadd.s32 v50, v1;
	v50 =	vld [tilespmem:$0x1FFC0];
	[tilespmem:v14+s10+$0x0] =	vst.idx.msk $0xffff, v15  }
0x4cd: {  	v13 =	vadd.s32 v34, v4;
	[tilespmem:v18+s10+$0x0] =	vst.idx.msk $0xffff, v16  }
0x4ce: {  	v17 =	vadd.s32 v34, v10;
	[tilespmem:v21+s10+$0x0] =	vst.idx.msk $0xffff, v19  }
0x4cf: {  	[tilespmem:v25+s10+$0x0] =	vst.idx.msk $0xffff, v23  }
0x4d0: {  	[tilespmem:v26+s10+$0x0] =	vst.idx.msk $0xffff, v12  }
0x4d1: {  	v22 =	vadd.s32 v58, v11;
	v26 =	vld [tilespmem:$0x1FCA0]  }
0x4d2: {  	v13 =	vld.idx.msk [tilespmem:v13+s15+$0x0], $0xffff;
	v27 =	vor.u32 v50, v5;
	v14 =	vadd.s32 v58, v8  }
0x4d3: {  	v15 =	vld.idx.msk [tilespmem:v17+s15+$0x0], $0xffff;
	v17 =	vor.u32 v50, v7  }
0x4d4: {  	v18 =	vld.idx.msk [tilespmem:v20+s15+$0x0], $0xffff;
	v20 =	vor.u32 v28, v3  }
0x4d5: {  	v21 =	vld.idx.msk [tilespmem:v24+s15+$0x0], $0xffff;
	v24 =	vor.u32 v28, v0  }
0x4d6: {  	v22 =	vld.idx.msk [tilespmem:v22+s15+$0x0], $0xffff;
	v25 =	vor.u32 v26, v9  }
0x4d7: {  	v12 =	vadd.s32 v40, v1;
	[tilespmem:v27+s10+$0x0] =	vst.idx.msk $0xffff, v13;
	v13 =	vld.idx.msk [tilespmem:v14+s15+$0x0], $0xffff;
	v26 =	vor.u32 v26, v6  }
0x4d8: {  	[tilespmem:v17+s10+$0x0] =	vst.idx.msk $0xffff, v15  }
0x4d9: {  	v16 =	vadd.s32 v41, v4;
	[tilespmem:v20+s10+$0x0] =	vst.idx.msk $0xffff, v18  }
0x4da: {  	v19 =	vadd.s32 v41, v10;
	[tilespmem:v24+s10+$0x0] =	vst.idx.msk $0xffff, v21  }
0x4db: {  	v23 =	vadd.s32 v40, v2;
	[tilespmem:v25+s10+$0x0] =	vst.idx.msk $0xffff, v22  }
0x4dc: {  	v27 =	vld.idx.msk [tilespmem:v12+s15+$0x0], $0xffff;
	[tilespmem:v26+s10+$0x0] =	vst.idx.msk $0xffff, v13  }
0x4dd: {  	v14 =	vadd.s32 v60, v11;
	v12 =	vld [tilespmem:$0x1FCB0]  }
0x4de: {  	v15 =	vadd.s32 v60, v8;
	v17 =	vor.u32 v29, v5;
	v16 =	vld.idx.msk [tilespmem:v16+s15+$0x0], $0xffff  }
0x4df: {  	v20 =	vor.u32 v29, v7;
	v19 =	vld.idx.msk [tilespmem:v19+s15+$0x0], $0xffff  }
0x4e0: {  	v24 =	vor.u32 v47, v3;
	v23 =	vld.idx.msk [tilespmem:v23+s15+$0x0], $0xffff  }
0x4e1: {  	v25 =	vor.u32 v47, v0  }
0x4e2: {  	v14 =	vld.idx.msk [tilespmem:v14+s15+$0x0], $0xffff;
	v26 =	vor.u32 v12, v9  }
0x4e3: {  	v15 =	vld.idx.msk [tilespmem:v15+s15+$0x0], $0xffff;
	[tilespmem:v17+s10+$0x0] =	vst.idx.msk $0xffff, v16;
	v17 =	vor.u32 v12, v6  }
0x4e4: {  	[tilespmem:v20+s10+$0x0] =	vst.idx.msk $0xffff, v19  }
0x4e5: {  	v18 =	vadd.s32 v42, v4;
	[tilespmem:v24+s10+$0x0] =	vst.idx.msk $0xffff, v23  }
0x4e6: {  	v21 =	vadd.s32 v42, v10;
	[tilespmem:v25+s10+$0x0] =	vst.idx.msk $0xffff, v27  }
0x4e7: {  	v22 =	vadd.s32 v48, v2;
	[tilespmem:v26+s10+$0x0] =	vst.idx.msk $0xffff, v14  }
0x4e8: {  	v13 =	vadd.s32 v48, v1;
	[tilespmem:v17+s10+$0x0] =	vst.idx.msk $0xffff, v15  }
0x4e9: {  	v16 =	vadd.s32 v62, v11;
	v15 =	vld [tilespmem:$0x1FCC0]  }
0x4ea: {  	v19 =	vadd.s32 v62, v8;
	v20 =	vor.u32 v49, v5;
	v18 =	vld.idx.msk [tilespmem:v18+s15+$0x0], $0xffff  }
0x4eb: {  	v24 =	vor.u32 v49, v7;
	v21 =	vld.idx.msk [tilespmem:v21+s15+$0x0], $0xffff  }
0x4ec: {  	v22 =	vld.idx.msk [tilespmem:v22+s15+$0x0], $0xffff;
	v27 =	vor.u32 v46, v3  }
0x4ed: {  	v29 =	vor.u32 v46, v0;
	v13 =	vld.idx.msk [tilespmem:v13+s15+$0x0], $0xffff  }
0x4ee: {  	v40 =	vmov v30;
	v16 =	vld.idx.msk [tilespmem:v16+s15+$0x0], $0xffff;
	v30 =	vor.u32 v15, v9  }
0x4ef: {  	v19 =	vld.idx.msk [tilespmem:v19+s15+$0x0], $0xffff;
	[tilespmem:v20+s10+$0x0] =	vst.idx.msk $0xffff, v18;
	v20 =	vor.u32 v15, v6  }
0x4f0: {  	[tilespmem:v24+s10+$0x0] =	vst.idx.msk $0xffff, v21  }
0x4f1: {  	v62 =	vld [tilespmem:$0x1FE20];
	[tilespmem:v27+s10+$0x0] =	vst.idx.msk $0xffff, v22  }
0x4f2: {  	v23 =	vadd.s32 v43, v4;
	v15 =	vld [tilespmem:$0x1FC60];
	[tilespmem:v29+s10+$0x0] =	vst.idx.msk $0xffff, v13  }
0x4f3: {  	s22 =	simm.s32 $0x60;
	v25 =	vadd.s32 v43, v10;
	[tilespmem:v30+s10+$0x0] =	vst.idx.msk $0xffff, v16  }
0x4f4: {  	v28 =	vor.u32 s22, v36;
	v26 =	vadd.s32 v44, v2;
	[tilespmem:v20+s10+$0x0] =	vst.idx.msk $0xffff, v19  }
0x4f5: {  	v12 =	vshll.u32 v28, $0x5;
	v17 =	vand.u32 $0x6F, v28;
	v28 =	vadd.s32 v44, v1;
	v53 =	vld [tilespmem:$0x1FD00]  }
0x4f6: {  	v18 =	vadd.s32 v63, v11;
	v46 =	vld [tilespmem:$0x1FCE0]  }
0x4f7: {  	v21 =	vadd.s32 v63, v8;
	v24 =	vor.u32 v52, v5;
	v23 =	vld.idx.msk [tilespmem:v23+s15+$0x0], $0xffff  }
0x4f8: {  	v25 =	vld.idx.msk [tilespmem:v25+s15+$0x0], $0xffff;
	v22 =	vadd.s32 v45, v4;
	v27 =	vor.u32 v52, v7  }
0x4f9: {  	v63 =	vor.u32 v33, v3;
	v26 =	vld.idx.msk [tilespmem:v26+s15+$0x0], $0xffff;
	v29 =	vadd.s32 v45, v10  }
0x4fa: {  	v14 =	vmov s22;
	v28 =	vld.idx.msk [tilespmem:v28+s15+$0x0], $0xffff;
	v30 =	vor.u32 v33, v0;
	v13 =	vor.u32 v53, v9  }
0x4fb: {  	v31 =	vshll.u32 v14, $0x3;
	v16 =	vadd.s32 v51, v2;
	v18 =	vld.idx.msk [tilespmem:v18+s15+$0x0], $0xffff;
	v20 =	vor.u32 v46, v9;
	[tilespmem:$0x1FBE0] =	vst v13  }
0x4fc: {  	v13 =	vand.u32 $0x1C00, v31;
	v21 =	vld.idx.msk [tilespmem:v21+s15+$0x0], $0xffff;
	[tilespmem:v24+s10+$0x0] =	vst.idx.msk $0xffff, v23;
	v24 =	vor.u32 v46, v6  }
0x4fd: {  	v13 =	vor.u32 v17, v13;
	[tilespmem:v27+s10+$0x0] =	vst.idx.msk $0xffff, v25;
	v17 =	vld.idx.msk [tilespmem:v22+s15+$0x0], $0xffff  }
0x4fe: {  	v27 =	vor.u32 v59, v5;
	[tilespmem:v63+s10+$0x0] =	vst.idx.msk $0xffff, v26;
	v29 =	vld.idx.msk [tilespmem:v29+s15+$0x0], $0xffff  }
0x4ff: {  	v31 =	vor.u32 v59, v7;
	v48 =	vld [tilespmem:$0x1FEE0];
	[tilespmem:v30+s10+$0x0] =	vst.idx.msk $0xffff, v28  }
0x500: {  	v19 =	vadd.s32 v51, v1;
	v32 =	vld.idx.msk [tilespmem:v16+s15+$0x0], $0xffff;
	v30 =	vor.u32 v37, v3;
	[tilespmem:v20+s10+$0x0] =	vst.idx.msk $0xffff, v18  }
0x501: {  	[tilespmem:v24+s10+$0x0] =	vst.idx.msk $0xffff, v21  }
0x502: {  	v23 =	vadd.s32 v61, v11;
	v59 =	vld [tilespmem:$0x1FCF0]  }
0x503: {  	v16 =	vld [tilespmem:$0x1FE60];
	[tilespmem:v27+s10+$0x0] =	vst.idx.msk $0xffff, v17  }
0x504: {  	[tilespmem:v31+s10+$0x0] =	vst.idx.msk $0xffff, v29  }
0x505: {  	v22 =	vadd.s32 v61, v8;
	v19 =	vld.idx.msk [tilespmem:v19+s15+$0x0], $0xffff;
	[tilespmem:v30+s10+$0x0] =	vst.idx.msk $0xffff, v32  }
0x506: {  	v20 =	vor.u32 v37, v0;
	v17 =	vld [tilespmem:$0x1FD20]  }
0x507: {  	v23 =	vld.idx.msk [tilespmem:v23+s15+$0x0], $0xffff;
	v24 =	vor.u32 v59, v9;
	_ =	sdelay $0x1  }
0x508: {  	v25 =	vadd.s32 v39, v13  }
0x509: {  	v51 =	vadd.s32 v55, v2;
	v22 =	vld.idx.msk [tilespmem:v22+s15+$0x0], $0xffff  }
0x50a: {  	v26 =	vadd.s32 v48, v4;
	v30 =	vadd.s32 v17, v13;
	v17 =	vld [tilespmem:$0x1FDC0];
	[tilespmem:v20+s10+$0x0] =	vst.idx.msk $0xffff, v19  }
0x50b: {  	v28 =	vadd.s32 v48, v10;
	v47 =	vld [tilespmem:$0x1FC00];
	[tilespmem:v24+s10+$0x0] =	vst.idx.msk $0xffff, v23  }
0x50c: {  	v27 =	vor.u32 v59, v6;
	v23 =	vld [tilespmem:$0x1FE40]  }
0x50d: {  	v21 =	vadd.s32 v55, v1;
	v25 =	vld.idx.msk [tilespmem:v25+s15+$0x0], $0xffff;
	v29 =	vor.u32 v36, v12  }
0x50e: {  	v33 =	vld.idx.msk [tilespmem:v51+s15+$0x0], $0xffff  }
0x50f: {  	v26 =	vld.idx.msk [tilespmem:v26+s15+$0x0], $0xffff;
	v60 =	vor.u32 v17, v5  }
0x510: {  	v28 =	vld.idx.msk [tilespmem:v28+s15+$0x0], $0xffff;
	v20 =	vor.u32 v17, v7  }
0x511: {  	v17 =	vld [tilespmem:$0x1FFD0];
	[tilespmem:v27+s10+$0x0] =	vst.idx.msk $0xffff, v22;
	v61 =	vor.u32 v23, v3  }
0x512: {  	v14 =	vor.u32 v62, v9;
	v62 =	vld.idx.msk [tilespmem:v21+s15+$0x0], $0xffff;
	[tilespmem:v29+s10+$0x0] =	vst.idx.msk $0xffff, v25;
	v27 =	vor.u32 v23, v0  }
0x513: {  	v56 =	vld [tilespmem:$0x1FDD0]  }
0x514: {  	v29 =	vld [tilespmem:$0x1FFE0];
	[tilespmem:v60+s10+$0x0] =	vst.idx.msk $0xffff, v26  }
0x515: {  	v26 =	vld [tilespmem:$0x1FD80];
	[tilespmem:v20+s10+$0x0] =	vst.idx.msk $0xffff, v28  }
0x516: {  	v18 =	vadd.s32 v57, v11;
	[tilespmem:v61+s10+$0x0] =	vst.idx.msk $0xffff, v33  }
0x517: {  	[tilespmem:v27+s10+$0x0] =	vst.idx.msk $0xffff, v62  }
0x518: {  	v31 =	vadd.s32 v57, v8;
	v51 =	vmov v17;
	v33 =	vadd.s32 v17, v13;
	v17 =	vld [tilespmem:$0x1FBE0];
	_ =	sdelay $0x1  }
0x519: {  	v19 =	vadd.s32 v47, v4  }
0x51a: {  	v63 =	vld.idx.msk [tilespmem:v18+s15+$0x0], $0xffff;
	v35 =	vadd.s32 v47, v10;
	_ =	sdelay $0x1  }
0x51b: {  	v22 =	vadd.s32 v38, v2;
	v21 =	vld.idx.msk [tilespmem:v31+s15+$0x0], $0xffff  }
0x51c: {  	v38 =	vadd.s32 v38, v1;
	v31 =	vld.idx.msk [tilespmem:v30+s15+$0x0], $0xffff  }
0x51d: {  	v25 =	vld.idx.msk [tilespmem:v19+s15+$0x0], $0xffff  }
0x51e: {  	v18 =	vadd.s32 v26, v11;
	v19 =	vadd.s32 v26, v8;
	v26 =	vld.idx.msk [tilespmem:v35+s15+$0x0], $0xffff;
	[tilespmem:v17+s10+$0x0] =	vst.idx.msk $0xffff, v63  }
0x51f: {  	v17 =	vld [tilespmem:$0x1FD60]  }
0x520: {  	v20 =	vld.idx.msk [tilespmem:v22+s15+$0x0], $0xffff  }
0x521: {  	v15 =	vor.u32 v15, v9;
	v32 =	vor.u32 v40, v12;
	v22 =	vld.idx.msk [tilespmem:v38+s15+$0x0], $0xffff  }
0x522: {  	v44 =	vmovc v45;
	v16 =	vor.u32 v16, v3;
	v30 =	vor.u32 v50, v12;
	v23 =	vor.u32 v53, v6;
	v60 =	vld [tilespmem:$0x1FC40]  }
0x523: {  	v55 =	vmovc v50;
	v24 =	vor.u32 v56, v5;
	v28 =	vor.u32 v56, v7;
	v27 =	vadd.s32 v29, v4;
	v62 =	vld [tilespmem:$0x1FC50]  }
0x524: {  	s14 =	simm.s32 $0x80;
	s18 =	simm.s32 $0x70;
	v48 =	vmovc v40;
	v45 =	vmovc v29;
	v29 =	vadd.s32 v29, v10;
	v63 =	vlaneseq.u32;
	v57 =	vld [tilespmem:$0x1FC70];
	v17 =	vadd.s32 v17, v11  }
.LBB2_12:
0x525: {  	_ = 	snop  }
0x526: {  	v53 =	vld [tilespmem:$0x1FC10]  }
0x527: {  	v38 =	vld [tilespmem:$0x1FE60]  }
0x528: {  	v37 =	vld.idx.msk [tilespmem:v18+s15+$0x0], $0xffff  }
0x529: {  	v61 =	vld [tilespmem:$0x1FD60]  }
0x52a: {  	v34 =	vmov s18;
	v58 =	vld [tilespmem:$0x1FE90]  }
0x52b: {  	v40 =	vld [tilespmem:$0x1FED0];
	v18 =	vshll.u32 v34, $0x3;
	[tilespmem:v23+s10+$0x0] =	vst.idx.msk $0xffff, v21;
	v21 =	vor.u32 s18, v63  }
0x52c: {  	v18 =	vand.u32 $0x1C00, v18;
	v19 =	vld.idx.msk [tilespmem:v19+s15+$0x0], $0xffff;
	v50 =	vand.u32 $0x7F, v21  }
0x52d: {  	[tilespmem:v32+s10+$0x0] =	vst.idx.msk $0xffff, v31;
	v18 =	vor.u32 v50, v18;
	v50 =	vld [tilespmem:$0x1FE80]  }
0x52e: {  	v31 =	vld.idx.msk [tilespmem:v33+s15+$0x0], $0xffff;
	[tilespmem:v24+s10+$0x0] =	vst.idx.msk $0xffff, v25;
	v35 =	vadd.s32 v53, v2  }
0x52f: {  	v25 =	vld.idx.msk [tilespmem:v27+s15+$0x0], $0xffff;
	v36 =	vor.u32 v38, v0  }
0x530: {  	[tilespmem:v28+s10+$0x0] =	vst.idx.msk $0xffff, v26;
	v23 =	vadd.s32 v53, v1;
	v53 =	vld [tilespmem:$0x1FC60]  }
0x531: {  	v29 =	vld.idx.msk [tilespmem:v29+s15+$0x0], $0xffff;
	[tilespmem:v16+s10+$0x0] =	vst.idx.msk $0xffff, v20;
	v28 =	vor.u32 v58, v5  }
0x532: {  	v20 =	vor.u32 v58, v7;
	v58 =	vor.u32 v50, v3;
	v34 =	vor.u32 v50, v0;
	v50 =	vld [tilespmem:$0x1FDE0]  }
0x533: {  	v16 =	vadd.s32 v40, v4;
	v32 =	vld.idx.msk [tilespmem:v35+s15+$0x0], $0xffff  }
0x534: {  	[tilespmem:v36+s10+$0x0] =	vst.idx.msk $0xffff, v22;
	v22 =	vadd.s32 v40, v10;
	v40 =	vld [tilespmem:$0x1FC20]  }
0x535: {  	v24 =	vor.u32 v53, v6;
	[tilespmem:v15+s10+$0x0] =	vst.idx.msk $0xffff, v37;
	v36 =	vld [tilespmem:$0x1FE20]  }
0x536: {  	v26 =	vadd.s32 v61, v8;
	v17 =	vld.idx.msk [tilespmem:v17+s15+$0x0], $0xffff;
	[tilespmem:v30+s10+$0x0] =	vst.idx.msk $0xffff, v31  }
0x537: {  	v27 =	vadd.s32 v39, v18;
	v23 =	vld.idx.msk [tilespmem:v23+s15+$0x0], $0xffff;
	[tilespmem:v28+s10+$0x0] =	vst.idx.msk $0xffff, v25  }
0x538: {  	v16 =	vld.idx.msk [tilespmem:v16+s15+$0x0], $0xffff  }
0x539: {  	v15 =	vadd.s32 v40, v2;
	[tilespmem:v58+s10+$0x0] =	vst.idx.msk $0xffff, v32;
	v58 =	vld [tilespmem:$0x1FFA0]  }
0x53a: {  	[tilespmem:v24+s10+$0x0] =	vst.idx.msk $0xffff, v19;
	v19 =	vadd.s32 v40, v1;
	v40 =	vld [tilespmem:$0x1FD90]  }
0x53b: {  	v26 =	vld.idx.msk [tilespmem:v26+s15+$0x0], $0xffff  }
0x53c: {  	v21 =	vshll.u32 v21, $0x5;
	v25 =	vor.u32 v36, v6;
	v27 =	vld.idx.msk [tilespmem:v27+s15+$0x0], $0xffff;
	[tilespmem:v20+s10+$0x0] =	vst.idx.msk $0xffff, v29  }
0x53d: {  	v28 =	vor.u32 v63, v21;
	v24 =	vadd.s32 v60, v11;
	v22 =	vld.idx.msk [tilespmem:v22+s15+$0x0], $0xffff  }
0x53e: {  	v20 =	vadd.s32 v60, v8;
	[tilespmem:v34+s10+$0x0] =	vst.idx.msk $0xffff, v23;
	v15 =	vld.idx.msk [tilespmem:v15+s15+$0x0], $0xffff  }
0x53f: {  	v30 =	vor.u32 v50, v5;
	v37 =	vor.u32 v50, v7;
	v29 =	vadd.s32 v54, v18;
	v19 =	vld.idx.msk [tilespmem:v19+s15+$0x0], $0xffff  }
0x540: {  	v31 =	vadd.s32 v58, v4;
	v23 =	vadd.s32 v58, v10;
	[tilespmem:v14+s10+$0x0] =	vst.idx.msk $0xffff, v17;
	v58 =	vld [tilespmem:$0x1FC30]  }
0x541: {  	v50 =	vor.u32 v40, v3;
	v17 =	vor.u32 v40, v0;
	v40 =	vld [tilespmem:$0x1FD70];
	[tilespmem:v25+s10+$0x0] =	vst.idx.msk $0xffff, v26  }
0x542: {  	v24 =	vld.idx.msk [tilespmem:v24+s15+$0x0], $0xffff;
	[tilespmem:v28+s10+$0x0] =	vst.idx.msk $0xffff, v27  }
0x543: {  	v20 =	vld.idx.msk [tilespmem:v20+s15+$0x0], $0xffff  }
0x544: {  	[tilespmem:v30+s10+$0x0] =	vst.idx.msk $0xffff, v16;
	v27 =	vld.idx.msk [tilespmem:v29+s15+$0x0], $0xffff  }
0x545: {  	v16 =	vor.u32 v57, v6;
	[tilespmem:v37+s10+$0x0] =	vst.idx.msk $0xffff, v22;
	v37 =	vld [tilespmem:$0x1FF80];
	v25 =	vadd.s32 v58, v1  }
0x546: {  	v28 =	vor.u32 v48, v21;
	v29 =	vld.idx.msk [tilespmem:v31+s15+$0x0], $0xffff  }
0x547: {  	v31 =	vld [tilespmem:$0x1FE30]  }
0x548: {  	v14 =	vadd.s32 v58, v2;
	v23 =	vld.idx.msk [tilespmem:v23+s15+$0x0], $0xffff;
	[tilespmem:v50+s10+$0x0] =	vst.idx.msk $0xffff, v15  }
0x549: {  	v8 =	vadd.s32 v62, v8;
	v26 =	vor.u32 v57, v9;
	[tilespmem:v17+s10+$0x0] =	vst.idx.msk $0xffff, v19;
	v50 =	vld [tilespmem:$0x1FEA0]  }
0x54a: {  	v25 =	vld.idx.msk [tilespmem:v25+s15+$0x0], $0xffff;
	[tilespmem:v16+s10+$0x0] =	vst.idx.msk $0xffff, v20  }
0x54b: {  	v11 =	vadd.s32 v62, v11;
	[tilespmem:v28+s10+$0x0] =	vst.idx.msk $0xffff, v27;
	v27 =	vld [tilespmem:$0x1FC80]  }
0x54c: {  	v58 =	vld [tilespmem:$0x1FE70];
	v30 =	vor.u32 v31, v5  }
0x54d: {  	v19 =	vor.u32 v40, v3;
	v15 =	vadd.s32 v37, v4;
	v14 =	vld.idx.msk [tilespmem:v14+s15+$0x0], $0xffff  }
0x54e: {  	[tilespmem:v26+s10+$0x0] =	vst.idx.msk $0xffff, v24;
	v24 =	vadd.s32 v50, v2;
	v20 =	vld.idx.msk [tilespmem:v8+s15+$0x0], $0xffff  }
0x54f: {  	v17 =	vadd.s32 v37, v10;
	v16 =	vadd.s32 v50, v1;
	v8 =	vmovc v1;
	v1 =	vmov v10;
	v10 =	vld [tilespmem:$0x1FEB0]  }
0x550: {  	v11 =	vld.idx.msk [tilespmem:v11+s15+$0x0], $0xffff;
	v9 =	vor.u32 v27, v9  }
0x551: {  	v22 =	vadd.s32 v51, v18;
	v31 =	vor.u32 v31, v7;
	[tilespmem:v30+s10+$0x0] =	vst.idx.msk $0xffff, v29;
	v30 =	vld [tilespmem:$0x1FF90]  }
0x552: {  	v26 =	vor.u32 v40, v0;
	v15 =	vld.idx.msk [tilespmem:v15+s15+$0x0], $0xffff;
	[tilespmem:v19+s10+$0x0] =	vst.idx.msk $0xffff, v14  }
0x553: {  	v6 =	vor.u32 v27, v6;
	v24 =	vld.idx.msk [tilespmem:v24+s15+$0x0], $0xffff  }
0x554: {  	v27 =	vadd.s32 v41, v13;
	v29 =	vor.u32 v10, v5;
	v19 =	vor.u32 v10, v7;
	v10 =	vld [tilespmem:$0x1FCA0]  }
0x555: {  	[tilespmem:v9+s10+$0x0] =	vst.idx.msk $0xffff, v11;
	v9 =	vld [tilespmem:$0x1FF30]  }
0x556: {  	v28 =	vor.u32 v55, v21;
	v22 =	vld.idx.msk [tilespmem:v22+s15+$0x0], $0xffff;
	[tilespmem:v31+s10+$0x0] =	vst.idx.msk $0xffff, v23  }
0x557: {  	v17 =	vld.idx.msk [tilespmem:v17+s15+$0x0], $0xffff;
	[tilespmem:v26+s10+$0x0] =	vst.idx.msk $0xffff, v25  }
0x558: {  	v23 =	vadd.s32 v41, v18;
	v16 =	vld.idx.msk [tilespmem:v16+s15+$0x0], $0xffff;
	v14 =	vadd.s32 v30, v4;
	v25 =	vadd.s32 v30, v1  }
0x559: {  	v26 =	vor.u32 v10, v3;
	v30 =	vor.u32 v10, v0;
	v10 =	vmov v18;
	v18 =	vld.idx.msk [tilespmem:v27+s15+$0x0], $0xffff  }
0x55a: {  	[tilespmem:v6+s10+$0x0] =	vst.idx.msk $0xffff, v20;
	v27 =	vld [tilespmem:$0x1FEC0];
	v11 =	vadd.s32 v9, v2  }
0x55b: {  	[tilespmem:v28+s10+$0x0] =	vst.idx.msk $0xffff, v22;
	v28 =	vld [tilespmem:$0x1FF70]  }
0x55c: {  	v20 =	vadd.s32 v9, v8;
	v9 =	vmov v3;
	v3 =	vld [tilespmem:$0x1FDF0]  }
0x55d: {  	[tilespmem:v29+s10+$0x0] =	vst.idx.msk $0xffff, v15;
	v23 =	vld.idx.msk [tilespmem:v23+s15+$0x0], $0xffff  }
0x55e: {  	v6 =	vmov v0;
	v0 =	vmov v7;
	v7 =	vmov v21;
	v14 =	vld.idx.msk [tilespmem:v14+s15+$0x0], $0xffff;
	[tilespmem:v26+s10+$0x0] =	vst.idx.msk $0xffff, v24  }
0x55f: {  	v22 =	vor.u32 v27, v12;
	v21 =	vor.u32 v27, v7;
	v27 =	vld.idx.msk [tilespmem:v11+s15+$0x0], $0xffff  }
0x560: {  	[tilespmem:v19+s10+$0x0] =	vst.idx.msk $0xffff, v17;
	v11 =	vld [tilespmem:$0x1FCB0]  }
0x561: {  	v19 =	vor.u32 v3, v5;
	v26 =	vor.u32 v3, v0;
	v3 =	vmovc v5;
	v5 =	vmov v12;
	v12 =	vld [tilespmem:$0x1FF20]  }
0x562: {  	v37 =	vld [tilespmem:$0x1FF00];
	v15 =	vadd.s32 v42, v13  }
0x563: {  	v31 =	vld [tilespmem:$0x1FF60];
	v17 =	vadd.s32 v42, v10  }
0x564: {  	v25 =	vld.idx.msk [tilespmem:v25+s15+$0x0], $0xffff;
	v24 =	vadd.s32 v28, v4  }
0x565: {  	[tilespmem:v30+s10+$0x0] =	vst.idx.msk $0xffff, v16;
	v16 =	vadd.s32 v28, v1;
	v30 =	vld [tilespmem:$0x1FE50];
	v28 =	vor.u32 v11, v9  }
0x566: {  	v20 =	vld.idx.msk [tilespmem:v20+s15+$0x0], $0xffff;
	[tilespmem:v22+s10+$0x0] =	vst.idx.msk $0xffff, v18;
	v18 =	vadd.s32 v12, v2  }
0x567: {  	[tilespmem:v21+s10+$0x0] =	vst.idx.msk $0xffff, v23;
	v23 =	vor.u32 v49, v5;
	v15 =	vld.idx.msk [tilespmem:v15+s15+$0x0], $0xffff  }
0x568: {  	v17 =	vld.idx.msk [tilespmem:v17+s15+$0x0], $0xffff;
	[tilespmem:v19+s10+$0x0] =	vst.idx.msk $0xffff, v14  }
0x569: {  	v22 =	vor.u32 v11, v6;
	[tilespmem:v26+s10+$0x0] =	vst.idx.msk $0xffff, v25;
	v19 =	vld.idx.msk [tilespmem:v24+s15+$0x0], $0xffff  }
0x56a: {  	v25 =	vor.u32 v30, v3;
	[tilespmem:v28+s10+$0x0] =	vst.idx.msk $0xffff, v27;
	v28 =	vor.u32 v30, v0;
	v30 =	vld [tilespmem:$0x1FCC0]  }
0x56b: {  	v11 =	vmovc v2;
	v21 =	vadd.s32 v12, v8;
	v2 =	vmov v4;
	v4 =	vmov v13;
	v18 =	vld.idx.msk [tilespmem:v18+s15+$0x0], $0xffff  }
0x56c: {  	v14 =	vor.u32 v49, v7;
	v13 =	vadd.s32 v43, v4;
	[tilespmem:v23+s10+$0x0] =	vst.idx.msk $0xffff, v15;
	v15 =	vld [tilespmem:$0x1FF10]  }
0x56d: {  	v50 =	vld [tilespmem:$0x1FEF0];
	v24 =	vadd.s32 v43, v10  }
0x56e: {  	v29 =	vor.u32 s14, v63;
	v16 =	vld.idx.msk [tilespmem:v16+s15+$0x0], $0xffff  }
0x56f: {  	v41 =	vld [tilespmem:$0x1FDB0];
	v12 =	vshll.u32 v29, $0x5;
	v27 =	vadd.s32 v31, v2;
	[tilespmem:v22+s10+$0x0] =	vst.idx.msk $0xffff, v20;
	v20 =	vand.u32 $0x6F, v29  }
0x570: {  	v22 =	vadd.s32 v31, v1;
	v31 =	vor.u32 v52, v5;
	v21 =	vld.idx.msk [tilespmem:v21+s15+$0x0], $0xffff;
	v29 =	vor.u32 v30, v9  }
0x571: {  	[tilespmem:v14+s10+$0x0] =	vst.idx.msk $0xffff, v17;
	v13 =	vld.idx.msk [tilespmem:v13+s15+$0x0], $0xffff;
	v30 =	vor.u32 v30, v6;
	v23 =	vadd.s32 v15, v11  }
0x572: {  	v24 =	vld.idx.msk [tilespmem:v24+s15+$0x0], $0xffff;
	[tilespmem:v25+s10+$0x0] =	vst.idx.msk $0xffff, v19;
	v25 =	vor.u32 v52, v7;
	v17 =	vadd.s32 v15, v8  }
0x573: {  	v14 =	vor.u32 v36, v9;
	v36 =	vld [tilespmem:$0x1FF50];
	[tilespmem:v28+s10+$0x0] =	vst.idx.msk $0xffff, v16;
	v16 =	vadd.s32 v44, v10  }
0x574: {  	v27 =	vld.idx.msk [tilespmem:v27+s15+$0x0], $0xffff  }
0x575: {  	v26 =	vmov s14;
	v22 =	vld.idx.msk [tilespmem:v22+s15+$0x0], $0xffff;
	[tilespmem:v29+s10+$0x0] =	vst.idx.msk $0xffff, v18  }
0x576: {  	v26 =	vshll.u32 v26, $0x3;
	[tilespmem:v30+s10+$0x0] =	vst.idx.msk $0xffff, v21;
	v23 =	vld.idx.msk [tilespmem:v23+s15+$0x0], $0xffff  }
0x577: {  	v26 =	vand.u32 $0x1C00, v26;
	v19 =	vadd.s32 v44, v4;
	v17 =	vld.idx.msk [tilespmem:v17+s15+$0x0], $0xffff;
	[tilespmem:v25+s10+$0x0] =	vst.idx.msk $0xffff, v24  }
0x578: {  	v28 =	vor.u32 v58, v3;
	[tilespmem:v31+s10+$0x0] =	vst.idx.msk $0xffff, v13;
	v13 =	vor.u32 v20, v26;
	v26 =	vld.idx.msk [tilespmem:v16+s15+$0x0], $0xffff  }
0x579: {  	v29 =	vor.u32 v58, v0;
	v16 =	vld [tilespmem:$0x1FEE0]  }
0x57a: {  	v42 =	vld [tilespmem:$0x1FF40];
	v18 =	vadd.s32 v36, v2  }
0x57b: {  	v15 =	vor.u32 v53, v9;
	v53 =	vld [tilespmem:$0x1FD00];
	v21 =	vadd.s32 v36, v1;
	v30 =	vor.u32 v46, v9  }
0x57c: {  	v40 =	vor.u32 v46, v6;
	v31 =	vadd.s32 v37, v11;
	v19 =	vld.idx.msk [tilespmem:v19+s15+$0x0], $0xffff  }
0x57d: {  	v20 =	vadd.s32 v37, v8;
	v24 =	vadd.s32 v39, v13;
	[tilespmem:v28+s10+$0x0] =	vst.idx.msk $0xffff, v27;
	v39 =	vld [tilespmem:$0x1FD10]  }
0x57e: {  	[tilespmem:v29+s10+$0x0] =	vst.idx.msk $0xffff, v22;
	v27 =	vadd.s32 v16, v4;
	v22 =	vadd.s32 v16, v10;
	v16 =	vld [tilespmem:$0x1FE00]  }
0x57f: {  	v25 =	vor.u32 v41, v5;
	v18 =	vld.idx.msk [tilespmem:v18+s15+$0x0], $0xffff  }
0x580: {  	v28 =	vor.u32 v41, v7;
	v21 =	vld.idx.msk [tilespmem:v21+s15+$0x0], $0xffff;
	[tilespmem:v30+s10+$0x0] =	vst.idx.msk $0xffff, v23  }
0x581: {  	v23 =	vadd.s32 v42, v2;
	[tilespmem:v40+s10+$0x0] =	vst.idx.msk $0xffff, v17;
	v17 =	vadd.s32 v42, v1;
	v42 =	vld [tilespmem:$0x1FD40]  }
0x582: {  	v31 =	vld.idx.msk [tilespmem:v31+s15+$0x0], $0xffff  }
0x583: {  	v20 =	vld.idx.msk [tilespmem:v20+s15+$0x0], $0xffff;
	v29 =	vor.u32 v16, v3  }
0x584: {  	v24 =	vld.idx.msk [tilespmem:v24+s15+$0x0], $0xffff;
	[tilespmem:v25+s10+$0x0] =	vst.idx.msk $0xffff, v19;
	v30 =	vor.u32 v16, v0  }
0x585: {  	v19 =	vadd.s32 v50, v11;
	[tilespmem:v28+s10+$0x0] =	vst.idx.msk $0xffff, v26;
	v26 =	vadd.s32 v50, v8;
	v50 =	vld [tilespmem:$0x1FDC0]  }
0x586: {  	v27 =	vld.idx.msk [tilespmem:v27+s15+$0x0], $0xffff  }
0x587: {  	v43 =	vor.u32 v59, v9;
	v22 =	vld.idx.msk [tilespmem:v22+s15+$0x0], $0xffff  }
0x588: {  	[tilespmem:v29+s10+$0x0] =	vst.idx.msk $0xffff, v18;
	v18 =	vld [tilespmem:$0x1FE40]  }
0x589: {  	v58 =	vor.u32 v63, v12;
	[tilespmem:v30+s10+$0x0] =	vst.idx.msk $0xffff, v21;
	v21 =	vld [tilespmem:$0x1FE10]  }
0x58a: {  	v25 =	vor.u32 v59, v6;
	v28 =	vadd.s32 v54, v13;
	v37 =	vld.idx.msk [tilespmem:v23+s15+$0x0], $0xffff  }
0x58b: {  	v35 =	vor.u32 v50, v5;
	v17 =	vld.idx.msk [tilespmem:v17+s15+$0x0], $0xffff  }
0x58c: {  	v36 =	vor.u32 v50, v7;
	v29 =	vadd.s32 v47, v4;
	[tilespmem:v43+s10+$0x0] =	vst.idx.msk $0xffff, v31;
	v43 =	vld [tilespmem:$0x1FD50]  }
0x58d: {  	v16 =	vor.u32 v38, v3;
	v38 =	vadd.s32 v47, v10;
	v50 =	vld.idx.msk [tilespmem:v19+s15+$0x0], $0xffff  }
0x58e: {  	[tilespmem:v58+s10+$0x0] =	vst.idx.msk $0xffff, v24;
	v19 =	vld [tilespmem:$0x1FD80];
	v54 =	vor.u32 v18, v3  }
0x58f: {  	[tilespmem:v25+s10+$0x0] =	vst.idx.msk $0xffff, v20;
	v31 =	vld.idx.msk [tilespmem:v28+s15+$0x0], $0xffff;
	v41 =	vor.u32 v18, v0  }
0x590: {  	[tilespmem:v35+s10+$0x0] =	vst.idx.msk $0xffff, v27;
	v40 =	vadd.s32 v21, v2;
	v58 =	vadd.s32 v21, v1;
	v21 =	vld.idx.msk [tilespmem:v26+s15+$0x0], $0xffff  }
0x591: {  	p1 =	slt.u32 s14, $0x2E0;
	v34 =	vor.u32 v53, v9;
	v25 =	vld.idx.msk [tilespmem:v29+s15+$0x0], $0xffff;
	[tilespmem:v36+s10+$0x0] =	vst.idx.msk $0xffff, v22  }
.Ltmp9:
0x592: {  	v32 =	vor.u32 v48, v12;
	v33 =	vadd.s32 v51, v13;
	v26 =	vld.idx.msk [tilespmem:v38+s15+$0x0], $0xffff;
	(pc) =	sbr.rel @p1 .LBB2_12-.Ltmp9, $4  }
0x593: {  	v30 =	vor.u32 v55, v12;
	v23 =	vor.u32 v53, v6;
	[tilespmem:v54+s10+$0x0] =	vst.idx.msk $0xffff, v37;
	v54 =	vld [tilespmem:$0x1FD20]  }
0x594: {  	v24 =	vor.u32 v56, v5;
	v27 =	vadd.s32 v45, v4;
	[tilespmem:v41+s10+$0x0] =	vst.idx.msk $0xffff, v17;
	v41 =	vld [tilespmem:$0x1FD30]  }
0x595: {  	v28 =	vor.u32 v56, v7;
	v29 =	vadd.s32 v45, v10;
	v18 =	vadd.s32 v19, v11;
	v20 =	vld.idx.msk [tilespmem:v40+s15+$0x0], $0xffff  }
0x596: {  	s18 =	sadd.s32 $0x10, s14;
	s14 =	sadd.s32 $0x20, s14;
	v19 =	vadd.s32 v19, v8;
	v17 =	vadd.s32 v61, v11;
	v22 =	vld.idx.msk [tilespmem:v58+s15+$0x0], $0xffff;
	[tilespmem:v34+s10+$0x0] =	vst.idx.msk $0xffff, v50  }
0x597: {  	v34 =	vmov s18  }
0x598: {  	v35 =	vor.u32 s18, v63;
	v34 =	vshll.u32 v34, $0x3  }
0x599: {  	v36 =	vand.u32 $0x7F, v35;
	v34 =	vand.u32 $0x1C00, v34  }
0x59a: {  	v38 =	vor.u32 v36, v34  }
0x59b: {  	v34 =	vadd.s32 v39, v38;
	_ =	sdelay $0x3  }
0x59c: {  	v37 =	vshll.u32 v35, $0x5  }
0x59d: {  	v35 =	vor.u32 v63, v37;
	v34 =	vld.idx.msk [tilespmem:v34+s15+$0x0], $0xffff  }
0x59e: {  	v36 =	vadd.s32 v54, v38;
	_ =	sdelay $0x3  }
0x59f: {  	[tilespmem:v35+s10+$0x0] =	vst.idx.msk $0xffff, v34  }
0x5a0: {  	v58 =	vor.u32 v48, v37;
	v34 =	vld.idx.msk [tilespmem:v36+s15+$0x0], $0xffff  }
0x5a1: {  	v61 =	vadd.s32 v51, v38;
	_ =	sdelay $0x2  }
0x5a2: {  	[tilespmem:v32+s10+$0x0] =	vst.idx.msk $0xffff, v31  }
0x5a3: {  	v31 =	vld.idx.msk [tilespmem:v33+s15+$0x0], $0xffff;
	[tilespmem:v58+s10+$0x0] =	vst.idx.msk $0xffff, v34  }
0x5a4: {  	v48 =	vor.u32 v55, v37;
	v63 =	vld.idx.msk [tilespmem:v61+s15+$0x0], $0xffff;
	_ =	sdelay $0x3  }
0x5a5: {  	[tilespmem:v30+s10+$0x0] =	vst.idx.msk $0xffff, v31  }
0x5a6: {  	[tilespmem:v48+s10+$0x0] =	vst.idx.msk $0xffff, v63  }
0x5a7: {  	v40 =	vadd.s32 v41, v13;
	v34 =	vld [tilespmem:$0x1FEC0]  }
0x5a8: {  	v50 =	vadd.s32 v41, v38;
	_ =	sdelay $0x3  }
0x5a9: {  	v30 =	vld.idx.msk [tilespmem:v40+s15+$0x0], $0xffff;
	v31 =	vor.u32 v34, v12  }
0x5aa: {  	v51 =	vadd.s32 v42, v13;
	v32 =	vld.idx.msk [tilespmem:v50+s15+$0x0], $0xffff;
	v34 =	vor.u32 v34, v37  }
0x5ab: {  	v53 =	vadd.s32 v42, v38;
	_ =	sdelay $0x2  }
0x5ac: {  	[tilespmem:v31+s10+$0x0] =	vst.idx.msk $0xffff, v30  }
0x5ad: {  	[tilespmem:v34+s10+$0x0] =	vst.idx.msk $0xffff, v32;
	v31 =	vor.u32 v49, v12;
	v30 =	vld.idx.msk [tilespmem:v51+s15+$0x0], $0xffff  }
0x5ae: {  	v55 =	vadd.s32 v43, v13;
	v58 =	vor.u32 v49, v37;
	v32 =	vld.idx.msk [tilespmem:v53+s15+$0x0], $0xffff  }
0x5af: {  	v61 =	vadd.s32 v43, v38;
	_ =	sdelay $0x2  }
0x5b0: {  	[tilespmem:v31+s10+$0x0] =	vst.idx.msk $0xffff, v30  }
0x5b1: {  	[tilespmem:v58+s10+$0x0] =	vst.idx.msk $0xffff, v32;
	v31 =	vor.u32 v52, v12;
	v30 =	vld.idx.msk [tilespmem:v55+s15+$0x0], $0xffff  }
0x5b2: {  	v40 =	vor.u32 v52, v37;
	v32 =	vld.idx.msk [tilespmem:v61+s15+$0x0], $0xffff;
	_ =	sdelay $0x3  }
0x5b3: {  	[tilespmem:v31+s10+$0x0] =	vst.idx.msk $0xffff, v30  }
0x5b4: {  	[tilespmem:v40+s10+$0x0] =	vst.idx.msk $0xffff, v32  }
0x5b5: {  	v63 =	vadd.s32 v44, v13;
	v34 =	vld [tilespmem:$0x1FDB0]  }
0x5b6: {  	v61 =	vmov v44;
	v44 =	vadd.s32 v44, v38;
	_ =	sdelay $0x3  }
0x5b7: {  	v30 =	vld.idx.msk [tilespmem:v63+s15+$0x0], $0xffff;
	v31 =	vor.u32 v34, v12  }
0x5b8: {  	v32 =	vld.idx.msk [tilespmem:v44+s15+$0x0], $0xffff;
	v34 =	vor.u32 v34, v37  }
0x5b9: {  	v48 =	vld [tilespmem:$0x1FEE0];
	_ =	sdelay $0x2  }
0x5ba: {  	[tilespmem:v31+s10+$0x0] =	vst.idx.msk $0xffff, v30  }
0x5bb: {  	[tilespmem:v34+s10+$0x0] =	vst.idx.msk $0xffff, v32  }
0x5bc: {  	v49 =	vadd.s32 v48, v13;
	v34 =	vld [tilespmem:$0x1FDC0]  }
0x5bd: {  	v35 =	vadd.s32 v48, v38;
	_ =	sdelay $0x3  }
0x5be: {  	v30 =	vld.idx.msk [tilespmem:v49+s15+$0x0], $0xffff;
	v31 =	vor.u32 v34, v12  }
0x5bf: {  	v32 =	vld.idx.msk [tilespmem:v35+s15+$0x0], $0xffff;
	v34 =	vor.u32 v34, v37;
	_ =	sdelay $0x1  }
0x5c0: {  	[tilespmem:v24+s10+$0x0] =	vst.idx.msk $0xffff, v25  }
0x5c1: {  	[tilespmem:v28+s10+$0x0] =	vst.idx.msk $0xffff, v26  }
0x5c2: {  	v50 =	vadd.s32 v47, v13;
	[tilespmem:v31+s10+$0x0] =	vst.idx.msk $0xffff, v30  }
0x5c3: {  	v51 =	vadd.s32 v47, v38;
	[tilespmem:v34+s10+$0x0] =	vst.idx.msk $0xffff, v32  }
0x5c4: {  	v53 =	vor.u32 v56, v37;
	v30 =	vor.u32 v56, v12;
	v56 =	vld [tilespmem:$0x1FE90];
	_ =	sdelay $0x2  }
0x5c5: {  	v31 =	vld.idx.msk [tilespmem:v50+s15+$0x0], $0xffff  }
0x5c6: {  	v32 =	vld.idx.msk [tilespmem:v51+s15+$0x0], $0xffff  }
0x5c7: {  	v24 =	vld.idx.msk [tilespmem:v27+s15+$0x0], $0xffff;
	v25 =	vor.u32 v56, v5  }
0x5c8: {  	v26 =	vld.idx.msk [tilespmem:v29+s15+$0x0], $0xffff;
	v28 =	vor.u32 v56, v7  }
0x5c9: {  	v58 =	vld [tilespmem:$0x1FED0]  }
0x5ca: {  	[tilespmem:v30+s10+$0x0] =	vst.idx.msk $0xffff, v31  }
0x5cb: {  	[tilespmem:v53+s10+$0x0] =	vst.idx.msk $0xffff, v32  }
0x5cc: {  	v36 =	vmov v38;
	v52 =	vadd.s32 v45, v13;
	[tilespmem:v25+s10+$0x0] =	vst.idx.msk $0xffff, v24  }
0x5cd: {  	v55 =	vadd.s32 v45, v36;
	[tilespmem:v28+s10+$0x0] =	vst.idx.msk $0xffff, v26  }
0x5ce: {  	v27 =	vadd.s32 v58, v4;
	v53 =	vld [tilespmem:$0x1FDE0]  }
0x5cf: {  	v29 =	vadd.s32 v58, v10;
	_ =	sdelay $0x1  }
0x5d0: {  	v31 =	vor.u32 v56, v12;
	v30 =	vld.idx.msk [tilespmem:v52+s15+$0x0], $0xffff  }
0x5d1: {  	v40 =	vor.u32 v56, v37;
	v32 =	vld.idx.msk [tilespmem:v55+s15+$0x0], $0xffff  }
0x5d2: {  	v24 =	vld.idx.msk [tilespmem:v27+s15+$0x0], $0xffff;
	v25 =	vor.u32 v53, v5  }
0x5d3: {  	v63 =	vadd.s32 v58, v13;
	v26 =	vld.idx.msk [tilespmem:v29+s15+$0x0], $0xffff;
	v28 =	vor.u32 v53, v7  }
0x5d4: {  	v50 =	vld [tilespmem:$0x1FFA0]  }
0x5d5: {  	[tilespmem:v31+s10+$0x0] =	vst.idx.msk $0xffff, v30  }
0x5d6: {  	[tilespmem:v40+s10+$0x0] =	vst.idx.msk $0xffff, v32  }
0x5d7: {  	[tilespmem:v25+s10+$0x0] =	vst.idx.msk $0xffff, v24  }
0x5d8: {  	v52 =	vadd.s32 v58, v36;
	v30 =	vld.idx.msk [tilespmem:v63+s15+$0x0], $0xffff;
	[tilespmem:v28+s10+$0x0] =	vst.idx.msk $0xffff, v26  }
0x5d9: {  	v27 =	vadd.s32 v50, v4;
	v63 =	vld [tilespmem:$0x1FE30]  }
0x5da: {  	v29 =	vadd.s32 v50, v10;
	_ =	sdelay $0x1  }
0x5db: {  	v31 =	vor.u32 v53, v12  }
0x5dc: {  	v32 =	vld.idx.msk [tilespmem:v52+s15+$0x0], $0xffff;
	v56 =	vor.u32 v53, v37  }
0x5dd: {  	v24 =	vld.idx.msk [tilespmem:v27+s15+$0x0], $0xffff;
	v25 =	vor.u32 v63, v5  }
0x5de: {  	v26 =	vld.idx.msk [tilespmem:v29+s15+$0x0], $0xffff;
	v28 =	vor.u32 v63, v7  }
0x5df: {  	v51 =	vld [tilespmem:$0x1FF80]  }
0x5e0: {  	[tilespmem:v31+s10+$0x0] =	vst.idx.msk $0xffff, v30  }
0x5e1: {  	[tilespmem:v56+s10+$0x0] =	vst.idx.msk $0xffff, v32  }
0x5e2: {  	v55 =	vadd.s32 v50, v13;
	[tilespmem:v25+s10+$0x0] =	vst.idx.msk $0xffff, v24  }
0x5e3: {  	v58 =	vadd.s32 v50, v36;
	[tilespmem:v28+s10+$0x0] =	vst.idx.msk $0xffff, v26  }
0x5e4: {  	v27 =	vadd.s32 v51, v4;
	v56 =	vld [tilespmem:$0x1FEB0]  }
0x5e5: {  	v29 =	vadd.s32 v51, v10;
	_ =	sdelay $0x1  }
0x5e6: {  	v30 =	vld.idx.msk [tilespmem:v55+s15+$0x0], $0xffff;
	v31 =	vor.u32 v63, v12  }
0x5e7: {  	v32 =	vld.idx.msk [tilespmem:v58+s15+$0x0], $0xffff;
	v48 =	vor.u32 v63, v37  }
0x5e8: {  	v24 =	vld.idx.msk [tilespmem:v27+s15+$0x0], $0xffff;
	v25 =	vor.u32 v56, v5  }
0x5e9: {  	v26 =	vld.idx.msk [tilespmem:v29+s15+$0x0], $0xffff;
	v28 =	vor.u32 v56, v7  }
0x5ea: {  	v52 =	vld [tilespmem:$0x1FF90]  }
0x5eb: {  	[tilespmem:v31+s10+$0x0] =	vst.idx.msk $0xffff, v30  }
0x5ec: {  	v40 =	vadd.s32 v51, v13;
	[tilespmem:v48+s10+$0x0] =	vst.idx.msk $0xffff, v32  }
0x5ed: {  	v49 =	vadd.s32 v51, v36;
	[tilespmem:v25+s10+$0x0] =	vst.idx.msk $0xffff, v24  }
0x5ee: {  	[tilespmem:v28+s10+$0x0] =	vst.idx.msk $0xffff, v26  }
0x5ef: {  	v27 =	vadd.s32 v52, v4;
	v48 =	vld [tilespmem:$0x1FDF0]  }
0x5f0: {  	v29 =	vadd.s32 v52, v10  }
0x5f1: {  	v30 =	vld.idx.msk [tilespmem:v40+s15+$0x0], $0xffff;
	v31 =	vor.u32 v56, v12  }
0x5f2: {  	v32 =	vld.idx.msk [tilespmem:v49+s15+$0x0], $0xffff;
	v63 =	vor.u32 v56, v37;
	_ =	sdelay $0x1  }
0x5f3: {  	v24 =	vld.idx.msk [tilespmem:v27+s15+$0x0], $0xffff;
	v25 =	vor.u32 v48, v5  }
0x5f4: {  	v26 =	vld.idx.msk [tilespmem:v29+s15+$0x0], $0xffff;
	v28 =	vor.u32 v48, v7  }
0x5f5: {  	v49 =	vld [tilespmem:$0x1FF70];
	[tilespmem:v31+s10+$0x0] =	vst.idx.msk $0xffff, v30  }
0x5f6: {  	v58 =	vadd.s32 v52, v13;
	[tilespmem:v63+s10+$0x0] =	vst.idx.msk $0xffff, v32  }
0x5f7: {  	v40 =	vadd.s32 v52, v36;
	[tilespmem:v23+s10+$0x0] =	vst.idx.msk $0xffff, v21  }
0x5f8: {  	[tilespmem:v25+s10+$0x0] =	vst.idx.msk $0xffff, v24  }
0x5f9: {  	v31 =	vor.u32 v48, v12;
	v55 =	vor.u32 v48, v37;
	v48 =	vld [tilespmem:$0x1FE60];
	[tilespmem:v28+s10+$0x0] =	vst.idx.msk $0xffff, v26  }
0x5fa: {  	v27 =	vadd.s32 v49, v4;
	v56 =	vld [tilespmem:$0x1FE50]  }
0x5fb: {  	v30 =	vld.idx.msk [tilespmem:v58+s15+$0x0], $0xffff;
	v29 =	vadd.s32 v49, v10  }
0x5fc: {  	v32 =	vld.idx.msk [tilespmem:v40+s15+$0x0], $0xffff;
	_ =	sdelay $0x1  }
0x5fd: {  	v23 =	vor.u32 v48, v0  }
0x5fe: {  	v24 =	vld.idx.msk [tilespmem:v27+s15+$0x0], $0xffff;
	v25 =	vor.u32 v56, v5  }
0x5ff: {  	v26 =	vld.idx.msk [tilespmem:v29+s15+$0x0], $0xffff;
	[tilespmem:v31+s10+$0x0] =	vst.idx.msk $0xffff, v30  }
0x600: {  	v58 =	vld [tilespmem:$0x1FF60];
	[tilespmem:v55+s10+$0x0] =	vst.idx.msk $0xffff, v32;
	v28 =	vor.u32 v56, v7  }
0x601: {  	[tilespmem:v16+s10+$0x0] =	vst.idx.msk $0xffff, v20  }
0x602: {  	v53 =	vadd.s32 v49, v13;
	[tilespmem:v23+s10+$0x0] =	vst.idx.msk $0xffff, v22  }
0x603: {  	v21 =	vadd.s32 v49, v36;
	[tilespmem:v25+s10+$0x0] =	vst.idx.msk $0xffff, v24  }
0x604: {  	v63 =	vld [tilespmem:$0x1FC10]  }
0x605: {  	v27 =	vadd.s32 v58, v4;
	v32 =	vld [tilespmem:$0x1FC60];
	[tilespmem:v28+s10+$0x0] =	vst.idx.msk $0xffff, v26  }
0x606: {  	v29 =	vadd.s32 v58, v10;
	v20 =	vadd.s32 v58, v13;
	v22 =	vadd.s32 v58, v36;
	v58 =	vld [tilespmem:$0x1FE70]  }
0x607: {  	v30 =	vld.idx.msk [tilespmem:v53+s15+$0x0], $0xffff;
	v31 =	vor.u32 v56, v12  }
0x608: {  	v16 =	vld.idx.msk [tilespmem:v21+s15+$0x0], $0xffff;
	v21 =	vor.u32 v56, v37  }
0x609: {  	v18 =	vld.idx.msk [tilespmem:v18+s15+$0x0], $0xffff  }
0x60a: {  	v19 =	vld.idx.msk [tilespmem:v19+s15+$0x0], $0xffff;
	v24 =	vor.u32 v32, v6  }
0x60b: {  	v26 =	vld.idx.msk [tilespmem:v27+s15+$0x0], $0xffff;
	v27 =	vor.u32 v58, v5  }
0x60c: {  	v28 =	vld.idx.msk [tilespmem:v29+s15+$0x0], $0xffff;
	[tilespmem:v31+s10+$0x0] =	vst.idx.msk $0xffff, v30;
	v30 =	vor.u32 v58, v7  }
0x60d: {  	v40 =	vld [tilespmem:$0x1FF50];
	[tilespmem:v21+s10+$0x0] =	vst.idx.msk $0xffff, v16  }
0x60e: {  	[tilespmem:v15+s10+$0x0] =	vst.idx.msk $0xffff, v18  }
0x60f: {  	v23 =	vadd.s32 v63, v2;
	[tilespmem:v24+s10+$0x0] =	vst.idx.msk $0xffff, v19  }
0x610: {  	v34 =	vld [tilespmem:$0x1FE80];
	[tilespmem:v27+s10+$0x0] =	vst.idx.msk $0xffff, v26  }
0x611: {  	v20 =	vld.idx.msk [tilespmem:v20+s15+$0x0], $0xffff;
	v25 =	vadd.s32 v63, v1;
	[tilespmem:v30+s10+$0x0] =	vst.idx.msk $0xffff, v28  }
0x612: {  	v29 =	vadd.s32 v40, v4;
	v49 =	vld [tilespmem:$0x1FE00]  }
0x613: {  	v15 =	vld.idx.msk [tilespmem:v22+s15+$0x0], $0xffff;
	v21 =	vor.u32 v58, v12  }
0x614: {  	v22 =	vor.u32 v58, v37;
	v23 =	vld.idx.msk [tilespmem:v23+s15+$0x0], $0xffff  }
0x615: {  	v30 =	vld [tilespmem:$0x1FD60];
	v19 =	vor.u32 v34, v3  }
0x616: {  	v16 =	vadd.s32 v40, v10;
	v25 =	vld.idx.msk [tilespmem:v25+s15+$0x0], $0xffff;
	v26 =	vor.u32 v34, v0  }
0x617: {  	v18 =	vadd.s32 v40, v13;
	v28 =	vld.idx.msk [tilespmem:v29+s15+$0x0], $0xffff;
	v29 =	vor.u32 v49, v5  }
0x618: {  	[tilespmem:v21+s10+$0x0] =	vst.idx.msk $0xffff, v20  }
0x619: {  	v24 =	vadd.s32 v40, v36;
	v55 =	vld [tilespmem:$0x1FF40];
	[tilespmem:v22+s10+$0x0] =	vst.idx.msk $0xffff, v15  }
0x61a: {  	v17 =	vld.idx.msk [tilespmem:v17+s15+$0x0], $0xffff;
	v27 =	vadd.s32 v30, v8;
	[tilespmem:v19+s10+$0x0] =	vst.idx.msk $0xffff, v23  }
0x61b: {  	v16 =	vld.idx.msk [tilespmem:v16+s15+$0x0], $0xffff;
	v21 =	vor.u32 v49, v7;
	[tilespmem:v26+s10+$0x0] =	vst.idx.msk $0xffff, v25  }
0x61c: {  	v18 =	vld.idx.msk [tilespmem:v18+s15+$0x0], $0xffff;
	v22 =	vor.u32 v49, v12;
	[tilespmem:v29+s10+$0x0] =	vst.idx.msk $0xffff, v28  }
0x61d: {  	v29 =	vld [tilespmem:$0x1FE20]  }
0x61e: {  	v19 =	vld.idx.msk [tilespmem:v24+s15+$0x0], $0xffff  }
0x61f: {  	v27 =	vld.idx.msk [tilespmem:v27+s15+$0x0], $0xffff  }
0x620: {  	v56 =	vld [tilespmem:$0x1FC20];
	[tilespmem:v21+s10+$0x0] =	vst.idx.msk $0xffff, v16  }
0x621: {  	v20 =	vadd.s32 v55, v4;
	v24 =	vor.u32 v49, v37;
	v47 =	vld [tilespmem:$0x1FE40];
	[tilespmem:v22+s10+$0x0] =	vst.idx.msk $0xffff, v18  }
0x622: {  	v38 =	vmov v45;
	v15 =	vadd.s32 v55, v10;
	v45 =	vld [tilespmem:$0x1FE10];
	v28 =	vor.u32 v29, v6;
	_ =	sdelay $0x2  }
0x623: {  	v23 =	vadd.s32 v55, v13;
	[tilespmem:v14+s10+$0x0] =	vst.idx.msk $0xffff, v17  }
0x624: {  	v25 =	vadd.s32 v55, v36;
	v20 =	vld.idx.msk [tilespmem:v20+s15+$0x0], $0xffff;
	[tilespmem:v24+s10+$0x0] =	vst.idx.msk $0xffff, v19;
	v21 =	vor.u32 v47, v5  }
0x625: {  	v15 =	vld.idx.msk [tilespmem:v15+s15+$0x0], $0xffff;
	v22 =	vor.u32 v47, v7;
	v18 =	vadd.s32 v45, v4;
	[tilespmem:v28+s10+$0x0] =	vst.idx.msk $0xffff, v27  }
0x626: {  	v26 =	vadd.s32 v56, v2;
	v31 =	vld [tilespmem:$0x1FD90]  }
0x627: {  	v16 =	vadd.s32 v56, v1  }
0x628: {  	v23 =	vld.idx.msk [tilespmem:v23+s15+$0x0], $0xffff;
	v24 =	vor.u32 v47, v12;
	v19 =	vadd.s32 v45, v10  }
0x629: {  	v14 =	vld.idx.msk [tilespmem:v25+s15+$0x0], $0xffff;
	v25 =	vor.u32 v47, v37;
	v17 =	vadd.s32 v45, v13;
	[tilespmem:v21+s10+$0x0] =	vst.idx.msk $0xffff, v20  }
0x62a: {  	[tilespmem:v22+s10+$0x0] =	vst.idx.msk $0xffff, v15;
	v15 =	vadd.s32 v60, v8;
	v22 =	vor.u32 v48, v5;
	v18 =	vld.idx.msk [tilespmem:v18+s15+$0x0], $0xffff  }
0x62b: {  	v26 =	vld.idx.msk [tilespmem:v26+s15+$0x0], $0xffff;
	v28 =	vadd.s32 v45, v36;
	v27 =	vor.u32 v31, v3  }
0x62c: {  	v16 =	vld.idx.msk [tilespmem:v16+s15+$0x0], $0xffff;
	v20 =	vadd.s32 v60, v11;
	v21 =	vor.u32 v31, v0  }
0x62d: {  	[tilespmem:v24+s10+$0x0] =	vst.idx.msk $0xffff, v23;
	v24 =	vor.u32 v48, v7;
	v19 =	vld.idx.msk [tilespmem:v19+s15+$0x0], $0xffff  }
0x62e: {  	[tilespmem:v25+s10+$0x0] =	vst.idx.msk $0xffff, v14;
	v25 =	vor.u32 v48, v12;
	v17 =	vld.idx.msk [tilespmem:v17+s15+$0x0], $0xffff  }
0x62f: {  	v15 =	vld.idx.msk [tilespmem:v15+s15+$0x0], $0xffff;
	[tilespmem:v22+s10+$0x0] =	vst.idx.msk $0xffff, v18;
	v22 =	vor.u32 v57, v6  }
0x630: {  	[tilespmem:v27+s10+$0x0] =	vst.idx.msk $0xffff, v26;
	v26 =	vld.idx.msk [tilespmem:v28+s15+$0x0], $0xffff;
	v28 =	vor.u32 v48, v37  }
0x631: {  	v20 =	vld.idx.msk [tilespmem:v20+s15+$0x0], $0xffff;
	[tilespmem:v21+s10+$0x0] =	vst.idx.msk $0xffff, v16;
	v16 =	vor.u32 v57, v9  }
0x632: {  	v53 =	vld [tilespmem:$0x1FC30];
	[tilespmem:v24+s10+$0x0] =	vst.idx.msk $0xffff, v19  }
0x633: {  	v23 =	vadd.s32 v63, v4;
	[tilespmem:v25+s10+$0x0] =	vst.idx.msk $0xffff, v17  }
0x634: {  	v14 =	vadd.s32 v63, v10;
	[tilespmem:v22+s10+$0x0] =	vst.idx.msk $0xffff, v15  }
0x635: {  	v27 =	vadd.s32 v63, v13;
	[tilespmem:v28+s10+$0x0] =	vst.idx.msk $0xffff, v26  }
0x636: {  	v21 =	vadd.s32 v63, v36;
	[tilespmem:v16+s10+$0x0] =	vst.idx.msk $0xffff, v20  }
0x637: {  	v18 =	vadd.s32 v53, v2;
	v63 =	vld [tilespmem:$0x1FD70]  }
0x638: {  	v23 =	vld.idx.msk [tilespmem:v23+s15+$0x0], $0xffff;
	v24 =	vor.u32 v34, v5;
	v19 =	vadd.s32 v53, v1  }
0x639: {  	v25 =	vor.u32 v34, v7;
	v14 =	vld.idx.msk [tilespmem:v14+s15+$0x0], $0xffff  }
0x63a: {  	v27 =	vld.idx.msk [tilespmem:v27+s15+$0x0], $0xffff;
	v28 =	vor.u32 v34, v12  }
0x63b: {  	v16 =	vld.idx.msk [tilespmem:v21+s15+$0x0], $0xffff;
	v21 =	vor.u32 v34, v37  }
0x63c: {  	v18 =	vld.idx.msk [tilespmem:v18+s15+$0x0], $0xffff;
	v15 =	vor.u32 v63, v3  }
0x63d: {  	[tilespmem:v24+s10+$0x0] =	vst.idx.msk $0xffff, v23;
	v19 =	vld.idx.msk [tilespmem:v19+s15+$0x0], $0xffff;
	v23 =	vor.u32 v63, v0  }
0x63e: {  	[tilespmem:v25+s10+$0x0] =	vst.idx.msk $0xffff, v14  }
0x63f: {  	v17 =	vadd.s32 v56, v4;
	[tilespmem:v28+s10+$0x0] =	vst.idx.msk $0xffff, v27  }
0x640: {  	v26 =	vadd.s32 v56, v10;
	[tilespmem:v21+s10+$0x0] =	vst.idx.msk $0xffff, v16  }
0x641: {  	v20 =	vadd.s32 v56, v13;
	[tilespmem:v15+s10+$0x0] =	vst.idx.msk $0xffff, v18  }
0x642: {  	v22 =	vadd.s32 v56, v36;
	[tilespmem:v23+s10+$0x0] =	vst.idx.msk $0xffff, v19  }
0x643: {  	v11 =	vadd.s32 v62, v11;
	v56 =	vld [tilespmem:$0x1FC80]  }
0x644: {  	v8 =	vadd.s32 v62, v8;
	v14 =	vld.idx.msk [tilespmem:v17+s15+$0x0], $0xffff;
	v17 =	vor.u32 v31, v5  }
0x645: {  	v24 =	vld.idx.msk [tilespmem:v26+s15+$0x0], $0xffff;
	v26 =	vor.u32 v31, v7  }
0x646: {  	v20 =	vld.idx.msk [tilespmem:v20+s15+$0x0], $0xffff;
	v21 =	vor.u32 v31, v12  }
0x647: {  	v15 =	vld.idx.msk [tilespmem:v22+s15+$0x0], $0xffff;
	v22 =	vor.u32 v31, v37  }
0x648: {  	v11 =	vld.idx.msk [tilespmem:v11+s15+$0x0], $0xffff;
	v9 =	vor.u32 v56, v9  }
0x649: {  	v8 =	vld.idx.msk [tilespmem:v8+s15+$0x0], $0xffff;
	v25 =	vadd.s32 v53, v4;
	[tilespmem:v17+s10+$0x0] =	vst.idx.msk $0xffff, v14;
	v6 =	vor.u32 v56, v6  }
0x64a: {  	v27 =	vld [tilespmem:$0x1FEA0];
	[tilespmem:v26+s10+$0x0] =	vst.idx.msk $0xffff, v24  }
0x64b: {  	[tilespmem:v21+s10+$0x0] =	vst.idx.msk $0xffff, v20  }
0x64c: {  	v16 =	vadd.s32 v53, v10;
	[tilespmem:v22+s10+$0x0] =	vst.idx.msk $0xffff, v15  }
0x64d: {  	v18 =	vadd.s32 v53, v13;
	[tilespmem:v9+s10+$0x0] =	vst.idx.msk $0xffff, v11  }
0x64e: {  	v19 =	vadd.s32 v53, v36;
	v23 =	vld.idx.msk [tilespmem:v25+s15+$0x0], $0xffff;
	[tilespmem:v6+s10+$0x0] =	vst.idx.msk $0xffff, v8  }
0x64f: {  	v14 =	vadd.s32 v27, v2;
	v25 =	vld [tilespmem:$0x1FCA0]  }
0x650: {  	v24 =	vor.u32 v63, v5;
	v17 =	vadd.s32 v27, v1  }
0x651: {  	v21 =	vor.u32 v63, v7;
	v16 =	vld.idx.msk [tilespmem:v16+s15+$0x0], $0xffff  }
0x652: {  	v18 =	vld.idx.msk [tilespmem:v18+s15+$0x0], $0xffff;
	v22 =	vor.u32 v63, v12  }
0x653: {  	v9 =	vld.idx.msk [tilespmem:v19+s15+$0x0], $0xffff;
	v19 =	vor.u32 v63, v37  }
0x654: {  	v14 =	vld.idx.msk [tilespmem:v14+s15+$0x0], $0xffff;
	v6 =	vor.u32 v25, v3  }
0x655: {  	v17 =	vld.idx.msk [tilespmem:v17+s15+$0x0], $0xffff;
	[tilespmem:v24+s10+$0x0] =	vst.idx.msk $0xffff, v23;
	v24 =	vor.u32 v25, v0  }
0x656: {  	v53 =	vld [tilespmem:$0x1FF30];
	[tilespmem:v21+s10+$0x0] =	vst.idx.msk $0xffff, v16  }
0x657: {  	v20 =	vadd.s32 v27, v4;
	[tilespmem:v22+s10+$0x0] =	vst.idx.msk $0xffff, v18  }
0x658: {  	v15 =	vadd.s32 v27, v10;
	[tilespmem:v19+s10+$0x0] =	vst.idx.msk $0xffff, v9  }
0x659: {  	v11 =	vadd.s32 v27, v13;
	v8 =	vadd.s32 v27, v36;
	[tilespmem:v6+s10+$0x0] =	vst.idx.msk $0xffff, v14  }
0x65a: {  	v21 =	vor.u32 v25, v5;
	v22 =	vor.u32 v25, v7;
	[tilespmem:v24+s10+$0x0] =	vst.idx.msk $0xffff, v17  }
0x65b: {  	v19 =	vor.u32 v25, v12;
	v23 =	vadd.s32 v53, v2;
	v14 =	vor.u32 v25, v37;
	v25 =	vld [tilespmem:$0x1FCB0]  }
0x65c: {  	v20 =	vld.idx.msk [tilespmem:v20+s15+$0x0], $0xffff;
	v16 =	vadd.s32 v53, v1  }
0x65d: {  	v15 =	vld.idx.msk [tilespmem:v15+s15+$0x0], $0xffff  }
0x65e: {  	v11 =	vld.idx.msk [tilespmem:v11+s15+$0x0], $0xffff  }
0x65f: {  	v6 =	vld.idx.msk [tilespmem:v8+s15+$0x0], $0xffff  }
0x660: {  	v18 =	vadd.s32 v53, v4;
	v23 =	vld.idx.msk [tilespmem:v23+s15+$0x0], $0xffff;
	v17 =	vor.u32 v25, v3  }
0x661: {  	v24 =	vadd.s32 v53, v36;
	v16 =	vld.idx.msk [tilespmem:v16+s15+$0x0], $0xffff;
	[tilespmem:v21+s10+$0x0] =	vst.idx.msk $0xffff, v20;
	v21 =	vor.u32 v25, v0  }
0x662: {  	v28 =	vld [tilespmem:$0x1FF20];
	[tilespmem:v22+s10+$0x0] =	vst.idx.msk $0xffff, v15  }
0x663: {  	[tilespmem:v19+s10+$0x0] =	vst.idx.msk $0xffff, v11  }
0x664: {  	v9 =	vadd.s32 v53, v10;
	[tilespmem:v14+s10+$0x0] =	vst.idx.msk $0xffff, v6  }
0x665: {  	v8 =	vadd.s32 v53, v13;
	v18 =	vld.idx.msk [tilespmem:v18+s15+$0x0], $0xffff;
	v22 =	vor.u32 v25, v5;
	[tilespmem:v17+s10+$0x0] =	vst.idx.msk $0xffff, v23  }
0x666: {  	v19 =	vor.u32 v25, v7;
	v17 =	vld.idx.msk [tilespmem:v24+s15+$0x0], $0xffff;
	[tilespmem:v21+s10+$0x0] =	vst.idx.msk $0xffff, v16  }
0x667: {  	v14 =	vor.u32 v25, v12;
	v20 =	vadd.s32 v28, v2;
	v24 =	vor.u32 v25, v37;
	v25 =	vld [tilespmem:$0x1FCC0]  }
0x668: {  	v15 =	vadd.s32 v28, v1  }
0x669: {  	v9 =	vld.idx.msk [tilespmem:v9+s15+$0x0], $0xffff;
	v11 =	vadd.s32 v28, v4  }
0x66a: {  	v8 =	vld.idx.msk [tilespmem:v8+s15+$0x0], $0xffff;
	[tilespmem:v22+s10+$0x0] =	vst.idx.msk $0xffff, v18  }
0x66b: {  	v63 =	vld [tilespmem:$0x1FF10]  }
0x66c: {  	v6 =	vadd.s32 v28, v10;
	v20 =	vld.idx.msk [tilespmem:v20+s15+$0x0], $0xffff;
	v16 =	vor.u32 v25, v3  }
0x66d: {  	v23 =	vadd.s32 v28, v13;
	v15 =	vld.idx.msk [tilespmem:v15+s15+$0x0], $0xffff;
	v22 =	vor.u32 v25, v0  }
0x66e: {  	v21 =	vadd.s32 v28, v36;
	[tilespmem:v19+s10+$0x0] =	vst.idx.msk $0xffff, v9;
	v11 =	vld.idx.msk [tilespmem:v11+s15+$0x0], $0xffff;
	v19 =	vor.u32 v25, v5  }
0x66f: {  	[tilespmem:v14+s10+$0x0] =	vst.idx.msk $0xffff, v8  }
0x670: {  	[tilespmem:v24+s10+$0x0] =	vst.idx.msk $0xffff, v17;
	v18 =	vadd.s32 v63, v2  }
0x671: {  	v6 =	vld.idx.msk [tilespmem:v6+s15+$0x0], $0xffff;
	v9 =	vadd.s32 v63, v1;
	[tilespmem:v16+s10+$0x0] =	vst.idx.msk $0xffff, v20  }
0x672: {  	v23 =	vld.idx.msk [tilespmem:v23+s15+$0x0], $0xffff;
	v14 =	vor.u32 v25, v7;
	v8 =	vadd.s32 v63, v4;
	[tilespmem:v22+s10+$0x0] =	vst.idx.msk $0xffff, v15  }
0x673: {  	v24 =	vor.u32 v25, v12;
	v16 =	vld.idx.msk [tilespmem:v21+s15+$0x0], $0xffff;
	[tilespmem:v19+s10+$0x0] =	vst.idx.msk $0xffff, v11  }
0x674: {  	v21 =	vor.u32 v25, v37;
	v26 =	vld [tilespmem:$0x1FF00]  }
0x675: {  	v17 =	vadd.s32 v63, v10;
	v15 =	vor.u32 v46, v3;
	v18 =	vld.idx.msk [tilespmem:v18+s15+$0x0], $0xffff  }
0x676: {  	v20 =	vadd.s32 v63, v13;
	v19 =	vor.u32 v46, v0;
	v9 =	vld.idx.msk [tilespmem:v9+s15+$0x0], $0xffff  }
0x677: {  	v22 =	vadd.s32 v63, v36;
	[tilespmem:v14+s10+$0x0] =	vst.idx.msk $0xffff, v6;
	v8 =	vld.idx.msk [tilespmem:v8+s15+$0x0], $0xffff;
	v14 =	vor.u32 v46, v5  }
0x678: {  	[tilespmem:v24+s10+$0x0] =	vst.idx.msk $0xffff, v23  }
0x679: {  	[tilespmem:v21+s10+$0x0] =	vst.idx.msk $0xffff, v16;
	v11 =	vadd.s32 v26, v2  }
0x67a: {  	v17 =	vld.idx.msk [tilespmem:v17+s15+$0x0], $0xffff;
	v6 =	vadd.s32 v26, v1;
	[tilespmem:v15+s10+$0x0] =	vst.idx.msk $0xffff, v18  }
0x67b: {  	v24 =	vor.u32 v46, v7;
	v20 =	vld.idx.msk [tilespmem:v20+s15+$0x0], $0xffff;
	v23 =	vadd.s32 v26, v4;
	[tilespmem:v19+s10+$0x0] =	vst.idx.msk $0xffff, v9  }
0x67c: {  	v21 =	vor.u32 v46, v12;
	v15 =	vld.idx.msk [tilespmem:v22+s15+$0x0], $0xffff;
	[tilespmem:v14+s10+$0x0] =	vst.idx.msk $0xffff, v8  }
0x67d: {  	v22 =	vor.u32 v46, v37;
	v25 =	vld [tilespmem:$0x1FEF0]  }
0x67e: {  	v9 =	vor.u32 v59, v3;
	v11 =	vld.idx.msk [tilespmem:v11+s15+$0x0], $0xffff  }
0x67f: {  	v14 =	vor.u32 v59, v0;
	v6 =	vld.idx.msk [tilespmem:v6+s15+$0x0], $0xffff  }
0x680: {  	[tilespmem:v24+s10+$0x0] =	vst.idx.msk $0xffff, v17;
	v24 =	vor.u32 v59, v5;
	v23 =	vld.idx.msk [tilespmem:v23+s15+$0x0], $0xffff  }
0x681: {  	[tilespmem:v21+s10+$0x0] =	vst.idx.msk $0xffff, v20  }
0x682: {  	v16 =	vadd.s32 v26, v10;
	[tilespmem:v22+s10+$0x0] =	vst.idx.msk $0xffff, v15  }
0x683: {  	v18 =	vadd.s32 v26, v13;
	[tilespmem:v9+s10+$0x0] =	vst.idx.msk $0xffff, v11  }
0x684: {  	v19 =	vadd.s32 v26, v36;
	[tilespmem:v14+s10+$0x0] =	vst.idx.msk $0xffff, v6  }
0x685: {  	v8 =	vadd.s32 v25, v2;
	v33 =	vld [tilespmem:$0x1FD00];
	[tilespmem:v24+s10+$0x0] =	vst.idx.msk $0xffff, v23  }
0x686: {  	v17 =	vadd.s32 v25, v1;
	v35 =	vld [tilespmem:$0x1FD80]  }
0x687: {  	v21 =	vor.u32 v59, v7;
	v16 =	vld.idx.msk [tilespmem:v16+s15+$0x0], $0xffff;
	v20 =	vadd.s32 v25, v4  }
0x688: {  	v18 =	vld.idx.msk [tilespmem:v18+s15+$0x0], $0xffff;
	v22 =	vor.u32 v59, v12;
	v15 =	vadd.s32 v25, v10  }
0x689: {  	v9 =	vld.idx.msk [tilespmem:v19+s15+$0x0], $0xffff;
	v11 =	vadd.s32 v25, v13;
	v19 =	vor.u32 v59, v37  }
0x68a: {  	v14 =	vadd.s32 v25, v36;
	v8 =	vld.idx.msk [tilespmem:v8+s15+$0x0], $0xffff;
	v6 =	vor.u32 v33, v3  }
0x68b: {  	v17 =	vld.idx.msk [tilespmem:v17+s15+$0x0], $0xffff;
	v24 =	vor.u32 v33, v0;
	v23 =	vadd.s32 v35, v2  }
0x68c: {  	[tilespmem:v21+s10+$0x0] =	vst.idx.msk $0xffff, v16;
	v20 =	vld.idx.msk [tilespmem:v20+s15+$0x0], $0xffff;
	v21 =	vor.u32 v33, v5;
	v16 =	vadd.s32 v35, v1  }
0x68d: {  	[tilespmem:v22+s10+$0x0] =	vst.idx.msk $0xffff, v18;
	v15 =	vld.idx.msk [tilespmem:v15+s15+$0x0], $0xffff;
	v22 =	vor.u32 v33, v7;
	v18 =	vadd.s32 v35, v4  }
0x68e: {  	[tilespmem:v19+s10+$0x0] =	vst.idx.msk $0xffff, v9;
	v11 =	vld.idx.msk [tilespmem:v11+s15+$0x0], $0xffff;
	v19 =	vor.u32 v33, v12;
	v9 =	vadd.s32 v35, v10  }
0x68f: {  	[tilespmem:v6+s10+$0x0] =	vst.idx.msk $0xffff, v8;
	v6 =	vld.idx.msk [tilespmem:v14+s15+$0x0], $0xffff;
	v8 =	vadd.s32 v35, v13;
	v14 =	vor.u32 v33, v37  }
0x690: {  	[tilespmem:v24+s10+$0x0] =	vst.idx.msk $0xffff, v17;
	v17 =	vor.u32 v32, v3;
	v24 =	vadd.s32 v35, v36;
	v23 =	vld.idx.msk [tilespmem:v23+s15+$0x0], $0xffff  }
0x691: {  	[tilespmem:v21+s10+$0x0] =	vst.idx.msk $0xffff, v20;
	v20 =	vadd.s32 v30, v2;
	v21 =	vor.u32 v32, v0;
	v16 =	vld.idx.msk [tilespmem:v16+s15+$0x0], $0xffff  }
0x692: {  	[tilespmem:v22+s10+$0x0] =	vst.idx.msk $0xffff, v15;
	v15 =	vadd.s32 v30, v1;
	v22 =	vor.u32 v32, v5;
	v18 =	vld.idx.msk [tilespmem:v18+s15+$0x0], $0xffff  }
0x693: {  	[tilespmem:v19+s10+$0x0] =	vst.idx.msk $0xffff, v11;
	v11 =	vadd.s32 v30, v4;
	v19 =	vor.u32 v32, v7;
	v9 =	vld.idx.msk [tilespmem:v9+s15+$0x0], $0xffff  }
0x694: {  	[tilespmem:v14+s10+$0x0] =	vst.idx.msk $0xffff, v6;
	v6 =	vadd.s32 v30, v10;
	v14 =	vor.u32 v32, v12;
	v8 =	vld.idx.msk [tilespmem:v8+s15+$0x0], $0xffff  }
0x695: {  	[tilespmem:v17+s10+$0x0] =	vst.idx.msk $0xffff, v23;
	v17 =	vadd.s32 v30, v13;
	v23 =	vld.idx.msk [tilespmem:v24+s15+$0x0], $0xffff;
	v24 =	vor.u32 v32, v37  }
0x696: {  	[tilespmem:v21+s10+$0x0] =	vst.idx.msk $0xffff, v16;
	v16 =	vor.u32 v29, v3;
	v21 =	vadd.s32 v30, v36;
	v20 =	vld.idx.msk [tilespmem:v20+s15+$0x0], $0xffff  }
0x697: {  	[tilespmem:v22+s10+$0x0] =	vst.idx.msk $0xffff, v18;
	v18 =	vadd.s32 v60, v2;
	v22 =	vor.u32 v29, v0;
	v15 =	vld.idx.msk [tilespmem:v15+s15+$0x0], $0xffff  }
0x698: {  	[tilespmem:v19+s10+$0x0] =	vst.idx.msk $0xffff, v9;
	v9 =	vadd.s32 v60, v1;
	v19 =	vor.u32 v29, v5;
	v11 =	vld.idx.msk [tilespmem:v11+s15+$0x0], $0xffff  }
0x699: {  	[tilespmem:v14+s10+$0x0] =	vst.idx.msk $0xffff, v8;
	v8 =	vadd.s32 v60, v4;
	v6 =	vld.idx.msk [tilespmem:v6+s15+$0x0], $0xffff;
	v14 =	vor.u32 v29, v7  }
0x69a: {  	[tilespmem:v24+s10+$0x0] =	vst.idx.msk $0xffff, v23;
	v23 =	vadd.s32 v60, v10;
	v24 =	vor.u32 v29, v12;
	v17 =	vld.idx.msk [tilespmem:v17+s15+$0x0], $0xffff  }
0x69b: {  	[tilespmem:v16+s10+$0x0] =	vst.idx.msk $0xffff, v20;
	v16 =	vadd.s32 v60, v13;
	v20 =	vld.idx.msk [tilespmem:v21+s15+$0x0], $0xffff;
	v21 =	vor.u32 v29, v37  }
0x69c: {  	[tilespmem:v22+s10+$0x0] =	vst.idx.msk $0xffff, v15;
	v15 =	vor.u32 v57, v3;
	v22 =	vadd.s32 v60, v36;
	v18 =	vld.idx.msk [tilespmem:v18+s15+$0x0], $0xffff  }
0x69d: {  	v44 =	vadd.s32 v62, v2;
	[tilespmem:v19+s10+$0x0] =	vst.idx.msk $0xffff, v11;
	v11 =	vor.u32 v57, v0;
	v9 =	vld.idx.msk [tilespmem:v9+s15+$0x0], $0xffff  }
0x69e: {  	v45 =	vadd.s32 v62, v1;
	[tilespmem:v14+s10+$0x0] =	vst.idx.msk $0xffff, v6;
	v6 =	vld.idx.msk [tilespmem:v8+s15+$0x0], $0xffff;
	v8 =	vor.u32 v57, v5  }
0x69f: {  	v46 =	vadd.s32 v62, v4;
	[tilespmem:v24+s10+$0x0] =	vst.idx.msk $0xffff, v17;
	v14 =	vld.idx.msk [tilespmem:v23+s15+$0x0], $0xffff;
	v17 =	vor.u32 v57, v7  }
0x6a0: {  	v10 =	vadd.s32 v62, v10;
	v19 =	vor.u32 v57, v12;
	[tilespmem:v21+s10+$0x0] =	vst.idx.msk $0xffff, v20;
	v16 =	vld.idx.msk [tilespmem:v16+s15+$0x0], $0xffff  }
0x6a1: {  	v13 =	vadd.s32 v62, v13;
	[tilespmem:v15+s10+$0x0] =	vst.idx.msk $0xffff, v18;
	v15 =	vld.idx.msk [tilespmem:v22+s15+$0x0], $0xffff;
	v18 =	vor.u32 v57, v37  }
0x6a2: {  	v59 =	vor.u32 v56, v3;
	[tilespmem:v11+s10+$0x0] =	vst.idx.msk $0xffff, v9;
	v9 =	vadd.s32 v62, v36;
	v2 =	vld.idx.msk [tilespmem:v44+s15+$0x0], $0xffff  }
0x6a3: {  	v60 =	vor.u32 v56, v0;
	v1 =	vld.idx.msk [tilespmem:v45+s15+$0x0], $0xffff;
	[tilespmem:v8+s10+$0x0] =	vst.idx.msk $0xffff, v6  }
0x6a4: {  	v62 =	vor.u32 v56, v5;
	[tilespmem:v17+s10+$0x0] =	vst.idx.msk $0xffff, v14;
	v4 =	vld.idx.msk [tilespmem:v46+s15+$0x0], $0xffff  }
0x6a5: {  	v7 =	vor.u32 v56, v7;
	[tilespmem:v19+s10+$0x0] =	vst.idx.msk $0xffff, v16;
	v6 =	vld.idx.msk [tilespmem:v10+s15+$0x0], $0xffff  }
0x6a6: {  	v10 =	vor.u32 v56, v12;
	[tilespmem:v18+s10+$0x0] =	vst.idx.msk $0xffff, v15;
	v8 =	vld.idx.msk [tilespmem:v13+s15+$0x0], $0xffff  }
0x6a7: {  	v33 =	vor.u32 v56, v37;
	[tilespmem:v59+s10+$0x0] =	vst.idx.msk $0xffff, v2;
	v32 =	vld.idx.msk [tilespmem:v9+s15+$0x0], $0xffff  }
0x6a8: {  	[tilespmem:v60+s10+$0x0] =	vst.idx.msk $0xffff, v1  }
0x6a9: {  	[tilespmem:v62+s10+$0x0] =	vst.idx.msk $0xffff, v4  }
0x6aa: {  	[tilespmem:v7+s10+$0x0] =	vst.idx.msk $0xffff, v6  }
0x6ab: {  	[tilespmem:v10+s10+$0x0] =	vst.idx.msk $0xffff, v8  }
0x6ac: {  	[tilespmem:v33+s10+$0x0] =	vst.idx.msk $0xffff, v32  }
0x6ad: {  	v10 =	vld [tilespmem:$0x1FFD0]  }
0x6ae: {  	v20 =	vld [tilespmem:$0x1FEE0]  }
0x6af: {  	v19 =	vld [tilespmem:$0x1FED0]  }
0x6b0: {  	v44 =	vld [tilespmem:$0x1FF60]  }
0x6b1: {  	v12 =	vld [tilespmem:$0x1FFB0]  }
0x6b2: {  	v37 =	vld [tilespmem:$0x1FFC0]  }
0x6b3: {  	v13 =	vld [tilespmem:$0x1FEC0]  }
0x6b4: {  	v14 =	vld [tilespmem:$0x1FDA0]  }
0x6b5: {  	v15 =	vld [tilespmem:$0x1FDB0]  }
0x6b6: {  	v16 =	vld [tilespmem:$0x1FDC0]  }
0x6b7: {  	v56 =	vmov v61;
	v61 =	vmov v26;
	v26 =	vld [tilespmem:$0x1FE90]  }
0x6b8: {  	v18 =	vld [tilespmem:$0x1FDE0]  }
.Ltmp10:
0x6b9: {  	v17 =	vld [tilespmem:$0x1FDD0];
	(pc) =	sbr.rel .LBB2_14-.Ltmp10, $4  }
0x6ba: {  	s14 =	smul.u32 $0xC00, s17;
	v27 =	vld [tilespmem:$0x1FE30]  }
0x6bb: {  	v35 =	vmovc v51;
	v51 =	vmovc v40;
	v24 =	vmov v48;
	v21 =	vmov v49;
	v62 =	vmov v28;
	v28 =	vld [tilespmem:$0x1FEB0]  }
0x6bc: {  	s14 =	sadd.s32 s6, s14;
	v57 =	vmovc v25;
	v36 =	vlaneseq.u32;
	v22 =	vmovc v47;
	v25 =	vmov v58;
	v58 =	vmov v34;
	v11 =	vld [tilespmem:$0x1FDF0]  }
0x6bd: {  	v45 =	vmovc v38;
	v38 =	vmovc v35;
	v60 =	vmov v53;
	v59 =	vmov v30;
	v8 =	vmov v52;
	[hbm4b:s14+s4] =	stream.linear.scatter [tilespmem:s10], [sflag:$0x4], $0x6000, $0x38;
	v23 =	vld [tilespmem:$0x1FE50]  }
.LBB2_16:
0x6be: {  	_ =	sfence.sel $0x180000  }
0x6bf: {  	[bflag:$0x0] =	sbarrier.arrive $0xFFFF  }
0x6c0: {  	_ =	strace $0x90000047  }
0x6c1: {  	s0 =	stileid.u32;
	[bflag:$0x2] =	sbarrier.arrive $0xFFFF  }
0x6c2: {  	p0 =	sne.s32 s0, $0x0;
	s0 =	rddreg [dreg:$0x3]  }
0x6c3: {  	s0 =	sadd.s32 @!p0 $0x100000, s0  }
0x6c4: {  	[sflag:s0] =	ssyncadd.tile.s32 @!p0 $0x1;
	_ =	shalt  }
.Lfunc_end2:
_tile_overlayer_lowered:
.L_overlay_start_2:
0x6c5: {  	(tag) =	ssettag $0x2  }
0x6c6: {  	s0 =	rddreg [dreg:$0x0];
	s2 =	stileid.u32  }
0x6c7: {  	s1 =	rddreg [dreg:$0x1];
	p0 =	sne.s32 s2, $0x0  }
0x6c8: {  	s3 =	rddreg [dreg:$0x2];
	[bflag:$0x3] =	sbarrier.arrive $0xFFFF;
	s2 =	simm.s32 @!p0 $0x1C05  }
0x6c9: {  	[timem:s3], [sflag:s2] =	dma.local @!p0 [hbm:s0], s1  }
0x6ca: {  	s0 =	simm.s32 @!p0 $0x5  }
0x6cb: {  	_ =	swait.ge @!p0 [sflag:s0], s1  }
0x6cc: {  	s1 =	ssub.s32 @!p0 $0x0, s1;
	[sflag:s0] =	ssyncset.done @!p0 $0x0  }
0x6cd: {  	[sflag:s0] =	ssyncadd.s32 @!p0 s1  }
0x6ce: {  	[bflag:$0x3] =	sbarrier.arrive $0xFFFF  }
0x6cf: {  	_ =	shalt  }

// kernel: kernel.7.cloned.1.call-start
scs
__scs_entry_jumppad:
0x0: {  	(pc) =	sbr.rel $0x88, $3  }
0x1: {  	(tag) =	ssettag $0x0;
	lr =	simm.s32 $0x1  }
0x2: {  	[smem:$0x3F9F] =	sst lr;
	_ =	strace $0xD0000000  }
0x3: {  	_ = 	snop  }
0x4: {  	_ = 	snop  }
0x5: {  	_ = 	snop  }
0x6: {  	_ = 	snop  }
0x7: {  	_ = 	snop  }
__scs_overlays_trampoline_lowered:
0x8: {  	[smem:$0x3FAE] =	sst s0  }
0x9: {  	[smem:$0x3FAF] =	sst s1  }
0xa: {  	[smem:$0x3FB0] =	sst s2  }
0xb: {  	[smem:$0x3FB1] =	sst s3  }
0xc: {  	[smem:$0x3FB2] =	sst s4  }
0xd: {  	[smem:$0x3FB3] =	sst s5  }
0xe: {  	[smem:$0x3FB4] =	sst s6  }
0xf: {  	[smem:$0x3FB5] =	sst s7  }
0x10: {  	[smem:$0x3FB6] =	sst s8  }
0x11: {  	[smem:$0x3FB7] =	sst s9;
	s0 =	simm.s32 @!p0 $0x0  }
0x12: {  	s1 =	sld [smem:$0x3F9D];
	s0 =	simm.s32 @p0 $0x1  }
0x13: {  	[smem:$0x3FB8] =	sst s0;
	s0 =	simm.s32 @!p1 $0x0  }
0x14: {  	s2 =	sld [smem:$0x3F9C];
	s0 =	simm.s32 @p1 $0x1  }
0x15: {  	[smem:$0x3FB9] =	sst s0;
	s0 =	simm.s32 @!p2 $0x0  }
0x16: {  	s3 =	sld [smem:$0x3FDB];
	s0 =	simm.s32 @p2 $0x1  }
0x17: {  	s4 =	simm.s32 $0x1BF5;
	[smem:$0x3FBB] =	sst s0  }
0x18: {  	s0 =	sld [smem:$0x3F9E];
	_ =	swait.ge [sflag:s4], $0x0  }
0x19: {  	s7 =	sld [smem:$0x3F9F]  }
0x1a: {  	s8 =	sadd.s32 $0xFFFFE003, lr  }
0x1b: {  	s9 =	sadd.s32 $0xFFFFFEF7, lr;
	s5 =	simm.s32 $0xFFFFFFFF;
	p2 =	slt.u32 s8, $0xFFFFF086  }
0x1c: {  	p1 =	slt.u32 s9, $0xF7A;
	s5 =	simm.s32 @!p2 $0x0  }
0x1d: {  	s5 =	simm.s32 @p1 $0x1;
	p0 =	seq.s32 s7, s2  }
0x1e: {  	s7 =	smul.u32 @!p0 $0xF7A, s2;
	p2 =	seq.s32 @!p0 s5, $0x0  }
0x1f: {  	s9 =	smul.u32 $0xF7A, s1;
	s8 =	simm.s32 @!p0 $0x1BF5;
	p2 =	por !p2, p0  }
0x20: {  	[sflag:s8] =	ssyncset.s32 @!p0 $0xFFFFF086;
	s6 =	sadd.s32 @!p0 s3, s7;
	s7 =	simm.s32 @!p0 $0x108  }
0x21: {  	s3 =	sadd.s32 s3, s9;
	s6 =	sadd.s32 @!p0 $0x88, s6;
	s7 =	simm.s32 @p2 $0x1082  }
0x22: {  	[simem:s7], [sflag:s8] =	dma.local @!p0 [hbm:s6], $0xF7A  }
0x23: {  	s9 =	sor.u32 $0xD0000000, s2;
	s6 =	simm.s32 $0x108;
	_ =	swait.ge @!p0 [sflag:s8], $0x0  }
0x24: {  	s3 =	sadd.s32 $0x88, s3;
	s6 =	simm.s32 @!p1 $0x1082;
	[sflag:s4] =	ssyncset.s32 $0xFFFFF086  }
0x25: {  	[simem:s6], [sflag:s4] =	dma.local [hbm:s3], $0xF7A  }
0x26: {  	[smem:$0x3F9F] =	sst s1;
	(tag) =	ssettag s2;
	_ =	strace s9  }
0x27: {  	s1 =	sld [smem:$0x3FAF]  }
0x28: {  	s2 =	sld [smem:$0x3FB0]  }
0x29: {  	s4 =	sld [smem:$0x3FB2]  }
0x2a: {  	p0 =	seq.s32 s5, $0x0;
	s5 =	sld [smem:$0x3FB3]  }
0x2b: {  	s6 =	sld [smem:$0x3FB4]  }
0x2c: {  	s7 =	sld [smem:$0x3FB5]  }
0x2d: {  	s3 =	simm.s32 $0x108;
	s8 =	sld [smem:$0x3FB6]  }
0x2e: {  	s3 =	simm.s32 @!p0 $0x1082;
	s9 =	sld [smem:$0x3FB7]  }
0x2f: {  	lr =	sadd.s32 s0, s3;
	s0 =	sld [smem:$0x3FAE]  }
0x30: {  	s3 =	sld [smem:$0x3FB1]  }
0x31: {  	[smem:$0x3FBA] =	sst s10  }
0x32: {  	s10 =	sld [smem:$0x3FB8];
	_ =	sdelay $0x3  }
0x33: {  	p0 =	seq.s32 s10, $0x1;
	s10 =	sld [smem:$0x3FBA];
	_ =	sdelay $0x3  }
0x34: {  	[smem:$0x3FBA] =	sst s10  }
0x35: {  	s10 =	sld [smem:$0x3FB9];
	_ =	sdelay $0x3  }
0x36: {  	p1 =	seq.s32 s10, $0x1;
	s10 =	sld [smem:$0x3FBA];
	_ =	sdelay $0x3  }
0x37: {  	[smem:$0x3FBA] =	sst s10  }
0x38: {  	s10 =	sld [smem:$0x3FBB]  }
0x39: {  	_ = 	snop;
	(pc) =	sbr.ind lr, $3  }
0x3a: {  	_ = 	snop  }
0x3b: {  	_ = 	snop  }
0x3c: {  	p2 =	seq.s32 s10, $0x1;
	s10 =	sld [smem:$0x3FBA]  }
0x3d: {  	_ =	shalt  }
0x3e: {  	_ =	shalt  }
0x3f: {  	_ =	shalt  }
0x40: {  	_ =	shalt  }
0x41: {  	_ =	shalt  }
0x42: {  	_ =	shalt  }
0x43: {  	_ =	shalt  }
0x44: {  	_ =	shalt  }
0x45: {  	_ =	shalt  }
0x46: {  	_ =	shalt  }
0x47: {  	_ =	shalt  }
0x48: {  	_ =	shalt  }
0x49: {  	_ =	shalt  }
0x4a: {  	_ =	shalt  }
0x4b: {  	_ =	shalt  }
0x4c: {  	_ =	shalt  }
0x4d: {  	_ =	shalt  }
0x4e: {  	_ =	shalt  }
0x4f: {  	_ =	shalt  }
0x50: {  	_ =	shalt  }
0x51: {  	_ =	shalt  }
0x52: {  	_ =	shalt  }
0x53: {  	_ =	shalt  }
0x54: {  	_ =	shalt  }
0x55: {  	_ =	shalt  }
0x56: {  	_ =	shalt  }
0x57: {  	_ =	shalt  }
0x58: {  	_ =	shalt  }
0x59: {  	_ =	shalt  }
0x5a: {  	_ =	shalt  }
0x5b: {  	_ =	shalt  }
0x5c: {  	_ =	shalt  }
0x5d: {  	_ =	shalt  }
0x5e: {  	_ =	shalt  }
0x5f: {  	_ =	shalt  }
0x60: {  	_ =	shalt  }
0x61: {  	_ =	shalt  }
0x62: {  	_ =	shalt  }
0x63: {  	_ =	shalt  }
0x64: {  	_ =	shalt  }
0x65: {  	_ =	shalt  }
0x66: {  	_ =	shalt  }
0x67: {  	_ =	shalt  }
0x68: {  	_ =	shalt  }
0x69: {  	_ =	shalt  }
0x6a: {  	_ =	shalt  }
0x6b: {  	_ =	shalt  }
0x6c: {  	_ =	shalt  }
0x6d: {  	_ =	shalt  }
0x6e: {  	_ =	shalt  }
0x6f: {  	_ =	shalt  }
0x70: {  	_ =	shalt  }
0x71: {  	_ =	shalt  }
0x72: {  	_ =	shalt  }
0x73: {  	_ =	shalt  }
0x74: {  	_ =	shalt  }
0x75: {  	_ =	shalt  }
0x76: {  	_ =	shalt  }
0x77: {  	_ =	shalt  }
0x78: {  	_ =	shalt  }
0x79: {  	_ =	shalt  }
0x7a: {  	_ =	shalt  }
0x7b: {  	_ =	shalt  }
0x7c: {  	_ =	shalt  }
0x7d: {  	_ =	shalt  }
0x7e: {  	_ =	shalt  }
0x7f: {  	_ =	shalt  }
0x80: {  	_ =	shalt  }
0x81: {  	_ =	shalt  }
0x82: {  	_ =	shalt  }
0x83: {  	_ =	shalt  }
0x84: {  	_ =	shalt  }
0x85: {  	_ =	shalt  }
0x86: {  	_ =	shalt  }
0x87: {  	_ =	shalt  }
.Lfunc_end0:
.L_simem_size_0:
called_computation.2_lowered:
.L_overlay_start_0:
0x88: {  	s2 =	sld [smem:$0x3FD9]  }
0x89: {  	s3 =	sld [smem:$0x3FFE];
	_ =	sdelay $0x1  }
0x8a: {  	s1 =	srdreg.scid  }
0x8b: {  	s0 =	sand.u32 $0x1, s1  }
0x8c: {  	s17 =	sshll.u32 s0, $0xA;
	s2 =	sadd.s32 s3, s2  }
0x8d: {  	s2 =	sadd.s32 s2, s17  }
0x8e: {  	[smem:$0x3FC6] =	sst s2  }
0x8f: {  	_ = 	snop  }
0x90: {  	s2 =	sld [smem:$0x3FD0];
	(tm) =	ssettm $0x1  }
0x91: {  	s18 =	sld [smem:$0x3FFB];
	_ =	sdelay $0x3  }
0x92: {  	_ =	strace s18  }
0x93: {  	s3 =	sld [smem:$0x3FFC];
	_ =	sdelay $0x3  }
0x94: {  	_ =	strace s3  }
0x95: {  	s3 =	sld [smem:$0x3FFD];
	_ =	sdelay $0x3  }
0x96: {  	_ =	strace s3  }
0x97: {  	_ =	strace $0x8FFFFFFF  }
0x98: {  	s19 =	sld [smem:$0x3FDB];
	_ =	sdelay $0x1  }
0x99: {  	s4 =	simm.s32 $_scs_section_size  }
0x9a: {  	s5 =	simm.s32 $_size__tile_overlayer_lowered;
	s6 =	simm.s32 $_tile_overlayer_lowered  }
0x9b: {  	s22 =	simm.s32 $0x1BFF;
	s21 =	sshll.u32 s6, $0x1;
	s3 =	sadd.s32 s4, s19  }
0x9c: {  	s7 =	simm.s32 $0x0;
	s20 =	sshll.u32 s5, $0x1;
	s5 =	sadd.s32 s21, s3  }
0x9d: {  	[timem:s7], [sflag:s22] =	dma.local [hbm:s5], s20  }
0x9e: {  	_ =	swait.ge [sflag:s22], s20  }
0x9f: {  	s4 =	ssub.s32 $0x0, s20;
	[sflag:s22] =	ssyncset.done $0x0  }
0xa0: {  	[sflag:s22] =	ssyncadd.s32 s4;
	_ =	sdelay $0x1  }
0xa1: {  	s23 =	simm.s32 $0x1B8B  }
0xa2: {  	_ =	swait.ge [sflag:s23], $0x1  }
0xa3: {  	[sflag:s23] =	ssyncset.done $0x0  }
0xa4: {  	s25 =	simm.s32 $0x1B8E;
	s24 =	sld [smem:$0x3FFE];
	[sflag:s23] =	ssyncadd.s32 $0xFFFFFFFF  }
0xa5: {  	s26 =	simm.s32 $execute0_lowered;
	[smem:$0x3FD2] =	sst s25  }
0xa6: {  	s5 =	sshll.u32 s26, $0x1;
	_ =	strace $0x80000049;
	[dreg:$0x1] =	wrdreg $0xFFFFFFFF  }
0xa7: {  	s28 =	simm.s32 $_size_execute0_lowered;
	s3 =	sadd.s32 s3, s5;
	[dreg:$0x0] =	wrdreg $0x0  }
0xa8: {  	s5 =	sshll.u32 s28, $0x1;
	[dreg:$0x2] =	wrdreg s3  }
0xa9: {  	[dreg:$0x3] =	wrdreg s5  }
0xaa: {  	[dreg:$0x4] =	wrdreg $0xC0  }
0xab: {  	_ =	task [dreg:s7], $0x5FFFF  }
0xac: {  	[dreg:$0x1] =	wrdreg $0xFFFFFFFF  }
0xad: {  	[dreg:$0x0] =	wrdreg $0x60  }
0xae: {  	[dreg:$0x2] =	wrdreg s24  }
0xaf: {  	[dreg:$0x3] =	wrdreg s2  }
0xb0: {  	[dreg:$0x4] =	wrdreg $0x9  }
0xb1: {  	_ =	task.clear_ibuf [dreg:s7], $0x5FFFF;
	_ =	strace $0x90000049  }
0xb2: {  	s29 =	simm.s32 $0x9;
	_ =	strace $0x8000004B  }
0xb3: {  	_ =	swait.ge [sflag:s29], $0x1  }
0xb4: {  	[sflag:s29] =	ssyncadd.s32 $0xFFFFFFFF  }
0xb5: {  	_ =	strace $0x9000004B  }
0xb6: {  	_ =	sfence  }
0xb7: {  	s30 =	sld [smem:$0x0];
	_ =	sdelay $0x2  }
0xb8: {  	s31 =	sshll.u32 s1, $0xD;
	s1 =	sshrl.u32 s1, $0x2  }
0xb9: {  	s3 =	sand.u32 $0x4000, s31;
	s1 =	sadd.s32 s1, s30  }
0xba: {  	s0 =	sor.u32 s3, s0;
	s1 =	sshll.u32 s1, $0x11  }
0xbb: {  	s0 =	sor.u32 s1, s0  }
0xbc: {  	s0 =	sadd.s32 $0x8F2B, s0  }
0xbd: {  	[sflag:s0] =	ssyncadd.remote.s32 $0x1  }
0xbe: {  	_ =	sfence.sel $0xFFFF  }
0xbf: {  	[dreg:$0x0] =	wrdreg $0xFFFFFFFF;
	(pc) =	sbr.abs _section_cstart, $3  }
0xc0: {  	[dreg:$0x1] =	wrdreg $0xFFFFFFFF  }
0xc1: {  	_ =	task.clear_ibuf [dreg:s7], $0x2FFFF;
	_ =	strace $0x9FFFFFFF  }
0xc2: {  	(tm) =	ssettm $0x7FFFFFFF  }
0xc3: {  	_ =	shalt  }
tec
execute0_lowered:
.L_overlay_start_1:
0x0: {  	(tag) =	ssettag $0x1  }
0x1: {  	s1 =	srdreg.scid;
	s0 =	stileid.u32  }
0x2: {  	s1 =	sand.u32 $0x1, s1;
	s2 =	sshll.u32 s0, $0x1  }
0x3: {  	s3 =	sor.u32 s1, s2  }
0x4: {  	s6 =	smul.u32 $0x680, s3  }
0x5: {  	s4 =	rddreg [dreg:$0x0];
	s2 =	simm.s32 $0x0;
	s7 =	smul.u32 $0x68000, s3  }
0x6: {  	[smem:$0x7FF] =	sst s2;
	s3 =	smul.u32 $0xD000, s3  }
0x7: {  	s5 =	rddreg [dreg:$0x1];
	_ =	strace $0x8000004A  }
0x8: {  	s6 =	sadd.s32 s6, s4;
	s7 =	sshrl.u32 s7, $0x3;
	s3 =	sadd.s32 s5, s3  }
0x9: {  	s6 =	sadd.s32 $0x3D1800, s6;
	s31 =	sadd.s32 s5, s7;
	[dreg:$0x4] =	wrdreg s3  }
0xa: {  	[dreg:$0x3] =	wrdreg s6;
	s19 =	sadd.s32 $0x1000, s31  }
0xb: {  	s20 =	sadd.s32 $0x2000, s31;
	[dreg:$0x5] =	wrdreg s19  }
0xc: {  	s21 =	sadd.s32 $0x3000, s31;
	[dreg:$0x6] =	wrdreg s20  }
0xd: {  	s22 =	sadd.s32 $0x4000, s31;
	[dreg:$0x7] =	wrdreg s21  }
0xe: {  	s23 =	sadd.s32 $0x5000, s31;
	[dreg:$0x8] =	wrdreg s22  }
0xf: {  	[dreg:$0x9] =	wrdreg s23  }
0x10: {  	s24 =	sadd.s32 $0x6000, s31;
	s25 =	rddreg [dreg:$0x3]  }
0x11: {  	s26 =	sadd.s32 $0x7000, s31;
	[dreg:$0xa] =	wrdreg s24  }
0x12: {  	s3 =	simm.s32 $0x7;
	[dreg:$0xb] =	wrdreg s26  }
0x13: {  	[tilespmem:s2], [sflag:$0x7] =	stream.linear.gather [hbm4b:s25+s2], $0x3400, $0x38;
	[tilespmem:$0x1B400] =	vst v63  }
0x14: {  	_ =	swait.ge [sflag:s3], $0x3400  }
0x15: {  	s4 =	sadd.s32 $0xE00, s4;
	[sflag:s3] =	ssyncset.done $0x0  }
0x16: {  	s5 =	simm.s32 $0x400;
	s6 =	simm.s32 $0x3400;
	[sflag:s3] =	ssyncadd.s32 $0xFFFFCC00  }
0x17: {  	[tilespmem:s6], [sflag:$0x1] =	stream.indirect.gather [hbm4b:s4+s5], $0x20, s2, s5, $0xb8;
	[tilespmem:$0x1B400] =	vst v63  }
0x18: {  	s7 =	simm.s32 $0xB400  }
0x19: {  	[tilespmem:s7], [sflag:$0x2] =	stream.indirect.gather [hbm4b:s4+s5], $0x20, s5, s5, $0xb8;
	[tilespmem:$0x1B400] =	vst v63  }
0x1a: {  	s8 =	simm.s32 $0x800;
	s9 =	simm.s32 $0x13400;
	s10 =	simm.s32 $0x1  }
0x1b: {  	[tilespmem:s9], [sflag:$0x3] =	stream.indirect.gather [hbm4b:s4+s5], $0x20, s8, s5, $0xb8;
	[tilespmem:$0x1B400] =	vst v63  }
0x1c: {  	_ =	swait.ge [sflag:s10], $0x8000  }
0x1d: {  	[sflag:s10] =	ssyncset.done $0x0  }
0x1e: {  	s11 =	simm.s32 $0x4;
	s12 =	rddreg [dreg:$0x4];
	[sflag:s10] =	ssyncadd.s32 $0xFFFF8000  }
0x1f: {  	[hbm4b:s12+s2] =	stream.linear.scatter [tilespmem:s6], [sflag:$0x4], $0x8000, $0x38;
	[tilespmem:$0x1B400] =	vst v63  }
0x20: {  	_ =	swait.ge [sflag:s11], $0x8000  }
0x21: {  	[sflag:s11] =	ssyncset.done $0x0  }
0x22: {  	s13 =	simm.s32 $0x2;
	s12 =	simm.s32 $0xC00;
	[sflag:s11] =	ssyncadd.s32 $0xFFFF8000  }
0x23: {  	[tilespmem:s6], [sflag:$0x1] =	stream.indirect.gather [hbm4b:s4+s5], $0x20, s12, s5, $0xb8;
	[tilespmem:$0x1B400] =	vst v63  }
0x24: {  	_ =	swait.ge [sflag:s13], $0x8000  }
0x25: {  	[sflag:s13] =	ssyncset.done $0x0  }
0x26: {  	s14 =	simm.s32 $0x5;
	s15 =	rddreg [dreg:$0x5];
	[sflag:s13] =	ssyncadd.s32 $0xFFFF8000  }
0x27: {  	[hbm4b:s15+s2] =	stream.linear.scatter [tilespmem:s7], [sflag:$0x5], $0x8000, $0x38;
	[tilespmem:$0x1B400] =	vst v63  }
0x28: {  	_ =	swait.ge [sflag:s14], $0x8000  }
0x29: {  	[sflag:s14] =	ssyncset.done $0x0  }
0x2a: {  	s16 =	simm.s32 $0x3;
	s15 =	simm.s32 $0x1000;
	[sflag:s14] =	ssyncadd.s32 $0xFFFF8000  }
0x2b: {  	[tilespmem:s7], [sflag:$0x2] =	stream.indirect.gather [hbm4b:s4+s5], $0x20, s15, s5, $0xb8;
	[tilespmem:$0x1B400] =	vst v63  }
0x2c: {  	_ =	swait.ge [sflag:s16], $0x8000  }
0x2d: {  	[sflag:s16] =	ssyncset.done $0x0  }
0x2e: {  	s17 =	simm.s32 $0x6;
	s18 =	rddreg [dreg:$0x6];
	[sflag:s16] =	ssyncadd.s32 $0xFFFF8000  }
0x2f: {  	[hbm4b:s18+s2] =	stream.linear.scatter [tilespmem:s9], [sflag:$0x6], $0x8000, $0x38;
	[tilespmem:$0x1B400] =	vst v63  }
0x30: {  	_ =	swait.ge [sflag:s17], $0x8000  }
0x31: {  	[sflag:s17] =	ssyncset.done $0x0  }
0x32: {  	s18 =	simm.s32 $0x1400;
	[sflag:s17] =	ssyncadd.s32 $0xFFFF8000  }
0x33: {  	[tilespmem:s9], [sflag:$0x3] =	stream.indirect.gather [hbm4b:s4+s5], $0x20, s18, s5, $0xb8;
	[tilespmem:$0x1B400] =	vst v63  }
0x34: {  	_ =	swait.ge [sflag:s10], $0x8000  }
0x35: {  	[sflag:s10] =	ssyncset.done $0x0  }
0x36: {  	s19 =	rddreg [dreg:$0x7];
	[sflag:s10] =	ssyncadd.s32 $0xFFFF8000  }
0x37: {  	[hbm4b:s19+s2] =	stream.linear.scatter [tilespmem:s6], [sflag:$0x4], $0x8000, $0x38;
	[tilespmem:$0x1B400] =	vst v63  }
0x38: {  	_ =	swait.ge [sflag:s11], $0x8000  }
0x39: {  	[sflag:s11] =	ssyncset.done $0x0  }
0x3a: {  	s19 =	simm.s32 $0x1800;
	[sflag:s11] =	ssyncadd.s32 $0xFFFF8000  }
0x3b: {  	[tilespmem:s6], [sflag:$0x1] =	stream.indirect.gather [hbm4b:s4+s5], $0x20, s19, s5, $0xb8;
	[tilespmem:$0x1B400] =	vst v63  }
0x3c: {  	_ =	swait.ge [sflag:s13], $0x8000  }
0x3d: {  	[sflag:s13] =	ssyncset.done $0x0  }
0x3e: {  	s20 =	rddreg [dreg:$0x8];
	[sflag:s13] =	ssyncadd.s32 $0xFFFF8000  }
0x3f: {  	[hbm4b:s20+s2] =	stream.linear.scatter [tilespmem:s7], [sflag:$0x5], $0x8000, $0x38;
	[tilespmem:$0x1B400] =	vst v63  }
0x40: {  	_ =	swait.ge [sflag:s14], $0x8000  }
0x41: {  	[sflag:s14] =	ssyncset.done $0x0  }
0x42: {  	s20 =	simm.s32 $0x1C00;
	[sflag:s14] =	ssyncadd.s32 $0xFFFF8000  }
0x43: {  	[tilespmem:s7], [sflag:$0x2] =	stream.indirect.gather [hbm4b:s4+s5], $0x20, s20, s5, $0xb8;
	[tilespmem:$0x1B400] =	vst v63  }
0x44: {  	_ =	swait.ge [sflag:s16], $0x8000  }
0x45: {  	[sflag:s16] =	ssyncset.done $0x0  }
0x46: {  	s21 =	rddreg [dreg:$0x9];
	[sflag:s16] =	ssyncadd.s32 $0xFFFF8000  }
0x47: {  	[hbm4b:s21+s2] =	stream.linear.scatter [tilespmem:s9], [sflag:$0x6], $0x8000, $0x38;
	[tilespmem:$0x1B400] =	vst v63  }
0x48: {  	_ =	swait.ge [sflag:s17], $0x8000  }
0x49: {  	[sflag:s17] =	ssyncset.done $0x0  }
0x4a: {  	s21 =	simm.s32 $0x2000;
	[sflag:s17] =	ssyncadd.s32 $0xFFFF8000  }
0x4b: {  	[tilespmem:s9], [sflag:$0x3] =	stream.indirect.gather [hbm4b:s4+s5], $0x20, s21, s5, $0xb8;
	[tilespmem:$0x1B400] =	vst v63  }
0x4c: {  	_ =	swait.ge [sflag:s10], $0x8000  }
0x4d: {  	[sflag:s10] =	ssyncset.done $0x0  }
0x4e: {  	s22 =	rddreg [dreg:$0xa];
	[sflag:s10] =	ssyncadd.s32 $0xFFFF8000  }
0x4f: {  	[hbm4b:s22+s2] =	stream.linear.scatter [tilespmem:s6], [sflag:$0x4], $0x8000, $0x38;
	[tilespmem:$0x1B400] =	vst v63  }
0x50: {  	_ =	swait.ge [sflag:s11], $0x8000  }
0x51: {  	[sflag:s11] =	ssyncset.done $0x0  }
0x52: {  	s22 =	simm.s32 $0x2400;
	[sflag:s11] =	ssyncadd.s32 $0xFFFF8000  }
0x53: {  	[tilespmem:s6], [sflag:$0x1] =	stream.indirect.gather [hbm4b:s4+s5], $0x20, s22, s5, $0xb8;
	[tilespmem:$0x1B400] =	vst v63  }
0x54: {  	_ =	swait.ge [sflag:s13], $0x8000  }
0x55: {  	[sflag:s13] =	ssyncset.done $0x0  }
0x56: {  	s23 =	rddreg [dreg:$0xb];
	[sflag:s13] =	ssyncadd.s32 $0xFFFF8000  }
0x57: {  	[hbm4b:s23+s2] =	stream.linear.scatter [tilespmem:s7], [sflag:$0x5], $0x8000, $0x38;
	[tilespmem:$0x1B400] =	vst v63  }
0x58: {  	_ =	swait.ge [sflag:s14], $0x8000  }
0x59: {  	[sflag:s14] =	ssyncset.done $0x0  }
0x5a: {  	s23 =	simm.s32 $0x2800;
	[sflag:s14] =	ssyncadd.s32 $0xFFFF8000  }
0x5b: {  	[tilespmem:s7], [sflag:$0x2] =	stream.indirect.gather [hbm4b:s4+s5], $0x20, s23, s5, $0xb8;
	[tilespmem:$0x1B400] =	vst v63  }
0x5c: {  	_ =	swait.ge [sflag:s16], $0x8000  }
0x5d: {  	[sflag:s16] =	ssyncset.done $0x0  }
0x5e: {  	s24 =	sadd.s32 $0x8000, s31;
	[sflag:s16] =	ssyncadd.s32 $0xFFFF8000  }
0x5f: {  	[hbm4b:s24+s2] =	stream.linear.scatter [tilespmem:s9], [sflag:$0x6], $0x8000, $0x38;
	[tilespmem:$0x1B400] =	vst v63  }
0x60: {  	_ =	swait.ge [sflag:s17], $0x8000  }
0x61: {  	[sflag:s17] =	ssyncset.done $0x0  }
0x62: {  	s25 =	simm.s32 $0x2C00;
	[sflag:s17] =	ssyncadd.s32 $0xFFFF8000  }
0x63: {  	[tilespmem:s9], [sflag:$0x3] =	stream.indirect.gather [hbm4b:s4+s5], $0x20, s25, s5, $0xb8;
	[tilespmem:$0x1B400] =	vst v63  }
0x64: {  	_ =	swait.ge [sflag:s10], $0x8000  }
0x65: {  	[sflag:s10] =	ssyncset.done $0x0  }
0x66: {  	s26 =	sadd.s32 $0x9000, s31;
	[sflag:s10] =	ssyncadd.s32 $0xFFFF8000  }
0x67: {  	[hbm4b:s26+s2] =	stream.linear.scatter [tilespmem:s6], [sflag:$0x4], $0x8000, $0x38;
	[tilespmem:$0x1B400] =	vst v63  }
0x68: {  	_ =	swait.ge [sflag:s11], $0x8000  }
0x69: {  	[sflag:s11] =	ssyncset.done $0x0  }
0x6a: {  	s28 =	simm.s32 $0x3000;
	[sflag:s11] =	ssyncadd.s32 $0xFFFF8000  }
0x6b: {  	[tilespmem:s6], [sflag:$0x1] =	stream.indirect.gather [hbm4b:s4+s5], $0x20, s28, s5, $0xb8;
	[tilespmem:$0x1B400] =	vst v63  }
0x6c: {  	_ =	swait.ge [sflag:s13], $0x8000  }
0x6d: {  	[sflag:s13] =	ssyncset.done $0x0  }
0x6e: {  	s29 =	sadd.s32 $0xA000, s31;
	[sflag:s13] =	ssyncadd.s32 $0xFFFF8000  }
0x6f: {  	[hbm4b:s29+s2] =	stream.linear.scatter [tilespmem:s7], [sflag:$0x5], $0x8000, $0x38;
	[tilespmem:$0x1B400] =	vst v63  }
0x70: {  	_ =	swait.ge [sflag:s16], $0x8000  }
0x71: {  	[sflag:s16] =	ssyncset.done $0x0  }
0x72: {  	s30 =	sadd.s32 $0xB000, s31;
	[sflag:s16] =	ssyncadd.s32 $0xFFFF8000  }
0x73: {  	[hbm4b:s30+s2] =	stream.linear.scatter [tilespmem:s9], [sflag:$0x6], $0x8000, $0x38;
	[tilespmem:$0x1B400] =	vst v63  }
0x74: {  	s1 =	ssub.s32 $0x2, s1;
	_ =	swait.ge [sflag:s10], $0x8000  }
0x75: {  	s0 =	sshrl.u32 s1, $0x1;
	[sflag:s10] =	ssyncset.done $0x0  }
0x76: {  	s0 =	ssub.s32 s1, s0;
	s31 =	sadd.s32 $0xC000, s31;
	[sflag:s10] =	ssyncadd.s32 $0xFFFF8000  }
0x77: {  	[hbm4b:s31+s2] =	stream.linear.scatter [tilespmem:s6], [sflag:$0x4], $0x8000, $0x38;
	[tilespmem:$0x1B400] =	vst v63  }
0x78: {  	s0 =	smax.u32 s0, $0x1;
	_ =	swait.ge [sflag:s14], $0x8000  }
0x79: {  	p0 =	sne.s32 s0, $0x1;
	[sflag:s14] =	ssyncset.done $0x0  }
.Ltmp0:
0x7a: {  	[sflag:s14] =	ssyncadd.s32 $0xFFFF8000;
	(pc) =	sbr.rel @!p0 .LBB2_2-.Ltmp0, $4  }
0x7b: {  	_ =	swait.ge [sflag:s17], $0x8000  }
0x7c: {  	[sflag:s17] =	ssyncset.done $0x0  }
0x7d: {  	[sflag:s17] =	ssyncadd.s32 $0xFFFF8000  }
0x7e: {  	s1 =	sadd.s32 $0xFFFFFFFF, s0;
	_ =	swait.ge [sflag:s11], $0x8000  }
.LBB2_1:
0x7f: {  	[sflag:s11] =	ssyncset.done $0x0  }
0x80: {  	s0 =	rddreg [dreg:$0x3];
	[sflag:s11] =	ssyncadd.s32 $0xFFFF8000  }
0x81: {  	[tilespmem:s2], [sflag:$0x7] =	stream.linear.gather [hbm4b:s0+s2], $0x3400, $0x38;
	[tilespmem:$0x1B400] =	vst v63  }
0x82: {  	_ =	swait.ge [sflag:s3], $0x3400  }
0x83: {  	[sflag:s3] =	ssyncset.done $0x0  }
0x84: {  	[sflag:s3] =	ssyncadd.s32 $0xFFFFCC00  }
0x85: {  	[tilespmem:s6], [sflag:$0x1] =	stream.indirect.gather [hbm4b:s4+s5], $0x20, s2, s5, $0xb8;
	[tilespmem:$0x1B400] =	vst v63  }
0x86: {  	_ = 	snop  }
0x87: {  	[tilespmem:s7], [sflag:$0x2] =	stream.indirect.gather [hbm4b:s4+s5], $0x20, s5, s5, $0xb8;
	[tilespmem:$0x1B400] =	vst v63  }
0x88: {  	_ = 	snop  }
0x89: {  	[tilespmem:s9], [sflag:$0x3] =	stream.indirect.gather [hbm4b:s4+s5], $0x20, s8, s5, $0xb8;
	[tilespmem:$0x1B400] =	vst v63  }
0x8a: {  	_ =	swait.ge [sflag:s10], $0x8000  }
0x8b: {  	[sflag:s10] =	ssyncset.done $0x0  }
0x8c: {  	s0 =	rddreg [dreg:$0x4];
	[sflag:s10] =	ssyncadd.s32 $0xFFFF8000  }
0x8d: {  	[hbm4b:s0+s2] =	stream.linear.scatter [tilespmem:s6], [sflag:$0x4], $0x8000, $0x38;
	[tilespmem:$0x1B400] =	vst v63  }
0x8e: {  	_ =	swait.ge [sflag:s11], $0x8000  }
0x8f: {  	[sflag:s11] =	ssyncset.done $0x0  }
0x90: {  	[sflag:s11] =	ssyncadd.s32 $0xFFFF8000  }
0x91: {  	[tilespmem:s6], [sflag:$0x1] =	stream.indirect.gather [hbm4b:s4+s5], $0x20, s12, s5, $0xb8;
	[tilespmem:$0x1B400] =	vst v63  }
0x92: {  	_ =	swait.ge [sflag:s13], $0x8000  }
0x93: {  	[sflag:s13] =	ssyncset.done $0x0  }
0x94: {  	s0 =	rddreg [dreg:$0x5];
	[sflag:s13] =	ssyncadd.s32 $0xFFFF8000  }
0x95: {  	[hbm4b:s0+s2] =	stream.linear.scatter [tilespmem:s7], [sflag:$0x5], $0x8000, $0x38;
	[tilespmem:$0x1B400] =	vst v63  }
0x96: {  	_ =	swait.ge [sflag:s14], $0x8000  }
0x97: {  	[sflag:s14] =	ssyncset.done $0x0  }
0x98: {  	[sflag:s14] =	ssyncadd.s32 $0xFFFF8000  }
0x99: {  	[tilespmem:s7], [sflag:$0x2] =	stream.indirect.gather [hbm4b:s4+s5], $0x20, s15, s5, $0xb8;
	[tilespmem:$0x1B400] =	vst v63  }
0x9a: {  	_ =	swait.ge [sflag:s16], $0x8000  }
0x9b: {  	[sflag:s16] =	ssyncset.done $0x0  }
0x9c: {  	s0 =	rddreg [dreg:$0x6];
	[sflag:s16] =	ssyncadd.s32 $0xFFFF8000  }
0x9d: {  	[hbm4b:s0+s2] =	stream.linear.scatter [tilespmem:s9], [sflag:$0x6], $0x8000, $0x38;
	[tilespmem:$0x1B400] =	vst v63  }
0x9e: {  	_ =	swait.ge [sflag:s17], $0x8000  }
0x9f: {  	[sflag:s17] =	ssyncset.done $0x0  }
0xa0: {  	[sflag:s17] =	ssyncadd.s32 $0xFFFF8000  }
0xa1: {  	[tilespmem:s9], [sflag:$0x3] =	stream.indirect.gather [hbm4b:s4+s5], $0x20, s18, s5, $0xb8;
	[tilespmem:$0x1B400] =	vst v63  }
0xa2: {  	_ =	swait.ge [sflag:s10], $0x8000  }
0xa3: {  	[sflag:s10] =	ssyncset.done $0x0  }
0xa4: {  	s0 =	rddreg [dreg:$0x7];
	[sflag:s10] =	ssyncadd.s32 $0xFFFF8000  }
0xa5: {  	[hbm4b:s0+s2] =	stream.linear.scatter [tilespmem:s6], [sflag:$0x4], $0x8000, $0x38;
	[tilespmem:$0x1B400] =	vst v63  }
0xa6: {  	_ =	swait.ge [sflag:s11], $0x8000  }
0xa7: {  	[sflag:s11] =	ssyncset.done $0x0  }
0xa8: {  	[sflag:s11] =	ssyncadd.s32 $0xFFFF8000  }
0xa9: {  	[tilespmem:s6], [sflag:$0x1] =	stream.indirect.gather [hbm4b:s4+s5], $0x20, s19, s5, $0xb8;
	[tilespmem:$0x1B400] =	vst v63  }
0xaa: {  	_ =	swait.ge [sflag:s13], $0x8000  }
0xab: {  	[sflag:s13] =	ssyncset.done $0x0  }
0xac: {  	s0 =	rddreg [dreg:$0x8];
	[sflag:s13] =	ssyncadd.s32 $0xFFFF8000  }
0xad: {  	[hbm4b:s0+s2] =	stream.linear.scatter [tilespmem:s7], [sflag:$0x5], $0x8000, $0x38;
	[tilespmem:$0x1B400] =	vst v63  }
0xae: {  	_ =	swait.ge [sflag:s14], $0x8000  }
0xaf: {  	[sflag:s14] =	ssyncset.done $0x0  }
0xb0: {  	[sflag:s14] =	ssyncadd.s32 $0xFFFF8000  }
0xb1: {  	[tilespmem:s7], [sflag:$0x2] =	stream.indirect.gather [hbm4b:s4+s5], $0x20, s20, s5, $0xb8;
	[tilespmem:$0x1B400] =	vst v63  }
0xb2: {  	_ =	swait.ge [sflag:s16], $0x8000  }
0xb3: {  	[sflag:s16] =	ssyncset.done $0x0  }
0xb4: {  	s0 =	rddreg [dreg:$0x9];
	[sflag:s16] =	ssyncadd.s32 $0xFFFF8000  }
0xb5: {  	[hbm4b:s0+s2] =	stream.linear.scatter [tilespmem:s9], [sflag:$0x6], $0x8000, $0x38;
	[tilespmem:$0x1B400] =	vst v63  }
0xb6: {  	_ =	swait.ge [sflag:s17], $0x8000  }
0xb7: {  	[sflag:s17] =	ssyncset.done $0x0  }
0xb8: {  	[sflag:s17] =	ssyncadd.s32 $0xFFFF8000  }
0xb9: {  	[tilespmem:s9], [sflag:$0x3] =	stream.indirect.gather [hbm4b:s4+s5], $0x20, s21, s5, $0xb8;
	[tilespmem:$0x1B400] =	vst v63  }
0xba: {  	_ =	swait.ge [sflag:s10], $0x8000  }
0xbb: {  	[sflag:s10] =	ssyncset.done $0x0  }
0xbc: {  	s0 =	rddreg [dreg:$0xa];
	[sflag:s10] =	ssyncadd.s32 $0xFFFF8000  }
0xbd: {  	[hbm4b:s0+s2] =	stream.linear.scatter [tilespmem:s6], [sflag:$0x4], $0x8000, $0x38;
	[tilespmem:$0x1B400] =	vst v63  }
0xbe: {  	_ =	swait.ge [sflag:s11], $0x8000  }
0xbf: {  	[sflag:s11] =	ssyncset.done $0x0  }
0xc0: {  	[sflag:s11] =	ssyncadd.s32 $0xFFFF8000  }
0xc1: {  	[tilespmem:s6], [sflag:$0x1] =	stream.indirect.gather [hbm4b:s4+s5], $0x20, s22, s5, $0xb8;
	[tilespmem:$0x1B400] =	vst v63  }
0xc2: {  	_ =	swait.ge [sflag:s13], $0x8000  }
0xc3: {  	[sflag:s13] =	ssyncset.done $0x0  }
0xc4: {  	s0 =	rddreg [dreg:$0xb];
	[sflag:s13] =	ssyncadd.s32 $0xFFFF8000  }
0xc5: {  	[hbm4b:s0+s2] =	stream.linear.scatter [tilespmem:s7], [sflag:$0x5], $0x8000, $0x38;
	[tilespmem:$0x1B400] =	vst v63  }
0xc6: {  	_ =	swait.ge [sflag:s14], $0x8000  }
0xc7: {  	[sflag:s14] =	ssyncset.done $0x0  }
0xc8: {  	[sflag:s14] =	ssyncadd.s32 $0xFFFF8000  }
0xc9: {  	[tilespmem:s7], [sflag:$0x2] =	stream.indirect.gather [hbm4b:s4+s5], $0x20, s23, s5, $0xb8;
	[tilespmem:$0x1B400] =	vst v63  }
0xca: {  	_ =	swait.ge [sflag:s16], $0x8000  }
0xcb: {  	[sflag:s16] =	ssyncset.done $0x0  }
0xcc: {  	[sflag:s16] =	ssyncadd.s32 $0xFFFF8000  }
0xcd: {  	[hbm4b:s24+s2] =	stream.linear.scatter [tilespmem:s9], [sflag:$0x6], $0x8000, $0x38;
	[tilespmem:$0x1B400] =	vst v63  }
0xce: {  	_ =	swait.ge [sflag:s17], $0x8000  }
0xcf: {  	[sflag:s17] =	ssyncset.done $0x0  }
0xd0: {  	[sflag:s17] =	ssyncadd.s32 $0xFFFF8000  }
0xd1: {  	[tilespmem:s9], [sflag:$0x3] =	stream.indirect.gather [hbm4b:s4+s5], $0x20, s25, s5, $0xb8;
	[tilespmem:$0x1B400] =	vst v63  }
0xd2: {  	_ =	swait.ge [sflag:s10], $0x8000  }
0xd3: {  	[sflag:s10] =	ssyncset.done $0x0  }
0xd4: {  	[sflag:s10] =	ssyncadd.s32 $0xFFFF8000  }
0xd5: {  	[hbm4b:s26+s2] =	stream.linear.scatter [tilespmem:s6], [sflag:$0x4], $0x8000, $0x38;
	[tilespmem:$0x1B400] =	vst v63  }
0xd6: {  	_ =	swait.ge [sflag:s11], $0x8000  }
0xd7: {  	[sflag:s11] =	ssyncset.done $0x0  }
0xd8: {  	[sflag:s11] =	ssyncadd.s32 $0xFFFF8000  }
0xd9: {  	[tilespmem:s6], [sflag:$0x1] =	stream.indirect.gather [hbm4b:s4+s5], $0x20, s28, s5, $0xb8;
	[tilespmem:$0x1B400] =	vst v63  }
0xda: {  	_ =	swait.ge [sflag:s13], $0x8000  }
0xdb: {  	[sflag:s13] =	ssyncset.done $0x0  }
0xdc: {  	[sflag:s13] =	ssyncadd.s32 $0xFFFF8000  }
0xdd: {  	[hbm4b:s29+s2] =	stream.linear.scatter [tilespmem:s7], [sflag:$0x5], $0x8000, $0x38;
	[tilespmem:$0x1B400] =	vst v63  }
0xde: {  	_ =	swait.ge [sflag:s16], $0x8000  }
0xdf: {  	[sflag:s16] =	ssyncset.done $0x0  }
0xe0: {  	[sflag:s16] =	ssyncadd.s32 $0xFFFF8000  }
0xe1: {  	[hbm4b:s30+s2] =	stream.linear.scatter [tilespmem:s9], [sflag:$0x6], $0x8000, $0x38;
	[tilespmem:$0x1B400] =	vst v63  }
0xe2: {  	_ =	swait.ge [sflag:s10], $0x8000  }
0xe3: {  	[sflag:s10] =	ssyncset.done $0x0  }
0xe4: {  	[sflag:s10] =	ssyncadd.s32 $0xFFFF8000  }
0xe5: {  	[hbm4b:s31+s2] =	stream.linear.scatter [tilespmem:s6], [sflag:$0x4], $0x8000, $0x38;
	[tilespmem:$0x1B400] =	vst v63  }
0xe6: {  	_ =	swait.ge [sflag:s14], $0x8000  }
0xe7: {  	p0 =	sne.s32 s1, $0x1;
	[sflag:s14] =	ssyncset.done $0x0  }
.Ltmp1:
0xe8: {  	[sflag:s14] =	ssyncadd.s32 $0xFFFF8000;
	(pc) =	sbr.rel @p0 .LBB2_1-.Ltmp1, $4  }
0xe9: {  	_ =	swait.ge [sflag:s17], $0x8000  }
0xea: {  	[sflag:s17] =	ssyncset.done $0x0  }
0xeb: {  	[sflag:s17] =	ssyncadd.s32 $0xFFFF8000  }
0xec: {  	s1 =	sadd.s32 $0xFFFFFFFF, s1;
	_ =	swait.ge [sflag:s11], $0x8000  }
.LBB2_2:
0xed: {  	[sflag:s11] =	ssyncset.done $0x0  }
0xee: {  	[sflag:s11] =	ssyncadd.s32 $0xFFFF8000  }
0xef: {  	_ =	sfence.sel $0x180000  }
0xf0: {  	[bflag:$0x0] =	sbarrier.arrive $0xFFFF  }
0xf1: {  	_ =	strace $0x9000004A  }
0xf2: {  	s0 =	stileid.u32;
	[bflag:$0x2] =	sbarrier.arrive $0xFFFF  }
0xf3: {  	p0 =	sne.s32 s0, $0x0;
	s0 =	rddreg [dreg:$0x2]  }
0xf4: {  	s0 =	sadd.s32 @!p0 $0x100000, s0  }
0xf5: {  	[sflag:s0] =	ssyncadd.tile.s32 @!p0 $0x1;
	_ =	shalt  }
.Lfunc_end2:
_tile_overlayer_lowered:
.L_overlay_start_2:
0xf6: {  	(tag) =	ssettag $0x2  }
0xf7: {  	s0 =	rddreg [dreg:$0x0];
	s2 =	stileid.u32  }
0xf8: {  	s1 =	rddreg [dreg:$0x1];
	p0 =	sne.s32 s2, $0x0  }
0xf9: {  	s3 =	rddreg [dreg:$0x2];
	[bflag:$0x3] =	sbarrier.arrive $0xFFFF;
	s2 =	simm.s32 @!p0 $0x1C07  }
0xfa: {  	[timem:s3], [sflag:s2] =	dma.local @!p0 [hbm:s0], s1  }
0xfb: {  	s0 =	simm.s32 @!p0 $0x7  }
0xfc: {  	_ =	swait.ge @!p0 [sflag:s0], s1  }
0xfd: {  	s1 =	ssub.s32 @!p0 $0x0, s1;
	[sflag:s0] =	ssyncset.done @!p0 $0x0  }
0xfe: {  	[sflag:s0] =	ssyncadd.s32 @!p0 s1  }
0xff: {  	[bflag:$0x3] =	sbarrier.arrive $0xFFFF  }
0x100: {  	_ =	shalt  }

// kernel: sparse-core-data-format-call.cloned.1.call-start
scs
called_computation_lowered:
.L_overlay_start_0:
0x0: {  	s2 =	sld [smem:$0x3FD9]  }
0x1: {  	s3 =	sld [smem:$0x3FFE];
	_ =	sdelay $0x1  }
0x2: {  	s1 =	srdreg.scid  }
0x3: {  	s0 =	sand.u32 $0x1, s1  }
0x4: {  	s18 =	sshll.u32 s0, $0xA;
	s2 =	sadd.s32 s3, s2  }
0x5: {  	s2 =	sadd.s32 s2, s18  }
0x6: {  	[smem:$0x3FC6] =	sst s2  }
0x7: {  	_ = 	snop  }
0x8: {  	s2 =	sld [smem:$0x3FD0];
	(tm) =	ssettm $0x1  }
0x9: {  	s19 =	sld [smem:$0x3FFB];
	_ =	sdelay $0x3  }
0xa: {  	_ =	strace s19  }
0xb: {  	s3 =	sld [smem:$0x3FFC];
	_ =	sdelay $0x3  }
0xc: {  	_ =	strace s3  }
0xd: {  	s3 =	sld [smem:$0x3FFD];
	_ =	sdelay $0x3  }
0xe: {  	_ =	strace s3  }
0xf: {  	_ =	strace $0x8FFFFFFF  }
0x10: {  	s20 =	sld [smem:$0x3FDB];
	_ =	sdelay $0x1  }
0x11: {  	s4 =	simm.s32 $_scs_section_size  }
0x12: {  	s5 =	simm.s32 $_size__tile_overlayer_lowered;
	s6 =	simm.s32 $_tile_overlayer_lowered  }
0x13: {  	s23 =	simm.s32 $0x1BFF;
	s22 =	sshll.u32 s6, $0x1;
	s3 =	sadd.s32 s4, s20  }
0x14: {  	s7 =	simm.s32 $0x0;
	s21 =	sshll.u32 s5, $0x1;
	s5 =	sadd.s32 s22, s3  }
0x15: {  	[timem:s7], [sflag:s23] =	dma.local [hbm:s5], s21  }
0x16: {  	_ =	swait.ge [sflag:s23], s21  }
0x17: {  	s4 =	ssub.s32 $0x0, s21;
	[sflag:s23] =	ssyncset.done $0x0  }
0x18: {  	[sflag:s23] =	ssyncadd.s32 s4;
	_ =	sdelay $0x1  }
0x19: {  	s24 =	simm.s32 $0x1B8B  }
0x1a: {  	_ =	swait.ge [sflag:s24], $0x1  }
0x1b: {  	[sflag:s24] =	ssyncset.done $0x0  }
0x1c: {  	s26 =	simm.s32 $0x1B8E;
	s25 =	sld [smem:$0x3FFE];
	[sflag:s24] =	ssyncadd.s32 $0xFFFFFFFF  }
0x1d: {  	s27 =	simm.s32 $execute0_lowered;
	[smem:$0x3FD2] =	sst s26  }
0x1e: {  	s5 =	sshll.u32 s27, $0x1;
	_ =	strace $0x8000004C;
	[dreg:$0x1] =	wrdreg $0xFFFFFFFF  }
0x1f: {  	s28 =	simm.s32 $_size_execute0_lowered;
	s3 =	sadd.s32 s3, s5;
	[dreg:$0x0] =	wrdreg $0x0  }
0x20: {  	s5 =	sshll.u32 s28, $0x1;
	[dreg:$0x2] =	wrdreg s3  }
0x21: {  	[dreg:$0x3] =	wrdreg s5  }
0x22: {  	[dreg:$0x4] =	wrdreg $0xC0  }
0x23: {  	_ =	task [dreg:s7], $0x5FFFF  }
0x24: {  	[dreg:$0x1] =	wrdreg $0xFFFFFFFF  }
0x25: {  	[dreg:$0x0] =	wrdreg $0x60  }
0x26: {  	[dreg:$0x2] =	wrdreg s25  }
0x27: {  	[dreg:$0x3] =	wrdreg s2  }
0x28: {  	[dreg:$0x4] =	wrdreg $0x9  }
0x29: {  	_ =	task.clear_ibuf [dreg:s7], $0x5FFFF;
	_ =	strace $0x9000004C  }
0x2a: {  	s29 =	simm.s32 $0x9;
	_ =	strace $0x8000004E  }
0x2b: {  	_ =	swait.ge [sflag:s29], $0x1  }
0x2c: {  	[sflag:s29] =	ssyncadd.s32 $0xFFFFFFFF  }
0x2d: {  	_ =	strace $0x9000004E  }
0x2e: {  	_ =	sfence  }
0x2f: {  	s30 =	sld [smem:$0x0];
	_ =	sdelay $0x2  }
0x30: {  	s31 =	sshll.u32 s1, $0xD;
	s1 =	sshrl.u32 s1, $0x2  }
0x31: {  	s3 =	sand.u32 $0x4000, s31;
	s1 =	sadd.s32 s1, s30  }
0x32: {  	s0 =	sor.u32 s3, s0;
	s1 =	sshll.u32 s1, $0x11  }
0x33: {  	s0 =	sor.u32 s1, s0  }
0x34: {  	s0 =	sadd.s32 $0x8F2B, s0  }
0x35: {  	[sflag:s0] =	ssyncadd.remote.s32 $0x1  }
0x36: {  	_ =	sfence.sel $0xFFFF  }
0x37: {  	[dreg:$0x0] =	wrdreg $0xFFFFFFFF;
	(pc) =	sbr.abs _section_cstart, $3  }
0x38: {  	[dreg:$0x1] =	wrdreg $0xFFFFFFFF  }
0x39: {  	_ =	task.clear_ibuf [dreg:s7], $0x2FFFF;
	_ =	strace $0x9FFFFFFF  }
0x3a: {  	(tm) =	ssettm $0x7FFFFFFF  }
0x3b: {  	_ =	shalt  }
tec
execute0_lowered:
.L_overlay_start_1:
0x0: {  	(tag) =	ssettag $0x1  }
0x1: {  	s0 =	srdreg.scid  }
0x2: {  	s1 =	sshll.u32 s0, $0x4  }
0x3: {  	s0 =	stileid.u32;
	s1 =	sand.u32 $0x10, s1  }
0x4: {  	s1 =	sor.u32 s0, s1  }
0x5: {  	s6 =	rddreg [dreg:$0x0];
	s4 =	simm.s32 $0x1;
	s2 =	sshll.u32 s1, $0x7  }
0x6: {  	s7 =	simm.s32 $0x2;
	s12 =	simm.s32 $0x0;
	s1 =	ssub.s32 $0x4000, s2  }
0x7: {  	s8 =	simm.s32 $0x20000;
	s13 =	simm.s32 $0x0;
	s3 =	sand.u32 $0xF80, s1  }
0x8: {  	s9 =	simm.s32 $0x0;
	s5 =	sshrl.u32 s1, $0xC;
	p0 =	sne.s32 s3, $0x0  }
.Ltmp0:
0x9: {  	s1 =	rddreg [dreg:$0x2];
	s4 =	simm.s32 @!p0 $0x0;
	(pc) =	sbr.rel .LBB1_1-.Ltmp0, $4  }
0xa: {  	s11 =	simm.s32 $0x0;
	s3 =	rddreg [dreg:$0x1];
	s5 =	sadd.s32 s4, s5  }
0xb: {  	_ =	strace $0x8000004D;
	s4 =	simm.s32 $0x1;
	s5 =	smul.u32 $0x1A, s5  }
0xc: {  	s6 =	sadd.s32 $0xE00, s6;
	s10 =	smov.u32 s2;
	[sflag:s4] =	ssyncpa.u1 $0x0  }
0xd: {  	p0 =	por $0x0, $0x0;
	[sflag:s7] =	ssyncpa.u1 $0x0;
	s7 =	sor.u32 $0x1, s5  }
.LBB1_4:
0xe: {  	s16 =	sshll.u32 s13, $0x3;
	s17 =	sand.u32 $0x78, s13  }
0xf: {  	s30 =	sand.u32 $0xF800, s13;
	s12 =	sshll.u32 s12, $0x10;
	s16 =	sand.u32 $0x3C00, s16  }
0x10: {  	s31 =	sand.u32 $0x7, s13;
	s16 =	sor.u32 s17, s16;
	s17 =	sadd.s32 s3, s30  }
0x11: {  	s13 =	sshll.u32 s31, $0x12;
	s16 =	sshrl.u32 s16, $0x3;
	s12 =	sadd.s32 s12, s17  }
0x12: {  	[tilespmem:s15+$0x0 ss:$0x81] =	vst.msk $0xffff, v0;
	s13 =	sor.u32 $0x400, s13;
	s12 =	sadd.s32 s16, s12  }
0x13: {  	[hbm4b:s12+s13] =	stream.strided.scatter [tilespmem:s14], [sflag:$0x2], $0x1000, s8, s13, $0x20;
	[tilespmem:$0x4040] =	vst v63  }
.LBB1_5:
0x14: {  	s14 =	sadd.s32 $0x1, s9  }
0x15: {  	s12 =	sadd.s32 $0x1000, s10;
	s16 =	smov.u32 s10;
	p2 =	sgt.s32 s14, $0x19  }
0x16: {  	s16 =	smov.u32 @p2 s12  }
0x17: {  	s14 =	simm.s32 @p2 $0x0;
	p2 =	sgt.s32 s16, $0x3FFF  }
0x18: {  	s16 =	smov.u32 @p2 s2;
	p2 =	sne.s32 s11, s7  }
.Ltmp1:
0x19: {  	p1 =	slt.u32 s11, $0x2;
	(pc) =	sbr.rel @!p2 .LBB1_6-.Ltmp1, $4  }
0x1a: {  	s15 =	simm.s32 @!p1 $0x2  }
0x1b: {  	s13 =	smov.u32 s10;
	p0 =	por !p0, !p0;
	_ =	swait.ge @!p1 [sflag:s15], $0x1000  }
0x1c: {  	s12 =	smov.u32 s9;
	[sflag:s15] =	ssyncset.done @!p1 $0x0;
	s9 =	smov.u32 s14  }
0x1d: {  	s11 =	sadd.s32 $0x1, s11;
	[sflag:s15] =	ssyncadd.s32 @!p1 $0xFFFFF000;
	s10 =	smov.u32 s16  }
.LBB1_1:
0x1e: {  	p1 =	sge.u32 s11, s5  }
0x1f: {  	s31 =	sadd.s32 $0xFFFFFFFF, s11;
	s14 =	sxor.u32 @!p1 $0xFFFFFFFF, s11  }
0x20: {  	s15 =	sshll.u32 @!p1 s10, $0x9;
	s16 =	sshll.u32 @!p1 s9, $0x4;
	s17 =	simm.s32 @!p1 $0x1000  }
0x21: {  	s14 =	sshll.u32 @!p1 s14, $0xC;
	s16 =	sand.u32 @!p1 $0x1F0, s16;
	s15 =	sadd.s32 @!p1 s6, s15  }
0x22: {  	s14 =	sand.u32 @!p1 $0x1000, s14;
	s15 =	sadd.s32 @!p1 s16, s15;
	s16 =	simm.s32 @!p1 $0x20  }
0x23: {  	[tilespmem:s14], [sflag:$0x1] =	stream.strided.gather @!p1 [hbm4b:s15+s16], $0x1000, s17, s16, $0x38;
	[tilespmem:$0x4040] =	vst v63  }
0x24: {  	p1 =	sge.u32 s31, s5  }
.Ltmp2:
0x25: {  	_ = 	snop;
	(pc) =	sbr.rel @p1 .LBB1_5-.Ltmp2, $1  }
0x26: {  	_ =	sdelay $0x3  }
0x27: {  	s14 =	simm.s32 $0x1  }
0x28: {  	_ =	swait.ge [sflag:s4], $0x1000;
	s14 =	simm.s32 @!p0 $0x0  }
0x29: {  	[sflag:s4] =	ssyncset.done $0x0;
	s15 =	sshll.u32 s14, $0xC  }
0x2a: {  	[sflag:s4] =	ssyncadd.s32 $0xFFFFF000;
	s18 =	sor.u32 $0x10, s15  }
0x2b: {  	s14 =	smul.u32 $0x4080, s14;
	v1 =	vld [tilespmem:s18+$0x0]  }
0x2c: {  	s30 =	sand.u32 $0x1, s11;
	v0 =	vld [tilespmem:s18+$0xFFFFFFF0]  }
0x2d: {  	s15 =	smul.u32 $0x4080, s30;
	s14 =	sshrl.u32 s14, $0x2  }
0x2e: {  	s16 =	sor.u32 $0x2000, s14  }
0x2f: {  	s31 =	sshrl.u32 s15, $0x2;
	s15 =	sadd.s32 $0x0, s16  }
0x30: {  	s17 =	simm.s32 $0x4;
	s18 =	sadd.s32 $0x20, s18;
	s14 =	sor.u32 $0x2000, s31;
	[tilespmem:s15+$0x810 ss:$0x81] =	vst.msk $0xffff, v1  }
.LBB1_3:
0x31: {  	v1 =	vld [tilespmem:s18+$0x0];
	p1 =	sne.s32 s17, $0x1FC;
	[tilespmem:s15+$0x0 ss:$0x81] =	vst.msk $0xffff, v0;
	s15 =	smov.u32 s17;
	s17 =	sadd.s32 $0x4, s17  }
.Ltmp3:
0x32: {  	v0 =	vld [tilespmem:s18+$0xFFFFFFF0];
	(pc) =	sbr.rel @p1 .LBB1_3-.Ltmp3, $4  }
0x33: {  	_ = 	snop  }
0x34: {  	s15 =	sshra.s32 s15, $0x2  }
0x35: {  	s15 =	sadd.s32 s15, s16  }
0x36: {  	s18 =	sadd.s32 $0x20, s18;
	[tilespmem:s15+$0x810 ss:$0x81] =	vst.msk $0xffff, v1  }
.Ltmp4:
0x37: {  	_ = 	snop;
	(pc) =	sbr.rel .LBB1_4-.Ltmp4, $1  }
0x38: {  	_ =	sdelay $0x3  }
.LBB1_6:
0x39: {  	_ =	sfence.sel $0x180000  }
0x3a: {  	s2 =	simm.s32 $0x1;
	[bflag:$0x0] =	sbarrier.arrive $0xFFFF  }
0x3b: {  	s31 =	simm.s32 $0x2;
	[sflag:s2] =	ssyncpa.u1 $0x1  }
0x3c: {  	[sflag:s31] =	ssyncpa.u1 $0x1  }
0x3d: {  	p0 =	sne.s32 s0, $0x0;
	_ =	strace $0x9000004D  }
0x3e: {  	s0 =	sadd.s32 @!p0 $0x100000, s1;
	[bflag:$0x2] =	sbarrier.arrive $0xFFFF  }
0x3f: {  	[sflag:s0] =	ssyncadd.tile.s32 @!p0 $0x1;
	_ =	shalt  }
.Lfunc_end1:
_tile_overlayer_lowered:
.L_overlay_start_2:
0x40: {  	(tag) =	ssettag $0x2  }
0x41: {  	s0 =	rddreg [dreg:$0x0];
	s2 =	stileid.u32  }
0x42: {  	s1 =	rddreg [dreg:$0x1];
	p0 =	sne.s32 s2, $0x0  }
0x43: {  	s3 =	rddreg [dreg:$0x2];
	[bflag:$0x3] =	sbarrier.arrive $0xFFFF;
	s2 =	simm.s32 @!p0 $0x1C01  }
0x44: {  	[timem:s3], [sflag:s2] =	dma.local @!p0 [hbm:s0], s1  }
0x45: {  	s0 =	simm.s32 @!p0 $0x1  }
0x46: {  	_ =	swait.ge @!p0 [sflag:s0], s1  }
0x47: {  	s1 =	ssub.s32 @!p0 $0x0, s1;
	[sflag:s0] =	ssyncset.done @!p0 $0x0  }
0x48: {  	[sflag:s0] =	ssyncadd.s32 @!p0 s1  }
0x49: {  	[bflag:$0x3] =	sbarrier.arrive $0xFFFF  }
0x4a: {  	_ =	shalt  }

</sc_bundles>
